<compile_context>
chip_gen: v7x
topology: tpu7x:2x2x1
jax: 0.10.2.dev20260603
libtpu: 0.0.44.dev20260713+nightly
codegen_flags: <defaults>
</compile_context>

<pallas_src>
import functools

import jax
import jax.numpy as jnp
from jax import lax
from jax.experimental import pallas as pl
from jax.experimental.pallas import tpu as pltpu
from jax.experimental.pallas import tpu_sc as plsc

E = 8
K = 2
H = 1024
I = 4096
T = 2048
TILE = 256
G = 24
S = G * TILE
TILE_I = 2048
HP = H // 2
CHUNK = 256

NC = 2
NS = 16
NW = NC * NS
RPT = S // NW
TPT = T // NW


def _gelu_erf(x):
    return 0.5 * x * (1.0 + lax.erf(x * 0.7071067811865476))


def _router_body(x_ref, wr_ref, sp_ref, pos1_ref, pos2_ref, wn1_ref,
                 wn2_ref, aux_ref):
    x = x_ref[...]
    wr = wr_ref[...]
    logits = lax.dot_general(x, wr, (((1,), (1,)), ((), ())),
                             preferred_element_type=jnp.float32)
    m = jnp.max(logits, axis=1, keepdims=True)
    ex = jnp.exp(logits - m)
    probs = ex / jnp.sum(ex, axis=1, keepdims=True)

    iota = lax.broadcasted_iota(jnp.int32, (T, E), 1)
    m1 = jnp.max(probs, axis=1, keepdims=True)
    i1 = jnp.min(jnp.where(probs == m1, iota, E), axis=1, keepdims=True)
    p2 = jnp.where(iota == i1, -1.0, probs)
    m2 = jnp.max(p2, axis=1, keepdims=True)
    i2 = jnp.min(jnp.where(p2 == m2, iota, E), axis=1, keepdims=True)
    ssum = m1 + m2
    hot1 = (iota == i1).astype(jnp.float32)
    hot2 = (iota == i2).astype(jnp.float32)
    wn1_ref[...] = m1 / ssum
    wn2_ref[...] = m2 / ssum

    tri = (lax.broadcasted_iota(jnp.int32, (CHUNK, CHUNK), 0)
           > lax.broadcasted_iota(jnp.int32, (CHUNK, CHUNK), 1)
           ).astype(jnp.bfloat16)
    carry = jnp.zeros((1, E), jnp.float32)
    ranks = []
    for hot in (hot1, hot2):
        hot_b = hot.astype(jnp.bfloat16)
        rk = []
        for c in range(T // CHUNK):
            hc = hot[c * CHUNK:(c + 1) * CHUNK]
            hcb = hot_b[c * CHUNK:(c + 1) * CHUNK]
            cum = lax.dot_general(tri, hcb, (((1,), (0,)), ((), ())),
                                  preferred_element_type=jnp.float32) + carry
            rk.append(jnp.sum(cum * hc, axis=1, keepdims=True))
            carry = carry + jnp.sum(hc, axis=0, keepdims=True)
        ranks.append(jnp.concatenate(rk, axis=0))
    rank1, rank2 = ranks
    counts_row = carry

    hotsum = hot1 + hot2
    ones_t = jnp.ones((T, 1), jnp.float32)
    counts_col = lax.dot_general(hotsum, ones_t, (((0,), (0,)), ((), ())),
                                 preferred_element_type=jnp.float32)
    ntiles_col = jnp.floor((counts_col + (TILE - 1)) * (1.0 / TILE))
    ltri8 = (lax.broadcasted_iota(jnp.int32, (E, E), 0)
             > lax.broadcasted_iota(jnp.int32, (E, E), 1)).astype(jnp.float32)
    segt_col = lax.dot_general(ltri8, ntiles_col, (((1,), (0,)), ((), ())),
                               preferred_element_type=jnp.float32)

    seg1 = lax.dot_general(hot1, segt_col, (((1,), (0,)), ((), ())),
                           preferred_element_type=jnp.float32)
    seg2 = lax.dot_general(hot2, segt_col, (((1,), (0,)), ((), ())),
                           preferred_element_type=jnp.float32)
    pos1_ref[...] = (rank1 + TILE * seg1).astype(jnp.int32)
    pos2_ref[...] = (rank2 + TILE * seg2).astype(jnp.int32)

    gi = lax.broadcasted_iota(jnp.int32, (E, G), 1).astype(jnp.float32)
    ei = lax.broadcasted_iota(jnp.int32, (E, G), 0).astype(jnp.float32)
    covg = jnp.logical_and(segt_col <= gi, gi < segt_col + ntiles_col
                           ).astype(jnp.float32)
    texp = jnp.sum(ei * covg, axis=0, keepdims=True)
    cover = jnp.sum(covg, axis=0, keepdims=True)
    le = jnp.max((lax.broadcasted_iota(jnp.int32, (E, 1), 0
                                       ).astype(jnp.float32) + 1.0)
                 * (ntiles_col > 0), axis=0, keepdims=True) - 1.0
    texp = texp + (1.0 - cover) * le
    total = jnp.sum(ntiles_col, axis=0, keepdims=True)
    sp_ref[...] = jnp.concatenate(
        [total.astype(jnp.int32), texp.astype(jnp.int32)], axis=1)

    f = counts_row * (1.0 / (T * K))
    p_mean = jnp.mean(probs, axis=0, keepdims=True)
    aux_ref[...] = E * jnp.sum(f * p_mean, keepdims=True).reshape(1, 1)


IR = 16
IC_ = T // IR
NCH = 4
RCH = RPT // NCH


def _dispatch_body(x_hbm, pos1_hbm, pos2_hbm, wn1_hbm, wn2_hbm, sp_hbm,
                   xs_hbm, sw_hbm,
                   p1row, p2row, w1row, w2row, tokrow, zrow, myidx,
                   rows_a, spv, shidx, gsa, gsb, wsa, wsb):
    c = lax.axis_index("c")
    s = lax.axis_index("s")
    wid = c * NS + s

    zi = jnp.zeros((16,), jnp.int32)

    def zero(i, acc):
        zrow[pl.ds(i * 16, 16)] = zi
        return acc
    lax.fori_loop(0, (S // NS) // 16, zero, 0)
    pltpu.sync_copy(zrow, shidx.at[pl.ds(s * (S // NS), S // NS)])
    pltpu.sync_copy(pos1_hbm.at[s], p1row)
    pltpu.sync_copy(pos2_hbm.at[s], p2row)
    pltpu.sync_copy(wn1_hbm.at[s], w1row)
    pltpu.sync_copy(wn2_hbm.at[s], w2row)
    pltpu.sync_copy(sp_hbm.at[pl.ds(0, 16)], spv)

    def mktok(i, acc):
        tokrow[pl.ds(i * 16, 16)] = (lax.iota(jnp.int32, 16)
                                     + (s * IC_ + i * 16))
        return acc
    lax.fori_loop(0, IC_ // 16, mktok, 0)
    plsc.subcore_barrier()
    descs = [
        pltpu.async_copy(tokrow, shidx.at[p1row], gsa),
        pltpu.async_copy(tokrow, shidx.at[p2row], gsb),
        pltpu.async_copy(w1row, sw_hbm.at[p1row], wsa),
        pltpu.async_copy(w2row, sw_hbm.at[p2row], wsb),
    ]
    for d in descs:
        d.wait()
    plsc.subcore_barrier()

    pltpu.sync_copy(shidx.at[pl.ds(wid * RPT, RPT)], myidx)
    total_rows = TILE * spv[...][0]
    nch = jnp.clip((total_rows - wid * RPT + RCH - 1) // RCH, 0, NCH)

    def chunk(ch, acc):
        pltpu.async_copy(x_hbm.at[myidx.at[pl.ds(ch * RCH, RCH)]],
                         rows_a, gsa).wait()
        pltpu.sync_copy(rows_a, xs_hbm.at[pl.ds(wid * RPT + ch * RCH, RCH)])
        return acc
    lax.fori_loop(0, nch, chunk, 0)


def _grouped_body(sp_ref, x_ref, wu_ref, wd_ref, w_ref, o_ref):
    ic = pl.program_id(0)
    g = pl.program_id(1)
    valid = g < sp_ref[0]

    @pl.when(valid)
    def _compute():
        xb = x_ref[...].astype(jnp.bfloat16)
        h = lax.dot_general(xb, wu_ref[0].astype(jnp.bfloat16),
                            (((1,), (1,)), ((), ())),
                            preferred_element_type=jnp.float32)
        h = _gelu_erf(h)
        y = lax.dot_general(h.astype(jnp.bfloat16),
                            wd_ref[0].astype(jnp.bfloat16),
                            (((1,), (1,)), ((), ())),
                            preferred_element_type=jnp.float32)
        y = w_ref[...] * y

        @pl.when(ic == 0)
        def _set():
            o_ref[pl.ds(g * TILE, TILE), :] = y

        @pl.when(ic > 0)
        def _acc():
            o_ref[pl.ds(g * TILE, TILE), :] += y


def _combine_body(y_hbm, pos1_hbm, pos2_hbm, out_hbm,
                  i1v, i2v, r1, r2, sem):
    c = lax.axis_index("c")
    s = lax.axis_index("s")
    wid = c * NS + s
    base = wid * TPT
    pltpu.sync_copy(pos1_hbm.at[pl.ds(base, TPT)], i1v)
    pltpu.sync_copy(pos2_hbm.at[pl.ds(base, TPT)], i2v)
    half = TPT // 2
    for ch in range(2):
        a = pltpu.async_copy(y_hbm.at[i1v.at[pl.ds(ch * half, half)]],
                             r1, sem)
        b = pltpu.async_copy(y_hbm.at[i2v.at[pl.ds(ch * half, half)]],
                             r2, sem)
        a.wait()
        b.wait()

        def add_tok(t, acc):
            for j in range(H // 16):
                sl = pl.ds(j * 16, 16)
                r1[t, sl] = r1[t, sl] + r2[t, sl]
            return acc
        lax.fori_loop(0, half, add_tok, 0)
        pltpu.sync_copy(r1, out_hbm.at[pl.ds(base + ch * half, half)])


@jax.jit
def kernel(hidden_states, W_router, W_up, W_down):
    batch, seq_len, hidden = hidden_states.shape
    flat = hidden_states.reshape(-1, hidden)

    sp, pos1, pos2, wn1, wn2, aux = pl.pallas_call(
        _router_body,
        out_shape=[
            jax.ShapeDtypeStruct((1, G + 1), jnp.int32),
            jax.ShapeDtypeStruct((T, 1), jnp.int32),
            jax.ShapeDtypeStruct((T, 1), jnp.int32),
            jax.ShapeDtypeStruct((T, 1), jnp.float32),
            jax.ShapeDtypeStruct((T, 1), jnp.float32),
            jax.ShapeDtypeStruct((1, 1), jnp.float32),
        ],
    )(flat, W_router)

    pos1f = pos1.reshape(T)
    pos2f = pos2.reshape(T)

    mesh = plsc.VectorSubcoreMesh(core_axis_name="c", subcore_axis_name="s")
    x_sorted, slot_w = pl.kernel(
        _dispatch_body,
        out_type=[
            jax.ShapeDtypeStruct((S, H), jnp.float32),
            jax.ShapeDtypeStruct((S,), jnp.float32),
        ],
        mesh=mesh,
        scratch_types=[
            pltpu.VMEM((IC_,), jnp.int32),
            pltpu.VMEM((IC_,), jnp.int32),
            pltpu.VMEM((IC_,), jnp.float32),
            pltpu.VMEM((IC_,), jnp.float32),
            pltpu.VMEM((IC_,), jnp.int32),
            pltpu.VMEM((S // NS,), jnp.int32),
            pltpu.VMEM((RPT,), jnp.int32),
            pltpu.VMEM((RCH, H), jnp.float32),
            pltpu.VMEM((16,), jnp.int32),
            pltpu.VMEM_SHARED((S,), jnp.int32),
            pltpu.SemaphoreType.DMA,
            pltpu.SemaphoreType.DMA,
            pltpu.SemaphoreType.DMA,
            pltpu.SemaphoreType.DMA,
        ],
    )(flat, pos1f.reshape(IR, IC_), pos2f.reshape(IR, IC_),
      wn1.reshape(IR, IC_), wn2.reshape(IR, IC_), sp.reshape(G + 1))

    y_sorted = pl.pallas_call(
        _grouped_body,
        grid_spec=pltpu.PrefetchScalarGridSpec(
            num_scalar_prefetch=1,
            grid=(I // TILE_I, G),
            in_specs=[
                pl.BlockSpec((TILE, H), lambda ic, g, sp: (g, 0)),
                pl.BlockSpec((1, TILE_I, H), lambda ic, g, sp: (sp[1 + g], ic, 0)),
                pl.BlockSpec((1, H, TILE_I), lambda ic, g, sp: (sp[1 + g], 0, ic)),
                pl.BlockSpec((TILE, 1), lambda ic, g, sp: (g, 0)),
            ],
            out_specs=pl.BlockSpec((S, H), lambda ic, g, sp: (0, 0)),
        ),
        out_shape=jax.ShapeDtypeStruct((S, H), jnp.float32),
        compiler_params=pltpu.CompilerParams(
            dimension_semantics=("arbitrary", "arbitrary"),
            vmem_limit_bytes=63 * 1024 * 1024),
    )(sp.reshape(G + 1), x_sorted, W_up, W_down, slot_w.reshape(S, 1))

    out = pl.kernel(
        _combine_body,
        out_type=jax.ShapeDtypeStruct((T, H), jnp.float32),
        mesh=plsc.VectorSubcoreMesh(core_axis_name="c", subcore_axis_name="s"),
        scratch_types=[
            pltpu.VMEM((TPT,), jnp.int32),
            pltpu.VMEM((TPT,), jnp.int32),
            pltpu.VMEM((TPT // 2, H), jnp.float32),
            pltpu.VMEM((TPT // 2, H), jnp.float32),
            pltpu.SemaphoreType.DMA,
        ],
    )(y_sorted, pos1f, pos2f)

    return out.reshape(batch, seq_len, hidden), aux.reshape(())

# --- scband reference (transcript-rebuilt; emitter-appended) ---
"""Pipeline reference for scband-plasmid-lmsparse-mo-e-17257178595381 (READ-ONLY COPY).

The authoritative reference and input builder live on the scoring server;
editing this copy changes nothing except your own understanding.
"""

import jax, jax.numpy as jnp
import numpy as np

NUM_EXPERTS = 8
TOP_K = 2
HIDDEN = 1024
INTER = 4096

def setup_inputs(seed: int = 0) -> dict:
    key = jax.random.key(seed)
    k0, k1, k2, k3 = jax.random.split(key, 4)
    hidden_states = jax.random.normal(k0, (1, 2048, HIDDEN), dtype=jnp.float32)
    # router: nn.Linear(hidden, num_experts, bias=False) -> weight shape (E, H)
    W_router = jax.random.normal(k1, (NUM_EXPERTS, HIDDEN), dtype=jnp.float32) * 0.02
    # expert up_proj: nn.Linear(hidden, inter, bias=False) -> weight (inter, hidden), stacked over experts
    W_up = jax.random.normal(k2, (NUM_EXPERTS, INTER, HIDDEN), dtype=jnp.float32) * 0.02
    # expert down_proj: nn.Linear(inter, hidden, bias=False) -> weight (hidden, inter)
    W_down = jax.random.normal(k3, (NUM_EXPERTS, HIDDEN, INTER), dtype=jnp.float32) * 0.02
    return {"hidden_states": hidden_states, "W_router": W_router, "W_up": W_up, "W_down": W_down}

def reference(hidden_states, W_router, W_up, W_down):
    batch, seq_len, hidden = hidden_states.shape
    flat = hidden_states.reshape(-1, hidden)
    num_tokens = flat.shape[0]
    router_logits = flat @ W_router.T
    router_probs = jax.nn.softmax(router_logits, axis=-1)
    top_weights, top_indices = jax.lax.top_k(router_probs, TOP_K)
    top_weights = top_weights / jnp.sum(top_weights, axis=-1, keepdims=True)
    output = jnp.zeros_like(flat)
    for i in range(NUM_EXPERTS):
        match_positions = (top_indices == i)
        # weight for expert i per token (0 if expert i not in top-k for that token)
        w_i = jnp.sum(top_weights * match_positions.astype(jnp.float32), axis=-1, keepdims=True)
        # expert MLP: down(gelu(up(x))); torch nn.GELU default is exact (erf)
        h = jax.nn.gelu(flat @ W_up[i].T, approximate=False)
        expert_out = h @ W_down[i].T
        output = output + w_i * expert_out
    output = output.reshape(batch, seq_len, hidden)
    # load balancing aux loss; f is computed under no_grad in torch -> stop_gradient
    counts = jnp.bincount(top_indices.reshape(-1), length=NUM_EXPERTS).astype(jnp.float32)
    f = jax.lax.stop_gradient(counts / (num_tokens * TOP_K))
    P = jnp.mean(router_probs, axis=0)
    aux_loss = NUM_EXPERTS * jnp.sum(f * P)
    return (output, aux_loss)

if __name__ == "__main__":
    import jax
    _d = setup_inputs()
    print(jax.jit(kernel)(*tuple(_d.values())))

</pallas_src>

<mosaic_0001>
#map = affine_map<(d0, d1) -> (0, 0)>
#map1 = affine_map<(d0, d1) -> (0)>
module attributes {stable_mosaic.version = 14 : i64} {
  func.func @_dispatch_body(%arg0: i32, %arg1: i32, %arg2: memref<2048x1024xf32, #tpu.memory_space<hbm>>, %arg3: memref<16x128xi32, #tpu.memory_space<hbm>>, %arg4: memref<16x128xi32, #tpu.memory_space<hbm>>, %arg5: memref<16x128xf32, #tpu.memory_space<hbm>>, %arg6: memref<16x128xf32, #tpu.memory_space<hbm>>, %arg7: memref<25xi32, #tpu.memory_space<hbm>>, %arg8: memref<6144x1024xf32, #tpu.memory_space<hbm>>, %arg9: memref<6144xf32, #tpu.memory_space<hbm>>, %arg10: memref<128xi32, #tpu.memory_space<vmem>>, %arg11: memref<128xi32, #tpu.memory_space<vmem>>, %arg12: memref<128xf32, #tpu.memory_space<vmem>>, %arg13: memref<128xf32, #tpu.memory_space<vmem>>, %arg14: memref<128xi32, #tpu.memory_space<vmem>>, %arg15: memref<384xi32, #tpu.memory_space<vmem>>, %arg16: memref<192xi32, #tpu.memory_space<vmem>>, %arg17: memref<48x1024xf32, #tpu.memory_space<vmem>>, %arg18: memref<16xi32, #tpu.memory_space<vmem>>, %arg19: memref<6144xi32, #tpu.memory_space<vmem_shared>>, %arg20: memref<!tpu.dma_semaphore, #tpu.memory_space<semaphore_mem>>, %arg21: memref<!tpu.dma_semaphore, #tpu.memory_space<semaphore_mem>>, %arg22: memref<!tpu.dma_semaphore, #tpu.memory_space<semaphore_mem>>, %arg23: memref<!tpu.dma_semaphore, #tpu.memory_space<semaphore_mem>>) attributes {dimension_semantics = [#tpu.dimension_semantics<core_parallel>, #tpu.dimension_semantics<subcore_parallel>], iteration_bounds = array<i64: 2, 16>, scalar_prefetch = 0 : i64, scratch_operands = 14 : i64, tpu.core_type = #tpu.core_type<sc_vector_subcore>, window_params = [{transform_indices = #map}, {transform_indices = #map}, {transform_indices = #map}, {transform_indices = #map}, {transform_indices = #map}, {transform_indices = #map1}, {transform_indices = #map}, {transform_indices = #map1}]} {
    %mul3A = arith.constant 16 : i32
    %mul3A_0 = arith.muli %arg0, %mul3A : i32
    %add3A = arith.addi %mul3A_0, %arg1 : i32
    %broadcast_in_dim3A = arith.constant 0 : i32
    %broadcast_in_dim3A_1 = vector.broadcast %broadcast_in_dim3A : i32 to vector<16xi32>
    %scan3A = arith.constant 0 : i32
    %scan3A_2 = arith.constant 0 : i32
    %scan3A_3 = arith.constant 24 : i32
    %scan3A_4 = arith.addi %scan3A_2, %scan3A_3 : i32
    %scan3A_5 = arith.constant 1 : i32
    scf.for %scan3A_70 = %scan3A_2 to %scan3A_4 step %scan3A_5  : i32 {
      %mul3A_71 = arith.constant 16 : i32
      %mul3A_72 = arith.muli %scan3A_70, %mul3A_71 : i32
      %swap3A = arith.index_cast %mul3A_72 : i32 to index
      %swap3A_73 = tpu.vector_load %arg15[%swap3A] {strides = array<i32>} : memref<384xi32, #tpu.memory_space<vmem>>, vector<16xi32>,
      %swap3A_74 = vector.shape_cast %swap3A_73 : vector<16xi32> to vector<16xi32>
      %swap3A_75 = vector.shape_cast %broadcast_in_dim3A_1 : vector<16xi32> to vector<16xi32>
      tpu.vector_store %arg15[%swap3A], %swap3A_75 {strides = array<i32>} : memref<384xi32, #tpu.memory_space<vmem>>, vector<16xi32>,
    }
    %scan3A_6 = arith.constant 24 : i32
    %mul3A_7 = arith.constant 384 : i32
    %mul3A_8 = arith.muli %arg1, %mul3A_7 : i32
    "tpu.region"() ({
      %run_scoped3A = tpu.sem_alloc : memref<!tpu.dma_semaphore, #tpu.memory_space<semaphore_mem>>
      %dma_start3A_70 = tpu.memref_slice %arg19[%mul3A_8] : memref<6144xi32, #tpu.memory_space<vmem_shared>> -> memref<384xi32, #tpu.memory_space<vmem_shared>>
      %dma_start3A_71 = tpu.memref_slice %arg19[%mul3A_8] : memref<6144xi32, #tpu.memory_space<vmem_shared>> -> memref<384xi32, #tpu.memory_space<vmem_shared>>
      tpu.enqueue_dma source(%arg15 : memref<384xi32, #tpu.memory_space<vmem>>) target(%dma_start3A_71 : memref<384xi32, #tpu.memory_space<vmem_shared>>) target_semaphore(%run_scoped3A : memref<!tpu.dma_semaphore, #tpu.memory_space<semaphore_mem>>)
      %dma_wait3A_72 = tpu.memref_slice %arg19[%mul3A_8] : memref<6144xi32, #tpu.memory_space<vmem_shared>> -> memref<384xi32, #tpu.memory_space<vmem_shared>>
      %dma_wait3A_73 = tpu.memref_slice %arg19[%mul3A_8] : memref<6144xi32, #tpu.memory_space<vmem_shared>> -> memref<384xi32, #tpu.memory_space<vmem_shared>>
      tpu.wait_dma2 semaphore(%run_scoped3A : memref<!tpu.dma_semaphore, #tpu.memory_space<semaphore_mem>>) src(%arg15 : memref<384xi32, #tpu.memory_space<vmem>>) dst(%dma_wait3A_73 : memref<384xi32, #tpu.memory_space<vmem_shared>>)
      tpu.yield
    }) : () -> ()
    "tpu.region"() ({
      %run_scoped3A = tpu.sem_alloc : memref<!tpu.dma_semaphore, #tpu.memory_space<semaphore_mem>>
      %dma_start3A_70 = arith.constant 0 : i32
      %dma_start3A_71 = tpu.memref_slice %arg3[%arg1, %dma_start3A_70] : memref<16x128xi32, #tpu.memory_space<hbm>> -> memref<1x128xi32, #tpu.memory_space<hbm>>
      %dma_start3A_72 = tpu.memref_squeeze %dma_start3A_71 : memref<1x128xi32, #tpu.memory_space<hbm>> -> memref<128xi32, #tpu.memory_space<hbm>>
      %dma_start3A_73 = arith.constant 0 : i32
      %dma_start3A_74 = tpu.memref_slice %arg3[%arg1, %dma_start3A_73] : memref<16x128xi32, #tpu.memory_space<hbm>> -> memref<1x128xi32, #tpu.memory_space<hbm>>
      %dma_start3A_75 = tpu.memref_squeeze %dma_start3A_74 : memref<1x128xi32, #tpu.memory_space<hbm>> -> memref<128xi32, #tpu.memory_space<hbm>>
      tpu.enqueue_dma source(%dma_start3A_75 : memref<128xi32, #tpu.memory_space<hbm>>) target(%arg10 : memref<128xi32, #tpu.memory_space<vmem>>) target_semaphore(%run_scoped3A : memref<!tpu.dma_semaphore, #tpu.memory_space<semaphore_mem>>)
      %dma_wait3A_76 = arith.constant 0 : i32
      %dma_wait3A_77 = tpu.memref_slice %arg3[%arg1, %dma_wait3A_76] : memref<16x128xi32, #tpu.memory_space<hbm>> -> memref<1x128xi32, #tpu.memory_space<hbm>>
      %dma_wait3A_78 = tpu.memref_squeeze %dma_wait3A_77 : memref<1x128xi32, #tpu.memory_space<hbm>> -> memref<128xi32, #tpu.memory_space<hbm>>
      %dma_wait3A_79 = arith.constant 0 : i32
      %dma_wait3A_80 = tpu.memref_slice %arg3[%arg1, %dma_wait3A_79] : memref<16x128xi32, #tpu.memory_space<hbm>> -> memref<1x128xi32, #tpu.memory_space<hbm>>
      %dma_wait3A_81 = tpu.memref_squeeze %dma_wait3A_80 : memref<1x128xi32, #tpu.memory_space<hbm>> -> memref<128xi32, #tpu.memory_space<hbm>>
      tpu.wait_dma2 semaphore(%run_scoped3A : memref<!tpu.dma_semaphore, #tpu.memory_space<semaphore_mem>>) src(%dma_wait3A_81 : memref<128xi32, #tpu.memory_space<hbm>>) dst(%arg10 : memref<128xi32, #tpu.memory_space<vmem>>)
      tpu.yield
    }) : () -> ()
    "tpu.region"() ({
      %run_scoped3A = tpu.sem_alloc : memref<!tpu.dma_semaphore, #tpu.memory_space<semaphore_mem>>
      %dma_start3A_70 = arith.constant 0 : i32
      %dma_start3A_71 = tpu.memref_slice %arg4[%arg1, %dma_start3A_70] : memref<16x128xi32, #tpu.memory_space<hbm>> -> memref<1x128xi32, #tpu.memory_space<hbm>>
      %dma_start3A_72 = tpu.memref_squeeze %dma_start3A_71 : memref<1x128xi32, #tpu.memory_space<hbm>> -> memref<128xi32, #tpu.memory_space<hbm>>
      %dma_start3A_73 = arith.constant 0 : i32
      %dma_start3A_74 = tpu.memref_slice %arg4[%arg1, %dma_start3A_73] : memref<16x128xi32, #tpu.memory_space<hbm>> -> memref<1x128xi32, #tpu.memory_space<hbm>>
      %dma_start3A_75 = tpu.memref_squeeze %dma_start3A_74 : memref<1x128xi32, #tpu.memory_space<hbm>> -> memref<128xi32, #tpu.memory_space<hbm>>
      tpu.enqueue_dma source(%dma_start3A_75 : memref<128xi32, #tpu.memory_space<hbm>>) target(%arg11 : memref<128xi32, #tpu.memory_space<vmem>>) target_semaphore(%run_scoped3A : memref<!tpu.dma_semaphore, #tpu.memory_space<semaphore_mem>>)
      %dma_wait3A_76 = arith.constant 0 : i32
      %dma_wait3A_77 = tpu.memref_slice %arg4[%arg1, %dma_wait3A_76] : memref<16x128xi32, #tpu.memory_space<hbm>> -> memref<1x128xi32, #tpu.memory_space<hbm>>
      %dma_wait3A_78 = tpu.memref_squeeze %dma_wait3A_77 : memref<1x128xi32, #tpu.memory_space<hbm>> -> memref<128xi32, #tpu.memory_space<hbm>>
      %dma_wait3A_79 = arith.constant 0 : i32
      %dma_wait3A_80 = tpu.memref_slice %arg4[%arg1, %dma_wait3A_79] : memref<16x128xi32, #tpu.memory_space<hbm>> -> memref<1x128xi32, #tpu.memory_space<hbm>>
      %dma_wait3A_81 = tpu.memref_squeeze %dma_wait3A_80 : memref<1x128xi32, #tpu.memory_space<hbm>> -> memref<128xi32, #tpu.memory_space<hbm>>
      tpu.wait_dma2 semaphore(%run_scoped3A : memref<!tpu.dma_semaphore, #tpu.memory_space<semaphore_mem>>) src(%dma_wait3A_81 : memref<128xi32, #tpu.memory_space<hbm>>) dst(%arg11 : memref<128xi32, #tpu.memory_space<vmem>>)
      tpu.yield
    }) : () -> ()
    "tpu.region"() ({
      %run_scoped3A = tpu.sem_alloc : memref<!tpu.dma_semaphore, #tpu.memory_space<semaphore_mem>>
      %dma_start3A_70 = arith.constant 0 : i32
      %dma_start3A_71 = tpu.memref_slice %arg5[%arg1, %dma_start3A_70] : memref<16x128xf32, #tpu.memory_space<hbm>> -> memref<1x128xf32, #tpu.memory_space<hbm>>
      %dma_start3A_72 = tpu.memref_squeeze %dma_start3A_71 : memref<1x128xf32, #tpu.memory_space<hbm>> -> memref<128xf32, #tpu.memory_space<hbm>>
      %dma_start3A_73 = arith.constant 0 : i32
      %dma_start3A_74 = tpu.memref_slice %arg5[%arg1, %dma_start3A_73] : memref<16x128xf32, #tpu.memory_space<hbm>> -> memref<1x128xf32, #tpu.memory_space<hbm>>
      %dma_start3A_75 = tpu.memref_squeeze %dma_start3A_74 : memref<1x128xf32, #tpu.memory_space<hbm>> -> memref<128xf32, #tpu.memory_space<hbm>>
      tpu.enqueue_dma source(%dma_start3A_75 : memref<128xf32, #tpu.memory_space<hbm>>) target(%arg12 : memref<128xf32, #tpu.memory_space<vmem>>) target_semaphore(%run_scoped3A : memref<!tpu.dma_semaphore, #tpu.memory_space<semaphore_mem>>)
      %dma_wait3A_76 = arith.constant 0 : i32
      %dma_wait3A_77 = tpu.memref_slice %arg5[%arg1, %dma_wait3A_76] : memref<16x128xf32, #tpu.memory_space<hbm>> -> memref<1x128xf32, #tpu.memory_space<hbm>>
      %dma_wait3A_78 = tpu.memref_squeeze %dma_wait3A_77 : memref<1x128xf32, #tpu.memory_space<hbm>> -> memref<128xf32, #tpu.memory_space<hbm>>
      %dma_wait3A_79 = arith.constant 0 : i32
      %dma_wait3A_80 = tpu.memref_slice %arg5[%arg1, %dma_wait3A_79] : memref<16x128xf32, #tpu.memory_space<hbm>> -> memref<1x128xf32, #tpu.memory_space<hbm>>
      %dma_wait3A_81 = tpu.memref_squeeze %dma_wait3A_80 : memref<1x128xf32, #tpu.memory_space<hbm>> -> memref<128xf32, #tpu.memory_space<hbm>>
      tpu.wait_dma2 semaphore(%run_scoped3A : memref<!tpu.dma_semaphore, #tpu.memory_space<semaphore_mem>>) src(%dma_wait3A_81 : memref<128xf32, #tpu.memory_space<hbm>>) dst(%arg12 : memref<128xf32, #tpu.memory_space<vmem>>)
      tpu.yield
    }) : () -> ()
    "tpu.region"() ({
      %run_scoped3A = tpu.sem_alloc : memref<!tpu.dma_semaphore, #tpu.memory_space<semaphore_mem>>
      %dma_start3A_70 = arith.constant 0 : i32
      %dma_start3A_71 = tpu.memref_slice %arg6[%arg1, %dma_start3A_70] : memref<16x128xf32, #tpu.memory_space<hbm>> -> memref<1x128xf32, #tpu.memory_space<hbm>>
      %dma_start3A_72 = tpu.memref_squeeze %dma_start3A_71 : memref<1x128xf32, #tpu.memory_space<hbm>> -> memref<128xf32, #tpu.memory_space<hbm>>
      %dma_start3A_73 = arith.constant 0 : i32
      %dma_start3A_74 = tpu.memref_slice %arg6[%arg1, %dma_start3A_73] : memref<16x128xf32, #tpu.memory_space<hbm>> -> memref<1x128xf32, #tpu.memory_space<hbm>>
      %dma_start3A_75 = tpu.memref_squeeze %dma_start3A_74 : memref<1x128xf32, #tpu.memory_space<hbm>> -> memref<128xf32, #tpu.memory_space<hbm>>
      tpu.enqueue_dma source(%dma_start3A_75 : memref<128xf32, #tpu.memory_space<hbm>>) target(%arg13 : memref<128xf32, #tpu.memory_space<vmem>>) target_semaphore(%run_scoped3A : memref<!tpu.dma_semaphore, #tpu.memory_space<semaphore_mem>>)
      %dma_wait3A_76 = arith.constant 0 : i32
      %dma_wait3A_77 = tpu.memref_slice %arg6[%arg1, %dma_wait3A_76] : memref<16x128xf32, #tpu.memory_space<hbm>> -> memref<1x128xf32, #tpu.memory_space<hbm>>
      %dma_wait3A_78 = tpu.memref_squeeze %dma_wait3A_77 : memref<1x128xf32, #tpu.memory_space<hbm>> -> memref<128xf32, #tpu.memory_space<hbm>>
      %dma_wait3A_79 = arith.constant 0 : i32
      %dma_wait3A_80 = tpu.memref_slice %arg6[%arg1, %dma_wait3A_79] : memref<16x128xf32, #tpu.memory_space<hbm>> -> memref<1x128xf32, #tpu.memory_space<hbm>>
      %dma_wait3A_81 = tpu.memref_squeeze %dma_wait3A_80 : memref<1x128xf32, #tpu.memory_space<hbm>> -> memref<128xf32, #tpu.memory_space<hbm>>
      tpu.wait_dma2 semaphore(%run_scoped3A : memref<!tpu.dma_semaphore, #tpu.memory_space<semaphore_mem>>) src(%dma_wait3A_81 : memref<128xf32, #tpu.memory_space<hbm>>) dst(%arg13 : memref<128xf32, #tpu.memory_space<vmem>>)
      tpu.yield
    }) : () -> ()
    "tpu.region"() ({
      %run_scoped3A = tpu.sem_alloc : memref<!tpu.dma_semaphore, #tpu.memory_space<semaphore_mem>>
      %dma_start3A_70 = arith.constant 0 : i32
      %dma_start3A_71 = tpu.memref_slice %arg7[%dma_start3A_70] : memref<25xi32, #tpu.memory_space<hbm>> -> memref<16xi32, #tpu.memory_space<hbm>>
      %dma_start3A_72 = arith.constant 0 : i32
      %dma_start3A_73 = tpu.memref_slice %arg7[%dma_start3A_72] : memref<25xi32, #tpu.memory_space<hbm>> -> memref<16xi32, #tpu.memory_space<hbm>>
      tpu.enqueue_dma source(%dma_start3A_73 : memref<16xi32, #tpu.memory_space<hbm>>) target(%arg18 : memref<16xi32, #tpu.memory_space<vmem>>) target_semaphore(%run_scoped3A : memref<!tpu.dma_semaphore, #tpu.memory_space<semaphore_mem>>)
      %dma_wait3A_74 = arith.constant 0 : i32
      %dma_wait3A_75 = tpu.memref_slice %arg7[%dma_wait3A_74] : memref<25xi32, #tpu.memory_space<hbm>> -> memref<16xi32, #tpu.memory_space<hbm>>
      %dma_wait3A_76 = arith.constant 0 : i32
      %dma_wait3A_77 = tpu.memref_slice %arg7[%dma_wait3A_76] : memref<25xi32, #tpu.memory_space<hbm>> -> memref<16xi32, #tpu.memory_space<hbm>>
      tpu.wait_dma2 semaphore(%run_scoped3A : memref<!tpu.dma_semaphore, #tpu.memory_space<semaphore_mem>>) src(%dma_wait3A_77 : memref<16xi32, #tpu.memory_space<hbm>>) dst(%arg18 : memref<16xi32, #tpu.memory_space<vmem>>)
      tpu.yield
    }) : () -> ()
    %scan3A_9 = arith.constant 0 : i32
    %scan3A_10 = arith.constant 0 : i32
    %scan3A_11 = arith.constant 8 : i32
    %scan3A_12 = arith.addi %scan3A_10, %scan3A_11 : i32
    %scan3A_13 = arith.constant 1 : i32
    scf.for %scan3A_70 = %scan3A_10 to %scan3A_12 step %scan3A_13  : i32 {
      %iota3A = tpu.iota {dimensions = array<i32: 0>} : vector<16xi32>
      %mul3A_71 = arith.constant 128 : i32
      %mul3A_72 = arith.muli %arg1, %mul3A_71 : i32
      %mul3A_73 = arith.constant 16 : i32
      %mul3A_74 = arith.muli %scan3A_70, %mul3A_73 : i32
      %add3A_75 = arith.addi %mul3A_72, %mul3A_74 : i32
      %add3A_76 = vector.broadcast %add3A_75 : i32 to vector<16xi32>
      %add3A_77 = arith.addi %iota3A, %add3A_76 : vector<16xi32>
      %mul3A_78 = arith.constant 16 : i32
      %mul3A_79 = arith.muli %scan3A_70, %mul3A_78 : i32
      %swap3A = arith.index_cast %mul3A_79 : i32 to index
      %swap3A_80 = tpu.vector_load %arg14[%swap3A] {strides = array<i32>} : memref<128xi32, #tpu.memory_space<vmem>>, vector<16xi32>,
      %swap3A_81 = vector.shape_cast %swap3A_80 : vector<16xi32> to vector<16xi32>
      %swap3A_82 = vector.shape_cast %add3A_77 : vector<16xi32> to vector<16xi32>
      tpu.vector_store %arg14[%swap3A], %swap3A_82 {strides = array<i32>} : memref<128xi32, #tpu.memory_space<vmem>>, vector<16xi32>,
    }
    %scan3A_14 = arith.constant 8 : i32
    %barrier3A = arith.constant 0 : index
    tpu.barrier barrier_id(%barrier3A)
    %dma_start3A = arith.constant 0 : i32
    %dma_start3A_15 = tpu.memref_slice %arg19[%dma_start3A] : memref<6144xi32, #tpu.memory_space<vmem_shared>> -> memref<6144xi32, #tpu.memory_space<vmem_shared>>
    tpu.enqueue_indirect_dma source(%arg14 : memref<128xi32, #tpu.memory_space<vmem>>) target(%dma_start3A_15 : memref<6144xi32, #tpu.memory_space<vmem_shared>>) offsets(%arg10 : memref<128xi32, #tpu.memory_space<vmem>>) semaphore(%arg20 : memref<!tpu.dma_semaphore, #tpu.memory_space<semaphore_mem>>)
    %dma_start3A_16 = arith.constant 0 : i32
    %dma_start3A_17 = tpu.memref_slice %arg19[%dma_start3A_16] : memref<6144xi32, #tpu.memory_space<vmem_shared>> -> memref<6144xi32, #tpu.memory_space<vmem_shared>>
    tpu.enqueue_indirect_dma source(%arg14 : memref<128xi32, #tpu.memory_space<vmem>>) target(%dma_start3A_17 : memref<6144xi32, #tpu.memory_space<vmem_shared>>) offsets(%arg11 : memref<128xi32, #tpu.memory_space<vmem>>) semaphore(%arg21 : memref<!tpu.dma_semaphore, #tpu.memory_space<semaphore_mem>>)
    %dma_start3A_18 = arith.constant 0 : i32
    %dma_start3A_19 = tpu.memref_slice %arg9[%dma_start3A_18] : memref<6144xf32, #tpu.memory_space<hbm>> -> memref<6144xf32, #tpu.memory_space<hbm>>
    tpu.enqueue_indirect_dma source(%arg12 : memref<128xf32, #tpu.memory_space<vmem>>) target(%dma_start3A_19 : memref<6144xf32, #tpu.memory_space<hbm>>) offsets(%arg10 : memref<128xi32, #tpu.memory_space<vmem>>) semaphore(%arg22 : memref<!tpu.dma_semaphore, #tpu.memory_space<semaphore_mem>>)
    %dma_start3A_20 = arith.constant 0 : i32
    %dma_start3A_21 = tpu.memref_slice %arg9[%dma_start3A_20] : memref<6144xf32, #tpu.memory_space<hbm>> -> memref<6144xf32, #tpu.memory_space<hbm>>
    tpu.enqueue_indirect_dma source(%arg13 : memref<128xf32, #tpu.memory_space<vmem>>) target(%dma_start3A_21 : memref<6144xf32, #tpu.memory_space<hbm>>) offsets(%arg11 : memref<128xi32, #tpu.memory_space<vmem>>) semaphore(%arg23 : memref<!tpu.dma_semaphore, #tpu.memory_space<semaphore_mem>>)
    %dma_wait3A = arith.constant 0 : i32
    %dma_wait3A_22 = tpu.memref_slice %arg19[%dma_wait3A] : memref<6144xi32, #tpu.memory_space<vmem_shared>> -> memref<6144xi32, #tpu.memory_space<vmem_shared>>
    tpu.wait_indirect_dma semaphore(%arg20 : memref<!tpu.dma_semaphore, #tpu.memory_space<semaphore_mem>>) src(%arg14 : memref<128xi32, #tpu.memory_space<vmem>>) dst(%dma_wait3A_22 : memref<6144xi32, #tpu.memory_space<vmem_shared>>)
    %dma_wait3A_23 = arith.constant 0 : i32
    %dma_wait3A_24 = tpu.memref_slice %arg19[%dma_wait3A_23] : memref<6144xi32, #tpu.memory_space<vmem_shared>> -> memref<6144xi32, #tpu.memory_space<vmem_shared>>
    tpu.wait_indirect_dma semaphore(%arg21 : memref<!tpu.dma_semaphore, #tpu.memory_space<semaphore_mem>>) src(%arg14 : memref<128xi32, #tpu.memory_space<vmem>>) dst(%dma_wait3A_24 : memref<6144xi32, #tpu.memory_space<vmem_shared>>)
    %dma_wait3A_25 = arith.constant 0 : i32
    %dma_wait3A_26 = tpu.memref_slice %arg9[%dma_wait3A_25] : memref<6144xf32, #tpu.memory_space<hbm>> -> memref<6144xf32, #tpu.memory_space<hbm>>
    tpu.wait_indirect_dma semaphore(%arg22 : memref<!tpu.dma_semaphore, #tpu.memory_space<semaphore_mem>>) src(%arg12 : memref<128xf32, #tpu.memory_space<vmem>>) dst(%dma_wait3A_26 : memref<6144xf32, #tpu.memory_space<hbm>>)
    %dma_wait3A_27 = arith.constant 0 : i32
    %dma_wait3A_28 = tpu.memref_slice %arg9[%dma_wait3A_27] : memref<6144xf32, #tpu.memory_space<hbm>> -> memref<6144xf32, #tpu.memory_space<hbm>>
    tpu.wait_indirect_dma semaphore(%arg23 : memref<!tpu.dma_semaphore, #tpu.memory_space<semaphore_mem>>) src(%arg13 : memref<128xf32, #tpu.memory_space<vmem>>) dst(%dma_wait3A_28 : memref<6144xf32, #tpu.memory_space<hbm>>)
    %barrier3A_29 = arith.constant 0 : index
    tpu.barrier barrier_id(%barrier3A_29)
    %mul3A_30 = arith.constant 192 : i32
    %mul3A_31 = arith.muli %add3A, %mul3A_30 : i32
    "tpu.region"() ({
      %run_scoped3A = tpu.sem_alloc : memref<!tpu.dma_semaphore, #tpu.memory_space<semaphore_mem>>
      %dma_start3A_70 = tpu.memref_slice %arg19[%mul3A_31] : memref<6144xi32, #tpu.memory_space<vmem_shared>> -> memref<192xi32, #tpu.memory_space<vmem_shared>>
      %dma_start3A_71 = tpu.memref_slice %arg19[%mul3A_31] : memref<6144xi32, #tpu.memory_space<vmem_shared>> -> memref<192xi32, #tpu.memory_space<vmem_shared>>
      tpu.enqueue_dma source(%dma_start3A_71 : memref<192xi32, #tpu.memory_space<vmem_shared>>) target(%arg16 : memref<192xi32, #tpu.memory_space<vmem>>) target_semaphore(%run_scoped3A : memref<!tpu.dma_semaphore, #tpu.memory_space<semaphore_mem>>)
      %dma_wait3A_72 = tpu.memref_slice %arg19[%mul3A_31] : memref<6144xi32, #tpu.memory_space<vmem_shared>> -> memref<192xi32, #tpu.memory_space<vmem_shared>>
      %dma_wait3A_73 = tpu.memref_slice %arg19[%mul3A_31] : memref<6144xi32, #tpu.memory_space<vmem_shared>> -> memref<192xi32, #tpu.memory_space<vmem_shared>>
      tpu.wait_dma2 semaphore(%run_scoped3A : memref<!tpu.dma_semaphore, #tpu.memory_space<semaphore_mem>>) src(%dma_wait3A_73 : memref<192xi32, #tpu.memory_space<vmem_shared>>) dst(%arg16 : memref<192xi32, #tpu.memory_space<vmem>>)
      tpu.yield
    }) : () -> ()
    %get3A = arith.constant 0 : index
    %get3A_32 = tpu.vector_load %arg18[%get3A] {strides = array<i32>} : memref<16xi32, #tpu.memory_space<vmem>>, vector<16xi32>,
    %get3A_33 = vector.shape_cast %get3A_32 : vector<16xi32> to vector<16xi32>
    %slice3A = vector.extract_strided_slice %get3A_33 {offsets = [0], sizes = [1], strides = [1]} : vector<16xi32> to vector<1xi32>
    %squeeze3A = vector.extract %slice3A[0] : i32 from vector<1xi32>
    %mul3A_34 = arith.constant 256 : i32
    %mul3A_35 = arith.muli %mul3A_34, %squeeze3A : i32
    %mul3A_36 = arith.constant 192 : i32
    %mul3A_37 = arith.muli %add3A, %mul3A_36 : i32
    %sub3A = arith.subi %mul3A_35, %mul3A_37 : i32
    %add3A_38 = arith.constant 48 : i32
    %add3A_39 = arith.addi %sub3A, %add3A_38 : i32
    %sub3A_40 = arith.constant 1 : i32
    %sub3A_41 = arith.subi %add3A_39, %sub3A_40 : i32
    %jit3A = arith.constant 48 : i32
    %div3A = arith.divsi %sub3A_41, %jit3A : i32
    %sign3A = arith.constant 0 : i32
    %sign3A_42 = arith.cmpi sgt, %sub3A_41, %sign3A : i32
    %sign3A_43 = arith.extui %sign3A_42 : i1 to i32
    %sign3A_44 = arith.constant 0 : i32
    %sign3A_45 = arith.cmpi slt, %sub3A_41, %sign3A_44 : i32
    %sign3A_46 = arith.extui %sign3A_45 : i1 to i32
    %sign3A_47 = arith.subi %sign3A_43, %sign3A_46 : i32
    %sign3A_48 = arith.constant 0 : i32
    %sign3A_49 = arith.cmpi sgt, %jit3A, %sign3A_48 : i32
    %sign3A_50 = arith.extui %sign3A_49 : i1 to i32
    %sign3A_51 = arith.constant 0 : i32
    %sign3A_52 = arith.cmpi slt, %jit3A, %sign3A_51 : i32
    %sign3A_53 = arith.extui %sign3A_52 : i1 to i32
    %sign3A_54 = arith.subi %sign3A_50, %sign3A_53 : i32
    %ne3A = arith.cmpi ne, %sign3A_47, %sign3A_54 : i32
    %rem3A = arith.remsi %sub3A_41, %jit3A : i32
    %ne3A_55 = arith.constant 0 : i32
    %ne3A_56 = arith.cmpi ne, %rem3A, %ne3A_55 : i32
    %and3A = arith.andi %ne3A, %ne3A_56 : i1
    %sub3A_57 = arith.constant 1 : i32
    %sub3A_58 = arith.subi %div3A, %sub3A_57 : i32
    %select_n3A = arith.select %and3A, %sub3A_58, %div3A : i32
    %jit3A_59 = arith.constant 0 : i32
    %jit3A_60 = arith.constant 4 : i32
    %max3A = arith.maxsi %jit3A_59, %select_n3A : i32
    %min3A = arith.minsi %jit3A_60, %max3A : i32
    %while3A = arith.constant 0 : i32
    %while3A_61 = arith.constant 0 : i32
    %while3A_62 = arith.subi %min3A, %while3A_61 : i32
    %while3A_63 = arith.addi %while3A_61, %while3A_62 : i32
    %while3A_64 = arith.constant 1 : i32
    %while3A_65 = arith.divsi %while3A_62, %while3A_64 : i32
    %while3A_66 = arith.muli %while3A_65, %while3A_64 : i32
    %while3A_67 = arith.addi %while3A_61, %while3A_66 : i32
    %while3A_68 = arith.constant 1 : i32
    scf.for %while3A_70 = %while3A_61 to %while3A_67 step %while3A_68  : i32 {
      %mul3A_71 = arith.constant 48 : i32
      %mul3A_72 = arith.muli %while3A_70, %mul3A_71 : i32
      %dma_start3A_73 = tpu.memref_slice %arg16[%mul3A_72] : memref<192xi32, #tpu.memory_space<vmem>> -> memref<48xi32, #tpu.memory_space<vmem>>
      %dma_start3A_74 = arith.constant 0 : i32
      %dma_start3A_75 = arith.constant 0 : i32
      %dma_start3A_76 = tpu.memref_slice %arg2[%dma_start3A_74, %dma_start3A_75] : memref<2048x1024xf32, #tpu.memory_space<hbm>> -> memref<2048x1024xf32, #tpu.memory_space<hbm>>
      tpu.enqueue_indirect_dma source(%dma_start3A_76 : memref<2048x1024xf32, #tpu.memory_space<hbm>>) target(%arg17 : memref<48x1024xf32, #tpu.memory_space<vmem>>) offsets(%dma_start3A_73 : memref<48xi32, #tpu.memory_space<vmem>>) semaphore(%arg20 : memref<!tpu.dma_semaphore, #tpu.memory_space<semaphore_mem>>)
      %dma_wait3A_77 = tpu.memref_slice %arg16[%mul3A_72] : memref<192xi32, #tpu.memory_space<vmem>> -> memref<48xi32, #tpu.memory_space<vmem>>
      %dma_wait3A_78 = arith.constant 0 : i32
      %dma_wait3A_79 = arith.constant 0 : i32
      %dma_wait3A_80 = tpu.memref_slice %arg2[%dma_wait3A_78, %dma_wait3A_79] : memref<2048x1024xf32, #tpu.memory_space<hbm>> -> memref<2048x1024xf32, #tpu.memory_space<hbm>>
      tpu.wait_indirect_dma semaphore(%arg20 : memref<!tpu.dma_semaphore, #tpu.memory_space<semaphore_mem>>) src(%dma_wait3A_80 : memref<2048x1024xf32, #tpu.memory_space<hbm>>) dst(%arg17 : memref<48x1024xf32, #tpu.memory_space<vmem>>)
      %mul3A_81 = arith.constant 192 : i32
      %mul3A_82 = arith.muli %add3A, %mul3A_81 : i32
      %mul3A_83 = arith.constant 48 : i32
      %mul3A_84 = arith.muli %while3A_70, %mul3A_83 : i32
      %add3A_85 = arith.addi %mul3A_82, %mul3A_84 : i32
      "tpu.region"() ({
        %run_scoped3A = tpu.sem_alloc : memref<!tpu.dma_semaphore, #tpu.memory_space<semaphore_mem>>
        %dma_start3A_86 = arith.constant 0 : i32
        %dma_start3A_87 = tpu.memref_slice %arg8[%add3A_85, %dma_start3A_86] : memref<6144x1024xf32, #tpu.memory_space<hbm>> -> memref<48x1024xf32, #tpu.memory_space<hbm>>
        %dma_start3A_88 = arith.constant 0 : i32
        %dma_start3A_89 = tpu.memref_slice %arg8[%add3A_85, %dma_start3A_88] : memref<6144x1024xf32, #tpu.memory_space<hbm>> -> memref<48x1024xf32, #tpu.memory_space<hbm>>
        tpu.enqueue_dma source(%arg17 : memref<48x1024xf32, #tpu.memory_space<vmem>>) target(%dma_start3A_89 : memref<48x1024xf32, #tpu.memory_space<hbm>>) target_semaphore(%run_scoped3A : memref<!tpu.dma_semaphore, #tpu.memory_space<semaphore_mem>>)
        %dma_wait3A_90 = arith.constant 0 : i32
        %dma_wait3A_91 = tpu.memref_slice %arg8[%add3A_85, %dma_wait3A_90] : memref<6144x1024xf32, #tpu.memory_space<hbm>> -> memref<48x1024xf32, #tpu.memory_space<hbm>>
        %dma_wait3A_92 = arith.constant 0 : i32
        %dma_wait3A_93 = tpu.memref_slice %arg8[%add3A_85, %dma_wait3A_92] : memref<6144x1024xf32, #tpu.memory_space<hbm>> -> memref<48x1024xf32, #tpu.memory_space<hbm>>
        tpu.wait_dma2 semaphore(%run_scoped3A : memref<!tpu.dma_semaphore, #tpu.memory_space<semaphore_mem>>) src(%arg17 : memref<48x1024xf32, #tpu.memory_space<vmem>>) dst(%dma_wait3A_93 : memref<48x1024xf32, #tpu.memory_space<hbm>>)
        tpu.yield
      }) : () -> ()
    }
    %while3A_69 = arith.constant 1 : i32
    scf.for %while3A_70 = %while3A_67 to %while3A_63 step %while3A_69  : i32 {
      %mul3A_71 = arith.constant 48 : i32
      %mul3A_72 = arith.muli %while3A_70, %mul3A_71 : i32
      %dma_start3A_73 = tpu.memref_slice %arg16[%mul3A_72] : memref<192xi32, #tpu.memory_space<vmem>> -> memref<48xi32, #tpu.memory_space<vmem>>
      %dma_start3A_74 = arith.constant 0 : i32
      %dma_start3A_75 = arith.constant 0 : i32
      %dma_start3A_76 = tpu.memref_slice %arg2[%dma_start3A_74, %dma_start3A_75] : memref<2048x1024xf32, #tpu.memory_space<hbm>> -> memref<2048x1024xf32, #tpu.memory_space<hbm>>
      tpu.enqueue_indirect_dma source(%dma_start3A_76 : memref<2048x1024xf32, #tpu.memory_space<hbm>>) target(%arg17 : memref<48x1024xf32, #tpu.memory_space<vmem>>) offsets(%dma_start3A_73 : memref<48xi32, #tpu.memory_space<vmem>>) semaphore(%arg20 : memref<!tpu.dma_semaphore, #tpu.memory_space<semaphore_mem>>)
      %dma_wait3A_77 = tpu.memref_slice %arg16[%mul3A_72] : memref<192xi32, #tpu.memory_space<vmem>> -> memref<48xi32, #tpu.memory_space<vmem>>
      %dma_wait3A_78 = arith.constant 0 : i32
      %dma_wait3A_79 = arith.constant 0 : i32
      %dma_wait3A_80 = tpu.memref_slice %arg2[%dma_wait3A_78, %dma_wait3A_79] : memref<2048x1024xf32, #tpu.memory_space<hbm>> -> memref<2048x1024xf32, #tpu.memory_space<hbm>>
      tpu.wait_indirect_dma semaphore(%arg20 : memref<!tpu.dma_semaphore, #tpu.memory_space<semaphore_mem>>) src(%dma_wait3A_80 : memref<2048x1024xf32, #tpu.memory_space<hbm>>) dst(%arg17 : memref<48x1024xf32, #tpu.memory_space<vmem>>)
      %mul3A_81 = arith.constant 192 : i32
      %mul3A_82 = arith.muli %add3A, %mul3A_81 : i32
      %mul3A_83 = arith.constant 48 : i32
      %mul3A_84 = arith.muli %while3A_70, %mul3A_83 : i32
      %add3A_85 = arith.addi %mul3A_82, %mul3A_84 : i32
      "tpu.region"() ({
        %run_scoped3A = tpu.sem_alloc : memref<!tpu.dma_semaphore, #tpu.memory_space<semaphore_mem>>
        %dma_start3A_86 = arith.constant 0 : i32
        %dma_start3A_87 = tpu.memref_slice %arg8[%add3A_85, %dma_start3A_86] : memref<6144x1024xf32, #tpu.memory_space<hbm>> -> memref<48x1024xf32, #tpu.memory_space<hbm>>
        %dma_start3A_88 = arith.constant 0 : i32
        %dma_start3A_89 = tpu.memref_slice %arg8[%add3A_85, %dma_start3A_88] : memref<6144x1024xf32, #tpu.memory_space<hbm>> -> memref<48x1024xf32, #tpu.memory_space<hbm>>
        tpu.enqueue_dma source(%arg17 : memref<48x1024xf32, #tpu.memory_space<vmem>>) target(%dma_start3A_89 : memref<48x1024xf32, #tpu.memory_space<hbm>>) target_semaphore(%run_scoped3A : memref<!tpu.dma_semaphore, #tpu.memory_space<semaphore_mem>>)
        %dma_wait3A_90 = arith.constant 0 : i32
        %dma_wait3A_91 = tpu.memref_slice %arg8[%add3A_85, %dma_wait3A_90] : memref<6144x1024xf32, #tpu.memory_space<hbm>> -> memref<48x1024xf32, #tpu.memory_space<hbm>>
        %dma_wait3A_92 = arith.constant 0 : i32
        %dma_wait3A_93 = tpu.memref_slice %arg8[%add3A_85, %dma_wait3A_92] : memref<6144x1024xf32, #tpu.memory_space<hbm>> -> memref<48x1024xf32, #tpu.memory_space<hbm>>
        tpu.wait_dma2 semaphore(%run_scoped3A : memref<!tpu.dma_semaphore, #tpu.memory_space<semaphore_mem>>) src(%arg17 : memref<48x1024xf32, #tpu.memory_space<vmem>>) dst(%dma_wait3A_93 : memref<48x1024xf32, #tpu.memory_space<hbm>>)
        tpu.yield
      }) : () -> ()
    }
    return
  }
}

#map = affine_map<(d0, d1) -> (0, 0)>
#map1 = affine_map<(d0, d1) -> (0)>
module attributes {stable_mosaic.version = 14 : i64} {
  func.func @_combine_body(%arg0: i32, %arg1: i32, %arg2: memref<6144x1024xf32, #tpu.memory_space<hbm>>, %arg3: memref<2048xi32, #tpu.memory_space<hbm>>, %arg4: memref<2048xi32, #tpu.memory_space<hbm>>, %arg5: memref<2048x1024xf32, #tpu.memory_space<hbm>>, %arg6: memref<64xi32, #tpu.memory_space<vmem>>, %arg7: memref<64xi32, #tpu.memory_space<vmem>>, %arg8: memref<32x1024xf32, #tpu.memory_space<vmem>>, %arg9: memref<32x1024xf32, #tpu.memory_space<vmem>>, %arg10: memref<!tpu.dma_semaphore, #tpu.memory_space<semaphore_mem>>) attributes {dimension_semantics = [#tpu.dimension_semantics<core_parallel>, #tpu.dimension_semantics<subcore_parallel>], iteration_bounds = array<i64: 2, 16>, scalar_prefetch = 0 : i64, scratch_operands = 5 : i64, tpu.core_type = #tpu.core_type<sc_vector_subcore>, window_params = [{transform_indices = #map}, {transform_indices = #map1}, {transform_indices = #map1}, {transform_indices = #map}]} {
    %mul3A = arith.constant 16 : i32
    %mul3A_0 = arith.muli %arg0, %mul3A : i32
    %add3A = arith.addi %mul3A_0, %arg1 : i32
    %mul3A_1 = arith.constant 64 : i32
    %mul3A_2 = arith.muli %add3A, %mul3A_1 : i32
    "tpu.region"() ({
      %run_scoped3A = tpu.sem_alloc : memref<!tpu.dma_semaphore, #tpu.memory_space<semaphore_mem>>
      %dma_start3A_56 = tpu.memref_slice %arg3[%mul3A_2] : memref<2048xi32, #tpu.memory_space<hbm>> -> memref<64xi32, #tpu.memory_space<hbm>>
      %dma_start3A_57 = tpu.memref_slice %arg3[%mul3A_2] : memref<2048xi32, #tpu.memory_space<hbm>> -> memref<64xi32, #tpu.memory_space<hbm>>
      tpu.enqueue_dma source(%dma_start3A_57 : memref<64xi32, #tpu.memory_space<hbm>>) target(%arg6 : memref<64xi32, #tpu.memory_space<vmem>>) target_semaphore(%run_scoped3A : memref<!tpu.dma_semaphore, #tpu.memory_space<semaphore_mem>>)
      %dma_wait3A_58 = tpu.memref_slice %arg3[%mul3A_2] : memref<2048xi32, #tpu.memory_space<hbm>> -> memref<64xi32, #tpu.memory_space<hbm>>
      %dma_wait3A_59 = tpu.memref_slice %arg3[%mul3A_2] : memref<2048xi32, #tpu.memory_space<hbm>> -> memref<64xi32, #tpu.memory_space<hbm>>
      tpu.wait_dma2 semaphore(%run_scoped3A : memref<!tpu.dma_semaphore, #tpu.memory_space<semaphore_mem>>) src(%dma_wait3A_59 : memref<64xi32, #tpu.memory_space<hbm>>) dst(%arg6 : memref<64xi32, #tpu.memory_space<vmem>>)
      tpu.yield
    }) : () -> ()
    "tpu.region"() ({
      %run_scoped3A = tpu.sem_alloc : memref<!tpu.dma_semaphore, #tpu.memory_space<semaphore_mem>>
      %dma_start3A_56 = tpu.memref_slice %arg4[%mul3A_2] : memref<2048xi32, #tpu.memory_space<hbm>> -> memref<64xi32, #tpu.memory_space<hbm>>
      %dma_start3A_57 = tpu.memref_slice %arg4[%mul3A_2] : memref<2048xi32, #tpu.memory_space<hbm>> -> memref<64xi32, #tpu.memory_space<hbm>>
      tpu.enqueue_dma source(%dma_start3A_57 : memref<64xi32, #tpu.memory_space<hbm>>) target(%arg7 : memref<64xi32, #tpu.memory_space<vmem>>) target_semaphore(%run_scoped3A : memref<!tpu.dma_semaphore, #tpu.memory_space<semaphore_mem>>)
      %dma_wait3A_58 = tpu.memref_slice %arg4[%mul3A_2] : memref<2048xi32, #tpu.memory_space<hbm>> -> memref<64xi32, #tpu.memory_space<hbm>>
      %dma_wait3A_59 = tpu.memref_slice %arg4[%mul3A_2] : memref<2048xi32, #tpu.memory_space<hbm>> -> memref<64xi32, #tpu.memory_space<hbm>>
      tpu.wait_dma2 semaphore(%run_scoped3A : memref<!tpu.dma_semaphore, #tpu.memory_space<semaphore_mem>>) src(%dma_wait3A_59 : memref<64xi32, #tpu.memory_space<hbm>>) dst(%arg7 : memref<64xi32, #tpu.memory_space<vmem>>)
      tpu.yield
    }) : () -> ()
    %dma_start3A = arith.constant 0 : i32
    %dma_start3A_3 = tpu.memref_slice %arg6[%dma_start3A] : memref<64xi32, #tpu.memory_space<vmem>> -> memref<32xi32, #tpu.memory_space<vmem>>
    %dma_start3A_4 = arith.constant 0 : i32
    %dma_start3A_5 = arith.constant 0 : i32
    %dma_start3A_6 = tpu.memref_slice %arg2[%dma_start3A_4, %dma_start3A_5] : memref<6144x1024xf32, #tpu.memory_space<hbm>> -> memref<6144x1024xf32, #tpu.memory_space<hbm>>
    tpu.enqueue_indirect_dma source(%dma_start3A_6 : memref<6144x1024xf32, #tpu.memory_space<hbm>>) target(%arg8 : memref<32x1024xf32, #tpu.memory_space<vmem>>) offsets(%dma_start3A_3 : memref<32xi32, #tpu.memory_space<vmem>>) semaphore(%arg10 : memref<!tpu.dma_semaphore, #tpu.memory_space<semaphore_mem>>)
    %dma_start3A_7 = arith.constant 0 : i32
    %dma_start3A_8 = tpu.memref_slice %arg7[%dma_start3A_7] : memref<64xi32, #tpu.memory_space<vmem>> -> memref<32xi32, #tpu.memory_space<vmem>>
    %dma_start3A_9 = arith.constant 0 : i32
    %dma_start3A_10 = arith.constant 0 : i32
    %dma_start3A_11 = tpu.memref_slice %arg2[%dma_start3A_9, %dma_start3A_10] : memref<6144x1024xf32, #tpu.memory_space<hbm>> -> memref<6144x1024xf32, #tpu.memory_space<hbm>>
    tpu.enqueue_indirect_dma source(%dma_start3A_11 : memref<6144x1024xf32, #tpu.memory_space<hbm>>) target(%arg9 : memref<32x1024xf32, #tpu.memory_space<vmem>>) offsets(%dma_start3A_8 : memref<32xi32, #tpu.memory_space<vmem>>) semaphore(%arg10 : memref<!tpu.dma_semaphore, #tpu.memory_space<semaphore_mem>>)
    %dma_wait3A = arith.constant 0 : i32
    %dma_wait3A_12 = tpu.memref_slice %arg6[%dma_wait3A] : memref<64xi32, #tpu.memory_space<vmem>> -> memref<32xi32, #tpu.memory_space<vmem>>
    %dma_wait3A_13 = arith.constant 0 : i32
    %dma_wait3A_14 = arith.constant 0 : i32
    %dma_wait3A_15 = tpu.memref_slice %arg2[%dma_wait3A_13, %dma_wait3A_14] : memref<6144x1024xf32, #tpu.memory_space<hbm>> -> memref<6144x1024xf32, #tpu.memory_space<hbm>>
    tpu.wait_indirect_dma semaphore(%arg10 : memref<!tpu.dma_semaphore, #tpu.memory_space<semaphore_mem>>) src(%dma_wait3A_15 : memref<6144x1024xf32, #tpu.memory_space<hbm>>) dst(%arg8 : memref<32x1024xf32, #tpu.memory_space<vmem>>)
    %dma_wait3A_16 = arith.constant 0 : i32
    %dma_wait3A_17 = tpu.memref_slice %arg7[%dma_wait3A_16] : memref<64xi32, #tpu.memory_space<vmem>> -> memref<32xi32, #tpu.memory_space<vmem>>
    %dma_wait3A_18 = arith.constant 0 : i32
    %dma_wait3A_19 = arith.constant 0 : i32
    %dma_wait3A_20 = tpu.memref_slice %arg2[%dma_wait3A_18, %dma_wait3A_19] : memref<6144x1024xf32, #tpu.memory_space<hbm>> -> memref<6144x1024xf32, #tpu.memory_space<hbm>>
    tpu.wait_indirect_dma semaphore(%arg10 : memref<!tpu.dma_semaphore, #tpu.memory_space<semaphore_mem>>) src(%dma_wait3A_20 : memref<6144x1024xf32, #tpu.memory_space<hbm>>) dst(%arg9 : memref<32x1024xf32, #tpu.memory_space<vmem>>)
    %scan3A = arith.constant 0 : i32
    %scan3A_21 = arith.constant 0 : i32
    %scan3A_22 = arith.constant 32 : i32
    %scan3A_23 = arith.addi %scan3A_21, %scan3A_22 : i32
    %scan3A_24 = arith.constant 1 : i32
    scf.for %scan3A_56 = %scan3A_21 to %scan3A_23 step %scan3A_24  : i32 {
      %get3A = arith.index_cast %scan3A_56 : i32 to index
      %get3A_57 = arith.constant 0 : index
      %get3A_58 = tpu.vector_load %arg8[%get3A, %get3A_57] {strides = array<i32>} : memref<32x1024xf32, #tpu.memory_space<vmem>>, vector<1x16xf32>,
      %get3A_59 = vector.shape_cast %get3A_58 : vector<1x16xf32> to vector<16xf32>
      %get3A_60 = arith.index_cast %scan3A_56 : i32 to index
      %get3A_61 = arith.constant 0 : index
      %get3A_62 = tpu.vector_load %arg9[%get3A_60, %get3A_61] {strides = array<i32>} : memref<32x1024xf32, #tpu.memory_space<vmem>>, vector<1x16xf32>,
      %get3A_63 = vector.shape_cast %get3A_62 : vector<1x16xf32> to vector<16xf32>
      %add3A_64 = arith.addf %get3A_59, %get3A_63 : vector<16xf32>
      %swap3A = arith.index_cast %scan3A_56 : i32 to index
      %swap3A_65 = arith.constant 0 : index
      %swap3A_66 = tpu.vector_load %arg8[%swap3A, %swap3A_65] {strides = array<i32>} : memref<32x1024xf32, #tpu.memory_space<vmem>>, vector<1x16xf32>,
      %swap3A_67 = vector.shape_cast %swap3A_66 : vector<1x16xf32> to vector<16xf32>
      %swap3A_68 = vector.shape_cast %add3A_64 : vector<16xf32> to vector<1x16xf32>
      tpu.vector_store %arg8[%swap3A, %swap3A_65], %swap3A_68 {strides = array<i32>} : memref<32x1024xf32, #tpu.memory_space<vmem>>, vector<1x16xf32>,
      %get3A_69 = arith.index_cast %scan3A_56 : i32 to index
      %get3A_70 = arith.constant 16 : index
      %get3A_71 = tpu.vector_load %arg8[%get3A_69, %get3A_70] {strides = array<i32>} : memref<32x1024xf32, #tpu.memory_space<vmem>>, vector<1x16xf32>,
      %get3A_72 = vector.shape_cast %get3A_71 : vector<1x16xf32> to vector<16xf32>
      %get3A_73 = arith.index_cast %scan3A_56 : i32 to index
      %get3A_74 = arith.constant 16 : index
      %get3A_75 = tpu.vector_load %arg9[%get3A_73, %get3A_74] {strides = array<i32>} : memref<32x1024xf32, #tpu.memory_space<vmem>>, vector<1x16xf32>,
      %get3A_76 = vector.shape_cast %get3A_75 : vector<1x16xf32> to vector<16xf32>
      %add3A_77 = arith.addf %get3A_72, %get3A_76 : vector<16xf32>
      %swap3A_78 = arith.index_cast %scan3A_56 : i32 to index
      %swap3A_79 = arith.constant 16 : index
      %swap3A_80 = tpu.vector_load %arg8[%swap3A_78, %swap3A_79] {strides = array<i32>} : memref<32x1024xf32, #tpu.memory_space<vmem>>, vector<1x16xf32>,
      %swap3A_81 = vector.shape_cast %swap3A_80 : vector<1x16xf32> to vector<16xf32>
      %swap3A_82 = vector.shape_cast %add3A_77 : vector<16xf32> to vector<1x16xf32>
      tpu.vector_store %arg8[%swap3A_78, %swap3A_79], %swap3A_82 {strides = array<i32>} : memref<32x1024xf32, #tpu.memory_space<vmem>>, vector<1x16xf32>,
      %get3A_83 = arith.index_cast %scan3A_56 : i32 to index
      %get3A_84 = arith.constant 32 : index
      %get3A_85 = tpu.vector_load %arg8[%get3A_83, %get3A_84] {strides = array<i32>} : memref<32x1024xf32, #tpu.memory_space<vmem>>, vector<1x16xf32>,
      %get3A_86 = vector.shape_cast %get3A_85 : vector<1x16xf32> to vector<16xf32>
      %get3A_87 = arith.index_cast %scan3A_56 : i32 to index
      %get3A_88 = arith.constant 32 : index
      %get3A_89 = tpu.vector_load %arg9[%get3A_87, %get3A_88] {strides = array<i32>} : memref<32x1024xf32, #tpu.memory_space<vmem>>, vector<1x16xf32>,
      %get3A_90 = vector.shape_cast %get3A_89 : vector<1x16xf32> to vector<16xf32>
      %add3A_91 = arith.addf %get3A_86, %get3A_90 : vector<16xf32>
      %swap3A_92 = arith.index_cast %scan3A_56 : i32 to index
      %swap3A_93 = arith.constant 32 : index
      %swap3A_94 = tpu.vector_load %arg8[%swap3A_92, %swap3A_93] {strides = array<i32>} : memref<32x1024xf32, #tpu.memory_space<vmem>>, vector<1x16xf32>,
      %swap3A_95 = vector.shape_cast %swap3A_94 : vector<1x16xf32> to vector<16xf32>
      %swap3A_96 = vector.shape_cast %add3A_91 : vector<16xf32> to vector<1x16xf32>
      tpu.vector_store %arg8[%swap3A_92, %swap3A_93], %swap3A_96 {strides = array<i32>} : memref<32x1024xf32, #tpu.memory_space<vmem>>, vector<1x16xf32>,
      %get3A_97 = arith.index_cast %scan3A_56 : i32 to index
      %get3A_98 = arith.constant 48 : index
      %get3A_99 = tpu.vector_load %arg8[%get3A_97, %get3A_98] {strides = array<i32>} : memref<32x1024xf32, #tpu.memory_space<vmem>>, vector<1x16xf32>,
      %get3A_100 = vector.shape_cast %get3A_99 : vector<1x16xf32> to vector<16xf32>
      %get3A_101 = arith.index_cast %scan3A_56 : i32 to index
      %get3A_102 = arith.constant 48 : index
      %get3A_103 = tpu.vector_load %arg9[%get3A_101, %get3A_102] {strides = array<i32>} : memref<32x1024xf32, #tpu.memory_space<vmem>>, vector<1x16xf32>,
      %get3A_104 = vector.shape_cast %get3A_103 : vector<1x16xf32> to vector<16xf32>
      %add3A_105 = arith.addf %get3A_100, %get3A_104 : vector<16xf32>
      %swap3A_106 = arith.index_cast %scan3A_56 : i32 to index
      %swap3A_107 = arith.constant 48 : index
      %swap3A_108 = tpu.vector_load %arg8[%swap3A_106, %swap3A_107] {strides = array<i32>} : memref<32x1024xf32, #tpu.memory_space<vmem>>, vector<1x16xf32>,
      %swap3A_109 = vector.shape_cast %swap3A_108 : vector<1x16xf32> to vector<16xf32>
      %swap3A_110 = vector.shape_cast %add3A_105 : vector<16xf32> to vector<1x16xf32>
      tpu.vector_store %arg8[%swap3A_106, %swap3A_107], %swap3A_110 {strides = array<i32>} : memref<32x1024xf32, #tpu.memory_space<vmem>>, vector<1x16xf32>,
      %get3A_111 = arith.index_cast %scan3A_56 : i32 to index
      %get3A_112 = arith.constant 64 : index
      %get3A_113 = tpu.vector_load %arg8[%get3A_111, %get3A_112] {strides = array<i32>} : memref<32x1024xf32, #tpu.memory_space<vmem>>, vector<1x16xf32>,
      %get3A_114 = vector.shape_cast %get3A_113 : vector<1x16xf32> to vector<16xf32>
      %get3A_115 = arith.index_cast %scan3A_56 : i32 to index
      %get3A_116 = arith.constant 64 : index
      %get3A_117 = tpu.vector_load %arg9[%get3A_115, %get3A_116] {strides = array<i32>} : memref<32x1024xf32, #tpu.memory_space<vmem>>, vector<1x16xf32>,
      %get3A_118 = vector.shape_cast %get3A_117 : vector<1x16xf32> to vector<16xf32>
      %add3A_119 = arith.addf %get3A_114, %get3A_118 : vector<16xf32>
      %swap3A_120 = arith.index_cast %scan3A_56 : i32 to index
      %swap3A_121 = arith.constant 64 : index
      %swap3A_122 = tpu.vector_load %arg8[%swap3A_120, %swap3A_121] {strides = array<i32>} : memref<32x1024xf32, #tpu.memory_space<vmem>>, vector<1x16xf32>,
      %swap3A_123 = vector.shape_cast %swap3A_122 : vector<1x16xf32> to vector<16xf32>
      %swap3A_124 = vector.shape_cast %add3A_119 : vector<16xf32> to vector<1x16xf32>
      tpu.vector_store %arg8[%swap3A_120, %swap3A_121], %swap3A_124 {strides = array<i32>} : memref<32x1024xf32, #tpu.memory_space<vmem>>, vector<1x16xf32>,
      %get3A_125 = arith.index_cast %scan3A_56 : i32 to index
      %get3A_126 = arith.constant 80 : index
      %get3A_127 = tpu.vector_load %arg8[%get3A_125, %get3A_126] {strides = array<i32>} : memref<32x1024xf32, #tpu.memory_space<vmem>>, vector<1x16xf32>,
      %get3A_128 = vector.shape_cast %get3A_127 : vector<1x16xf32> to vector<16xf32>
      %get3A_129 = arith.index_cast %scan3A_56 : i32 to index
      %get3A_130 = arith.constant 80 : index
      %get3A_131 = tpu.vector_load %arg9[%get3A_129, %get3A_130] {strides = array<i32>} : memref<32x1024xf32, #tpu.memory_space<vmem>>, vector<1x16xf32>,
      %get3A_132 = vector.shape_cast %get3A_131 : vector<1x16xf32> to vector<16xf32>
      %add3A_133 = arith.addf %get3A_128, %get3A_132 : vector<16xf32>
      %swap3A_134 = arith.index_cast %scan3A_56 : i32 to index
      %swap3A_135 = arith.constant 80 : index
      %swap3A_136 = tpu.vector_load %arg8[%swap3A_134, %swap3A_135] {strides = array<i32>} : memref<32x1024xf32, #tpu.memory_space<vmem>>, vector<1x16xf32>,
      %swap3A_137 = vector.shape_cast %swap3A_136 : vector<1x16xf32> to vector<16xf32>
      %swap3A_138 = vector.shape_cast %add3A_133 : vector<16xf32> to vector<1x16xf32>
      tpu.vector_store %arg8[%swap3A_134, %swap3A_135], %swap3A_138 {strides = array<i32>} : memref<32x1024xf32, #tpu.memory_space<vmem>>, vector<1x16xf32>,
      %get3A_139 = arith.index_cast %scan3A_56 : i32 to index
      %get3A_140 = arith.constant 96 : index
      %get3A_141 = tpu.vector_load %arg8[%get3A_139, %get3A_140] {strides = array<i32>} : memref<32x1024xf32, #tpu.memory_space<vmem>>, vector<1x16xf32>,
      %get3A_142 = vector.shape_cast %get3A_141 : vector<1x16xf32> to vector<16xf32>
      %get3A_143 = arith.index_cast %scan3A_56 : i32 to index
      %get3A_144 = arith.constant 96 : index
      %get3A_145 = tpu.vector_load %arg9[%get3A_143, %get3A_144] {strides = array<i32>} : memref<32x1024xf32, #tpu.memory_space<vmem>>, vector<1x16xf32>,
      %get3A_146 = vector.shape_cast %get3A_145 : vector<1x16xf32> to vector<16xf32>
      %add3A_147 = arith.addf %get3A_142, %get3A_146 : vector<16xf32>
      %swap3A_148 = arith.index_cast %scan3A_56 : i32 to index
      %swap3A_149 = arith.constant 96 : index
      %swap3A_150 = tpu.vector_load %arg8[%swap3A_148, %swap3A_149] {strides = array<i32>} : memref<32x1024xf32, #tpu.memory_space<vmem>>, vector<1x16xf32>,
      %swap3A_151 = vector.shape_cast %swap3A_150 : vector<1x16xf32> to vector<16xf32>
      %swap3A_152 = vector.shape_cast %add3A_147 : vector<16xf32> to vector<1x16xf32>
      tpu.vector_store %arg8[%swap3A_148, %swap3A_149], %swap3A_152 {strides = array<i32>} : memref<32x1024xf32, #tpu.memory_space<vmem>>, vector<1x16xf32>,
      %get3A_153 = arith.index_cast %scan3A_56 : i32 to index
      %get3A_154 = arith.constant 112 : index
      %get3A_155 = tpu.vector_load %arg8[%get3A_153, %get3A_154] {strides = array<i32>} : memref<32x1024xf32, #tpu.memory_space<vmem>>, vector<1x16xf32>,
      %get3A_156 = vector.shape_cast %get3A_155 : vector<1x16xf32> to vector<16xf32>
      %get3A_157 = arith.index_cast %scan3A_56 : i32 to index
      %get3A_158 = arith.constant 112 : index
      %get3A_159 = tpu.vector_load %arg9[%get3A_157, %get3A_158] {strides = array<i32>} : memref<32x1024xf32, #tpu.memory_space<vmem>>, vector<1x16xf32>,
      %get3A_160 = vector.shape_cast %get3A_159 : vector<1x16xf32> to vector<16xf32>
      %add3A_161 = arith.addf %get3A_156, %get3A_160 : vector<16xf32>
      %swap3A_162 = arith.index_cast %scan3A_56 : i32 to index
      %swap3A_163 = arith.constant 112 : index
      %swap3A_164 = tpu.vector_load %arg8[%swap3A_162, %swap3A_163] {strides = array<i32>} : memref<32x1024xf32, #tpu.memory_space<vmem>>, vector<1x16xf32>,
      %swap3A_165 = vector.shape_cast %swap3A_164 : vector<1x16xf32> to vector<16xf32>
      %swap3A_166 = vector.shape_cast %add3A_161 : vector<16xf32> to vector<1x16xf32>
      tpu.vector_store %arg8[%swap3A_162, %swap3A_163], %swap3A_166 {strides = array<i32>} : memref<32x1024xf32, #tpu.memory_space<vmem>>, vector<1x16xf32>,
      %get3A_167 = arith.index_cast %scan3A_56 : i32 to index
      %get3A_168 = arith.constant 128 : index
      %get3A_169 = tpu.vector_load %arg8[%get3A_167, %get3A_168] {strides = array<i32>} : memref<32x1024xf32, #tpu.memory_space<vmem>>, vector<1x16xf32>,
      %get3A_170 = vector.shape_cast %get3A_169 : vector<1x16xf32> to vector<16xf32>
      %get3A_171 = arith.index_cast %scan3A_56 : i32 to index
      %get3A_172 = arith.constant 128 : index
      %get3A_173 = tpu.vector_load %arg9[%get3A_171, %get3A_172] {strides = array<i32>} : memref<32x1024xf32, #tpu.memory_space<vmem>>, vector<1x16xf32>,
      %get3A_174 = vector.shape_cast %get3A_173 : vector<1x16xf32> to vector<16xf32>
      %add3A_175 = arith.addf %get3A_170, %get3A_174 : vector<16xf32>
      %swap3A_176 = arith.index_cast %scan3A_56 : i32 to index
      %swap3A_177 = arith.constant 128 : index
      %swap3A_178 = tpu.vector_load %arg8[%swap3A_176, %swap3A_177] {strides = array<i32>} : memref<32x1024xf32, #tpu.memory_space<vmem>>, vector<1x16xf32>,
      %swap3A_179 = vector.shape_cast %swap3A_178 : vector<1x16xf32> to vector<16xf32>
      %swap3A_180 = vector.shape_cast %add3A_175 : vector<16xf32> to vector<1x16xf32>
      tpu.vector_store %arg8[%swap3A_176, %swap3A_177], %swap3A_180 {strides = array<i32>} : memref<32x1024xf32, #tpu.memory_space<vmem>>, vector<1x16xf32>,
      %get3A_181 = arith.index_cast %scan3A_56 : i32 to index
      %get3A_182 = arith.constant 144 : index
      %get3A_183 = tpu.vector_load %arg8[%get3A_181, %get3A_182] {strides = array<i32>} : memref<32x1024xf32, #tpu.memory_space<vmem>>, vector<1x16xf32>,
      %get3A_184 = vector.shape_cast %get3A_183 : vector<1x16xf32> to vector<16xf32>
      %get3A_185 = arith.index_cast %scan3A_56 : i32 to index
      %get3A_186 = arith.constant 144 : index
      %get3A_187 = tpu.vector_load %arg9[%get3A_185, %get3A_186] {strides = array<i32>} : memref<32x1024xf32, #tpu.memory_space<vmem>>, vector<1x16xf32>,
      %get3A_188 = vector.shape_cast %get3A_187 : vector<1x16xf32> to vector<16xf32>
      %add3A_189 = arith.addf %get3A_184, %get3A_188 : vector<16xf32>
      %swap3A_190 = arith.index_cast %scan3A_56 : i32 to index
      %swap3A_191 = arith.constant 144 : index
      %swap3A_192 = tpu.vector_load %arg8[%swap3A_190, %swap3A_191] {strides = array<i32>} : memref<32x1024xf32, #tpu.memory_space<vmem>>, vector<1x16xf32>,
      %swap3A_193 = vector.shape_cast %swap3A_192 : vector<1x16xf32> to vector<16xf32>
      %swap3A_194 = vector.shape_cast %add3A_189 : vector<16xf32> to vector<1x16xf32>
      tpu.vector_store %arg8[%swap3A_190, %swap3A_191], %swap3A_194 {strides = array<i32>} : memref<32x1024xf32, #tpu.memory_space<vmem>>, vector<1x16xf32>,
      %get3A_195 = arith.index_cast %scan3A_56 : i32 to index
      %get3A_196 = arith.constant 160 : index
      %get3A_197 = tpu.vector_load %arg8[%get3A_195, %get3A_196] {strides = array<i32>} : memref<32x1024xf32, #tpu.memory_space<vmem>>, vector<1x16xf32>,
      %get3A_198 = vector.shape_cast %get3A_197 : vector<1x16xf32> to vector<16xf32>
      %get3A_199 = arith.index_cast %scan3A_56 : i32 to index
      %get3A_200 = arith.constant 160 : index
      %get3A_201 = tpu.vector_load %arg9[%get3A_199, %get3A_200] {strides = array<i32>} : memref<32x1024xf32, #tpu.memory_space<vmem>>, vector<1x16xf32>,
      %get3A_202 = vector.shape_cast %get3A_201 : vector<1x16xf32> to vector<16xf32>
      %add3A_203 = arith.addf %get3A_198, %get3A_202 : vector<16xf32>
      %swap3A_204 = arith.index_cast %scan3A_56 : i32 to index
      %swap3A_205 = arith.constant 160 : index
      %swap3A_206 = tpu.vector_load %arg8[%swap3A_204, %swap3A_205] {strides = array<i32>} : memref<32x1024xf32, #tpu.memory_space<vmem>>, vector<1x16xf32>,
      %swap3A_207 = vector.shape_cast %swap3A_206 : vector<1x16xf32> to vector<16xf32>
      %swap3A_208 = vector.shape_cast %add3A_203 : vector<16xf32> to vector<1x16xf32>
      tpu.vector_store %arg8[%swap3A_204, %swap3A_205], %swap3A_208 {strides = array<i32>} : memref<32x1024xf32, #tpu.memory_space<vmem>>, vector<1x16xf32>,
      %get3A_209 = arith.index_cast %scan3A_56 : i32 to index
      %get3A_210 = arith.constant 176 : index
      %get3A_211 = tpu.vector_load %arg8[%get3A_209, %get3A_210] {strides = array<i32>} : memref<32x1024xf32, #tpu.memory_space<vmem>>, vector<1x16xf32>,
      %get3A_212 = vector.shape_cast %get3A_211 : vector<1x16xf32> to vector<16xf32>
      %get3A_213 = arith.index_cast %scan3A_56 : i32 to index
      %get3A_214 = arith.constant 176 : index
      %get3A_215 = tpu.vector_load %arg9[%get3A_213, %get3A_214] {strides = array<i32>} : memref<32x1024xf32, #tpu.memory_space<vmem>>, vector<1x16xf32>,
      %get3A_216 = vector.shape_cast %get3A_215 : vector<1x16xf32> to vector<16xf32>
      %add3A_217 = arith.addf %get3A_212, %get3A_216 : vector<16xf32>
      %swap3A_218 = arith.index_cast %scan3A_56 : i32 to index
      %swap3A_219 = arith.constant 176 : index
      %swap3A_220 = tpu.vector_load %arg8[%swap3A_218, %swap3A_219] {strides = array<i32>} : memref<32x1024xf32, #tpu.memory_space<vmem>>, vector<1x16xf32>,
      %swap3A_221 = vector.shape_cast %swap3A_220 : vector<1x16xf32> to vector<16xf32>
      %swap3A_222 = vector.shape_cast %add3A_217 : vector<16xf32> to vector<1x16xf32>
      tpu.vector_store %arg8[%swap3A_218, %swap3A_219], %swap3A_222 {strides = array<i32>} : memref<32x1024xf32, #tpu.memory_space<vmem>>, vector<1x16xf32>,
      %get3A_223 = arith.index_cast %scan3A_56 : i32 to index
      %get3A_224 = arith.constant 192 : index
      %get3A_225 = tpu.vector_load %arg8[%get3A_223, %get3A_224] {strides = array<i32>} : memref<32x1024xf32, #tpu.memory_space<vmem>>, vector<1x16xf32>,
      %get3A_226 = vector.shape_cast %get3A_225 : vector<1x16xf32> to vector<16xf32>
      %get3A_227 = arith.index_cast %scan3A_56 : i32 to index
      %get3A_228 = arith.constant 192 : index
      %get3A_229 = tpu.vector_load %arg9[%get3A_227, %get3A_228] {strides = array<i32>} : memref<32x1024xf32, #tpu.memory_space<vmem>>, vector<1x16xf32>,
      %get3A_230 = vector.shape_cast %get3A_229 : vector<1x16xf32> to vector<16xf32>
      %add3A_231 = arith.addf %get3A_226, %get3A_230 : vector<16xf32>
      %swap3A_232 = arith.index_cast %scan3A_56 : i32 to index
      %swap3A_233 = arith.constant 192 : index
      %swap3A_234 = tpu.vector_load %arg8[%swap3A_232, %swap3A_233] {strides = array<i32>} : memref<32x1024xf32, #tpu.memory_space<vmem>>, vector<1x16xf32>,
      %swap3A_235 = vector.shape_cast %swap3A_234 : vector<1x16xf32> to vector<16xf32>
      %swap3A_236 = vector.shape_cast %add3A_231 : vector<16xf32> to vector<1x16xf32>
      tpu.vector_store %arg8[%swap3A_232, %swap3A_233], %swap3A_236 {strides = array<i32>} : memref<32x1024xf32, #tpu.memory_space<vmem>>, vector<1x16xf32>,
      %get3A_237 = arith.index_cast %scan3A_56 : i32 to index
      %get3A_238 = arith.constant 208 : index
      %get3A_239 = tpu.vector_load %arg8[%get3A_237, %get3A_238] {strides = array<i32>} : memref<32x1024xf32, #tpu.memory_space<vmem>>, vector<1x16xf32>,
      %get3A_240 = vector.shape_cast %get3A_239 : vector<1x16xf32> to vector<16xf32>
      %get3A_241 = arith.index_cast %scan3A_56 : i32 to index
      %get3A_242 = arith.constant 208 : index
      %get3A_243 = tpu.vector_load %arg9[%get3A_241, %get3A_242] {strides = array<i32>} : memref<32x1024xf32, #tpu.memory_space<vmem>>, vector<1x16xf32>,
      %get3A_244 = vector.shape_cast %get3A_243 : vector<1x16xf32> to vector<16xf32>
      %add3A_245 = arith.addf %get3A_240, %get3A_244 : vector<16xf32>
      %swap3A_246 = arith.index_cast %scan3A_56 : i32 to index
      %swap3A_247 = arith.constant 208 : index
      %swap3A_248 = tpu.vector_load %arg8[%swap3A_246, %swap3A_247] {strides = array<i32>} : memref<32x1024xf32, #tpu.memory_space<vmem>>, vector<1x16xf32>,
      %swap3A_249 = vector.shape_cast %swap3A_248 : vector<1x16xf32> to vector<16xf32>
      %swap3A_250 = vector.shape_cast %add3A_245 : vector<16xf32> to vector<1x16xf32>
      tpu.vector_store %arg8[%swap3A_246, %swap3A_247], %swap3A_250 {strides = array<i32>} : memref<32x1024xf32, #tpu.memory_space<vmem>>, vector<1x16xf32>,
      %get3A_251 = arith.index_cast %scan3A_56 : i32 to index
      %get3A_252 = arith.constant 224 : index
      %get3A_253 = tpu.vector_load %arg8[%get3A_251, %get3A_252] {strides = array<i32>} : memref<32x1024xf32, #tpu.memory_space<vmem>>, vector<1x16xf32>,
      %get3A_254 = vector.shape_cast %get3A_253 : vector<1x16xf32> to vector<16xf32>
      %get3A_255 = arith.index_cast %scan3A_56 : i32 to index
      %get3A_256 = arith.constant 224 : index
      %get3A_257 = tpu.vector_load %arg9[%get3A_255, %get3A_256] {strides = array<i32>} : memref<32x1024xf32, #tpu.memory_space<vmem>>, vector<1x16xf32>,
      %get3A_258 = vector.shape_cast %get3A_257 : vector<1x16xf32> to vector<16xf32>
      %add3A_259 = arith.addf %get3A_254, %get3A_258 : vector<16xf32>
      %swap3A_260 = arith.index_cast %scan3A_56 : i32 to index
      %swap3A_261 = arith.constant 224 : index
      %swap3A_262 = tpu.vector_load %arg8[%swap3A_260, %swap3A_261] {strides = array<i32>} : memref<32x1024xf32, #tpu.memory_space<vmem>>, vector<1x16xf32>,
      %swap3A_263 = vector.shape_cast %swap3A_262 : vector<1x16xf32> to vector<16xf32>
      %swap3A_264 = vector.shape_cast %add3A_259 : vector<16xf32> to vector<1x16xf32>
      tpu.vector_store %arg8[%swap3A_260, %swap3A_261], %swap3A_264 {strides = array<i32>} : memref<32x1024xf32, #tpu.memory_space<vmem>>, vector<1x16xf32>,
      %get3A_265 = arith.index_cast %scan3A_56 : i32 to index
      %get3A_266 = arith.constant 240 : index
      %get3A_267 = tpu.vector_load %arg8[%get3A_265, %get3A_266] {strides = array<i32>} : memref<32x1024xf32, #tpu.memory_space<vmem>>, vector<1x16xf32>,
      %get3A_268 = vector.shape_cast %get3A_267 : vector<1x16xf32> to vector<16xf32>
      %get3A_269 = arith.index_cast %scan3A_56 : i32 to index
      %get3A_270 = arith.constant 240 : index
      %get3A_271 = tpu.vector_load %arg9[%get3A_269, %get3A_270] {strides = array<i32>} : memref<32x1024xf32, #tpu.memory_space<vmem>>, vector<1x16xf32>,
      %get3A_272 = vector.shape_cast %get3A_271 : vector<1x16xf32> to vector<16xf32>
      %add3A_273 = arith.addf %get3A_268, %get3A_272 : vector<16xf32>
      %swap3A_274 = arith.index_cast %scan3A_56 : i32 to index
      %swap3A_275 = arith.constant 240 : index
      %swap3A_276 = tpu.vector_load %arg8[%swap3A_274, %swap3A_275] {strides = array<i32>} : memref<32x1024xf32, #tpu.memory_space<vmem>>, vector<1x16xf32>,
      %swap3A_277 = vector.shape_cast %swap3A_276 : vector<1x16xf32> to vector<16xf32>
      %swap3A_278 = vector.shape_cast %add3A_273 : vector<16xf32> to vector<1x16xf32>
      tpu.vector_store %arg8[%swap3A_274, %swap3A_275], %swap3A_278 {strides = array<i32>} : memref<32x1024xf32, #tpu.memory_space<vmem>>, vector<1x16xf32>,
      %get3A_279 = arith.index_cast %scan3A_56 : i32 to index
      %get3A_280 = arith.constant 256 : index
      %get3A_281 = tpu.vector_load %arg8[%get3A_279, %get3A_280] {strides = array<i32>} : memref<32x1024xf32, #tpu.memory_space<vmem>>, vector<1x16xf32>,
      %get3A_282 = vector.shape_cast %get3A_281 : vector<1x16xf32> to vector<16xf32>
      %get3A_283 = arith.index_cast %scan3A_56 : i32 to index
      %get3A_284 = arith.constant 256 : index
      %get3A_285 = tpu.vector_load %arg9[%get3A_283, %get3A_284] {strides = array<i32>} : memref<32x1024xf32, #tpu.memory_space<vmem>>, vector<1x16xf32>,
      %get3A_286 = vector.shape_cast %get3A_285 : vector<1x16xf32> to vector<16xf32>
      %add3A_287 = arith.addf %get3A_282, %get3A_286 : vector<16xf32>
      %swap3A_288 = arith.index_cast %scan3A_56 : i32 to index
      %swap3A_289 = arith.constant 256 : index
      %swap3A_290 = tpu.vector_load %arg8[%swap3A_288, %swap3A_289] {strides = array<i32>} : memref<32x1024xf32, #tpu.memory_space<vmem>>, vector<1x16xf32>,
      %swap3A_291 = vector.shape_cast %swap3A_290 : vector<1x16xf32> to vector<16xf32>
      %swap3A_292 = vector.shape_cast %add3A_287 : vector<16xf32> to vector<1x16xf32>
      tpu.vector_store %arg8[%swap3A_288, %swap3A_289], %swap3A_292 {strides = array<i32>} : memref<32x1024xf32, #tpu.memory_space<vmem>>, vector<1x16xf32>,
      %get3A_293 = arith.index_cast %scan3A_56 : i32 to index
      %get3A_294 = arith.constant 272 : index
      %get3A_295 = tpu.vector_load %arg8[%get3A_293, %get3A_294] {strides = array<i32>} : memref<32x1024xf32, #tpu.memory_space<vmem>>, vector<1x16xf32>,
      %get3A_296 = vector.shape_cast %get3A_295 : vector<1x16xf32> to vector<16xf32>
      %get3A_297 = arith.index_cast %scan3A_56 : i32 to index
      %get3A_298 = arith.constant 272 : index
      %get3A_299 = tpu.vector_load %arg9[%get3A_297, %get3A_298] {strides = array<i32>} : memref<32x1024xf32, #tpu.memory_space<vmem>>, vector<1x16xf32>,
      %get3A_300 = vector.shape_cast %get3A_299 : vector<1x16xf32> to vector<16xf32>
      %add3A_301 = arith.addf %get3A_296, %get3A_300 : vector<16xf32>
      %swap3A_302 = arith.index_cast %scan3A_56 : i32 to index
      %swap3A_303 = arith.constant 272 : index
      %swap3A_304 = tpu.vector_load %arg8[%swap3A_302, %swap3A_303] {strides = array<i32>} : memref<32x1024xf32, #tpu.memory_space<vmem>>, vector<1x16xf32>,
      %swap3A_305 = vector.shape_cast %swap3A_304 : vector<1x16xf32> to vector<16xf32>
      %swap3A_306 = vector.shape_cast %add3A_301 : vector<16xf32> to vector<1x16xf32>
      tpu.vector_store %arg8[%swap3A_302, %swap3A_303], %swap3A_306 {strides = array<i32>} : memref<32x1024xf32, #tpu.memory_space<vmem>>, vector<1x16xf32>,
      %get3A_307 = arith.index_cast %scan3A_56 : i32 to index
      %get3A_308 = arith.constant 288 : index
      %get3A_309 = tpu.vector_load %arg8[%get3A_307, %get3A_308] {strides = array<i32>} : memref<32x1024xf32, #tpu.memory_space<vmem>>, vector<1x16xf32>,
      %get3A_310 = vector.shape_cast %get3A_309 : vector<1x16xf32> to vector<16xf32>
      %get3A_311 = arith.index_cast %scan3A_56 : i32 to index
      %get3A_312 = arith.constant 288 : index
      %get3A_313 = tpu.vector_load %arg9[%get3A_311, %get3A_312] {strides = array<i32>} : memref<32x1024xf32, #tpu.memory_space<vmem>>, vector<1x16xf32>,
      %get3A_314 = vector.shape_cast %get3A_313 : vector<1x16xf32> to vector<16xf32>
      %add3A_315 = arith.addf %get3A_310, %get3A_314 : vector<16xf32>
      %swap3A_316 = arith.index_cast %scan3A_56 : i32 to index
      %swap3A_317 = arith.constant 288 : index
      %swap3A_318 = tpu.vector_load %arg8[%swap3A_316, %swap3A_317] {strides = array<i32>} : memref<32x1024xf32, #tpu.memory_space<vmem>>, vector<1x16xf32>,
      %swap3A_319 = vector.shape_cast %swap3A_318 : vector<1x16xf32> to vector<16xf32>
      %swap3A_320 = vector.shape_cast %add3A_315 : vector<16xf32> to vector<1x16xf32>
      tpu.vector_store %arg8[%swap3A_316, %swap3A_317], %swap3A_320 {strides = array<i32>} : memref<32x1024xf32, #tpu.memory_space<vmem>>, vector<1x16xf32>,
      %get3A_321 = arith.index_cast %scan3A_56 : i32 to index
      %get3A_322 = arith.constant 304 : index
      %get3A_323 = tpu.vector_load %arg8[%get3A_321, %get3A_322] {strides = array<i32>} : memref<32x1024xf32, #tpu.memory_space<vmem>>, vector<1x16xf32>,
      %get3A_324 = vector.shape_cast %get3A_323 : vector<1x16xf32> to vector<16xf32>
      %get3A_325 = arith.index_cast %scan3A_56 : i32 to index
      %get3A_326 = arith.constant 304 : index
      %get3A_327 = tpu.vector_load %arg9[%get3A_325, %get3A_326] {strides = array<i32>} : memref<32x1024xf32, #tpu.memory_space<vmem>>, vector<1x16xf32>,
      %get3A_328 = vector.shape_cast %get3A_327 : vector<1x16xf32> to vector<16xf32>
      %add3A_329 = arith.addf %get3A_324, %get3A_328 : vector<16xf32>
      %swap3A_330 = arith.index_cast %scan3A_56 : i32 to index
      %swap3A_331 = arith.constant 304 : index
      %swap3A_332 = tpu.vector_load %arg8[%swap3A_330, %swap3A_331] {strides = array<i32>} : memref<32x1024xf32, #tpu.memory_space<vmem>>, vector<1x16xf32>,
      %swap3A_333 = vector.shape_cast %swap3A_332 : vector<1x16xf32> to vector<16xf32>
      %swap3A_334 = vector.shape_cast %add3A_329 : vector<16xf32> to vector<1x16xf32>
      tpu.vector_store %arg8[%swap3A_330, %swap3A_331], %swap3A_334 {strides = array<i32>} : memref<32x1024xf32, #tpu.memory_space<vmem>>, vector<1x16xf32>,
      %get3A_335 = arith.index_cast %scan3A_56 : i32 to index
      %get3A_336 = arith.constant 320 : index
      %get3A_337 = tpu.vector_load %arg8[%get3A_335, %get3A_336] {strides = array<i32>} : memref<32x1024xf32, #tpu.memory_space<vmem>>, vector<1x16xf32>,
      %get3A_338 = vector.shape_cast %get3A_337 : vector<1x16xf32> to vector<16xf32>
      %get3A_339 = arith.index_cast %scan3A_56 : i32 to index
      %get3A_340 = arith.constant 320 : index
      %get3A_341 = tpu.vector_load %arg9[%get3A_339, %get3A_340] {strides = array<i32>} : memref<32x1024xf32, #tpu.memory_space<vmem>>, vector<1x16xf32>,
      %get3A_342 = vector.shape_cast %get3A_341 : vector<1x16xf32> to vector<16xf32>
      %add3A_343 = arith.addf %get3A_338, %get3A_342 : vector<16xf32>
      %swap3A_344 = arith.index_cast %scan3A_56 : i32 to index
      %swap3A_345 = arith.constant 320 : index
      %swap3A_346 = tpu.vector_load %arg8[%swap3A_344, %swap3A_345] {strides = array<i32>} : memref<32x1024xf32, #tpu.memory_space<vmem>>, vector<1x16xf32>,
      %swap3A_347 = vector.shape_cast %swap3A_346 : vector<1x16xf32> to vector<16xf32>
      %swap3A_348 = vector.shape_cast %add3A_343 : vector<16xf32> to vector<1x16xf32>
      tpu.vector_store %arg8[%swap3A_344, %swap3A_345], %swap3A_348 {strides = array<i32>} : memref<32x1024xf32, #tpu.memory_space<vmem>>, vector<1x16xf32>,
      %get3A_349 = arith.index_cast %scan3A_56 : i32 to index
      %get3A_350 = arith.constant 336 : index
      %get3A_351 = tpu.vector_load %arg8[%get3A_349, %get3A_350] {strides = array<i32>} : memref<32x1024xf32, #tpu.memory_space<vmem>>, vector<1x16xf32>,
      %get3A_352 = vector.shape_cast %get3A_351 : vector<1x16xf32> to vector<16xf32>
      %get3A_353 = arith.index_cast %scan3A_56 : i32 to index
      %get3A_354 = arith.constant 336 : index
      %get3A_355 = tpu.vector_load %arg9[%get3A_353, %get3A_354] {strides = array<i32>} : memref<32x1024xf32, #tpu.memory_space<vmem>>, vector<1x16xf32>,
      %get3A_356 = vector.shape_cast %get3A_355 : vector<1x16xf32> to vector<16xf32>
      %add3A_357 = arith.addf %get3A_352, %get3A_356 : vector<16xf32>
      %swap3A_358 = arith.index_cast %scan3A_56 : i32 to index
      %swap3A_359 = arith.constant 336 : index
      %swap3A_360 = tpu.vector_load %arg8[%swap3A_358, %swap3A_359] {strides = array<i32>} : memref<32x1024xf32, #tpu.memory_space<vmem>>, vector<1x16xf32>,
      %swap3A_361 = vector.shape_cast %swap3A_360 : vector<1x16xf32> to vector<16xf32>
      %swap3A_362 = vector.shape_cast %add3A_357 : vector<16xf32> to vector<1x16xf32>
      tpu.vector_store %arg8[%swap3A_358, %swap3A_359], %swap3A_362 {strides = array<i32>} : memref<32x1024xf32, #tpu.memory_space<vmem>>, vector<1x16xf32>,
      %get3A_363 = arith.index_cast %scan3A_56 : i32 to index
      %get3A_364 = arith.constant 352 : index
      %get3A_365 = tpu.vector_load %arg8[%get3A_363, %get3A_364] {strides = array<i32>} : memref<32x1024xf32, #tpu.memory_space<vmem>>, vector<1x16xf32>,
      %get3A_366 = vector.shape_cast %get3A_365 : vector<1x16xf32> to vector<16xf32>
      %get3A_367 = arith.index_cast %scan3A_56 : i32 to index
      %get3A_368 = arith.constant 352 : index
      %get3A_369 = tpu.vector_load %arg9[%get3A_367, %get3A_368] {strides = array<i32>} : memref<32x1024xf32, #tpu.memory_space<vmem>>, vector<1x16xf32>,
      %get3A_370 = vector.shape_cast %get3A_369 : vector<1x16xf32> to vector<16xf32>
      %add3A_371 = arith.addf %get3A_366, %get3A_370 : vector<16xf32>
      %swap3A_372 = arith.index_cast %scan3A_56 : i32 to index
      %swap3A_373 = arith.constant 352 : index
      %swap3A_374 = tpu.vector_load %arg8[%swap3A_372, %swap3A_373] {strides = array<i32>} : memref<32x1024xf32, #tpu.memory_space<vmem>>, vector<1x16xf32>,
      %swap3A_375 = vector.shape_cast %swap3A_374 : vector<1x16xf32> to vector<16xf32>
      %swap3A_376 = vector.shape_cast %add3A_371 : vector<16xf32> to vector<1x16xf32>
      tpu.vector_store %arg8[%swap3A_372, %swap3A_373], %swap3A_376 {strides = array<i32>} : memref<32x1024xf32, #tpu.memory_space<vmem>>, vector<1x16xf32>,
      %get3A_377 = arith.index_cast %scan3A_56 : i32 to index
      %get3A_378 = arith.constant 368 : index
      %get3A_379 = tpu.vector_load %arg8[%get3A_377, %get3A_378] {strides = array<i32>} : memref<32x1024xf32, #tpu.memory_space<vmem>>, vector<1x16xf32>,
      %get3A_380 = vector.shape_cast %get3A_379 : vector<1x16xf32> to vector<16xf32>
      %get3A_381 = arith.index_cast %scan3A_56 : i32 to index
      %get3A_382 = arith.constant 368 : index
      %get3A_383 = tpu.vector_load %arg9[%get3A_381, %get3A_382] {strides = array<i32>} : memref<32x1024xf32, #tpu.memory_space<vmem>>, vector<1x16xf32>,
      %get3A_384 = vector.shape_cast %get3A_383 : vector<1x16xf32> to vector<16xf32>
      %add3A_385 = arith.addf %get3A_380, %get3A_384 : vector<16xf32>
      %swap3A_386 = arith.index_cast %scan3A_56 : i32 to index
      %swap3A_387 = arith.constant 368 : index
      %swap3A_388 = tpu.vector_load %arg8[%swap3A_386, %swap3A_387] {strides = array<i32>} : memref<32x1024xf32, #tpu.memory_space<vmem>>, vector<1x16xf32>,
      %swap3A_389 = vector.shape_cast %swap3A_388 : vector<1x16xf32> to vector<16xf32>
      %swap3A_390 = vector.shape_cast %add3A_385 : vector<16xf32> to vector<1x16xf32>
      tpu.vector_store %arg8[%swap3A_386, %swap3A_387], %swap3A_390 {strides = array<i32>} : memref<32x1024xf32, #tpu.memory_space<vmem>>, vector<1x16xf32>,
      %get3A_391 = arith.index_cast %scan3A_56 : i32 to index
      %get3A_392 = arith.constant 384 : index
      %get3A_393 = tpu.vector_load %arg8[%get3A_391, %get3A_392] {strides = array<i32>} : memref<32x1024xf32, #tpu.memory_space<vmem>>, vector<1x16xf32>,
      %get3A_394 = vector.shape_cast %get3A_393 : vector<1x16xf32> to vector<16xf32>
      %get3A_395 = arith.index_cast %scan3A_56 : i32 to index
      %get3A_396 = arith.constant 384 : index
      %get3A_397 = tpu.vector_load %arg9[%get3A_395, %get3A_396] {strides = array<i32>} : memref<32x1024xf32, #tpu.memory_space<vmem>>, vector<1x16xf32>,
      %get3A_398 = vector.shape_cast %get3A_397 : vector<1x16xf32> to vector<16xf32>
      %add3A_399 = arith.addf %get3A_394, %get3A_398 : vector<16xf32>
      %swap3A_400 = arith.index_cast %scan3A_56 : i32 to index
      %swap3A_401 = arith.constant 384 : index
      %swap3A_402 = tpu.vector_load %arg8[%swap3A_400, %swap3A_401] {strides = array<i32>} : memref<32x1024xf32, #tpu.memory_space<vmem>>, vector<1x16xf32>,
      %swap3A_403 = vector.shape_cast %swap3A_402 : vector<1x16xf32> to vector<16xf32>
      %swap3A_404 = vector.shape_cast %add3A_399 : vector<16xf32> to vector<1x16xf32>
      tpu.vector_store %arg8[%swap3A_400, %swap3A_401], %swap3A_404 {strides = array<i32>} : memref<32x1024xf32, #tpu.memory_space<vmem>>, vector<1x16xf32>,
      %get3A_405 = arith.index_cast %scan3A_56 : i32 to index
      %get3A_406 = arith.constant 400 : index
      %get3A_407 = tpu.vector_load %arg8[%get3A_405, %get3A_406] {strides = array<i32>} : memref<32x1024xf32, #tpu.memory_space<vmem>>, vector<1x16xf32>,
      %get3A_408 = vector.shape_cast %get3A_407 : vector<1x16xf32> to vector<16xf32>
      %get3A_409 = arith.index_cast %scan3A_56 : i32 to index
      %get3A_410 = arith.constant 400 : index
      %get3A_411 = tpu.vector_load %arg9[%get3A_409, %get3A_410] {strides = array<i32>} : memref<32x1024xf32, #tpu.memory_space<vmem>>, vector<1x16xf32>,
      %get3A_412 = vector.shape_cast %get3A_411 : vector<1x16xf32> to vector<16xf32>
      %add3A_413 = arith.addf %get3A_408, %get3A_412 : vector<16xf32>
      %swap3A_414 = arith.index_cast %scan3A_56 : i32 to index
      %swap3A_415 = arith.constant 400 : index
      %swap3A_416 = tpu.vector_load %arg8[%swap3A_414, %swap3A_415] {strides = array<i32>} : memref<32x1024xf32, #tpu.memory_space<vmem>>, vector<1x16xf32>,
      %swap3A_417 = vector.shape_cast %swap3A_416 : vector<1x16xf32> to vector<16xf32>
      %swap3A_418 = vector.shape_cast %add3A_413 : vector<16xf32> to vector<1x16xf32>
      tpu.vector_store %arg8[%swap3A_414, %swap3A_415], %swap3A_418 {strides = array<i32>} : memref<32x1024xf32, #tpu.memory_space<vmem>>, vector<1x16xf32>,
      %get3A_419 = arith.index_cast %scan3A_56 : i32 to index
      %get3A_420 = arith.constant 416 : index
      %get3A_421 = tpu.vector_load %arg8[%get3A_419, %get3A_420] {strides = array<i32>} : memref<32x1024xf32, #tpu.memory_space<vmem>>, vector<1x16xf32>,
      %get3A_422 = vector.shape_cast %get3A_421 : vector<1x16xf32> to vector<16xf32>
      %get3A_423 = arith.index_cast %scan3A_56 : i32 to index
      %get3A_424 = arith.constant 416 : index
      %get3A_425 = tpu.vector_load %arg9[%get3A_423, %get3A_424] {strides = array<i32>} : memref<32x1024xf32, #tpu.memory_space<vmem>>, vector<1x16xf32>,
      %get3A_426 = vector.shape_cast %get3A_425 : vector<1x16xf32> to vector<16xf32>
      %add3A_427 = arith.addf %get3A_422, %get3A_426 : vector<16xf32>
      %swap3A_428 = arith.index_cast %scan3A_56 : i32 to index
      %swap3A_429 = arith.constant 416 : index
      %swap3A_430 = tpu.vector_load %arg8[%swap3A_428, %swap3A_429] {strides = array<i32>} : memref<32x1024xf32, #tpu.memory_space<vmem>>, vector<1x16xf32>,
      %swap3A_431 = vector.shape_cast %swap3A_430 : vector<1x16xf32> to vector<16xf32>
      %swap3A_432 = vector.shape_cast %add3A_427 : vector<16xf32> to vector<1x16xf32>
      tpu.vector_store %arg8[%swap3A_428, %swap3A_429], %swap3A_432 {strides = array<i32>} : memref<32x1024xf32, #tpu.memory_space<vmem>>, vector<1x16xf32>,
      %get3A_433 = arith.index_cast %scan3A_56 : i32 to index
      %get3A_434 = arith.constant 432 : index
      %get3A_435 = tpu.vector_load %arg8[%get3A_433, %get3A_434] {strides = array<i32>} : memref<32x1024xf32, #tpu.memory_space<vmem>>, vector<1x16xf32>,
      %get3A_436 = vector.shape_cast %get3A_435 : vector<1x16xf32> to vector<16xf32>
      %get3A_437 = arith.index_cast %scan3A_56 : i32 to index
      %get3A_438 = arith.constant 432 : index
      %get3A_439 = tpu.vector_load %arg9[%get3A_437, %get3A_438] {strides = array<i32>} : memref<32x1024xf32, #tpu.memory_space<vmem>>, vector<1x16xf32>,
      %get3A_440 = vector.shape_cast %get3A_439 : vector<1x16xf32> to vector<16xf32>
      %add3A_441 = arith.addf %get3A_436, %get3A_440 : vector<16xf32>
      %swap3A_442 = arith.index_cast %scan3A_56 : i32 to index
      %swap3A_443 = arith.constant 432 : index
      %swap3A_444 = tpu.vector_load %arg8[%swap3A_442, %swap3A_443] {strides = array<i32>} : memref<32x1024xf32, #tpu.memory_space<vmem>>, vector<1x16xf32>,
      %swap3A_445 = vector.shape_cast %swap3A_444 : vector<1x16xf32> to vector<16xf32>
      %swap3A_446 = vector.shape_cast %add3A_441 : vector<16xf32> to vector<1x16xf32>
      tpu.vector_store %arg8[%swap3A_442, %swap3A_443], %swap3A_446 {strides = array<i32>} : memref<32x1024xf32, #tpu.memory_space<vmem>>, vector<1x16xf32>,
      %get3A_447 = arith.index_cast %scan3A_56 : i32 to index
      %get3A_448 = arith.constant 448 : index
      %get3A_449 = tpu.vector_load %arg8[%get3A_447, %get3A_448] {strides = array<i32>} : memref<32x1024xf32, #tpu.memory_space<vmem>>, vector<1x16xf32>,
      %get3A_450 = vector.shape_cast %get3A_449 : vector<1x16xf32> to vector<16xf32>
      %get3A_451 = arith.index_cast %scan3A_56 : i32 to index
      %get3A_452 = arith.constant 448 : index
      %get3A_453 = tpu.vector_load %arg9[%get3A_451, %get3A_452] {strides = array<i32>} : memref<32x1024xf32, #tpu.memory_space<vmem>>, vector<1x16xf32>,
      %get3A_454 = vector.shape_cast %get3A_453 : vector<1x16xf32> to vector<16xf32>
      %add3A_455 = arith.addf %get3A_450, %get3A_454 : vector<16xf32>
      %swap3A_456 = arith.index_cast %scan3A_56 : i32 to index
      %swap3A_457 = arith.constant 448 : index
      %swap3A_458 = tpu.vector_load %arg8[%swap3A_456, %swap3A_457] {strides = array<i32>} : memref<32x1024xf32, #tpu.memory_space<vmem>>, vector<1x16xf32>,
      %swap3A_459 = vector.shape_cast %swap3A_458 : vector<1x16xf32> to vector<16xf32>
      %swap3A_460 = vector.shape_cast %add3A_455 : vector<16xf32> to vector<1x16xf32>
      tpu.vector_store %arg8[%swap3A_456, %swap3A_457], %swap3A_460 {strides = array<i32>} : memref<32x1024xf32, #tpu.memory_space<vmem>>, vector<1x16xf32>,
      %get3A_461 = arith.index_cast %scan3A_56 : i32 to index
      %get3A_462 = arith.constant 464 : index
      %get3A_463 = tpu.vector_load %arg8[%get3A_461, %get3A_462] {strides = array<i32>} : memref<32x1024xf32, #tpu.memory_space<vmem>>, vector<1x16xf32>,
      %get3A_464 = vector.shape_cast %get3A_463 : vector<1x16xf32> to vector<16xf32>
      %get3A_465 = arith.index_cast %scan3A_56 : i32 to index
      %get3A_466 = arith.constant 464 : index
      %get3A_467 = tpu.vector_load %arg9[%get3A_465, %get3A_466] {strides = array<i32>} : memref<32x1024xf32, #tpu.memory_space<vmem>>, vector<1x16xf32>,
      %get3A_468 = vector.shape_cast %get3A_467 : vector<1x16xf32> to vector<16xf32>
      %add3A_469 = arith.addf %get3A_464, %get3A_468 : vector<16xf32>
      %swap3A_470 = arith.index_cast %scan3A_56 : i32 to index
      %swap3A_471 = arith.constant 464 : index
      %swap3A_472 = tpu.vector_load %arg8[%swap3A_470, %swap3A_471] {strides = array<i32>} : memref<32x1024xf32, #tpu.memory_space<vmem>>, vector<1x16xf32>,
      %swap3A_473 = vector.shape_cast %swap3A_472 : vector<1x16xf32> to vector<16xf32>
      %swap3A_474 = vector.shape_cast %add3A_469 : vector<16xf32> to vector<1x16xf32>
      tpu.vector_store %arg8[%swap3A_470, %swap3A_471], %swap3A_474 {strides = array<i32>} : memref<32x1024xf32, #tpu.memory_space<vmem>>, vector<1x16xf32>,
      %get3A_475 = arith.index_cast %scan3A_56 : i32 to index
      %get3A_476 = arith.constant 480 : index
      %get3A_477 = tpu.vector_load %arg8[%get3A_475, %get3A_476] {strides = array<i32>} : memref<32x1024xf32, #tpu.memory_space<vmem>>, vector<1x16xf32>,
      %get3A_478 = vector.shape_cast %get3A_477 : vector<1x16xf32> to vector<16xf32>
      %get3A_479 = arith.index_cast %scan3A_56 : i32 to index
      %get3A_480 = arith.constant 480 : index
      %get3A_481 = tpu.vector_load %arg9[%get3A_479, %get3A_480] {strides = array<i32>} : memref<32x1024xf32, #tpu.memory_space<vmem>>, vector<1x16xf32>,
      %get3A_482 = vector.shape_cast %get3A_481 : vector<1x16xf32> to vector<16xf32>
      %add3A_483 = arith.addf %get3A_478, %get3A_482 : vector<16xf32>
      %swap3A_484 = arith.index_cast %scan3A_56 : i32 to index
      %swap3A_485 = arith.constant 480 : index
      %swap3A_486 = tpu.vector_load %arg8[%swap3A_484, %swap3A_485] {strides = array<i32>} : memref<32x1024xf32, #tpu.memory_space<vmem>>, vector<1x16xf32>,
      %swap3A_487 = vector.shape_cast %swap3A_486 : vector<1x16xf32> to vector<16xf32>
      %swap3A_488 = vector.shape_cast %add3A_483 : vector<16xf32> to vector<1x16xf32>
      tpu.vector_store %arg8[%swap3A_484, %swap3A_485], %swap3A_488 {strides = array<i32>} : memref<32x1024xf32, #tpu.memory_space<vmem>>, vector<1x16xf32>,
      %get3A_489 = arith.index_cast %scan3A_56 : i32 to index
      %get3A_490 = arith.constant 496 : index
      %get3A_491 = tpu.vector_load %arg8[%get3A_489, %get3A_490] {strides = array<i32>} : memref<32x1024xf32, #tpu.memory_space<vmem>>, vector<1x16xf32>,
      %get3A_492 = vector.shape_cast %get3A_491 : vector<1x16xf32> to vector<16xf32>
      %get3A_493 = arith.index_cast %scan3A_56 : i32 to index
      %get3A_494 = arith.constant 496 : index
      %get3A_495 = tpu.vector_load %arg9[%get3A_493, %get3A_494] {strides = array<i32>} : memref<32x1024xf32, #tpu.memory_space<vmem>>, vector<1x16xf32>,
      %get3A_496 = vector.shape_cast %get3A_495 : vector<1x16xf32> to vector<16xf32>
      %add3A_497 = arith.addf %get3A_492, %get3A_496 : vector<16xf32>
      %swap3A_498 = arith.index_cast %scan3A_56 : i32 to index
      %swap3A_499 = arith.constant 496 : index
      %swap3A_500 = tpu.vector_load %arg8[%swap3A_498, %swap3A_499] {strides = array<i32>} : memref<32x1024xf32, #tpu.memory_space<vmem>>, vector<1x16xf32>,
      %swap3A_501 = vector.shape_cast %swap3A_500 : vector<1x16xf32> to vector<16xf32>
      %swap3A_502 = vector.shape_cast %add3A_497 : vector<16xf32> to vector<1x16xf32>
      tpu.vector_store %arg8[%swap3A_498, %swap3A_499], %swap3A_502 {strides = array<i32>} : memref<32x1024xf32, #tpu.memory_space<vmem>>, vector<1x16xf32>,
      %get3A_503 = arith.index_cast %scan3A_56 : i32 to index
      %get3A_504 = arith.constant 512 : index
      %get3A_505 = tpu.vector_load %arg8[%get3A_503, %get3A_504] {strides = array<i32>} : memref<32x1024xf32, #tpu.memory_space<vmem>>, vector<1x16xf32>,
      %get3A_506 = vector.shape_cast %get3A_505 : vector<1x16xf32> to vector<16xf32>
      %get3A_507 = arith.index_cast %scan3A_56 : i32 to index
      %get3A_508 = arith.constant 512 : index
      %get3A_509 = tpu.vector_load %arg9[%get3A_507, %get3A_508] {strides = array<i32>} : memref<32x1024xf32, #tpu.memory_space<vmem>>, vector<1x16xf32>,
      %get3A_510 = vector.shape_cast %get3A_509 : vector<1x16xf32> to vector<16xf32>
      %add3A_511 = arith.addf %get3A_506, %get3A_510 : vector<16xf32>
      %swap3A_512 = arith.index_cast %scan3A_56 : i32 to index
      %swap3A_513 = arith.constant 512 : index
      %swap3A_514 = tpu.vector_load %arg8[%swap3A_512, %swap3A_513] {strides = array<i32>} : memref<32x1024xf32, #tpu.memory_space<vmem>>, vector<1x16xf32>,
      %swap3A_515 = vector.shape_cast %swap3A_514 : vector<1x16xf32> to vector<16xf32>
      %swap3A_516 = vector.shape_cast %add3A_511 : vector<16xf32> to vector<1x16xf32>
      tpu.vector_store %arg8[%swap3A_512, %swap3A_513], %swap3A_516 {strides = array<i32>} : memref<32x1024xf32, #tpu.memory_space<vmem>>, vector<1x16xf32>,
      %get3A_517 = arith.index_cast %scan3A_56 : i32 to index
      %get3A_518 = arith.constant 528 : index
      %get3A_519 = tpu.vector_load %arg8[%get3A_517, %get3A_518] {strides = array<i32>} : memref<32x1024xf32, #tpu.memory_space<vmem>>, vector<1x16xf32>,
      %get3A_520 = vector.shape_cast %get3A_519 : vector<1x16xf32> to vector<16xf32>
      %get3A_521 = arith.index_cast %scan3A_56 : i32 to index
      %get3A_522 = arith.constant 528 : index
      %get3A_523 = tpu.vector_load %arg9[%get3A_521, %get3A_522] {strides = array<i32>} : memref<32x1024xf32, #tpu.memory_space<vmem>>, vector<1x16xf32>,
      %get3A_524 = vector.shape_cast %get3A_523 : vector<1x16xf32> to vector<16xf32>
      %add3A_525 = arith.addf %get3A_520, %get3A_524 : vector<16xf32>
      %swap3A_526 = arith.index_cast %scan3A_56 : i32 to index
      %swap3A_527 = arith.constant 528 : index
      %swap3A_528 = tpu.vector_load %arg8[%swap3A_526, %swap3A_527] {strides = array<i32>} : memref<32x1024xf32, #tpu.memory_space<vmem>>, vector<1x16xf32>,
      %swap3A_529 = vector.shape_cast %swap3A_528 : vector<1x16xf32> to vector<16xf32>
      %swap3A_530 = vector.shape_cast %add3A_525 : vector<16xf32> to vector<1x16xf32>
      tpu.vector_store %arg8[%swap3A_526, %swap3A_527], %swap3A_530 {strides = array<i32>} : memref<32x1024xf32, #tpu.memory_space<vmem>>, vector<1x16xf32>,
      %get3A_531 = arith.index_cast %scan3A_56 : i32 to index
      %get3A_532 = arith.constant 544 : index
      %get3A_533 = tpu.vector_load %arg8[%get3A_531, %get3A_532] {strides = array<i32>} : memref<32x1024xf32, #tpu.memory_space<vmem>>, vector<1x16xf32>,
      %get3A_534 = vector.shape_cast %get3A_533 : vector<1x16xf32> to vector<16xf32>
      %get3A_535 = arith.index_cast %scan3A_56 : i32 to index
      %get3A_536 = arith.constant 544 : index
      %get3A_537 = tpu.vector_load %arg9[%get3A_535, %get3A_536] {strides = array<i32>} : memref<32x1024xf32, #tpu.memory_space<vmem>>, vector<1x16xf32>,
      %get3A_538 = vector.shape_cast %get3A_537 : vector<1x16xf32> to vector<16xf32>
      %add3A_539 = arith.addf %get3A_534, %get3A_538 : vector<16xf32>
      %swap3A_540 = arith.index_cast %scan3A_56 : i32 to index
      %swap3A_541 = arith.constant 544 : index
      %swap3A_542 = tpu.vector_load %arg8[%swap3A_540, %swap3A_541] {strides = array<i32>} : memref<32x1024xf32, #tpu.memory_space<vmem>>, vector<1x16xf32>,
      %swap3A_543 = vector.shape_cast %swap3A_542 : vector<1x16xf32> to vector<16xf32>
      %swap3A_544 = vector.shape_cast %add3A_539 : vector<16xf32> to vector<1x16xf32>
      tpu.vector_store %arg8[%swap3A_540, %swap3A_541], %swap3A_544 {strides = array<i32>} : memref<32x1024xf32, #tpu.memory_space<vmem>>, vector<1x16xf32>,
      %get3A_545 = arith.index_cast %scan3A_56 : i32 to index
      %get3A_546 = arith.constant 560 : index
      %get3A_547 = tpu.vector_load %arg8[%get3A_545, %get3A_546] {strides = array<i32>} : memref<32x1024xf32, #tpu.memory_space<vmem>>, vector<1x16xf32>,
      %get3A_548 = vector.shape_cast %get3A_547 : vector<1x16xf32> to vector<16xf32>
      %get3A_549 = arith.index_cast %scan3A_56 : i32 to index
      %get3A_550 = arith.constant 560 : index
      %get3A_551 = tpu.vector_load %arg9[%get3A_549, %get3A_550] {strides = array<i32>} : memref<32x1024xf32, #tpu.memory_space<vmem>>, vector<1x16xf32>,
      %get3A_552 = vector.shape_cast %get3A_551 : vector<1x16xf32> to vector<16xf32>
      %add3A_553 = arith.addf %get3A_548, %get3A_552 : vector<16xf32>
      %swap3A_554 = arith.index_cast %scan3A_56 : i32 to index
      %swap3A_555 = arith.constant 560 : index
      %swap3A_556 = tpu.vector_load %arg8[%swap3A_554, %swap3A_555] {strides = array<i32>} : memref<32x1024xf32, #tpu.memory_space<vmem>>, vector<1x16xf32>,
      %swap3A_557 = vector.shape_cast %swap3A_556 : vector<1x16xf32> to vector<16xf32>
      %swap3A_558 = vector.shape_cast %add3A_553 : vector<16xf32> to vector<1x16xf32>
      tpu.vector_store %arg8[%swap3A_554, %swap3A_555], %swap3A_558 {strides = array<i32>} : memref<32x1024xf32, #tpu.memory_space<vmem>>, vector<1x16xf32>,
      %get3A_559 = arith.index_cast %scan3A_56 : i32 to index
      %get3A_560 = arith.constant 576 : index
      %get3A_561 = tpu.vector_load %arg8[%get3A_559, %get3A_560] {strides = array<i32>} : memref<32x1024xf32, #tpu.memory_space<vmem>>, vector<1x16xf32>,
      %get3A_562 = vector.shape_cast %get3A_561 : vector<1x16xf32> to vector<16xf32>
      %get3A_563 = arith.index_cast %scan3A_56 : i32 to index
      %get3A_564 = arith.constant 576 : index
      %get3A_565 = tpu.vector_load %arg9[%get3A_563, %get3A_564] {strides = array<i32>} : memref<32x1024xf32, #tpu.memory_space<vmem>>, vector<1x16xf32>,
      %get3A_566 = vector.shape_cast %get3A_565 : vector<1x16xf32> to vector<16xf32>
      %add3A_567 = arith.addf %get3A_562, %get3A_566 : vector<16xf32>
      %swap3A_568 = arith.index_cast %scan3A_56 : i32 to index
      %swap3A_569 = arith.constant 576 : index
      %swap3A_570 = tpu.vector_load %arg8[%swap3A_568, %swap3A_569] {strides = array<i32>} : memref<32x1024xf32, #tpu.memory_space<vmem>>, vector<1x16xf32>,
      %swap3A_571 = vector.shape_cast %swap3A_570 : vector<1x16xf32> to vector<16xf32>
      %swap3A_572 = vector.shape_cast %add3A_567 : vector<16xf32> to vector<1x16xf32>
      tpu.vector_store %arg8[%swap3A_568, %swap3A_569], %swap3A_572 {strides = array<i32>} : memref<32x1024xf32, #tpu.memory_space<vmem>>, vector<1x16xf32>,
      %get3A_573 = arith.index_cast %scan3A_56 : i32 to index
      %get3A_574 = arith.constant 592 : index
      %get3A_575 = tpu.vector_load %arg8[%get3A_573, %get3A_574] {strides = array<i32>} : memref<32x1024xf32, #tpu.memory_space<vmem>>, vector<1x16xf32>,
      %get3A_576 = vector.shape_cast %get3A_575 : vector<1x16xf32> to vector<16xf32>
      %get3A_577 = arith.index_cast %scan3A_56 : i32 to index
      %get3A_578 = arith.constant 592 : index
      %get3A_579 = tpu.vector_load %arg9[%get3A_577, %get3A_578] {strides = array<i32>} : memref<32x1024xf32, #tpu.memory_space<vmem>>, vector<1x16xf32>,
      %get3A_580 = vector.shape_cast %get3A_579 : vector<1x16xf32> to vector<16xf32>
      %add3A_581 = arith.addf %get3A_576, %get3A_580 : vector<16xf32>
      %swap3A_582 = arith.index_cast %scan3A_56 : i32 to index
      %swap3A_583 = arith.constant 592 : index
      %swap3A_584 = tpu.vector_load %arg8[%swap3A_582, %swap3A_583] {strides = array<i32>} : memref<32x1024xf32, #tpu.memory_space<vmem>>, vector<1x16xf32>,
      %swap3A_585 = vector.shape_cast %swap3A_584 : vector<1x16xf32> to vector<16xf32>
      %swap3A_586 = vector.shape_cast %add3A_581 : vector<16xf32> to vector<1x16xf32>
      tpu.vector_store %arg8[%swap3A_582, %swap3A_583], %swap3A_586 {strides = array<i32>} : memref<32x1024xf32, #tpu.memory_space<vmem>>, vector<1x16xf32>,
      %get3A_587 = arith.index_cast %scan3A_56 : i32 to index
      %get3A_588 = arith.constant 608 : index
      %get3A_589 = tpu.vector_load %arg8[%get3A_587, %get3A_588] {strides = array<i32>} : memref<32x1024xf32, #tpu.memory_space<vmem>>, vector<1x16xf32>,
      %get3A_590 = vector.shape_cast %get3A_589 : vector<1x16xf32> to vector<16xf32>
      %get3A_591 = arith.index_cast %scan3A_56 : i32 to index
      %get3A_592 = arith.constant 608 : index
      %get3A_593 = tpu.vector_load %arg9[%get3A_591, %get3A_592] {strides = array<i32>} : memref<32x1024xf32, #tpu.memory_space<vmem>>, vector<1x16xf32>,
      %get3A_594 = vector.shape_cast %get3A_593 : vector<1x16xf32> to vector<16xf32>
      %add3A_595 = arith.addf %get3A_590, %get3A_594 : vector<16xf32>
      %swap3A_596 = arith.index_cast %scan3A_56 : i32 to index
      %swap3A_597 = arith.constant 608 : index
      %swap3A_598 = tpu.vector_load %arg8[%swap3A_596, %swap3A_597] {strides = array<i32>} : memref<32x1024xf32, #tpu.memory_space<vmem>>, vector<1x16xf32>,
      %swap3A_599 = vector.shape_cast %swap3A_598 : vector<1x16xf32> to vector<16xf32>
      %swap3A_600 = vector.shape_cast %add3A_595 : vector<16xf32> to vector<1x16xf32>
      tpu.vector_store %arg8[%swap3A_596, %swap3A_597], %swap3A_600 {strides = array<i32>} : memref<32x1024xf32, #tpu.memory_space<vmem>>, vector<1x16xf32>,
      %get3A_601 = arith.index_cast %scan3A_56 : i32 to index
      %get3A_602 = arith.constant 624 : index
      %get3A_603 = tpu.vector_load %arg8[%get3A_601, %get3A_602] {strides = array<i32>} : memref<32x1024xf32, #tpu.memory_space<vmem>>, vector<1x16xf32>,
      %get3A_604 = vector.shape_cast %get3A_603 : vector<1x16xf32> to vector<16xf32>
      %get3A_605 = arith.index_cast %scan3A_56 : i32 to index
      %get3A_606 = arith.constant 624 : index
      %get3A_607 = tpu.vector_load %arg9[%get3A_605, %get3A_606] {strides = array<i32>} : memref<32x1024xf32, #tpu.memory_space<vmem>>, vector<1x16xf32>,
      %get3A_608 = vector.shape_cast %get3A_607 : vector<1x16xf32> to vector<16xf32>
      %add3A_609 = arith.addf %get3A_604, %get3A_608 : vector<16xf32>
      %swap3A_610 = arith.index_cast %scan3A_56 : i32 to index
      %swap3A_611 = arith.constant 624 : index
      %swap3A_612 = tpu.vector_load %arg8[%swap3A_610, %swap3A_611] {strides = array<i32>} : memref<32x1024xf32, #tpu.memory_space<vmem>>, vector<1x16xf32>,
      %swap3A_613 = vector.shape_cast %swap3A_612 : vector<1x16xf32> to vector<16xf32>
      %swap3A_614 = vector.shape_cast %add3A_609 : vector<16xf32> to vector<1x16xf32>
      tpu.vector_store %arg8[%swap3A_610, %swap3A_611], %swap3A_614 {strides = array<i32>} : memref<32x1024xf32, #tpu.memory_space<vmem>>, vector<1x16xf32>,
      %get3A_615 = arith.index_cast %scan3A_56 : i32 to index
      %get3A_616 = arith.constant 640 : index
      %get3A_617 = tpu.vector_load %arg8[%get3A_615, %get3A_616] {strides = array<i32>} : memref<32x1024xf32, #tpu.memory_space<vmem>>, vector<1x16xf32>,
      %get3A_618 = vector.shape_cast %get3A_617 : vector<1x16xf32> to vector<16xf32>
      %get3A_619 = arith.index_cast %scan3A_56 : i32 to index
      %get3A_620 = arith.constant 640 : index
      %get3A_621 = tpu.vector_load %arg9[%get3A_619, %get3A_620] {strides = array<i32>} : memref<32x1024xf32, #tpu.memory_space<vmem>>, vector<1x16xf32>,
      %get3A_622 = vector.shape_cast %get3A_621 : vector<1x16xf32> to vector<16xf32>
      %add3A_623 = arith.addf %get3A_618, %get3A_622 : vector<16xf32>
      %swap3A_624 = arith.index_cast %scan3A_56 : i32 to index
      %swap3A_625 = arith.constant 640 : index
      %swap3A_626 = tpu.vector_load %arg8[%swap3A_624, %swap3A_625] {strides = array<i32>} : memref<32x1024xf32, #tpu.memory_space<vmem>>, vector<1x16xf32>,
      %swap3A_627 = vector.shape_cast %swap3A_626 : vector<1x16xf32> to vector<16xf32>
      %swap3A_628 = vector.shape_cast %add3A_623 : vector<16xf32> to vector<1x16xf32>
      tpu.vector_store %arg8[%swap3A_624, %swap3A_625], %swap3A_628 {strides = array<i32>} : memref<32x1024xf32, #tpu.memory_space<vmem>>, vector<1x16xf32>,
      %get3A_629 = arith.index_cast %scan3A_56 : i32 to index
      %get3A_630 = arith.constant 656 : index
      %get3A_631 = tpu.vector_load %arg8[%get3A_629, %get3A_630] {strides = array<i32>} : memref<32x1024xf32, #tpu.memory_space<vmem>>, vector<1x16xf32>,
      %get3A_632 = vector.shape_cast %get3A_631 : vector<1x16xf32> to vector<16xf32>
      %get3A_633 = arith.index_cast %scan3A_56 : i32 to index
      %get3A_634 = arith.constant 656 : index
      %get3A_635 = tpu.vector_load %arg9[%get3A_633, %get3A_634] {strides = array<i32>} : memref<32x1024xf32, #tpu.memory_space<vmem>>, vector<1x16xf32>,
      %get3A_636 = vector.shape_cast %get3A_635 : vector<1x16xf32> to vector<16xf32>
      %add3A_637 = arith.addf %get3A_632, %get3A_636 : vector<16xf32>
      %swap3A_638 = arith.index_cast %scan3A_56 : i32 to index
      %swap3A_639 = arith.constant 656 : index
      %swap3A_640 = tpu.vector_load %arg8[%swap3A_638, %swap3A_639] {strides = array<i32>} : memref<32x1024xf32, #tpu.memory_space<vmem>>, vector<1x16xf32>,
      %swap3A_641 = vector.shape_cast %swap3A_640 : vector<1x16xf32> to vector<16xf32>
      %swap3A_642 = vector.shape_cast %add3A_637 : vector<16xf32> to vector<1x16xf32>
      tpu.vector_store %arg8[%swap3A_638, %swap3A_639], %swap3A_642 {strides = array<i32>} : memref<32x1024xf32, #tpu.memory_space<vmem>>, vector<1x16xf32>,
      %get3A_643 = arith.index_cast %scan3A_56 : i32 to index
      %get3A_644 = arith.constant 672 : index
      %get3A_645 = tpu.vector_load %arg8[%get3A_643, %get3A_644] {strides = array<i32>} : memref<32x1024xf32, #tpu.memory_space<vmem>>, vector<1x16xf32>,
      %get3A_646 = vector.shape_cast %get3A_645 : vector<1x16xf32> to vector<16xf32>
      %get3A_647 = arith.index_cast %scan3A_56 : i32 to index
      %get3A_648 = arith.constant 672 : index
      %get3A_649 = tpu.vector_load %arg9[%get3A_647, %get3A_648] {strides = array<i32>} : memref<32x1024xf32, #tpu.memory_space<vmem>>, vector<1x16xf32>,
      %get3A_650 = vector.shape_cast %get3A_649 : vector<1x16xf32> to vector<16xf32>
      %add3A_651 = arith.addf %get3A_646, %get3A_650 : vector<16xf32>
      %swap3A_652 = arith.index_cast %scan3A_56 : i32 to index
      %swap3A_653 = arith.constant 672 : index
      %swap3A_654 = tpu.vector_load %arg8[%swap3A_652, %swap3A_653] {strides = array<i32>} : memref<32x1024xf32, #tpu.memory_space<vmem>>, vector<1x16xf32>,
      %swap3A_655 = vector.shape_cast %swap3A_654 : vector<1x16xf32> to vector<16xf32>
      %swap3A_656 = vector.shape_cast %add3A_651 : vector<16xf32> to vector<1x16xf32>
      tpu.vector_store %arg8[%swap3A_652, %swap3A_653], %swap3A_656 {strides = array<i32>} : memref<32x1024xf32, #tpu.memory_space<vmem>>, vector<1x16xf32>,
      %get3A_657 = arith.index_cast %scan3A_56 : i32 to index
      %get3A_658 = arith.constant 688 : index
      %get3A_659 = tpu.vector_load %arg8[%get3A_657, %get3A_658] {strides = array<i32>} : memref<32x1024xf32, #tpu.memory_space<vmem>>, vector<1x16xf32>,
      %get3A_660 = vector.shape_cast %get3A_659 : vector<1x16xf32> to vector<16xf32>
      %get3A_661 = arith.index_cast %scan3A_56 : i32 to index
      %get3A_662 = arith.constant 688 : index
      %get3A_663 = tpu.vector_load %arg9[%get3A_661, %get3A_662] {strides = array<i32>} : memref<32x1024xf32, #tpu.memory_space<vmem>>, vector<1x16xf32>,
      %get3A_664 = vector.shape_cast %get3A_663 : vector<1x16xf32> to vector<16xf32>
      %add3A_665 = arith.addf %get3A_660, %get3A_664 : vector<16xf32>
      %swap3A_666 = arith.index_cast %scan3A_56 : i32 to index
      %swap3A_667 = arith.constant 688 : index
      %swap3A_668 = tpu.vector_load %arg8[%swap3A_666, %swap3A_667] {strides = array<i32>} : memref<32x1024xf32, #tpu.memory_space<vmem>>, vector<1x16xf32>,
      %swap3A_669 = vector.shape_cast %swap3A_668 : vector<1x16xf32> to vector<16xf32>
      %swap3A_670 = vector.shape_cast %add3A_665 : vector<16xf32> to vector<1x16xf32>
      tpu.vector_store %arg8[%swap3A_666, %swap3A_667], %swap3A_670 {strides = array<i32>} : memref<32x1024xf32, #tpu.memory_space<vmem>>, vector<1x16xf32>,
      %get3A_671 = arith.index_cast %scan3A_56 : i32 to index
      %get3A_672 = arith.constant 704 : index
      %get3A_673 = tpu.vector_load %arg8[%get3A_671, %get3A_672] {strides = array<i32>} : memref<32x1024xf32, #tpu.memory_space<vmem>>, vector<1x16xf32>,
      %get3A_674 = vector.shape_cast %get3A_673 : vector<1x16xf32> to vector<16xf32>
      %get3A_675 = arith.index_cast %scan3A_56 : i32 to index
      %get3A_676 = arith.constant 704 : index
      %get3A_677 = tpu.vector_load %arg9[%get3A_675, %get3A_676] {strides = array<i32>} : memref<32x1024xf32, #tpu.memory_space<vmem>>, vector<1x16xf32>,
      %get3A_678 = vector.shape_cast %get3A_677 : vector<1x16xf32> to vector<16xf32>
      %add3A_679 = arith.addf %get3A_674, %get3A_678 : vector<16xf32>
      %swap3A_680 = arith.index_cast %scan3A_56 : i32 to index
      %swap3A_681 = arith.constant 704 : index
      %swap3A_682 = tpu.vector_load %arg8[%swap3A_680, %swap3A_681] {strides = array<i32>} : memref<32x1024xf32, #tpu.memory_space<vmem>>, vector<1x16xf32>,
      %swap3A_683 = vector.shape_cast %swap3A_682 : vector<1x16xf32> to vector<16xf32>
      %swap3A_684 = vector.shape_cast %add3A_679 : vector<16xf32> to vector<1x16xf32>
      tpu.vector_store %arg8[%swap3A_680, %swap3A_681], %swap3A_684 {strides = array<i32>} : memref<32x1024xf32, #tpu.memory_space<vmem>>, vector<1x16xf32>,
      %get3A_685 = arith.index_cast %scan3A_56 : i32 to index
      %get3A_686 = arith.constant 720 : index
      %get3A_687 = tpu.vector_load %arg8[%get3A_685, %get3A_686] {strides = array<i32>} : memref<32x1024xf32, #tpu.memory_space<vmem>>, vector<1x16xf32>,
      %get3A_688 = vector.shape_cast %get3A_687 : vector<1x16xf32> to vector<16xf32>
      %get3A_689 = arith.index_cast %scan3A_56 : i32 to index
      %get3A_690 = arith.constant 720 : index
      %get3A_691 = tpu.vector_load %arg9[%get3A_689, %get3A_690] {strides = array<i32>} : memref<32x1024xf32, #tpu.memory_space<vmem>>, vector<1x16xf32>,
      %get3A_692 = vector.shape_cast %get3A_691 : vector<1x16xf32> to vector<16xf32>
      %add3A_693 = arith.addf %get3A_688, %get3A_692 : vector<16xf32>
      %swap3A_694 = arith.index_cast %scan3A_56 : i32 to index
      %swap3A_695 = arith.constant 720 : index
      %swap3A_696 = tpu.vector_load %arg8[%swap3A_694, %swap3A_695] {strides = array<i32>} : memref<32x1024xf32, #tpu.memory_space<vmem>>, vector<1x16xf32>,
      %swap3A_697 = vector.shape_cast %swap3A_696 : vector<1x16xf32> to vector<16xf32>
      %swap3A_698 = vector.shape_cast %add3A_693 : vector<16xf32> to vector<1x16xf32>
      tpu.vector_store %arg8[%swap3A_694, %swap3A_695], %swap3A_698 {strides = array<i32>} : memref<32x1024xf32, #tpu.memory_space<vmem>>, vector<1x16xf32>,
      %get3A_699 = arith.index_cast %scan3A_56 : i32 to index
      %get3A_700 = arith.constant 736 : index
      %get3A_701 = tpu.vector_load %arg8[%get3A_699, %get3A_700] {strides = array<i32>} : memref<32x1024xf32, #tpu.memory_space<vmem>>, vector<1x16xf32>,
      %get3A_702 = vector.shape_cast %get3A_701 : vector<1x16xf32> to vector<16xf32>
      %get3A_703 = arith.index_cast %scan3A_56 : i32 to index
      %get3A_704 = arith.constant 736 : index
      %get3A_705 = tpu.vector_load %arg9[%get3A_703, %get3A_704] {strides = array<i32>} : memref<32x1024xf32, #tpu.memory_space<vmem>>, vector<1x16xf32>,
      %get3A_706 = vector.shape_cast %get3A_705 : vector<1x16xf32> to vector<16xf32>
      %add3A_707 = arith.addf %get3A_702, %get3A_706 : vector<16xf32>
      %swap3A_708 = arith.index_cast %scan3A_56 : i32 to index
      %swap3A_709 = arith.constant 736 : index
      %swap3A_710 = tpu.vector_load %arg8[%swap3A_708, %swap3A_709] {strides = array<i32>} : memref<32x1024xf32, #tpu.memory_space<vmem>>, vector<1x16xf32>,
      %swap3A_711 = vector.shape_cast %swap3A_710 : vector<1x16xf32> to vector<16xf32>
      %swap3A_712 = vector.shape_cast %add3A_707 : vector<16xf32> to vector<1x16xf32>
      tpu.vector_store %arg8[%swap3A_708, %swap3A_709], %swap3A_712 {strides = array<i32>} : memref<32x1024xf32, #tpu.memory_space<vmem>>, vector<1x16xf32>,
      %get3A_713 = arith.index_cast %scan3A_56 : i32 to index
      %get3A_714 = arith.constant 752 : index
      %get3A_715 = tpu.vector_load %arg8[%get3A_713, %get3A_714] {strides = array<i32>} : memref<32x1024xf32, #tpu.memory_space<vmem>>, vector<1x16xf32>,
      %get3A_716 = vector.shape_cast %get3A_715 : vector<1x16xf32> to vector<16xf32>
      %get3A_717 = arith.index_cast %scan3A_56 : i32 to index
      %get3A_718 = arith.constant 752 : index
      %get3A_719 = tpu.vector_load %arg9[%get3A_717, %get3A_718] {strides = array<i32>} : memref<32x1024xf32, #tpu.memory_space<vmem>>, vector<1x16xf32>,
      %get3A_720 = vector.shape_cast %get3A_719 : vector<1x16xf32> to vector<16xf32>
      %add3A_721 = arith.addf %get3A_716, %get3A_720 : vector<16xf32>
      %swap3A_722 = arith.index_cast %scan3A_56 : i32 to index
      %swap3A_723 = arith.constant 752 : index
      %swap3A_724 = tpu.vector_load %arg8[%swap3A_722, %swap3A_723] {strides = array<i32>} : memref<32x1024xf32, #tpu.memory_space<vmem>>, vector<1x16xf32>,
      %swap3A_725 = vector.shape_cast %swap3A_724 : vector<1x16xf32> to vector<16xf32>
      %swap3A_726 = vector.shape_cast %add3A_721 : vector<16xf32> to vector<1x16xf32>
      tpu.vector_store %arg8[%swap3A_722, %swap3A_723], %swap3A_726 {strides = array<i32>} : memref<32x1024xf32, #tpu.memory_space<vmem>>, vector<1x16xf32>,
      %get3A_727 = arith.index_cast %scan3A_56 : i32 to index
      %get3A_728 = arith.constant 768 : index
      %get3A_729 = tpu.vector_load %arg8[%get3A_727, %get3A_728] {strides = array<i32>} : memref<32x1024xf32, #tpu.memory_space<vmem>>, vector<1x16xf32>,
      %get3A_730 = vector.shape_cast %get3A_729 : vector<1x16xf32> to vector<16xf32>
      %get3A_731 = arith.index_cast %scan3A_56 : i32 to index
      %get3A_732 = arith.constant 768 : index
      %get3A_733 = tpu.vector_load %arg9[%get3A_731, %get3A_732] {strides = array<i32>} : memref<32x1024xf32, #tpu.memory_space<vmem>>, vector<1x16xf32>,
      %get3A_734 = vector.shape_cast %get3A_733 : vector<1x16xf32> to vector<16xf32>
      %add3A_735 = arith.addf %get3A_730, %get3A_734 : vector<16xf32>
      %swap3A_736 = arith.index_cast %scan3A_56 : i32 to index
      %swap3A_737 = arith.constant 768 : index
      %swap3A_738 = tpu.vector_load %arg8[%swap3A_736, %swap3A_737] {strides = array<i32>} : memref<32x1024xf32, #tpu.memory_space<vmem>>, vector<1x16xf32>,
      %swap3A_739 = vector.shape_cast %swap3A_738 : vector<1x16xf32> to vector<16xf32>
      %swap3A_740 = vector.shape_cast %add3A_735 : vector<16xf32> to vector<1x16xf32>
      tpu.vector_store %arg8[%swap3A_736, %swap3A_737], %swap3A_740 {strides = array<i32>} : memref<32x1024xf32, #tpu.memory_space<vmem>>, vector<1x16xf32>,
      %get3A_741 = arith.index_cast %scan3A_56 : i32 to index
      %get3A_742 = arith.constant 784 : index
      %get3A_743 = tpu.vector_load %arg8[%get3A_741, %get3A_742] {strides = array<i32>} : memref<32x1024xf32, #tpu.memory_space<vmem>>, vector<1x16xf32>,
      %get3A_744 = vector.shape_cast %get3A_743 : vector<1x16xf32> to vector<16xf32>
      %get3A_745 = arith.index_cast %scan3A_56 : i32 to index
      %get3A_746 = arith.constant 784 : index
      %get3A_747 = tpu.vector_load %arg9[%get3A_745, %get3A_746] {strides = array<i32>} : memref<32x1024xf32, #tpu.memory_space<vmem>>, vector<1x16xf32>,
      %get3A_748 = vector.shape_cast %get3A_747 : vector<1x16xf32> to vector<16xf32>
      %add3A_749 = arith.addf %get3A_744, %get3A_748 : vector<16xf32>
      %swap3A_750 = arith.index_cast %scan3A_56 : i32 to index
      %swap3A_751 = arith.constant 784 : index
      %swap3A_752 = tpu.vector_load %arg8[%swap3A_750, %swap3A_751] {strides = array<i32>} : memref<32x1024xf32, #tpu.memory_space<vmem>>, vector<1x16xf32>,
      %swap3A_753 = vector.shape_cast %swap3A_752 : vector<1x16xf32> to vector<16xf32>
      %swap3A_754 = vector.shape_cast %add3A_749 : vector<16xf32> to vector<1x16xf32>
      tpu.vector_store %arg8[%swap3A_750, %swap3A_751], %swap3A_754 {strides = array<i32>} : memref<32x1024xf32, #tpu.memory_space<vmem>>, vector<1x16xf32>,
      %get3A_755 = arith.index_cast %scan3A_56 : i32 to index
      %get3A_756 = arith.constant 800 : index
      %get3A_757 = tpu.vector_load %arg8[%get3A_755, %get3A_756] {strides = array<i32>} : memref<32x1024xf32, #tpu.memory_space<vmem>>, vector<1x16xf32>,
      %get3A_758 = vector.shape_cast %get3A_757 : vector<1x16xf32> to vector<16xf32>
      %get3A_759 = arith.index_cast %scan3A_56 : i32 to index
      %get3A_760 = arith.constant 800 : index
      %get3A_761 = tpu.vector_load %arg9[%get3A_759, %get3A_760] {strides = array<i32>} : memref<32x1024xf32, #tpu.memory_space<vmem>>, vector<1x16xf32>,
      %get3A_762 = vector.shape_cast %get3A_761 : vector<1x16xf32> to vector<16xf32>
      %add3A_763 = arith.addf %get3A_758, %get3A_762 : vector<16xf32>
      %swap3A_764 = arith.index_cast %scan3A_56 : i32 to index
      %swap3A_765 = arith.constant 800 : index
      %swap3A_766 = tpu.vector_load %arg8[%swap3A_764, %swap3A_765] {strides = array<i32>} : memref<32x1024xf32, #tpu.memory_space<vmem>>, vector<1x16xf32>,
      %swap3A_767 = vector.shape_cast %swap3A_766 : vector<1x16xf32> to vector<16xf32>
      %swap3A_768 = vector.shape_cast %add3A_763 : vector<16xf32> to vector<1x16xf32>
      tpu.vector_store %arg8[%swap3A_764, %swap3A_765], %swap3A_768 {strides = array<i32>} : memref<32x1024xf32, #tpu.memory_space<vmem>>, vector<1x16xf32>,
      %get3A_769 = arith.index_cast %scan3A_56 : i32 to index
      %get3A_770 = arith.constant 816 : index
      %get3A_771 = tpu.vector_load %arg8[%get3A_769, %get3A_770] {strides = array<i32>} : memref<32x1024xf32, #tpu.memory_space<vmem>>, vector<1x16xf32>,
      %get3A_772 = vector.shape_cast %get3A_771 : vector<1x16xf32> to vector<16xf32>
      %get3A_773 = arith.index_cast %scan3A_56 : i32 to index
      %get3A_774 = arith.constant 816 : index
      %get3A_775 = tpu.vector_load %arg9[%get3A_773, %get3A_774] {strides = array<i32>} : memref<32x1024xf32, #tpu.memory_space<vmem>>, vector<1x16xf32>,
      %get3A_776 = vector.shape_cast %get3A_775 : vector<1x16xf32> to vector<16xf32>
      %add3A_777 = arith.addf %get3A_772, %get3A_776 : vector<16xf32>
      %swap3A_778 = arith.index_cast %scan3A_56 : i32 to index
      %swap3A_779 = arith.constant 816 : index
      %swap3A_780 = tpu.vector_load %arg8[%swap3A_778, %swap3A_779] {strides = array<i32>} : memref<32x1024xf32, #tpu.memory_space<vmem>>, vector<1x16xf32>,
      %swap3A_781 = vector.shape_cast %swap3A_780 : vector<1x16xf32> to vector<16xf32>
      %swap3A_782 = vector.shape_cast %add3A_777 : vector<16xf32> to vector<1x16xf32>
      tpu.vector_store %arg8[%swap3A_778, %swap3A_779], %swap3A_782 {strides = array<i32>} : memref<32x1024xf32, #tpu.memory_space<vmem>>, vector<1x16xf32>,
      %get3A_783 = arith.index_cast %scan3A_56 : i32 to index
      %get3A_784 = arith.constant 832 : index
      %get3A_785 = tpu.vector_load %arg8[%get3A_783, %get3A_784] {strides = array<i32>} : memref<32x1024xf32, #tpu.memory_space<vmem>>, vector<1x16xf32>,
      %get3A_786 = vector.shape_cast %get3A_785 : vector<1x16xf32> to vector<16xf32>
      %get3A_787 = arith.index_cast %scan3A_56 : i32 to index
      %get3A_788 = arith.constant 832 : index
      %get3A_789 = tpu.vector_load %arg9[%get3A_787, %get3A_788] {strides = array<i32>} : memref<32x1024xf32, #tpu.memory_space<vmem>>, vector<1x16xf32>,
      %get3A_790 = vector.shape_cast %get3A_789 : vector<1x16xf32> to vector<16xf32>
      %add3A_791 = arith.addf %get3A_786, %get3A_790 : vector<16xf32>
      %swap3A_792 = arith.index_cast %scan3A_56 : i32 to index
      %swap3A_793 = arith.constant 832 : index
      %swap3A_794 = tpu.vector_load %arg8[%swap3A_792, %swap3A_793] {strides = array<i32>} : memref<32x1024xf32, #tpu.memory_space<vmem>>, vector<1x16xf32>,
      %swap3A_795 = vector.shape_cast %swap3A_794 : vector<1x16xf32> to vector<16xf32>
      %swap3A_796 = vector.shape_cast %add3A_791 : vector<16xf32> to vector<1x16xf32>
      tpu.vector_store %arg8[%swap3A_792, %swap3A_793], %swap3A_796 {strides = array<i32>} : memref<32x1024xf32, #tpu.memory_space<vmem>>, vector<1x16xf32>,
      %get3A_797 = arith.index_cast %scan3A_56 : i32 to index
      %get3A_798 = arith.constant 848 : index
      %get3A_799 = tpu.vector_load %arg8[%get3A_797, %get3A_798] {strides = array<i32>} : memref<32x1024xf32, #tpu.memory_space<vmem>>, vector<1x16xf32>,
      %get3A_800 = vector.shape_cast %get3A_799 : vector<1x16xf32> to vector<16xf32>
      %get3A_801 = arith.index_cast %scan3A_56 : i32 to index
      %get3A_802 = arith.constant 848 : index
      %get3A_803 = tpu.vector_load %arg9[%get3A_801, %get3A_802] {strides = array<i32>} : memref<32x1024xf32, #tpu.memory_space<vmem>>, vector<1x16xf32>,
      %get3A_804 = vector.shape_cast %get3A_803 : vector<1x16xf32> to vector<16xf32>
      %add3A_805 = arith.addf %get3A_800, %get3A_804 : vector<16xf32>
      %swap3A_806 = arith.index_cast %scan3A_56 : i32 to index
      %swap3A_807 = arith.constant 848 : index
      %swap3A_808 = tpu.vector_load %arg8[%swap3A_806, %swap3A_807] {strides = array<i32>} : memref<32x1024xf32, #tpu.memory_space<vmem>>, vector<1x16xf32>,
      %swap3A_809 = vector.shape_cast %swap3A_808 : vector<1x16xf32> to vector<16xf32>
      %swap3A_810 = vector.shape_cast %add3A_805 : vector<16xf32> to vector<1x16xf32>
      tpu.vector_store %arg8[%swap3A_806, %swap3A_807], %swap3A_810 {strides = array<i32>} : memref<32x1024xf32, #tpu.memory_space<vmem>>, vector<1x16xf32>,
      %get3A_811 = arith.index_cast %scan3A_56 : i32 to index
      %get3A_812 = arith.constant 864 : index
      %get3A_813 = tpu.vector_load %arg8[%get3A_811, %get3A_812] {strides = array<i32>} : memref<32x1024xf32, #tpu.memory_space<vmem>>, vector<1x16xf32>,
      %get3A_814 = vector.shape_cast %get3A_813 : vector<1x16xf32> to vector<16xf32>
      %get3A_815 = arith.index_cast %scan3A_56 : i32 to index
      %get3A_816 = arith.constant 864 : index
      %get3A_817 = tpu.vector_load %arg9[%get3A_815, %get3A_816] {strides = array<i32>} : memref<32x1024xf32, #tpu.memory_space<vmem>>, vector<1x16xf32>,
      %get3A_818 = vector.shape_cast %get3A_817 : vector<1x16xf32> to vector<16xf32>
      %add3A_819 = arith.addf %get3A_814, %get3A_818 : vector<16xf32>
      %swap3A_820 = arith.index_cast %scan3A_56 : i32 to index
      %swap3A_821 = arith.constant 864 : index
      %swap3A_822 = tpu.vector_load %arg8[%swap3A_820, %swap3A_821] {strides = array<i32>} : memref<32x1024xf32, #tpu.memory_space<vmem>>, vector<1x16xf32>,
      %swap3A_823 = vector.shape_cast %swap3A_822 : vector<1x16xf32> to vector<16xf32>
      %swap3A_824 = vector.shape_cast %add3A_819 : vector<16xf32> to vector<1x16xf32>
      tpu.vector_store %arg8[%swap3A_820, %swap3A_821], %swap3A_824 {strides = array<i32>} : memref<32x1024xf32, #tpu.memory_space<vmem>>, vector<1x16xf32>,
      %get3A_825 = arith.index_cast %scan3A_56 : i32 to index
      %get3A_826 = arith.constant 880 : index
      %get3A_827 = tpu.vector_load %arg8[%get3A_825, %get3A_826] {strides = array<i32>} : memref<32x1024xf32, #tpu.memory_space<vmem>>, vector<1x16xf32>,
      %get3A_828 = vector.shape_cast %get3A_827 : vector<1x16xf32> to vector<16xf32>
      %get3A_829 = arith.index_cast %scan3A_56 : i32 to index
      %get3A_830 = arith.constant 880 : index
      %get3A_831 = tpu.vector_load %arg9[%get3A_829, %get3A_830] {strides = array<i32>} : memref<32x1024xf32, #tpu.memory_space<vmem>>, vector<1x16xf32>,
      %get3A_832 = vector.shape_cast %get3A_831 : vector<1x16xf32> to vector<16xf32>
      %add3A_833 = arith.addf %get3A_828, %get3A_832 : vector<16xf32>
      %swap3A_834 = arith.index_cast %scan3A_56 : i32 to index
      %swap3A_835 = arith.constant 880 : index
      %swap3A_836 = tpu.vector_load %arg8[%swap3A_834, %swap3A_835] {strides = array<i32>} : memref<32x1024xf32, #tpu.memory_space<vmem>>, vector<1x16xf32>,
      %swap3A_837 = vector.shape_cast %swap3A_836 : vector<1x16xf32> to vector<16xf32>
      %swap3A_838 = vector.shape_cast %add3A_833 : vector<16xf32> to vector<1x16xf32>
      tpu.vector_store %arg8[%swap3A_834, %swap3A_835], %swap3A_838 {strides = array<i32>} : memref<32x1024xf32, #tpu.memory_space<vmem>>, vector<1x16xf32>,
      %get3A_839 = arith.index_cast %scan3A_56 : i32 to index
      %get3A_840 = arith.constant 896 : index
      %get3A_841 = tpu.vector_load %arg8[%get3A_839, %get3A_840] {strides = array<i32>} : memref<32x1024xf32, #tpu.memory_space<vmem>>, vector<1x16xf32>,
      %get3A_842 = vector.shape_cast %get3A_841 : vector<1x16xf32> to vector<16xf32>
      %get3A_843 = arith.index_cast %scan3A_56 : i32 to index
      %get3A_844 = arith.constant 896 : index
      %get3A_845 = tpu.vector_load %arg9[%get3A_843, %get3A_844] {strides = array<i32>} : memref<32x1024xf32, #tpu.memory_space<vmem>>, vector<1x16xf32>,
      %get3A_846 = vector.shape_cast %get3A_845 : vector<1x16xf32> to vector<16xf32>
      %add3A_847 = arith.addf %get3A_842, %get3A_846 : vector<16xf32>
      %swap3A_848 = arith.index_cast %scan3A_56 : i32 to index
      %swap3A_849 = arith.constant 896 : index
      %swap3A_850 = tpu.vector_load %arg8[%swap3A_848, %swap3A_849] {strides = array<i32>} : memref<32x1024xf32, #tpu.memory_space<vmem>>, vector<1x16xf32>,
      %swap3A_851 = vector.shape_cast %swap3A_850 : vector<1x16xf32> to vector<16xf32>
      %swap3A_852 = vector.shape_cast %add3A_847 : vector<16xf32> to vector<1x16xf32>
      tpu.vector_store %arg8[%swap3A_848, %swap3A_849], %swap3A_852 {strides = array<i32>} : memref<32x1024xf32, #tpu.memory_space<vmem>>, vector<1x16xf32>,
      %get3A_853 = arith.index_cast %scan3A_56 : i32 to index
      %get3A_854 = arith.constant 912 : index
      %get3A_855 = tpu.vector_load %arg8[%get3A_853, %get3A_854] {strides = array<i32>} : memref<32x1024xf32, #tpu.memory_space<vmem>>, vector<1x16xf32>,
      %get3A_856 = vector.shape_cast %get3A_855 : vector<1x16xf32> to vector<16xf32>
      %get3A_857 = arith.index_cast %scan3A_56 : i32 to index
      %get3A_858 = arith.constant 912 : index
      %get3A_859 = tpu.vector_load %arg9[%get3A_857, %get3A_858] {strides = array<i32>} : memref<32x1024xf32, #tpu.memory_space<vmem>>, vector<1x16xf32>,
      %get3A_860 = vector.shape_cast %get3A_859 : vector<1x16xf32> to vector<16xf32>
      %add3A_861 = arith.addf %get3A_856, %get3A_860 : vector<16xf32>
      %swap3A_862 = arith.index_cast %scan3A_56 : i32 to index
      %swap3A_863 = arith.constant 912 : index
      %swap3A_864 = tpu.vector_load %arg8[%swap3A_862, %swap3A_863] {strides = array<i32>} : memref<32x1024xf32, #tpu.memory_space<vmem>>, vector<1x16xf32>,
      %swap3A_865 = vector.shape_cast %swap3A_864 : vector<1x16xf32> to vector<16xf32>
      %swap3A_866 = vector.shape_cast %add3A_861 : vector<16xf32> to vector<1x16xf32>
      tpu.vector_store %arg8[%swap3A_862, %swap3A_863], %swap3A_866 {strides = array<i32>} : memref<32x1024xf32, #tpu.memory_space<vmem>>, vector<1x16xf32>,
      %get3A_867 = arith.index_cast %scan3A_56 : i32 to index
      %get3A_868 = arith.constant 928 : index
      %get3A_869 = tpu.vector_load %arg8[%get3A_867, %get3A_868] {strides = array<i32>} : memref<32x1024xf32, #tpu.memory_space<vmem>>, vector<1x16xf32>,
      %get3A_870 = vector.shape_cast %get3A_869 : vector<1x16xf32> to vector<16xf32>
      %get3A_871 = arith.index_cast %scan3A_56 : i32 to index
      %get3A_872 = arith.constant 928 : index
      %get3A_873 = tpu.vector_load %arg9[%get3A_871, %get3A_872] {strides = array<i32>} : memref<32x1024xf32, #tpu.memory_space<vmem>>, vector<1x16xf32>,
      %get3A_874 = vector.shape_cast %get3A_873 : vector<1x16xf32> to vector<16xf32>
      %add3A_875 = arith.addf %get3A_870, %get3A_874 : vector<16xf32>
      %swap3A_876 = arith.index_cast %scan3A_56 : i32 to index
      %swap3A_877 = arith.constant 928 : index
      %swap3A_878 = tpu.vector_load %arg8[%swap3A_876, %swap3A_877] {strides = array<i32>} : memref<32x1024xf32, #tpu.memory_space<vmem>>, vector<1x16xf32>,
      %swap3A_879 = vector.shape_cast %swap3A_878 : vector<1x16xf32> to vector<16xf32>
      %swap3A_880 = vector.shape_cast %add3A_875 : vector<16xf32> to vector<1x16xf32>
      tpu.vector_store %arg8[%swap3A_876, %swap3A_877], %swap3A_880 {strides = array<i32>} : memref<32x1024xf32, #tpu.memory_space<vmem>>, vector<1x16xf32>,
      %get3A_881 = arith.index_cast %scan3A_56 : i32 to index
      %get3A_882 = arith.constant 944 : index
      %get3A_883 = tpu.vector_load %arg8[%get3A_881, %get3A_882] {strides = array<i32>} : memref<32x1024xf32, #tpu.memory_space<vmem>>, vector<1x16xf32>,
      %get3A_884 = vector.shape_cast %get3A_883 : vector<1x16xf32> to vector<16xf32>
      %get3A_885 = arith.index_cast %scan3A_56 : i32 to index
      %get3A_886 = arith.constant 944 : index
      %get3A_887 = tpu.vector_load %arg9[%get3A_885, %get3A_886] {strides = array<i32>} : memref<32x1024xf32, #tpu.memory_space<vmem>>, vector<1x16xf32>,
      %get3A_888 = vector.shape_cast %get3A_887 : vector<1x16xf32> to vector<16xf32>
      %add3A_889 = arith.addf %get3A_884, %get3A_888 : vector<16xf32>
      %swap3A_890 = arith.index_cast %scan3A_56 : i32 to index
      %swap3A_891 = arith.constant 944 : index
      %swap3A_892 = tpu.vector_load %arg8[%swap3A_890, %swap3A_891] {strides = array<i32>} : memref<32x1024xf32, #tpu.memory_space<vmem>>, vector<1x16xf32>,
      %swap3A_893 = vector.shape_cast %swap3A_892 : vector<1x16xf32> to vector<16xf32>
      %swap3A_894 = vector.shape_cast %add3A_889 : vector<16xf32> to vector<1x16xf32>
      tpu.vector_store %arg8[%swap3A_890, %swap3A_891], %swap3A_894 {strides = array<i32>} : memref<32x1024xf32, #tpu.memory_space<vmem>>, vector<1x16xf32>,
      %get3A_895 = arith.index_cast %scan3A_56 : i32 to index
      %get3A_896 = arith.constant 960 : index
      %get3A_897 = tpu.vector_load %arg8[%get3A_895, %get3A_896] {strides = array<i32>} : memref<32x1024xf32, #tpu.memory_space<vmem>>, vector<1x16xf32>,
      %get3A_898 = vector.shape_cast %get3A_897 : vector<1x16xf32> to vector<16xf32>
      %get3A_899 = arith.index_cast %scan3A_56 : i32 to index
      %get3A_900 = arith.constant 960 : index
      %get3A_901 = tpu.vector_load %arg9[%get3A_899, %get3A_900] {strides = array<i32>} : memref<32x1024xf32, #tpu.memory_space<vmem>>, vector<1x16xf32>,
      %get3A_902 = vector.shape_cast %get3A_901 : vector<1x16xf32> to vector<16xf32>
      %add3A_903 = arith.addf %get3A_898, %get3A_902 : vector<16xf32>
      %swap3A_904 = arith.index_cast %scan3A_56 : i32 to index
      %swap3A_905 = arith.constant 960 : index
      %swap3A_906 = tpu.vector_load %arg8[%swap3A_904, %swap3A_905] {strides = array<i32>} : memref<32x1024xf32, #tpu.memory_space<vmem>>, vector<1x16xf32>,
      %swap3A_907 = vector.shape_cast %swap3A_906 : vector<1x16xf32> to vector<16xf32>
      %swap3A_908 = vector.shape_cast %add3A_903 : vector<16xf32> to vector<1x16xf32>
      tpu.vector_store %arg8[%swap3A_904, %swap3A_905], %swap3A_908 {strides = array<i32>} : memref<32x1024xf32, #tpu.memory_space<vmem>>, vector<1x16xf32>,
      %get3A_909 = arith.index_cast %scan3A_56 : i32 to index
      %get3A_910 = arith.constant 976 : index
      %get3A_911 = tpu.vector_load %arg8[%get3A_909, %get3A_910] {strides = array<i32>} : memref<32x1024xf32, #tpu.memory_space<vmem>>, vector<1x16xf32>,
      %get3A_912 = vector.shape_cast %get3A_911 : vector<1x16xf32> to vector<16xf32>
      %get3A_913 = arith.index_cast %scan3A_56 : i32 to index
      %get3A_914 = arith.constant 976 : index
      %get3A_915 = tpu.vector_load %arg9[%get3A_913, %get3A_914] {strides = array<i32>} : memref<32x1024xf32, #tpu.memory_space<vmem>>, vector<1x16xf32>,
      %get3A_916 = vector.shape_cast %get3A_915 : vector<1x16xf32> to vector<16xf32>
      %add3A_917 = arith.addf %get3A_912, %get3A_916 : vector<16xf32>
      %swap3A_918 = arith.index_cast %scan3A_56 : i32 to index
      %swap3A_919 = arith.constant 976 : index
      %swap3A_920 = tpu.vector_load %arg8[%swap3A_918, %swap3A_919] {strides = array<i32>} : memref<32x1024xf32, #tpu.memory_space<vmem>>, vector<1x16xf32>,
      %swap3A_921 = vector.shape_cast %swap3A_920 : vector<1x16xf32> to vector<16xf32>
      %swap3A_922 = vector.shape_cast %add3A_917 : vector<16xf32> to vector<1x16xf32>
      tpu.vector_store %arg8[%swap3A_918, %swap3A_919], %swap3A_922 {strides = array<i32>} : memref<32x1024xf32, #tpu.memory_space<vmem>>, vector<1x16xf32>,
      %get3A_923 = arith.index_cast %scan3A_56 : i32 to index
      %get3A_924 = arith.constant 992 : index
      %get3A_925 = tpu.vector_load %arg8[%get3A_923, %get3A_924] {strides = array<i32>} : memref<32x1024xf32, #tpu.memory_space<vmem>>, vector<1x16xf32>,
      %get3A_926 = vector.shape_cast %get3A_925 : vector<1x16xf32> to vector<16xf32>
      %get3A_927 = arith.index_cast %scan3A_56 : i32 to index
      %get3A_928 = arith.constant 992 : index
      %get3A_929 = tpu.vector_load %arg9[%get3A_927, %get3A_928] {strides = array<i32>} : memref<32x1024xf32, #tpu.memory_space<vmem>>, vector<1x16xf32>,
      %get3A_930 = vector.shape_cast %get3A_929 : vector<1x16xf32> to vector<16xf32>
      %add3A_931 = arith.addf %get3A_926, %get3A_930 : vector<16xf32>
      %swap3A_932 = arith.index_cast %scan3A_56 : i32 to index
      %swap3A_933 = arith.constant 992 : index
      %swap3A_934 = tpu.vector_load %arg8[%swap3A_932, %swap3A_933] {strides = array<i32>} : memref<32x1024xf32, #tpu.memory_space<vmem>>, vector<1x16xf32>,
      %swap3A_935 = vector.shape_cast %swap3A_934 : vector<1x16xf32> to vector<16xf32>
      %swap3A_936 = vector.shape_cast %add3A_931 : vector<16xf32> to vector<1x16xf32>
      tpu.vector_store %arg8[%swap3A_932, %swap3A_933], %swap3A_936 {strides = array<i32>} : memref<32x1024xf32, #tpu.memory_space<vmem>>, vector<1x16xf32>,
      %get3A_937 = arith.index_cast %scan3A_56 : i32 to index
      %get3A_938 = arith.constant 1008 : index
      %get3A_939 = tpu.vector_load %arg8[%get3A_937, %get3A_938] {strides = array<i32>} : memref<32x1024xf32, #tpu.memory_space<vmem>>, vector<1x16xf32>,
      %get3A_940 = vector.shape_cast %get3A_939 : vector<1x16xf32> to vector<16xf32>
      %get3A_941 = arith.index_cast %scan3A_56 : i32 to index
      %get3A_942 = arith.constant 1008 : index
      %get3A_943 = tpu.vector_load %arg9[%get3A_941, %get3A_942] {strides = array<i32>} : memref<32x1024xf32, #tpu.memory_space<vmem>>, vector<1x16xf32>,
      %get3A_944 = vector.shape_cast %get3A_943 : vector<1x16xf32> to vector<16xf32>
      %add3A_945 = arith.addf %get3A_940, %get3A_944 : vector<16xf32>
      %swap3A_946 = arith.index_cast %scan3A_56 : i32 to index
      %swap3A_947 = arith.constant 1008 : index
      %swap3A_948 = tpu.vector_load %arg8[%swap3A_946, %swap3A_947] {strides = array<i32>} : memref<32x1024xf32, #tpu.memory_space<vmem>>, vector<1x16xf32>,
      %swap3A_949 = vector.shape_cast %swap3A_948 : vector<1x16xf32> to vector<16xf32>
      %swap3A_950 = vector.shape_cast %add3A_945 : vector<16xf32> to vector<1x16xf32>
      tpu.vector_store %arg8[%swap3A_946, %swap3A_947], %swap3A_950 {strides = array<i32>} : memref<32x1024xf32, #tpu.memory_space<vmem>>, vector<1x16xf32>,
    }
    %scan3A_25 = arith.constant 32 : i32
    %add3A_26 = arith.constant 0 : i32
    %add3A_27 = arith.addi %mul3A_2, %add3A_26 : i32
    "tpu.region"() ({
      %run_scoped3A = tpu.sem_alloc : memref<!tpu.dma_semaphore, #tpu.memory_space<semaphore_mem>>
      %dma_start3A_56 = arith.constant 0 : i32
      %dma_start3A_57 = tpu.memref_slice %arg5[%add3A_27, %dma_start3A_56] : memref<2048x1024xf32, #tpu.memory_space<hbm>> -> memref<32x1024xf32, #tpu.memory_space<hbm>>
      %dma_start3A_58 = arith.constant 0 : i32
      %dma_start3A_59 = tpu.memref_slice %arg5[%add3A_27, %dma_start3A_58] : memref<2048x1024xf32, #tpu.memory_space<hbm>> -> memref<32x1024xf32, #tpu.memory_space<hbm>>
      tpu.enqueue_dma source(%arg8 : memref<32x1024xf32, #tpu.memory_space<vmem>>) target(%dma_start3A_59 : memref<32x1024xf32, #tpu.memory_space<hbm>>) target_semaphore(%run_scoped3A : memref<!tpu.dma_semaphore, #tpu.memory_space<semaphore_mem>>)
      %dma_wait3A_60 = arith.constant 0 : i32
      %dma_wait3A_61 = tpu.memref_slice %arg5[%add3A_27, %dma_wait3A_60] : memref<2048x1024xf32, #tpu.memory_space<hbm>> -> memref<32x1024xf32, #tpu.memory_space<hbm>>
      %dma_wait3A_62 = arith.constant 0 : i32
      %dma_wait3A_63 = tpu.memref_slice %arg5[%add3A_27, %dma_wait3A_62] : memref<2048x1024xf32, #tpu.memory_space<hbm>> -> memref<32x1024xf32, #tpu.memory_space<hbm>>
      tpu.wait_dma2 semaphore(%run_scoped3A : memref<!tpu.dma_semaphore, #tpu.memory_space<semaphore_mem>>) src(%arg8 : memref<32x1024xf32, #tpu.memory_space<vmem>>) dst(%dma_wait3A_63 : memref<32x1024xf32, #tpu.memory_space<hbm>>)
      tpu.yield
    }) : () -> ()
    %dma_start3A_28 = arith.constant 32 : i32
    %dma_start3A_29 = tpu.memref_slice %arg6[%dma_start3A_28] : memref<64xi32, #tpu.memory_space<vmem>> -> memref<32xi32, #tpu.memory_space<vmem>>
    %dma_start3A_30 = arith.constant 0 : i32
    %dma_start3A_31 = arith.constant 0 : i32
    %dma_start3A_32 = tpu.memref_slice %arg2[%dma_start3A_30, %dma_start3A_31] : memref<6144x1024xf32, #tpu.memory_space<hbm>> -> memref<6144x1024xf32, #tpu.memory_space<hbm>>
    tpu.enqueue_indirect_dma source(%dma_start3A_32 : memref<6144x1024xf32, #tpu.memory_space<hbm>>) target(%arg8 : memref<32x1024xf32, #tpu.memory_space<vmem>>) offsets(%dma_start3A_29 : memref<32xi32, #tpu.memory_space<vmem>>) semaphore(%arg10 : memref<!tpu.dma_semaphore, #tpu.memory_space<semaphore_mem>>)
    %dma_start3A_33 = arith.constant 32 : i32
    %dma_start3A_34 = tpu.memref_slice %arg7[%dma_start3A_33] : memref<64xi32, #tpu.memory_space<vmem>> -> memref<32xi32, #tpu.memory_space<vmem>>
    %dma_start3A_35 = arith.constant 0 : i32
    %dma_start3A_36 = arith.constant 0 : i32
    %dma_start3A_37 = tpu.memref_slice %arg2[%dma_start3A_35, %dma_start3A_36] : memref<6144x1024xf32, #tpu.memory_space<hbm>> -> memref<6144x1024xf32, #tpu.memory_space<hbm>>
    tpu.enqueue_indirect_dma source(%dma_start3A_37 : memref<6144x1024xf32, #tpu.memory_space<hbm>>) target(%arg9 : memref<32x1024xf32, #tpu.memory_space<vmem>>) offsets(%dma_start3A_34 : memref<32xi32, #tpu.memory_space<vmem>>) semaphore(%arg10 : memref<!tpu.dma_semaphore, #tpu.memory_space<semaphore_mem>>)
    %dma_wait3A_38 = arith.constant 32 : i32
    %dma_wait3A_39 = tpu.memref_slice %arg6[%dma_wait3A_38] : memref<64xi32, #tpu.memory_space<vmem>> -> memref<32xi32, #tpu.memory_space<vmem>>
    %dma_wait3A_40 = arith.constant 0 : i32
    %dma_wait3A_41 = arith.constant 0 : i32
    %dma_wait3A_42 = tpu.memref_slice %arg2[%dma_wait3A_40, %dma_wait3A_41] : memref<6144x1024xf32, #tpu.memory_space<hbm>> -> memref<6144x1024xf32, #tpu.memory_space<hbm>>
    tpu.wait_indirect_dma semaphore(%arg10 : memref<!tpu.dma_semaphore, #tpu.memory_space<semaphore_mem>>) src(%dma_wait3A_42 : memref<6144x1024xf32, #tpu.memory_space<hbm>>) dst(%arg8 : memref<32x1024xf32, #tpu.memory_space<vmem>>)
    %dma_wait3A_43 = arith.constant 32 : i32
    %dma_wait3A_44 = tpu.memref_slice %arg7[%dma_wait3A_43] : memref<64xi32, #tpu.memory_space<vmem>> -> memref<32xi32, #tpu.memory_space<vmem>>
    %dma_wait3A_45 = arith.constant 0 : i32
    %dma_wait3A_46 = arith.constant 0 : i32
    %dma_wait3A_47 = tpu.memref_slice %arg2[%dma_wait3A_45, %dma_wait3A_46] : memref<6144x1024xf32, #tpu.memory_space<hbm>> -> memref<6144x1024xf32, #tpu.memory_space<hbm>>
    tpu.wait_indirect_dma semaphore(%arg10 : memref<!tpu.dma_semaphore, #tpu.memory_space<semaphore_mem>>) src(%dma_wait3A_47 : memref<6144x1024xf32, #tpu.memory_space<hbm>>) dst(%arg9 : memref<32x1024xf32, #tpu.memory_space<vmem>>)
    %scan3A_48 = arith.constant 0 : i32
    %scan3A_49 = arith.constant 0 : i32
    %scan3A_50 = arith.constant 32 : i32
    %scan3A_51 = arith.addi %scan3A_49, %scan3A_50 : i32
    %scan3A_52 = arith.constant 1 : i32
    scf.for %scan3A_56 = %scan3A_49 to %scan3A_51 step %scan3A_52  : i32 {
      %get3A = arith.index_cast %scan3A_56 : i32 to index
      %get3A_57 = arith.constant 0 : index
      %get3A_58 = tpu.vector_load %arg8[%get3A, %get3A_57] {strides = array<i32>} : memref<32x1024xf32, #tpu.memory_space<vmem>>, vector<1x16xf32>,
      %get3A_59 = vector.shape_cast %get3A_58 : vector<1x16xf32> to vector<16xf32>
      %get3A_60 = arith.index_cast %scan3A_56 : i32 to index
      %get3A_61 = arith.constant 0 : index
      %get3A_62 = tpu.vector_load %arg9[%get3A_60, %get3A_61] {strides = array<i32>} : memref<32x1024xf32, #tpu.memory_space<vmem>>, vector<1x16xf32>,
      %get3A_63 = vector.shape_cast %get3A_62 : vector<1x16xf32> to vector<16xf32>
      %add3A_64 = arith.addf %get3A_59, %get3A_63 : vector<16xf32>
      %swap3A = arith.index_cast %scan3A_56 : i32 to index
      %swap3A_65 = arith.constant 0 : index
      %swap3A_66 = tpu.vector_load %arg8[%swap3A, %swap3A_65] {strides = array<i32>} : memref<32x1024xf32, #tpu.memory_space<vmem>>, vector<1x16xf32>,
      %swap3A_67 = vector.shape_cast %swap3A_66 : vector<1x16xf32> to vector<16xf32>
      %swap3A_68 = vector.shape_cast %add3A_64 : vector<16xf32> to vector<1x16xf32>
      tpu.vector_store %arg8[%swap3A, %swap3A_65], %swap3A_68 {strides = array<i32>} : memref<32x1024xf32, #tpu.memory_space<vmem>>, vector<1x16xf32>,
      %get3A_69 = arith.index_cast %scan3A_56 : i32 to index
      %get3A_70 = arith.constant 16 : index
      %get3A_71 = tpu.vector_load %arg8[%get3A_69, %get3A_70] {strides = array<i32>} : memref<32x1024xf32, #tpu.memory_space<vmem>>, vector<1x16xf32>,
      %get3A_72 = vector.shape_cast %get3A_71 : vector<1x16xf32> to vector<16xf32>
      %get3A_73 = arith.index_cast %scan3A_56 : i32 to index
      %get3A_74 = arith.constant 16 : index
      %get3A_75 = tpu.vector_load %arg9[%get3A_73, %get3A_74] {strides = array<i32>} : memref<32x1024xf32, #tpu.memory_space<vmem>>, vector<1x16xf32>,
      %get3A_76 = vector.shape_cast %get3A_75 : vector<1x16xf32> to vector<16xf32>
      %add3A_77 = arith.addf %get3A_72, %get3A_76 : vector<16xf32>
      %swap3A_78 = arith.index_cast %scan3A_56 : i32 to index
      %swap3A_79 = arith.constant 16 : index
      %swap3A_80 = tpu.vector_load %arg8[%swap3A_78, %swap3A_79] {strides = array<i32>} : memref<32x1024xf32, #tpu.memory_space<vmem>>, vector<1x16xf32>,
      %swap3A_81 = vector.shape_cast %swap3A_80 : vector<1x16xf32> to vector<16xf32>
      %swap3A_82 = vector.shape_cast %add3A_77 : vector<16xf32> to vector<1x16xf32>
      tpu.vector_store %arg8[%swap3A_78, %swap3A_79], %swap3A_82 {strides = array<i32>} : memref<32x1024xf32, #tpu.memory_space<vmem>>, vector<1x16xf32>,
      %get3A_83 = arith.index_cast %scan3A_56 : i32 to index
      %get3A_84 = arith.constant 32 : index
      %get3A_85 = tpu.vector_load %arg8[%get3A_83, %get3A_84] {strides = array<i32>} : memref<32x1024xf32, #tpu.memory_space<vmem>>, vector<1x16xf32>,
      %get3A_86 = vector.shape_cast %get3A_85 : vector<1x16xf32> to vector<16xf32>
      %get3A_87 = arith.index_cast %scan3A_56 : i32 to index
      %get3A_88 = arith.constant 32 : index
      %get3A_89 = tpu.vector_load %arg9[%get3A_87, %get3A_88] {strides = array<i32>} : memref<32x1024xf32, #tpu.memory_space<vmem>>, vector<1x16xf32>,
      %get3A_90 = vector.shape_cast %get3A_89 : vector<1x16xf32> to vector<16xf32>
      %add3A_91 = arith.addf %get3A_86, %get3A_90 : vector<16xf32>
      %swap3A_92 = arith.index_cast %scan3A_56 : i32 to index
      %swap3A_93 = arith.constant 32 : index
      %swap3A_94 = tpu.vector_load %arg8[%swap3A_92, %swap3A_93] {strides = array<i32>} : memref<32x1024xf32, #tpu.memory_space<vmem>>, vector<1x16xf32>,
      %swap3A_95 = vector.shape_cast %swap3A_94 : vector<1x16xf32> to vector<16xf32>
      %swap3A_96 = vector.shape_cast %add3A_91 : vector<16xf32> to vector<1x16xf32>
      tpu.vector_store %arg8[%swap3A_92, %swap3A_93], %swap3A_96 {strides = array<i32>} : memref<32x1024xf32, #tpu.memory_space<vmem>>, vector<1x16xf32>,
      %get3A_97 = arith.index_cast %scan3A_56 : i32 to index
      %get3A_98 = arith.constant 48 : index
      %get3A_99 = tpu.vector_load %arg8[%get3A_97, %get3A_98] {strides = array<i32>} : memref<32x1024xf32, #tpu.memory_space<vmem>>, vector<1x16xf32>,
      %get3A_100 = vector.shape_cast %get3A_99 : vector<1x16xf32> to vector<16xf32>
      %get3A_101 = arith.index_cast %scan3A_56 : i32 to index
      %get3A_102 = arith.constant 48 : index
      %get3A_103 = tpu.vector_load %arg9[%get3A_101, %get3A_102] {strides = array<i32>} : memref<32x1024xf32, #tpu.memory_space<vmem>>, vector<1x16xf32>,
      %get3A_104 = vector.shape_cast %get3A_103 : vector<1x16xf32> to vector<16xf32>
      %add3A_105 = arith.addf %get3A_100, %get3A_104 : vector<16xf32>
      %swap3A_106 = arith.index_cast %scan3A_56 : i32 to index
      %swap3A_107 = arith.constant 48 : index
      %swap3A_108 = tpu.vector_load %arg8[%swap3A_106, %swap3A_107] {strides = array<i32>} : memref<32x1024xf32, #tpu.memory_space<vmem>>, vector<1x16xf32>,
      %swap3A_109 = vector.shape_cast %swap3A_108 : vector<1x16xf32> to vector<16xf32>
      %swap3A_110 = vector.shape_cast %add3A_105 : vector<16xf32> to vector<1x16xf32>
      tpu.vector_store %arg8[%swap3A_106, %swap3A_107], %swap3A_110 {strides = array<i32>} : memref<32x1024xf32, #tpu.memory_space<vmem>>, vector<1x16xf32>,
      %get3A_111 = arith.index_cast %scan3A_56 : i32 to index
      %get3A_112 = arith.constant 64 : index
      %get3A_113 = tpu.vector_load %arg8[%get3A_111, %get3A_112] {strides = array<i32>} : memref<32x1024xf32, #tpu.memory_space<vmem>>, vector<1x16xf32>,
      %get3A_114 = vector.shape_cast %get3A_113 : vector<1x16xf32> to vector<16xf32>
      %get3A_115 = arith.index_cast %scan3A_56 : i32 to index
      %get3A_116 = arith.constant 64 : index
      %get3A_117 = tpu.vector_load %arg9[%get3A_115, %get3A_116] {strides = array<i32>} : memref<32x1024xf32, #tpu.memory_space<vmem>>, vector<1x16xf32>,
      %get3A_118 = vector.shape_cast %get3A_117 : vector<1x16xf32> to vector<16xf32>
      %add3A_119 = arith.addf %get3A_114, %get3A_118 : vector<16xf32>
      %swap3A_120 = arith.index_cast %scan3A_56 : i32 to index
      %swap3A_121 = arith.constant 64 : index
      %swap3A_122 = tpu.vector_load %arg8[%swap3A_120, %swap3A_121] {strides = array<i32>} : memref<32x1024xf32, #tpu.memory_space<vmem>>, vector<1x16xf32>,
      %swap3A_123 = vector.shape_cast %swap3A_122 : vector<1x16xf32> to vector<16xf32>
      %swap3A_124 = vector.shape_cast %add3A_119 : vector<16xf32> to vector<1x16xf32>
      tpu.vector_store %arg8[%swap3A_120, %swap3A_121], %swap3A_124 {strides = array<i32>} : memref<32x1024xf32, #tpu.memory_space<vmem>>, vector<1x16xf32>,
      %get3A_125 = arith.index_cast %scan3A_56 : i32 to index
      %get3A_126 = arith.constant 80 : index
      %get3A_127 = tpu.vector_load %arg8[%get3A_125, %get3A_126] {strides = array<i32>} : memref<32x1024xf32, #tpu.memory_space<vmem>>, vector<1x16xf32>,
      %get3A_128 = vector.shape_cast %get3A_127 : vector<1x16xf32> to vector<16xf32>
      %get3A_129 = arith.index_cast %scan3A_56 : i32 to index
      %get3A_130 = arith.constant 80 : index
      %get3A_131 = tpu.vector_load %arg9[%get3A_129, %get3A_130] {strides = array<i32>} : memref<32x1024xf32, #tpu.memory_space<vmem>>, vector<1x16xf32>,
      %get3A_132 = vector.shape_cast %get3A_131 : vector<1x16xf32> to vector<16xf32>
      %add3A_133 = arith.addf %get3A_128, %get3A_132 : vector<16xf32>
      %swap3A_134 = arith.index_cast %scan3A_56 : i32 to index
      %swap3A_135 = arith.constant 80 : index
      %swap3A_136 = tpu.vector_load %arg8[%swap3A_134, %swap3A_135] {strides = array<i32>} : memref<32x1024xf32, #tpu.memory_space<vmem>>, vector<1x16xf32>,
      %swap3A_137 = vector.shape_cast %swap3A_136 : vector<1x16xf32> to vector<16xf32>
      %swap3A_138 = vector.shape_cast %add3A_133 : vector<16xf32> to vector<1x16xf32>
      tpu.vector_store %arg8[%swap3A_134, %swap3A_135], %swap3A_138 {strides = array<i32>} : memref<32x1024xf32, #tpu.memory_space<vmem>>, vector<1x16xf32>,
      %get3A_139 = arith.index_cast %scan3A_56 : i32 to index
      %get3A_140 = arith.constant 96 : index
      %get3A_141 = tpu.vector_load %arg8[%get3A_139, %get3A_140] {strides = array<i32>} : memref<32x1024xf32, #tpu.memory_space<vmem>>, vector<1x16xf32>,
      %get3A_142 = vector.shape_cast %get3A_141 : vector<1x16xf32> to vector<16xf32>
      %get3A_143 = arith.index_cast %scan3A_56 : i32 to index
      %get3A_144 = arith.constant 96 : index
      %get3A_145 = tpu.vector_load %arg9[%get3A_143, %get3A_144] {strides = array<i32>} : memref<32x1024xf32, #tpu.memory_space<vmem>>, vector<1x16xf32>,
      %get3A_146 = vector.shape_cast %get3A_145 : vector<1x16xf32> to vector<16xf32>
      %add3A_147 = arith.addf %get3A_142, %get3A_146 : vector<16xf32>
      %swap3A_148 = arith.index_cast %scan3A_56 : i32 to index
      %swap3A_149 = arith.constant 96 : index
      %swap3A_150 = tpu.vector_load %arg8[%swap3A_148, %swap3A_149] {strides = array<i32>} : memref<32x1024xf32, #tpu.memory_space<vmem>>, vector<1x16xf32>,
      %swap3A_151 = vector.shape_cast %swap3A_150 : vector<1x16xf32> to vector<16xf32>
      %swap3A_152 = vector.shape_cast %add3A_147 : vector<16xf32> to vector<1x16xf32>
      tpu.vector_store %arg8[%swap3A_148, %swap3A_149], %swap3A_152 {strides = array<i32>} : memref<32x1024xf32, #tpu.memory_space<vmem>>, vector<1x16xf32>,
      %get3A_153 = arith.index_cast %scan3A_56 : i32 to index
      %get3A_154 = arith.constant 112 : index
      %get3A_155 = tpu.vector_load %arg8[%get3A_153, %get3A_154] {strides = array<i32>} : memref<32x1024xf32, #tpu.memory_space<vmem>>, vector<1x16xf32>,
      %get3A_156 = vector.shape_cast %get3A_155 : vector<1x16xf32> to vector<16xf32>
      %get3A_157 = arith.index_cast %scan3A_56 : i32 to index
      %get3A_158 = arith.constant 112 : index
      %get3A_159 = tpu.vector_load %arg9[%get3A_157, %get3A_158] {strides = array<i32>} : memref<32x1024xf32, #tpu.memory_space<vmem>>, vector<1x16xf32>,
      %get3A_160 = vector.shape_cast %get3A_159 : vector<1x16xf32> to vector<16xf32>
      %add3A_161 = arith.addf %get3A_156, %get3A_160 : vector<16xf32>
      %swap3A_162 = arith.index_cast %scan3A_56 : i32 to index
      %swap3A_163 = arith.constant 112 : index
      %swap3A_164 = tpu.vector_load %arg8[%swap3A_162, %swap3A_163] {strides = array<i32>} : memref<32x1024xf32, #tpu.memory_space<vmem>>, vector<1x16xf32>,
      %swap3A_165 = vector.shape_cast %swap3A_164 : vector<1x16xf32> to vector<16xf32>
      %swap3A_166 = vector.shape_cast %add3A_161 : vector<16xf32> to vector<1x16xf32>
      tpu.vector_store %arg8[%swap3A_162, %swap3A_163], %swap3A_166 {strides = array<i32>} : memref<32x1024xf32, #tpu.memory_space<vmem>>, vector<1x16xf32>,
      %get3A_167 = arith.index_cast %scan3A_56 : i32 to index
      %get3A_168 = arith.constant 128 : index
      %get3A_169 = tpu.vector_load %arg8[%get3A_167, %get3A_168] {strides = array<i32>} : memref<32x1024xf32, #tpu.memory_space<vmem>>, vector<1x16xf32>,
      %get3A_170 = vector.shape_cast %get3A_169 : vector<1x16xf32> to vector<16xf32>
      %get3A_171 = arith.index_cast %scan3A_56 : i32 to index
      %get3A_172 = arith.constant 128 : index
      %get3A_173 = tpu.vector_load %arg9[%get3A_171, %get3A_172] {strides = array<i32>} : memref<32x1024xf32, #tpu.memory_space<vmem>>, vector<1x16xf32>,
      %get3A_174 = vector.shape_cast %get3A_173 : vector<1x16xf32> to vector<16xf32>
      %add3A_175 = arith.addf %get3A_170, %get3A_174 : vector<16xf32>
      %swap3A_176 = arith.index_cast %scan3A_56 : i32 to index
      %swap3A_177 = arith.constant 128 : index
      %swap3A_178 = tpu.vector_load %arg8[%swap3A_176, %swap3A_177] {strides = array<i32>} : memref<32x1024xf32, #tpu.memory_space<vmem>>, vector<1x16xf32>,
      %swap3A_179 = vector.shape_cast %swap3A_178 : vector<1x16xf32> to vector<16xf32>
      %swap3A_180 = vector.shape_cast %add3A_175 : vector<16xf32> to vector<1x16xf32>
      tpu.vector_store %arg8[%swap3A_176, %swap3A_177], %swap3A_180 {strides = array<i32>} : memref<32x1024xf32, #tpu.memory_space<vmem>>, vector<1x16xf32>,
      %get3A_181 = arith.index_cast %scan3A_56 : i32 to index
      %get3A_182 = arith.constant 144 : index
      %get3A_183 = tpu.vector_load %arg8[%get3A_181, %get3A_182] {strides = array<i32>} : memref<32x1024xf32, #tpu.memory_space<vmem>>, vector<1x16xf32>,
      %get3A_184 = vector.shape_cast %get3A_183 : vector<1x16xf32> to vector<16xf32>
      %get3A_185 = arith.index_cast %scan3A_56 : i32 to index
      %get3A_186 = arith.constant 144 : index
      %get3A_187 = tpu.vector_load %arg9[%get3A_185, %get3A_186] {strides = array<i32>} : memref<32x1024xf32, #tpu.memory_space<vmem>>, vector<1x16xf32>,
      %get3A_188 = vector.shape_cast %get3A_187 : vector<1x16xf32> to vector<16xf32>
      %add3A_189 = arith.addf %get3A_184, %get3A_188 : vector<16xf32>
      %swap3A_190 = arith.index_cast %scan3A_56 : i32 to index
      %swap3A_191 = arith.constant 144 : index
      %swap3A_192 = tpu.vector_load %arg8[%swap3A_190, %swap3A_191] {strides = array<i32>} : memref<32x1024xf32, #tpu.memory_space<vmem>>, vector<1x16xf32>,
      %swap3A_193 = vector.shape_cast %swap3A_192 : vector<1x16xf32> to vector<16xf32>
      %swap3A_194 = vector.shape_cast %add3A_189 : vector<16xf32> to vector<1x16xf32>
      tpu.vector_store %arg8[%swap3A_190, %swap3A_191], %swap3A_194 {strides = array<i32>} : memref<32x1024xf32, #tpu.memory_space<vmem>>, vector<1x16xf32>,
      %get3A_195 = arith.index_cast %scan3A_56 : i32 to index
      %get3A_196 = arith.constant 160 : index
      %get3A_197 = tpu.vector_load %arg8[%get3A_195, %get3A_196] {strides = array<i32>} : memref<32x1024xf32, #tpu.memory_space<vmem>>, vector<1x16xf32>,
      %get3A_198 = vector.shape_cast %get3A_197 : vector<1x16xf32> to vector<16xf32>
      %get3A_199 = arith.index_cast %scan3A_56 : i32 to index
      %get3A_200 = arith.constant 160 : index
      %get3A_201 = tpu.vector_load %arg9[%get3A_199, %get3A_200] {strides = array<i32>} : memref<32x1024xf32, #tpu.memory_space<vmem>>, vector<1x16xf32>,
      %get3A_202 = vector.shape_cast %get3A_201 : vector<1x16xf32> to vector<16xf32>
      %add3A_203 = arith.addf %get3A_198, %get3A_202 : vector<16xf32>
      %swap3A_204 = arith.index_cast %scan3A_56 : i32 to index
      %swap3A_205 = arith.constant 160 : index
      %swap3A_206 = tpu.vector_load %arg8[%swap3A_204, %swap3A_205] {strides = array<i32>} : memref<32x1024xf32, #tpu.memory_space<vmem>>, vector<1x16xf32>,
      %swap3A_207 = vector.shape_cast %swap3A_206 : vector<1x16xf32> to vector<16xf32>
      %swap3A_208 = vector.shape_cast %add3A_203 : vector<16xf32> to vector<1x16xf32>
      tpu.vector_store %arg8[%swap3A_204, %swap3A_205], %swap3A_208 {strides = array<i32>} : memref<32x1024xf32, #tpu.memory_space<vmem>>, vector<1x16xf32>,
      %get3A_209 = arith.index_cast %scan3A_56 : i32 to index
      %get3A_210 = arith.constant 176 : index
      %get3A_211 = tpu.vector_load %arg8[%get3A_209, %get3A_210] {strides = array<i32>} : memref<32x1024xf32, #tpu.memory_space<vmem>>, vector<1x16xf32>,
      %get3A_212 = vector.shape_cast %get3A_211 : vector<1x16xf32> to vector<16xf32>
      %get3A_213 = arith.index_cast %scan3A_56 : i32 to index
      %get3A_214 = arith.constant 176 : index
      %get3A_215 = tpu.vector_load %arg9[%get3A_213, %get3A_214] {strides = array<i32>} : memref<32x1024xf32, #tpu.memory_space<vmem>>, vector<1x16xf32>,
      %get3A_216 = vector.shape_cast %get3A_215 : vector<1x16xf32> to vector<16xf32>
      %add3A_217 = arith.addf %get3A_212, %get3A_216 : vector<16xf32>
      %swap3A_218 = arith.index_cast %scan3A_56 : i32 to index
      %swap3A_219 = arith.constant 176 : index
      %swap3A_220 = tpu.vector_load %arg8[%swap3A_218, %swap3A_219] {strides = array<i32>} : memref<32x1024xf32, #tpu.memory_space<vmem>>, vector<1x16xf32>,
      %swap3A_221 = vector.shape_cast %swap3A_220 : vector<1x16xf32> to vector<16xf32>
      %swap3A_222 = vector.shape_cast %add3A_217 : vector<16xf32> to vector<1x16xf32>
      tpu.vector_store %arg8[%swap3A_218, %swap3A_219], %swap3A_222 {strides = array<i32>} : memref<32x1024xf32, #tpu.memory_space<vmem>>, vector<1x16xf32>,
      %get3A_223 = arith.index_cast %scan3A_56 : i32 to index
      %get3A_224 = arith.constant 192 : index
      %get3A_225 = tpu.vector_load %arg8[%get3A_223, %get3A_224] {strides = array<i32>} : memref<32x1024xf32, #tpu.memory_space<vmem>>, vector<1x16xf32>,
      %get3A_226 = vector.shape_cast %get3A_225 : vector<1x16xf32> to vector<16xf32>
      %get3A_227 = arith.index_cast %scan3A_56 : i32 to index
      %get3A_228 = arith.constant 192 : index
      %get3A_229 = tpu.vector_load %arg9[%get3A_227, %get3A_228] {strides = array<i32>} : memref<32x1024xf32, #tpu.memory_space<vmem>>, vector<1x16xf32>,
      %get3A_230 = vector.shape_cast %get3A_229 : vector<1x16xf32> to vector<16xf32>
      %add3A_231 = arith.addf %get3A_226, %get3A_230 : vector<16xf32>
      %swap3A_232 = arith.index_cast %scan3A_56 : i32 to index
      %swap3A_233 = arith.constant 192 : index
      %swap3A_234 = tpu.vector_load %arg8[%swap3A_232, %swap3A_233] {strides = array<i32>} : memref<32x1024xf32, #tpu.memory_space<vmem>>, vector<1x16xf32>,
      %swap3A_235 = vector.shape_cast %swap3A_234 : vector<1x16xf32> to vector<16xf32>
      %swap3A_236 = vector.shape_cast %add3A_231 : vector<16xf32> to vector<1x16xf32>
      tpu.vector_store %arg8[%swap3A_232, %swap3A_233], %swap3A_236 {strides = array<i32>} : memref<32x1024xf32, #tpu.memory_space<vmem>>, vector<1x16xf32>,
      %get3A_237 = arith.index_cast %scan3A_56 : i32 to index
      %get3A_238 = arith.constant 208 : index
      %get3A_239 = tpu.vector_load %arg8[%get3A_237, %get3A_238] {strides = array<i32>} : memref<32x1024xf32, #tpu.memory_space<vmem>>, vector<1x16xf32>,
      %get3A_240 = vector.shape_cast %get3A_239 : vector<1x16xf32> to vector<16xf32>
      %get3A_241 = arith.index_cast %scan3A_56 : i32 to index
      %get3A_242 = arith.constant 208 : index
      %get3A_243 = tpu.vector_load %arg9[%get3A_241, %get3A_242] {strides = array<i32>} : memref<32x1024xf32, #tpu.memory_space<vmem>>, vector<1x16xf32>,
      %get3A_244 = vector.shape_cast %get3A_243 : vector<1x16xf32> to vector<16xf32>
      %add3A_245 = arith.addf %get3A_240, %get3A_244 : vector<16xf32>
      %swap3A_246 = arith.index_cast %scan3A_56 : i32 to index
      %swap3A_247 = arith.constant 208 : index
      %swap3A_248 = tpu.vector_load %arg8[%swap3A_246, %swap3A_247] {strides = array<i32>} : memref<32x1024xf32, #tpu.memory_space<vmem>>, vector<1x16xf32>,
      %swap3A_249 = vector.shape_cast %swap3A_248 : vector<1x16xf32> to vector<16xf32>
      %swap3A_250 = vector.shape_cast %add3A_245 : vector<16xf32> to vector<1x16xf32>
      tpu.vector_store %arg8[%swap3A_246, %swap3A_247], %swap3A_250 {strides = array<i32>} : memref<32x1024xf32, #tpu.memory_space<vmem>>, vector<1x16xf32>,
      %get3A_251 = arith.index_cast %scan3A_56 : i32 to index
      %get3A_252 = arith.constant 224 : index
      %get3A_253 = tpu.vector_load %arg8[%get3A_251, %get3A_252] {strides = array<i32>} : memref<32x1024xf32, #tpu.memory_space<vmem>>, vector<1x16xf32>,
      %get3A_254 = vector.shape_cast %get3A_253 : vector<1x16xf32> to vector<16xf32>
      %get3A_255 = arith.index_cast %scan3A_56 : i32 to index
      %get3A_256 = arith.constant 224 : index
      %get3A_257 = tpu.vector_load %arg9[%get3A_255, %get3A_256] {strides = array<i32>} : memref<32x1024xf32, #tpu.memory_space<vmem>>, vector<1x16xf32>,
      %get3A_258 = vector.shape_cast %get3A_257 : vector<1x16xf32> to vector<16xf32>
      %add3A_259 = arith.addf %get3A_254, %get3A_258 : vector<16xf32>
      %swap3A_260 = arith.index_cast %scan3A_56 : i32 to index
      %swap3A_261 = arith.constant 224 : index
      %swap3A_262 = tpu.vector_load %arg8[%swap3A_260, %swap3A_261] {strides = array<i32>} : memref<32x1024xf32, #tpu.memory_space<vmem>>, vector<1x16xf32>,
      %swap3A_263 = vector.shape_cast %swap3A_262 : vector<1x16xf32> to vector<16xf32>
      %swap3A_264 = vector.shape_cast %add3A_259 : vector<16xf32> to vector<1x16xf32>
      tpu.vector_store %arg8[%swap3A_260, %swap3A_261], %swap3A_264 {strides = array<i32>} : memref<32x1024xf32, #tpu.memory_space<vmem>>, vector<1x16xf32>,
      %get3A_265 = arith.index_cast %scan3A_56 : i32 to index
      %get3A_266 = arith.constant 240 : index
      %get3A_267 = tpu.vector_load %arg8[%get3A_265, %get3A_266] {strides = array<i32>} : memref<32x1024xf32, #tpu.memory_space<vmem>>, vector<1x16xf32>,
      %get3A_268 = vector.shape_cast %get3A_267 : vector<1x16xf32> to vector<16xf32>
      %get3A_269 = arith.index_cast %scan3A_56 : i32 to index
      %get3A_270 = arith.constant 240 : index
      %get3A_271 = tpu.vector_load %arg9[%get3A_269, %get3A_270] {strides = array<i32>} : memref<32x1024xf32, #tpu.memory_space<vmem>>, vector<1x16xf32>,
      %get3A_272 = vector.shape_cast %get3A_271 : vector<1x16xf32> to vector<16xf32>
      %add3A_273 = arith.addf %get3A_268, %get3A_272 : vector<16xf32>
      %swap3A_274 = arith.index_cast %scan3A_56 : i32 to index
      %swap3A_275 = arith.constant 240 : index
      %swap3A_276 = tpu.vector_load %arg8[%swap3A_274, %swap3A_275] {strides = array<i32>} : memref<32x1024xf32, #tpu.memory_space<vmem>>, vector<1x16xf32>,
      %swap3A_277 = vector.shape_cast %swap3A_276 : vector<1x16xf32> to vector<16xf32>
      %swap3A_278 = vector.shape_cast %add3A_273 : vector<16xf32> to vector<1x16xf32>
      tpu.vector_store %arg8[%swap3A_274, %swap3A_275], %swap3A_278 {strides = array<i32>} : memref<32x1024xf32, #tpu.memory_space<vmem>>, vector<1x16xf32>,
      %get3A_279 = arith.index_cast %scan3A_56 : i32 to index
      %get3A_280 = arith.constant 256 : index
      %get3A_281 = tpu.vector_load %arg8[%get3A_279, %get3A_280] {strides = array<i32>} : memref<32x1024xf32, #tpu.memory_space<vmem>>, vector<1x16xf32>,
      %get3A_282 = vector.shape_cast %get3A_281 : vector<1x16xf32> to vector<16xf32>
      %get3A_283 = arith.index_cast %scan3A_56 : i32 to index
      %get3A_284 = arith.constant 256 : index
      %get3A_285 = tpu.vector_load %arg9[%get3A_283, %get3A_284] {strides = array<i32>} : memref<32x1024xf32, #tpu.memory_space<vmem>>, vector<1x16xf32>,
      %get3A_286 = vector.shape_cast %get3A_285 : vector<1x16xf32> to vector<16xf32>
      %add3A_287 = arith.addf %get3A_282, %get3A_286 : vector<16xf32>
      %swap3A_288 = arith.index_cast %scan3A_56 : i32 to index
      %swap3A_289 = arith.constant 256 : index
      %swap3A_290 = tpu.vector_load %arg8[%swap3A_288, %swap3A_289] {strides = array<i32>} : memref<32x1024xf32, #tpu.memory_space<vmem>>, vector<1x16xf32>,
      %swap3A_291 = vector.shape_cast %swap3A_290 : vector<1x16xf32> to vector<16xf32>
      %swap3A_292 = vector.shape_cast %add3A_287 : vector<16xf32> to vector<1x16xf32>
      tpu.vector_store %arg8[%swap3A_288, %swap3A_289], %swap3A_292 {strides = array<i32>} : memref<32x1024xf32, #tpu.memory_space<vmem>>, vector<1x16xf32>,
      %get3A_293 = arith.index_cast %scan3A_56 : i32 to index
      %get3A_294 = arith.constant 272 : index
      %get3A_295 = tpu.vector_load %arg8[%get3A_293, %get3A_294] {strides = array<i32>} : memref<32x1024xf32, #tpu.memory_space<vmem>>, vector<1x16xf32>,
      %get3A_296 = vector.shape_cast %get3A_295 : vector<1x16xf32> to vector<16xf32>
      %get3A_297 = arith.index_cast %scan3A_56 : i32 to index
      %get3A_298 = arith.constant 272 : index
      %get3A_299 = tpu.vector_load %arg9[%get3A_297, %get3A_298] {strides = array<i32>} : memref<32x1024xf32, #tpu.memory_space<vmem>>, vector<1x16xf32>,
      %get3A_300 = vector.shape_cast %get3A_299 : vector<1x16xf32> to vector<16xf32>
      %add3A_301 = arith.addf %get3A_296, %get3A_300 : vector<16xf32>
      %swap3A_302 = arith.index_cast %scan3A_56 : i32 to index
      %swap3A_303 = arith.constant 272 : index
      %swap3A_304 = tpu.vector_load %arg8[%swap3A_302, %swap3A_303] {strides = array<i32>} : memref<32x1024xf32, #tpu.memory_space<vmem>>, vector<1x16xf32>,
      %swap3A_305 = vector.shape_cast %swap3A_304 : vector<1x16xf32> to vector<16xf32>
      %swap3A_306 = vector.shape_cast %add3A_301 : vector<16xf32> to vector<1x16xf32>
      tpu.vector_store %arg8[%swap3A_302, %swap3A_303], %swap3A_306 {strides = array<i32>} : memref<32x1024xf32, #tpu.memory_space<vmem>>, vector<1x16xf32>,
      %get3A_307 = arith.index_cast %scan3A_56 : i32 to index
      %get3A_308 = arith.constant 288 : index
      %get3A_309 = tpu.vector_load %arg8[%get3A_307, %get3A_308] {strides = array<i32>} : memref<32x1024xf32, #tpu.memory_space<vmem>>, vector<1x16xf32>,
      %get3A_310 = vector.shape_cast %get3A_309 : vector<1x16xf32> to vector<16xf32>
      %get3A_311 = arith.index_cast %scan3A_56 : i32 to index
      %get3A_312 = arith.constant 288 : index
      %get3A_313 = tpu.vector_load %arg9[%get3A_311, %get3A_312] {strides = array<i32>} : memref<32x1024xf32, #tpu.memory_space<vmem>>, vector<1x16xf32>,
      %get3A_314 = vector.shape_cast %get3A_313 : vector<1x16xf32> to vector<16xf32>
      %add3A_315 = arith.addf %get3A_310, %get3A_314 : vector<16xf32>
      %swap3A_316 = arith.index_cast %scan3A_56 : i32 to index
      %swap3A_317 = arith.constant 288 : index
      %swap3A_318 = tpu.vector_load %arg8[%swap3A_316, %swap3A_317] {strides = array<i32>} : memref<32x1024xf32, #tpu.memory_space<vmem>>, vector<1x16xf32>,
      %swap3A_319 = vector.shape_cast %swap3A_318 : vector<1x16xf32> to vector<16xf32>
      %swap3A_320 = vector.shape_cast %add3A_315 : vector<16xf32> to vector<1x16xf32>
      tpu.vector_store %arg8[%swap3A_316, %swap3A_317], %swap3A_320 {strides = array<i32>} : memref<32x1024xf32, #tpu.memory_space<vmem>>, vector<1x16xf32>,
      %get3A_321 = arith.index_cast %scan3A_56 : i32 to index
      %get3A_322 = arith.constant 304 : index
      %get3A_323 = tpu.vector_load %arg8[%get3A_321, %get3A_322] {strides = array<i32>} : memref<32x1024xf32, #tpu.memory_space<vmem>>, vector<1x16xf32>,
      %get3A_324 = vector.shape_cast %get3A_323 : vector<1x16xf32> to vector<16xf32>
      %get3A_325 = arith.index_cast %scan3A_56 : i32 to index
      %get3A_326 = arith.constant 304 : index
      %get3A_327 = tpu.vector_load %arg9[%get3A_325, %get3A_326] {strides = array<i32>} : memref<32x1024xf32, #tpu.memory_space<vmem>>, vector<1x16xf32>,
      %get3A_328 = vector.shape_cast %get3A_327 : vector<1x16xf32> to vector<16xf32>
      %add3A_329 = arith.addf %get3A_324, %get3A_328 : vector<16xf32>
      %swap3A_330 = arith.index_cast %scan3A_56 : i32 to index
      %swap3A_331 = arith.constant 304 : index
      %swap3A_332 = tpu.vector_load %arg8[%swap3A_330, %swap3A_331] {strides = array<i32>} : memref<32x1024xf32, #tpu.memory_space<vmem>>, vector<1x16xf32>,
      %swap3A_333 = vector.shape_cast %swap3A_332 : vector<1x16xf32> to vector<16xf32>
      %swap3A_334 = vector.shape_cast %add3A_329 : vector<16xf32> to vector<1x16xf32>
      tpu.vector_store %arg8[%swap3A_330, %swap3A_331], %swap3A_334 {strides = array<i32>} : memref<32x1024xf32, #tpu.memory_space<vmem>>, vector<1x16xf32>,
      %get3A_335 = arith.index_cast %scan3A_56 : i32 to index
      %get3A_336 = arith.constant 320 : index
      %get3A_337 = tpu.vector_load %arg8[%get3A_335, %get3A_336] {strides = array<i32>} : memref<32x1024xf32, #tpu.memory_space<vmem>>, vector<1x16xf32>,
      %get3A_338 = vector.shape_cast %get3A_337 : vector<1x16xf32> to vector<16xf32>
      %get3A_339 = arith.index_cast %scan3A_56 : i32 to index
      %get3A_340 = arith.constant 320 : index
      %get3A_341 = tpu.vector_load %arg9[%get3A_339, %get3A_340] {strides = array<i32>} : memref<32x1024xf32, #tpu.memory_space<vmem>>, vector<1x16xf32>,
      %get3A_342 = vector.shape_cast %get3A_341 : vector<1x16xf32> to vector<16xf32>
      %add3A_343 = arith.addf %get3A_338, %get3A_342 : vector<16xf32>
      %swap3A_344 = arith.index_cast %scan3A_56 : i32 to index
      %swap3A_345 = arith.constant 320 : index
      %swap3A_346 = tpu.vector_load %arg8[%swap3A_344, %swap3A_345] {strides = array<i32>} : memref<32x1024xf32, #tpu.memory_space<vmem>>, vector<1x16xf32>,
      %swap3A_347 = vector.shape_cast %swap3A_346 : vector<1x16xf32> to vector<16xf32>
      %swap3A_348 = vector.shape_cast %add3A_343 : vector<16xf32> to vector<1x16xf32>
      tpu.vector_store %arg8[%swap3A_344, %swap3A_345], %swap3A_348 {strides = array<i32>} : memref<32x1024xf32, #tpu.memory_space<vmem>>, vector<1x16xf32>,
      %get3A_349 = arith.index_cast %scan3A_56 : i32 to index
      %get3A_350 = arith.constant 336 : index
      %get3A_351 = tpu.vector_load %arg8[%get3A_349, %get3A_350] {strides = array<i32>} : memref<32x1024xf32, #tpu.memory_space<vmem>>, vector<1x16xf32>,
      %get3A_352 = vector.shape_cast %get3A_351 : vector<1x16xf32> to vector<16xf32>
      %get3A_353 = arith.index_cast %scan3A_56 : i32 to index
      %get3A_354 = arith.constant 336 : index
      %get3A_355 = tpu.vector_load %arg9[%get3A_353, %get3A_354] {strides = array<i32>} : memref<32x1024xf32, #tpu.memory_space<vmem>>, vector<1x16xf32>,
      %get3A_356 = vector.shape_cast %get3A_355 : vector<1x16xf32> to vector<16xf32>
      %add3A_357 = arith.addf %get3A_352, %get3A_356 : vector<16xf32>
      %swap3A_358 = arith.index_cast %scan3A_56 : i32 to index
      %swap3A_359 = arith.constant 336 : index
      %swap3A_360 = tpu.vector_load %arg8[%swap3A_358, %swap3A_359] {strides = array<i32>} : memref<32x1024xf32, #tpu.memory_space<vmem>>, vector<1x16xf32>,
      %swap3A_361 = vector.shape_cast %swap3A_360 : vector<1x16xf32> to vector<16xf32>
      %swap3A_362 = vector.shape_cast %add3A_357 : vector<16xf32> to vector<1x16xf32>
      tpu.vector_store %arg8[%swap3A_358, %swap3A_359], %swap3A_362 {strides = array<i32>} : memref<32x1024xf32, #tpu.memory_space<vmem>>, vector<1x16xf32>,
      %get3A_363 = arith.index_cast %scan3A_56 : i32 to index
      %get3A_364 = arith.constant 352 : index
      %get3A_365 = tpu.vector_load %arg8[%get3A_363, %get3A_364] {strides = array<i32>} : memref<32x1024xf32, #tpu.memory_space<vmem>>, vector<1x16xf32>,
      %get3A_366 = vector.shape_cast %get3A_365 : vector<1x16xf32> to vector<16xf32>
      %get3A_367 = arith.index_cast %scan3A_56 : i32 to index
      %get3A_368 = arith.constant 352 : index
      %get3A_369 = tpu.vector_load %arg9[%get3A_367, %get3A_368] {strides = array<i32>} : memref<32x1024xf32, #tpu.memory_space<vmem>>, vector<1x16xf32>,
      %get3A_370 = vector.shape_cast %get3A_369 : vector<1x16xf32> to vector<16xf32>
      %add3A_371 = arith.addf %get3A_366, %get3A_370 : vector<16xf32>
      %swap3A_372 = arith.index_cast %scan3A_56 : i32 to index
      %swap3A_373 = arith.constant 352 : index
      %swap3A_374 = tpu.vector_load %arg8[%swap3A_372, %swap3A_373] {strides = array<i32>} : memref<32x1024xf32, #tpu.memory_space<vmem>>, vector<1x16xf32>,
      %swap3A_375 = vector.shape_cast %swap3A_374 : vector<1x16xf32> to vector<16xf32>
      %swap3A_376 = vector.shape_cast %add3A_371 : vector<16xf32> to vector<1x16xf32>
      tpu.vector_store %arg8[%swap3A_372, %swap3A_373], %swap3A_376 {strides = array<i32>} : memref<32x1024xf32, #tpu.memory_space<vmem>>, vector<1x16xf32>,
      %get3A_377 = arith.index_cast %scan3A_56 : i32 to index
      %get3A_378 = arith.constant 368 : index
      %get3A_379 = tpu.vector_load %arg8[%get3A_377, %get3A_378] {strides = array<i32>} : memref<32x1024xf32, #tpu.memory_space<vmem>>, vector<1x16xf32>,
      %get3A_380 = vector.shape_cast %get3A_379 : vector<1x16xf32> to vector<16xf32>
      %get3A_381 = arith.index_cast %scan3A_56 : i32 to index
      %get3A_382 = arith.constant 368 : index
      %get3A_383 = tpu.vector_load %arg9[%get3A_381, %get3A_382] {strides = array<i32>} : memref<32x1024xf32, #tpu.memory_space<vmem>>, vector<1x16xf32>,
      %get3A_384 = vector.shape_cast %get3A_383 : vector<1x16xf32> to vector<16xf32>
      %add3A_385 = arith.addf %get3A_380, %get3A_384 : vector<16xf32>
      %swap3A_386 = arith.index_cast %scan3A_56 : i32 to index
      %swap3A_387 = arith.constant 368 : index
      %swap3A_388 = tpu.vector_load %arg8[%swap3A_386, %swap3A_387] {strides = array<i32>} : memref<32x1024xf32, #tpu.memory_space<vmem>>, vector<1x16xf32>,
      %swap3A_389 = vector.shape_cast %swap3A_388 : vector<1x16xf32> to vector<16xf32>
      %swap3A_390 = vector.shape_cast %add3A_385 : vector<16xf32> to vector<1x16xf32>
      tpu.vector_store %arg8[%swap3A_386, %swap3A_387], %swap3A_390 {strides = array<i32>} : memref<32x1024xf32, #tpu.memory_space<vmem>>, vector<1x16xf32>,
      %get3A_391 = arith.index_cast %scan3A_56 : i32 to index
      %get3A_392 = arith.constant 384 : index
      %get3A_393 = tpu.vector_load %arg8[%get3A_391, %get3A_392] {strides = array<i32>} : memref<32x1024xf32, #tpu.memory_space<vmem>>, vector<1x16xf32>,
      %get3A_394 = vector.shape_cast %get3A_393 : vector<1x16xf32> to vector<16xf32>
      %get3A_395 = arith.index_cast %scan3A_56 : i32 to index
      %get3A_396 = arith.constant 384 : index
      %get3A_397 = tpu.vector_load %arg9[%get3A_395, %get3A_396] {strides = array<i32>} : memref<32x1024xf32, #tpu.memory_space<vmem>>, vector<1x16xf32>,
      %get3A_398 = vector.shape_cast %get3A_397 : vector<1x16xf32> to vector<16xf32>
      %add3A_399 = arith.addf %get3A_394, %get3A_398 : vector<16xf32>
      %swap3A_400 = arith.index_cast %scan3A_56 : i32 to index
      %swap3A_401 = arith.constant 384 : index
      %swap3A_402 = tpu.vector_load %arg8[%swap3A_400, %swap3A_401] {strides = array<i32>} : memref<32x1024xf32, #tpu.memory_space<vmem>>, vector<1x16xf32>,
      %swap3A_403 = vector.shape_cast %swap3A_402 : vector<1x16xf32> to vector<16xf32>
      %swap3A_404 = vector.shape_cast %add3A_399 : vector<16xf32> to vector<1x16xf32>
      tpu.vector_store %arg8[%swap3A_400, %swap3A_401], %swap3A_404 {strides = array<i32>} : memref<32x1024xf32, #tpu.memory_space<vmem>>, vector<1x16xf32>,
      %get3A_405 = arith.index_cast %scan3A_56 : i32 to index
      %get3A_406 = arith.constant 400 : index
      %get3A_407 = tpu.vector_load %arg8[%get3A_405, %get3A_406] {strides = array<i32>} : memref<32x1024xf32, #tpu.memory_space<vmem>>, vector<1x16xf32>,
      %get3A_408 = vector.shape_cast %get3A_407 : vector<1x16xf32> to vector<16xf32>
      %get3A_409 = arith.index_cast %scan3A_56 : i32 to index
      %get3A_410 = arith.constant 400 : index
      %get3A_411 = tpu.vector_load %arg9[%get3A_409, %get3A_410] {strides = array<i32>} : memref<32x1024xf32, #tpu.memory_space<vmem>>, vector<1x16xf32>,
      %get3A_412 = vector.shape_cast %get3A_411 : vector<1x16xf32> to vector<16xf32>
      %add3A_413 = arith.addf %get3A_408, %get3A_412 : vector<16xf32>
      %swap3A_414 = arith.index_cast %scan3A_56 : i32 to index
      %swap3A_415 = arith.constant 400 : index
      %swap3A_416 = tpu.vector_load %arg8[%swap3A_414, %swap3A_415] {strides = array<i32>} : memref<32x1024xf32, #tpu.memory_space<vmem>>, vector<1x16xf32>,
      %swap3A_417 = vector.shape_cast %swap3A_416 : vector<1x16xf32> to vector<16xf32>
      %swap3A_418 = vector.shape_cast %add3A_413 : vector<16xf32> to vector<1x16xf32>
      tpu.vector_store %arg8[%swap3A_414, %swap3A_415], %swap3A_418 {strides = array<i32>} : memref<32x1024xf32, #tpu.memory_space<vmem>>, vector<1x16xf32>,
      %get3A_419 = arith.index_cast %scan3A_56 : i32 to index
      %get3A_420 = arith.constant 416 : index
      %get3A_421 = tpu.vector_load %arg8[%get3A_419, %get3A_420] {strides = array<i32>} : memref<32x1024xf32, #tpu.memory_space<vmem>>, vector<1x16xf32>,
      %get3A_422 = vector.shape_cast %get3A_421 : vector<1x16xf32> to vector<16xf32>
      %get3A_423 = arith.index_cast %scan3A_56 : i32 to index
      %get3A_424 = arith.constant 416 : index
      %get3A_425 = tpu.vector_load %arg9[%get3A_423, %get3A_424] {strides = array<i32>} : memref<32x1024xf32, #tpu.memory_space<vmem>>, vector<1x16xf32>,
      %get3A_426 = vector.shape_cast %get3A_425 : vector<1x16xf32> to vector<16xf32>
      %add3A_427 = arith.addf %get3A_422, %get3A_426 : vector<16xf32>
      %swap3A_428 = arith.index_cast %scan3A_56 : i32 to index
      %swap3A_429 = arith.constant 416 : index
      %swap3A_430 = tpu.vector_load %arg8[%swap3A_428, %swap3A_429] {strides = array<i32>} : memref<32x1024xf32, #tpu.memory_space<vmem>>, vector<1x16xf32>,
      %swap3A_431 = vector.shape_cast %swap3A_430 : vector<1x16xf32> to vector<16xf32>
      %swap3A_432 = vector.shape_cast %add3A_427 : vector<16xf32> to vector<1x16xf32>
      tpu.vector_store %arg8[%swap3A_428, %swap3A_429], %swap3A_432 {strides = array<i32>} : memref<32x1024xf32, #tpu.memory_space<vmem>>, vector<1x16xf32>,
      %get3A_433 = arith.index_cast %scan3A_56 : i32 to index
      %get3A_434 = arith.constant 432 : index
      %get3A_435 = tpu.vector_load %arg8[%get3A_433, %get3A_434] {strides = array<i32>} : memref<32x1024xf32, #tpu.memory_space<vmem>>, vector<1x16xf32>,
      %get3A_436 = vector.shape_cast %get3A_435 : vector<1x16xf32> to vector<16xf32>
      %get3A_437 = arith.index_cast %scan3A_56 : i32 to index
      %get3A_438 = arith.constant 432 : index
      %get3A_439 = tpu.vector_load %arg9[%get3A_437, %get3A_438] {strides = array<i32>} : memref<32x1024xf32, #tpu.memory_space<vmem>>, vector<1x16xf32>,
      %get3A_440 = vector.shape_cast %get3A_439 : vector<1x16xf32> to vector<16xf32>
      %add3A_441 = arith.addf %get3A_436, %get3A_440 : vector<16xf32>
      %swap3A_442 = arith.index_cast %scan3A_56 : i32 to index
      %swap3A_443 = arith.constant 432 : index
      %swap3A_444 = tpu.vector_load %arg8[%swap3A_442, %swap3A_443] {strides = array<i32>} : memref<32x1024xf32, #tpu.memory_space<vmem>>, vector<1x16xf32>,
      %swap3A_445 = vector.shape_cast %swap3A_444 : vector<1x16xf32> to vector<16xf32>
      %swap3A_446 = vector.shape_cast %add3A_441 : vector<16xf32> to vector<1x16xf32>
      tpu.vector_store %arg8[%swap3A_442, %swap3A_443], %swap3A_446 {strides = array<i32>} : memref<32x1024xf32, #tpu.memory_space<vmem>>, vector<1x16xf32>,
      %get3A_447 = arith.index_cast %scan3A_56 : i32 to index
      %get3A_448 = arith.constant 448 : index
      %get3A_449 = tpu.vector_load %arg8[%get3A_447, %get3A_448] {strides = array<i32>} : memref<32x1024xf32, #tpu.memory_space<vmem>>, vector<1x16xf32>,
      %get3A_450 = vector.shape_cast %get3A_449 : vector<1x16xf32> to vector<16xf32>
      %get3A_451 = arith.index_cast %scan3A_56 : i32 to index
      %get3A_452 = arith.constant 448 : index
      %get3A_453 = tpu.vector_load %arg9[%get3A_451, %get3A_452] {strides = array<i32>} : memref<32x1024xf32, #tpu.memory_space<vmem>>, vector<1x16xf32>,
      %get3A_454 = vector.shape_cast %get3A_453 : vector<1x16xf32> to vector<16xf32>
      %add3A_455 = arith.addf %get3A_450, %get3A_454 : vector<16xf32>
      %swap3A_456 = arith.index_cast %scan3A_56 : i32 to index
      %swap3A_457 = arith.constant 448 : index
      %swap3A_458 = tpu.vector_load %arg8[%swap3A_456, %swap3A_457] {strides = array<i32>} : memref<32x1024xf32, #tpu.memory_space<vmem>>, vector<1x16xf32>,
      %swap3A_459 = vector.shape_cast %swap3A_458 : vector<1x16xf32> to vector<16xf32>
      %swap3A_460 = vector.shape_cast %add3A_455 : vector<16xf32> to vector<1x16xf32>
      tpu.vector_store %arg8[%swap3A_456, %swap3A_457], %swap3A_460 {strides = array<i32>} : memref<32x1024xf32, #tpu.memory_space<vmem>>, vector<1x16xf32>,
      %get3A_461 = arith.index_cast %scan3A_56 : i32 to index
      %get3A_462 = arith.constant 464 : index
      %get3A_463 = tpu.vector_load %arg8[%get3A_461, %get3A_462] {strides = array<i32>} : memref<32x1024xf32, #tpu.memory_space<vmem>>, vector<1x16xf32>,
      %get3A_464 = vector.shape_cast %get3A_463 : vector<1x16xf32> to vector<16xf32>
      %get3A_465 = arith.index_cast %scan3A_56 : i32 to index
      %get3A_466 = arith.constant 464 : index
      %get3A_467 = tpu.vector_load %arg9[%get3A_465, %get3A_466] {strides = array<i32>} : memref<32x1024xf32, #tpu.memory_space<vmem>>, vector<1x16xf32>,
      %get3A_468 = vector.shape_cast %get3A_467 : vector<1x16xf32> to vector<16xf32>
      %add3A_469 = arith.addf %get3A_464, %get3A_468 : vector<16xf32>
      %swap3A_470 = arith.index_cast %scan3A_56 : i32 to index
      %swap3A_471 = arith.constant 464 : index
      %swap3A_472 = tpu.vector_load %arg8[%swap3A_470, %swap3A_471] {strides = array<i32>} : memref<32x1024xf32, #tpu.memory_space<vmem>>, vector<1x16xf32>,
      %swap3A_473 = vector.shape_cast %swap3A_472 : vector<1x16xf32> to vector<16xf32>
      %swap3A_474 = vector.shape_cast %add3A_469 : vector<16xf32> to vector<1x16xf32>
      tpu.vector_store %arg8[%swap3A_470, %swap3A_471], %swap3A_474 {strides = array<i32>} : memref<32x1024xf32, #tpu.memory_space<vmem>>, vector<1x16xf32>,
      %get3A_475 = arith.index_cast %scan3A_56 : i32 to index
      %get3A_476 = arith.constant 480 : index
      %get3A_477 = tpu.vector_load %arg8[%get3A_475, %get3A_476] {strides = array<i32>} : memref<32x1024xf32, #tpu.memory_space<vmem>>, vector<1x16xf32>,
      %get3A_478 = vector.shape_cast %get3A_477 : vector<1x16xf32> to vector<16xf32>
      %get3A_479 = arith.index_cast %scan3A_56 : i32 to index
      %get3A_480 = arith.constant 480 : index
      %get3A_481 = tpu.vector_load %arg9[%get3A_479, %get3A_480] {strides = array<i32>} : memref<32x1024xf32, #tpu.memory_space<vmem>>, vector<1x16xf32>,
      %get3A_482 = vector.shape_cast %get3A_481 : vector<1x16xf32> to vector<16xf32>
      %add3A_483 = arith.addf %get3A_478, %get3A_482 : vector<16xf32>
      %swap3A_484 = arith.index_cast %scan3A_56 : i32 to index
      %swap3A_485 = arith.constant 480 : index
      %swap3A_486 = tpu.vector_load %arg8[%swap3A_484, %swap3A_485] {strides = array<i32>} : memref<32x1024xf32, #tpu.memory_space<vmem>>, vector<1x16xf32>,
      %swap3A_487 = vector.shape_cast %swap3A_486 : vector<1x16xf32> to vector<16xf32>
      %swap3A_488 = vector.shape_cast %add3A_483 : vector<16xf32> to vector<1x16xf32>
      tpu.vector_store %arg8[%swap3A_484, %swap3A_485], %swap3A_488 {strides = array<i32>} : memref<32x1024xf32, #tpu.memory_space<vmem>>, vector<1x16xf32>,
      %get3A_489 = arith.index_cast %scan3A_56 : i32 to index
      %get3A_490 = arith.constant 496 : index
      %get3A_491 = tpu.vector_load %arg8[%get3A_489, %get3A_490] {strides = array<i32>} : memref<32x1024xf32, #tpu.memory_space<vmem>>, vector<1x16xf32>,
      %get3A_492 = vector.shape_cast %get3A_491 : vector<1x16xf32> to vector<16xf32>
      %get3A_493 = arith.index_cast %scan3A_56 : i32 to index
      %get3A_494 = arith.constant 496 : index
      %get3A_495 = tpu.vector_load %arg9[%get3A_493, %get3A_494] {strides = array<i32>} : memref<32x1024xf32, #tpu.memory_space<vmem>>, vector<1x16xf32>,
      %get3A_496 = vector.shape_cast %get3A_495 : vector<1x16xf32> to vector<16xf32>
      %add3A_497 = arith.addf %get3A_492, %get3A_496 : vector<16xf32>
      %swap3A_498 = arith.index_cast %scan3A_56 : i32 to index
      %swap3A_499 = arith.constant 496 : index
      %swap3A_500 = tpu.vector_load %arg8[%swap3A_498, %swap3A_499] {strides = array<i32>} : memref<32x1024xf32, #tpu.memory_space<vmem>>, vector<1x16xf32>,
      %swap3A_501 = vector.shape_cast %swap3A_500 : vector<1x16xf32> to vector<16xf32>
      %swap3A_502 = vector.shape_cast %add3A_497 : vector<16xf32> to vector<1x16xf32>
      tpu.vector_store %arg8[%swap3A_498, %swap3A_499], %swap3A_502 {strides = array<i32>} : memref<32x1024xf32, #tpu.memory_space<vmem>>, vector<1x16xf32>,
      %get3A_503 = arith.index_cast %scan3A_56 : i32 to index
      %get3A_504 = arith.constant 512 : index
      %get3A_505 = tpu.vector_load %arg8[%get3A_503, %get3A_504] {strides = array<i32>} : memref<32x1024xf32, #tpu.memory_space<vmem>>, vector<1x16xf32>,
      %get3A_506 = vector.shape_cast %get3A_505 : vector<1x16xf32> to vector<16xf32>
      %get3A_507 = arith.index_cast %scan3A_56 : i32 to index
      %get3A_508 = arith.constant 512 : index
      %get3A_509 = tpu.vector_load %arg9[%get3A_507, %get3A_508] {strides = array<i32>} : memref<32x1024xf32, #tpu.memory_space<vmem>>, vector<1x16xf32>,
      %get3A_510 = vector.shape_cast %get3A_509 : vector<1x16xf32> to vector<16xf32>
      %add3A_511 = arith.addf %get3A_506, %get3A_510 : vector<16xf32>
      %swap3A_512 = arith.index_cast %scan3A_56 : i32 to index
      %swap3A_513 = arith.constant 512 : index
      %swap3A_514 = tpu.vector_load %arg8[%swap3A_512, %swap3A_513] {strides = array<i32>} : memref<32x1024xf32, #tpu.memory_space<vmem>>, vector<1x16xf32>,
      %swap3A_515 = vector.shape_cast %swap3A_514 : vector<1x16xf32> to vector<16xf32>
      %swap3A_516 = vector.shape_cast %add3A_511 : vector<16xf32> to vector<1x16xf32>
      tpu.vector_store %arg8[%swap3A_512, %swap3A_513], %swap3A_516 {strides = array<i32>} : memref<32x1024xf32, #tpu.memory_space<vmem>>, vector<1x16xf32>,
      %get3A_517 = arith.index_cast %scan3A_56 : i32 to index
      %get3A_518 = arith.constant 528 : index
      %get3A_519 = tpu.vector_load %arg8[%get3A_517, %get3A_518] {strides = array<i32>} : memref<32x1024xf32, #tpu.memory_space<vmem>>, vector<1x16xf32>,
      %get3A_520 = vector.shape_cast %get3A_519 : vector<1x16xf32> to vector<16xf32>
      %get3A_521 = arith.index_cast %scan3A_56 : i32 to index
      %get3A_522 = arith.constant 528 : index
      %get3A_523 = tpu.vector_load %arg9[%get3A_521, %get3A_522] {strides = array<i32>} : memref<32x1024xf32, #tpu.memory_space<vmem>>, vector<1x16xf32>,
      %get3A_524 = vector.shape_cast %get3A_523 : vector<1x16xf32> to vector<16xf32>
      %add3A_525 = arith.addf %get3A_520, %get3A_524 : vector<16xf32>
      %swap3A_526 = arith.index_cast %scan3A_56 : i32 to index
      %swap3A_527 = arith.constant 528 : index
      %swap3A_528 = tpu.vector_load %arg8[%swap3A_526, %swap3A_527] {strides = array<i32>} : memref<32x1024xf32, #tpu.memory_space<vmem>>, vector<1x16xf32>,
      %swap3A_529 = vector.shape_cast %swap3A_528 : vector<1x16xf32> to vector<16xf32>
      %swap3A_530 = vector.shape_cast %add3A_525 : vector<16xf32> to vector<1x16xf32>
      tpu.vector_store %arg8[%swap3A_526, %swap3A_527], %swap3A_530 {strides = array<i32>} : memref<32x1024xf32, #tpu.memory_space<vmem>>, vector<1x16xf32>,
      %get3A_531 = arith.index_cast %scan3A_56 : i32 to index
      %get3A_532 = arith.constant 544 : index
      %get3A_533 = tpu.vector_load %arg8[%get3A_531, %get3A_532] {strides = array<i32>} : memref<32x1024xf32, #tpu.memory_space<vmem>>, vector<1x16xf32>,
      %get3A_534 = vector.shape_cast %get3A_533 : vector<1x16xf32> to vector<16xf32>
      %get3A_535 = arith.index_cast %scan3A_56 : i32 to index
      %get3A_536 = arith.constant 544 : index
      %get3A_537 = tpu.vector_load %arg9[%get3A_535, %get3A_536] {strides = array<i32>} : memref<32x1024xf32, #tpu.memory_space<vmem>>, vector<1x16xf32>,
      %get3A_538 = vector.shape_cast %get3A_537 : vector<1x16xf32> to vector<16xf32>
      %add3A_539 = arith.addf %get3A_534, %get3A_538 : vector<16xf32>
      %swap3A_540 = arith.index_cast %scan3A_56 : i32 to index
      %swap3A_541 = arith.constant 544 : index
      %swap3A_542 = tpu.vector_load %arg8[%swap3A_540, %swap3A_541] {strides = array<i32>} : memref<32x1024xf32, #tpu.memory_space<vmem>>, vector<1x16xf32>,
      %swap3A_543 = vector.shape_cast %swap3A_542 : vector<1x16xf32> to vector<16xf32>
      %swap3A_544 = vector.shape_cast %add3A_539 : vector<16xf32> to vector<1x16xf32>
      tpu.vector_store %arg8[%swap3A_540, %swap3A_541], %swap3A_544 {strides = array<i32>} : memref<32x1024xf32, #tpu.memory_space<vmem>>, vector<1x16xf32>,
      %get3A_545 = arith.index_cast %scan3A_56 : i32 to index
      %get3A_546 = arith.constant 560 : index
      %get3A_547 = tpu.vector_load %arg8[%get3A_545, %get3A_546] {strides = array<i32>} : memref<32x1024xf32, #tpu.memory_space<vmem>>, vector<1x16xf32>,
      %get3A_548 = vector.shape_cast %get3A_547 : vector<1x16xf32> to vector<16xf32>
      %get3A_549 = arith.index_cast %scan3A_56 : i32 to index
      %get3A_550 = arith.constant 560 : index
      %get3A_551 = tpu.vector_load %arg9[%get3A_549, %get3A_550] {strides = array<i32>} : memref<32x1024xf32, #tpu.memory_space<vmem>>, vector<1x16xf32>,
      %get3A_552 = vector.shape_cast %get3A_551 : vector<1x16xf32> to vector<16xf32>
      %add3A_553 = arith.addf %get3A_548, %get3A_552 : vector<16xf32>
      %swap3A_554 = arith.index_cast %scan3A_56 : i32 to index
      %swap3A_555 = arith.constant 560 : index
      %swap3A_556 = tpu.vector_load %arg8[%swap3A_554, %swap3A_555] {strides = array<i32>} : memref<32x1024xf32, #tpu.memory_space<vmem>>, vector<1x16xf32>,
      %swap3A_557 = vector.shape_cast %swap3A_556 : vector<1x16xf32> to vector<16xf32>
      %swap3A_558 = vector.shape_cast %add3A_553 : vector<16xf32> to vector<1x16xf32>
      tpu.vector_store %arg8[%swap3A_554, %swap3A_555], %swap3A_558 {strides = array<i32>} : memref<32x1024xf32, #tpu.memory_space<vmem>>, vector<1x16xf32>,
      %get3A_559 = arith.index_cast %scan3A_56 : i32 to index
      %get3A_560 = arith.constant 576 : index
      %get3A_561 = tpu.vector_load %arg8[%get3A_559, %get3A_560] {strides = array<i32>} : memref<32x1024xf32, #tpu.memory_space<vmem>>, vector<1x16xf32>,
      %get3A_562 = vector.shape_cast %get3A_561 : vector<1x16xf32> to vector<16xf32>
      %get3A_563 = arith.index_cast %scan3A_56 : i32 to index
      %get3A_564 = arith.constant 576 : index
      %get3A_565 = tpu.vector_load %arg9[%get3A_563, %get3A_564] {strides = array<i32>} : memref<32x1024xf32, #tpu.memory_space<vmem>>, vector<1x16xf32>,
      %get3A_566 = vector.shape_cast %get3A_565 : vector<1x16xf32> to vector<16xf32>
      %add3A_567 = arith.addf %get3A_562, %get3A_566 : vector<16xf32>
      %swap3A_568 = arith.index_cast %scan3A_56 : i32 to index
      %swap3A_569 = arith.constant 576 : index
      %swap3A_570 = tpu.vector_load %arg8[%swap3A_568, %swap3A_569] {strides = array<i32>} : memref<32x1024xf32, #tpu.memory_space<vmem>>, vector<1x16xf32>,
      %swap3A_571 = vector.shape_cast %swap3A_570 : vector<1x16xf32> to vector<16xf32>
      %swap3A_572 = vector.shape_cast %add3A_567 : vector<16xf32> to vector<1x16xf32>
      tpu.vector_store %arg8[%swap3A_568, %swap3A_569], %swap3A_572 {strides = array<i32>} : memref<32x1024xf32, #tpu.memory_space<vmem>>, vector<1x16xf32>,
      %get3A_573 = arith.index_cast %scan3A_56 : i32 to index
      %get3A_574 = arith.constant 592 : index
      %get3A_575 = tpu.vector_load %arg8[%get3A_573, %get3A_574] {strides = array<i32>} : memref<32x1024xf32, #tpu.memory_space<vmem>>, vector<1x16xf32>,
      %get3A_576 = vector.shape_cast %get3A_575 : vector<1x16xf32> to vector<16xf32>
      %get3A_577 = arith.index_cast %scan3A_56 : i32 to index
      %get3A_578 = arith.constant 592 : index
      %get3A_579 = tpu.vector_load %arg9[%get3A_577, %get3A_578] {strides = array<i32>} : memref<32x1024xf32, #tpu.memory_space<vmem>>, vector<1x16xf32>,
      %get3A_580 = vector.shape_cast %get3A_579 : vector<1x16xf32> to vector<16xf32>
      %add3A_581 = arith.addf %get3A_576, %get3A_580 : vector<16xf32>
      %swap3A_582 = arith.index_cast %scan3A_56 : i32 to index
      %swap3A_583 = arith.constant 592 : index
      %swap3A_584 = tpu.vector_load %arg8[%swap3A_582, %swap3A_583] {strides = array<i32>} : memref<32x1024xf32, #tpu.memory_space<vmem>>, vector<1x16xf32>,
      %swap3A_585 = vector.shape_cast %swap3A_584 : vector<1x16xf32> to vector<16xf32>
      %swap3A_586 = vector.shape_cast %add3A_581 : vector<16xf32> to vector<1x16xf32>
      tpu.vector_store %arg8[%swap3A_582, %swap3A_583], %swap3A_586 {strides = array<i32>} : memref<32x1024xf32, #tpu.memory_space<vmem>>, vector<1x16xf32>,
      %get3A_587 = arith.index_cast %scan3A_56 : i32 to index
      %get3A_588 = arith.constant 608 : index
      %get3A_589 = tpu.vector_load %arg8[%get3A_587, %get3A_588] {strides = array<i32>} : memref<32x1024xf32, #tpu.memory_space<vmem>>, vector<1x16xf32>,
      %get3A_590 = vector.shape_cast %get3A_589 : vector<1x16xf32> to vector<16xf32>
      %get3A_591 = arith.index_cast %scan3A_56 : i32 to index
      %get3A_592 = arith.constant 608 : index
      %get3A_593 = tpu.vector_load %arg9[%get3A_591, %get3A_592] {strides = array<i32>} : memref<32x1024xf32, #tpu.memory_space<vmem>>, vector<1x16xf32>,
      %get3A_594 = vector.shape_cast %get3A_593 : vector<1x16xf32> to vector<16xf32>
      %add3A_595 = arith.addf %get3A_590, %get3A_594 : vector<16xf32>
      %swap3A_596 = arith.index_cast %scan3A_56 : i32 to index
      %swap3A_597 = arith.constant 608 : index
      %swap3A_598 = tpu.vector_load %arg8[%swap3A_596, %swap3A_597] {strides = array<i32>} : memref<32x1024xf32, #tpu.memory_space<vmem>>, vector<1x16xf32>,
      %swap3A_599 = vector.shape_cast %swap3A_598 : vector<1x16xf32> to vector<16xf32>
      %swap3A_600 = vector.shape_cast %add3A_595 : vector<16xf32> to vector<1x16xf32>
      tpu.vector_store %arg8[%swap3A_596, %swap3A_597], %swap3A_600 {strides = array<i32>} : memref<32x1024xf32, #tpu.memory_space<vmem>>, vector<1x16xf32>,
      %get3A_601 = arith.index_cast %scan3A_56 : i32 to index
      %get3A_602 = arith.constant 624 : index
      %get3A_603 = tpu.vector_load %arg8[%get3A_601, %get3A_602] {strides = array<i32>} : memref<32x1024xf32, #tpu.memory_space<vmem>>, vector<1x16xf32>,
      %get3A_604 = vector.shape_cast %get3A_603 : vector<1x16xf32> to vector<16xf32>
      %get3A_605 = arith.index_cast %scan3A_56 : i32 to index
      %get3A_606 = arith.constant 624 : index
      %get3A_607 = tpu.vector_load %arg9[%get3A_605, %get3A_606] {strides = array<i32>} : memref<32x1024xf32, #tpu.memory_space<vmem>>, vector<1x16xf32>,
      %get3A_608 = vector.shape_cast %get3A_607 : vector<1x16xf32> to vector<16xf32>
      %add3A_609 = arith.addf %get3A_604, %get3A_608 : vector<16xf32>
      %swap3A_610 = arith.index_cast %scan3A_56 : i32 to index
      %swap3A_611 = arith.constant 624 : index
      %swap3A_612 = tpu.vector_load %arg8[%swap3A_610, %swap3A_611] {strides = array<i32>} : memref<32x1024xf32, #tpu.memory_space<vmem>>, vector<1x16xf32>,
      %swap3A_613 = vector.shape_cast %swap3A_612 : vector<1x16xf32> to vector<16xf32>
      %swap3A_614 = vector.shape_cast %add3A_609 : vector<16xf32> to vector<1x16xf32>
      tpu.vector_store %arg8[%swap3A_610, %swap3A_611], %swap3A_614 {strides = array<i32>} : memref<32x1024xf32, #tpu.memory_space<vmem>>, vector<1x16xf32>,
      %get3A_615 = arith.index_cast %scan3A_56 : i32 to index
      %get3A_616 = arith.constant 640 : index
      %get3A_617 = tpu.vector_load %arg8[%get3A_615, %get3A_616] {strides = array<i32>} : memref<32x1024xf32, #tpu.memory_space<vmem>>, vector<1x16xf32>,
      %get3A_618 = vector.shape_cast %get3A_617 : vector<1x16xf32> to vector<16xf32>
      %get3A_619 = arith.index_cast %scan3A_56 : i32 to index
      %get3A_620 = arith.constant 640 : index
      %get3A_621 = tpu.vector_load %arg9[%get3A_619, %get3A_620] {strides = array<i32>} : memref<32x1024xf32, #tpu.memory_space<vmem>>, vector<1x16xf32>,
      %get3A_622 = vector.shape_cast %get3A_621 : vector<1x16xf32> to vector<16xf32>
      %add3A_623 = arith.addf %get3A_618, %get3A_622 : vector<16xf32>
      %swap3A_624 = arith.index_cast %scan3A_56 : i32 to index
      %swap3A_625 = arith.constant 640 : index
      %swap3A_626 = tpu.vector_load %arg8[%swap3A_624, %swap3A_625] {strides = array<i32>} : memref<32x1024xf32, #tpu.memory_space<vmem>>, vector<1x16xf32>,
      %swap3A_627 = vector.shape_cast %swap3A_626 : vector<1x16xf32> to vector<16xf32>
      %swap3A_628 = vector.shape_cast %add3A_623 : vector<16xf32> to vector<1x16xf32>
      tpu.vector_store %arg8[%swap3A_624, %swap3A_625], %swap3A_628 {strides = array<i32>} : memref<32x1024xf32, #tpu.memory_space<vmem>>, vector<1x16xf32>,
      %get3A_629 = arith.index_cast %scan3A_56 : i32 to index
      %get3A_630 = arith.constant 656 : index
      %get3A_631 = tpu.vector_load %arg8[%get3A_629, %get3A_630] {strides = array<i32>} : memref<32x1024xf32, #tpu.memory_space<vmem>>, vector<1x16xf32>,
      %get3A_632 = vector.shape_cast %get3A_631 : vector<1x16xf32> to vector<16xf32>
      %get3A_633 = arith.index_cast %scan3A_56 : i32 to index
      %get3A_634 = arith.constant 656 : index
      %get3A_635 = tpu.vector_load %arg9[%get3A_633, %get3A_634] {strides = array<i32>} : memref<32x1024xf32, #tpu.memory_space<vmem>>, vector<1x16xf32>,
      %get3A_636 = vector.shape_cast %get3A_635 : vector<1x16xf32> to vector<16xf32>
      %add3A_637 = arith.addf %get3A_632, %get3A_636 : vector<16xf32>
      %swap3A_638 = arith.index_cast %scan3A_56 : i32 to index
      %swap3A_639 = arith.constant 656 : index
      %swap3A_640 = tpu.vector_load %arg8[%swap3A_638, %swap3A_639] {strides = array<i32>} : memref<32x1024xf32, #tpu.memory_space<vmem>>, vector<1x16xf32>,
      %swap3A_641 = vector.shape_cast %swap3A_640 : vector<1x16xf32> to vector<16xf32>
      %swap3A_642 = vector.shape_cast %add3A_637 : vector<16xf32> to vector<1x16xf32>
      tpu.vector_store %arg8[%swap3A_638, %swap3A_639], %swap3A_642 {strides = array<i32>} : memref<32x1024xf32, #tpu.memory_space<vmem>>, vector<1x16xf32>,
      %get3A_643 = arith.index_cast %scan3A_56 : i32 to index
      %get3A_644 = arith.constant 672 : index
      %get3A_645 = tpu.vector_load %arg8[%get3A_643, %get3A_644] {strides = array<i32>} : memref<32x1024xf32, #tpu.memory_space<vmem>>, vector<1x16xf32>,
      %get3A_646 = vector.shape_cast %get3A_645 : vector<1x16xf32> to vector<16xf32>
      %get3A_647 = arith.index_cast %scan3A_56 : i32 to index
      %get3A_648 = arith.constant 672 : index
      %get3A_649 = tpu.vector_load %arg9[%get3A_647, %get3A_648] {strides = array<i32>} : memref<32x1024xf32, #tpu.memory_space<vmem>>, vector<1x16xf32>,
      %get3A_650 = vector.shape_cast %get3A_649 : vector<1x16xf32> to vector<16xf32>
      %add3A_651 = arith.addf %get3A_646, %get3A_650 : vector<16xf32>
      %swap3A_652 = arith.index_cast %scan3A_56 : i32 to index
      %swap3A_653 = arith.constant 672 : index
      %swap3A_654 = tpu.vector_load %arg8[%swap3A_652, %swap3A_653] {strides = array<i32>} : memref<32x1024xf32, #tpu.memory_space<vmem>>, vector<1x16xf32>,
      %swap3A_655 = vector.shape_cast %swap3A_654 : vector<1x16xf32> to vector<16xf32>
      %swap3A_656 = vector.shape_cast %add3A_651 : vector<16xf32> to vector<1x16xf32>
      tpu.vector_store %arg8[%swap3A_652, %swap3A_653], %swap3A_656 {strides = array<i32>} : memref<32x1024xf32, #tpu.memory_space<vmem>>, vector<1x16xf32>,
      %get3A_657 = arith.index_cast %scan3A_56 : i32 to index
      %get3A_658 = arith.constant 688 : index
      %get3A_659 = tpu.vector_load %arg8[%get3A_657, %get3A_658] {strides = array<i32>} : memref<32x1024xf32, #tpu.memory_space<vmem>>, vector<1x16xf32>,
      %get3A_660 = vector.shape_cast %get3A_659 : vector<1x16xf32> to vector<16xf32>
      %get3A_661 = arith.index_cast %scan3A_56 : i32 to index
      %get3A_662 = arith.constant 688 : index
      %get3A_663 = tpu.vector_load %arg9[%get3A_661, %get3A_662] {strides = array<i32>} : memref<32x1024xf32, #tpu.memory_space<vmem>>, vector<1x16xf32>,
      %get3A_664 = vector.shape_cast %get3A_663 : vector<1x16xf32> to vector<16xf32>
      %add3A_665 = arith.addf %get3A_660, %get3A_664 : vector<16xf32>
      %swap3A_666 = arith.index_cast %scan3A_56 : i32 to index
      %swap3A_667 = arith.constant 688 : index
      %swap3A_668 = tpu.vector_load %arg8[%swap3A_666, %swap3A_667] {strides = array<i32>} : memref<32x1024xf32, #tpu.memory_space<vmem>>, vector<1x16xf32>,
      %swap3A_669 = vector.shape_cast %swap3A_668 : vector<1x16xf32> to vector<16xf32>
      %swap3A_670 = vector.shape_cast %add3A_665 : vector<16xf32> to vector<1x16xf32>
      tpu.vector_store %arg8[%swap3A_666, %swap3A_667], %swap3A_670 {strides = array<i32>} : memref<32x1024xf32, #tpu.memory_space<vmem>>, vector<1x16xf32>,
      %get3A_671 = arith.index_cast %scan3A_56 : i32 to index
      %get3A_672 = arith.constant 704 : index
      %get3A_673 = tpu.vector_load %arg8[%get3A_671, %get3A_672] {strides = array<i32>} : memref<32x1024xf32, #tpu.memory_space<vmem>>, vector<1x16xf32>,
      %get3A_674 = vector.shape_cast %get3A_673 : vector<1x16xf32> to vector<16xf32>
      %get3A_675 = arith.index_cast %scan3A_56 : i32 to index
      %get3A_676 = arith.constant 704 : index
      %get3A_677 = tpu.vector_load %arg9[%get3A_675, %get3A_676] {strides = array<i32>} : memref<32x1024xf32, #tpu.memory_space<vmem>>, vector<1x16xf32>,
      %get3A_678 = vector.shape_cast %get3A_677 : vector<1x16xf32> to vector<16xf32>
      %add3A_679 = arith.addf %get3A_674, %get3A_678 : vector<16xf32>
      %swap3A_680 = arith.index_cast %scan3A_56 : i32 to index
      %swap3A_681 = arith.constant 704 : index
      %swap3A_682 = tpu.vector_load %arg8[%swap3A_680, %swap3A_681] {strides = array<i32>} : memref<32x1024xf32, #tpu.memory_space<vmem>>, vector<1x16xf32>,
      %swap3A_683 = vector.shape_cast %swap3A_682 : vector<1x16xf32> to vector<16xf32>
      %swap3A_684 = vector.shape_cast %add3A_679 : vector<16xf32> to vector<1x16xf32>
      tpu.vector_store %arg8[%swap3A_680, %swap3A_681], %swap3A_684 {strides = array<i32>} : memref<32x1024xf32, #tpu.memory_space<vmem>>, vector<1x16xf32>,
      %get3A_685 = arith.index_cast %scan3A_56 : i32 to index
      %get3A_686 = arith.constant 720 : index
      %get3A_687 = tpu.vector_load %arg8[%get3A_685, %get3A_686] {strides = array<i32>} : memref<32x1024xf32, #tpu.memory_space<vmem>>, vector<1x16xf32>,
      %get3A_688 = vector.shape_cast %get3A_687 : vector<1x16xf32> to vector<16xf32>
      %get3A_689 = arith.index_cast %scan3A_56 : i32 to index
      %get3A_690 = arith.constant 720 : index
      %get3A_691 = tpu.vector_load %arg9[%get3A_689, %get3A_690] {strides = array<i32>} : memref<32x1024xf32, #tpu.memory_space<vmem>>, vector<1x16xf32>,
      %get3A_692 = vector.shape_cast %get3A_691 : vector<1x16xf32> to vector<16xf32>
      %add3A_693 = arith.addf %get3A_688, %get3A_692 : vector<16xf32>
      %swap3A_694 = arith.index_cast %scan3A_56 : i32 to index
      %swap3A_695 = arith.constant 720 : index
      %swap3A_696 = tpu.vector_load %arg8[%swap3A_694, %swap3A_695] {strides = array<i32>} : memref<32x1024xf32, #tpu.memory_space<vmem>>, vector<1x16xf32>,
      %swap3A_697 = vector.shape_cast %swap3A_696 : vector<1x16xf32> to vector<16xf32>
      %swap3A_698 = vector.shape_cast %add3A_693 : vector<16xf32> to vector<1x16xf32>
      tpu.vector_store %arg8[%swap3A_694, %swap3A_695], %swap3A_698 {strides = array<i32>} : memref<32x1024xf32, #tpu.memory_space<vmem>>, vector<1x16xf32>,
      %get3A_699 = arith.index_cast %scan3A_56 : i32 to index
      %get3A_700 = arith.constant 736 : index
      %get3A_701 = tpu.vector_load %arg8[%get3A_699, %get3A_700] {strides = array<i32>} : memref<32x1024xf32, #tpu.memory_space<vmem>>, vector<1x16xf32>,
      %get3A_702 = vector.shape_cast %get3A_701 : vector<1x16xf32> to vector<16xf32>
      %get3A_703 = arith.index_cast %scan3A_56 : i32 to index
      %get3A_704 = arith.constant 736 : index
      %get3A_705 = tpu.vector_load %arg9[%get3A_703, %get3A_704] {strides = array<i32>} : memref<32x1024xf32, #tpu.memory_space<vmem>>, vector<1x16xf32>,
      %get3A_706 = vector.shape_cast %get3A_705 : vector<1x16xf32> to vector<16xf32>
      %add3A_707 = arith.addf %get3A_702, %get3A_706 : vector<16xf32>
      %swap3A_708 = arith.index_cast %scan3A_56 : i32 to index
      %swap3A_709 = arith.constant 736 : index
      %swap3A_710 = tpu.vector_load %arg8[%swap3A_708, %swap3A_709] {strides = array<i32>} : memref<32x1024xf32, #tpu.memory_space<vmem>>, vector<1x16xf32>,
      %swap3A_711 = vector.shape_cast %swap3A_710 : vector<1x16xf32> to vector<16xf32>
      %swap3A_712 = vector.shape_cast %add3A_707 : vector<16xf32> to vector<1x16xf32>
      tpu.vector_store %arg8[%swap3A_708, %swap3A_709], %swap3A_712 {strides = array<i32>} : memref<32x1024xf32, #tpu.memory_space<vmem>>, vector<1x16xf32>,
      %get3A_713 = arith.index_cast %scan3A_56 : i32 to index
      %get3A_714 = arith.constant 752 : index
      %get3A_715 = tpu.vector_load %arg8[%get3A_713, %get3A_714] {strides = array<i32>} : memref<32x1024xf32, #tpu.memory_space<vmem>>, vector<1x16xf32>,
      %get3A_716 = vector.shape_cast %get3A_715 : vector<1x16xf32> to vector<16xf32>
      %get3A_717 = arith.index_cast %scan3A_56 : i32 to index
      %get3A_718 = arith.constant 752 : index
      %get3A_719 = tpu.vector_load %arg9[%get3A_717, %get3A_718] {strides = array<i32>} : memref<32x1024xf32, #tpu.memory_space<vmem>>, vector<1x16xf32>,
      %get3A_720 = vector.shape_cast %get3A_719 : vector<1x16xf32> to vector<16xf32>
      %add3A_721 = arith.addf %get3A_716, %get3A_720 : vector<16xf32>
      %swap3A_722 = arith.index_cast %scan3A_56 : i32 to index
      %swap3A_723 = arith.constant 752 : index
      %swap3A_724 = tpu.vector_load %arg8[%swap3A_722, %swap3A_723] {strides = array<i32>} : memref<32x1024xf32, #tpu.memory_space<vmem>>, vector<1x16xf32>,
      %swap3A_725 = vector.shape_cast %swap3A_724 : vector<1x16xf32> to vector<16xf32>
      %swap3A_726 = vector.shape_cast %add3A_721 : vector<16xf32> to vector<1x16xf32>
      tpu.vector_store %arg8[%swap3A_722, %swap3A_723], %swap3A_726 {strides = array<i32>} : memref<32x1024xf32, #tpu.memory_space<vmem>>, vector<1x16xf32>,
      %get3A_727 = arith.index_cast %scan3A_56 : i32 to index
      %get3A_728 = arith.constant 768 : index
      %get3A_729 = tpu.vector_load %arg8[%get3A_727, %get3A_728] {strides = array<i32>} : memref<32x1024xf32, #tpu.memory_space<vmem>>, vector<1x16xf32>,
      %get3A_730 = vector.shape_cast %get3A_729 : vector<1x16xf32> to vector<16xf32>
      %get3A_731 = arith.index_cast %scan3A_56 : i32 to index
      %get3A_732 = arith.constant 768 : index
      %get3A_733 = tpu.vector_load %arg9[%get3A_731, %get3A_732] {strides = array<i32>} : memref<32x1024xf32, #tpu.memory_space<vmem>>, vector<1x16xf32>,
      %get3A_734 = vector.shape_cast %get3A_733 : vector<1x16xf32> to vector<16xf32>
      %add3A_735 = arith.addf %get3A_730, %get3A_734 : vector<16xf32>
      %swap3A_736 = arith.index_cast %scan3A_56 : i32 to index
      %swap3A_737 = arith.constant 768 : index
      %swap3A_738 = tpu.vector_load %arg8[%swap3A_736, %swap3A_737] {strides = array<i32>} : memref<32x1024xf32, #tpu.memory_space<vmem>>, vector<1x16xf32>,
      %swap3A_739 = vector.shape_cast %swap3A_738 : vector<1x16xf32> to vector<16xf32>
      %swap3A_740 = vector.shape_cast %add3A_735 : vector<16xf32> to vector<1x16xf32>
      tpu.vector_store %arg8[%swap3A_736, %swap3A_737], %swap3A_740 {strides = array<i32>} : memref<32x1024xf32, #tpu.memory_space<vmem>>, vector<1x16xf32>,
      %get3A_741 = arith.index_cast %scan3A_56 : i32 to index
      %get3A_742 = arith.constant 784 : index
      %get3A_743 = tpu.vector_load %arg8[%get3A_741, %get3A_742] {strides = array<i32>} : memref<32x1024xf32, #tpu.memory_space<vmem>>, vector<1x16xf32>,
      %get3A_744 = vector.shape_cast %get3A_743 : vector<1x16xf32> to vector<16xf32>
      %get3A_745 = arith.index_cast %scan3A_56 : i32 to index
      %get3A_746 = arith.constant 784 : index
      %get3A_747 = tpu.vector_load %arg9[%get3A_745, %get3A_746] {strides = array<i32>} : memref<32x1024xf32, #tpu.memory_space<vmem>>, vector<1x16xf32>,
      %get3A_748 = vector.shape_cast %get3A_747 : vector<1x16xf32> to vector<16xf32>
      %add3A_749 = arith.addf %get3A_744, %get3A_748 : vector<16xf32>
      %swap3A_750 = arith.index_cast %scan3A_56 : i32 to index
      %swap3A_751 = arith.constant 784 : index
      %swap3A_752 = tpu.vector_load %arg8[%swap3A_750, %swap3A_751] {strides = array<i32>} : memref<32x1024xf32, #tpu.memory_space<vmem>>, vector<1x16xf32>,
      %swap3A_753 = vector.shape_cast %swap3A_752 : vector<1x16xf32> to vector<16xf32>
      %swap3A_754 = vector.shape_cast %add3A_749 : vector<16xf32> to vector<1x16xf32>
      tpu.vector_store %arg8[%swap3A_750, %swap3A_751], %swap3A_754 {strides = array<i32>} : memref<32x1024xf32, #tpu.memory_space<vmem>>, vector<1x16xf32>,
      %get3A_755 = arith.index_cast %scan3A_56 : i32 to index
      %get3A_756 = arith.constant 800 : index
      %get3A_757 = tpu.vector_load %arg8[%get3A_755, %get3A_756] {strides = array<i32>} : memref<32x1024xf32, #tpu.memory_space<vmem>>, vector<1x16xf32>,
      %get3A_758 = vector.shape_cast %get3A_757 : vector<1x16xf32> to vector<16xf32>
      %get3A_759 = arith.index_cast %scan3A_56 : i32 to index
      %get3A_760 = arith.constant 800 : index
      %get3A_761 = tpu.vector_load %arg9[%get3A_759, %get3A_760] {strides = array<i32>} : memref<32x1024xf32, #tpu.memory_space<vmem>>, vector<1x16xf32>,
      %get3A_762 = vector.shape_cast %get3A_761 : vector<1x16xf32> to vector<16xf32>
      %add3A_763 = arith.addf %get3A_758, %get3A_762 : vector<16xf32>
      %swap3A_764 = arith.index_cast %scan3A_56 : i32 to index
      %swap3A_765 = arith.constant 800 : index
      %swap3A_766 = tpu.vector_load %arg8[%swap3A_764, %swap3A_765] {strides = array<i32>} : memref<32x1024xf32, #tpu.memory_space<vmem>>, vector<1x16xf32>,
      %swap3A_767 = vector.shape_cast %swap3A_766 : vector<1x16xf32> to vector<16xf32>
      %swap3A_768 = vector.shape_cast %add3A_763 : vector<16xf32> to vector<1x16xf32>
      tpu.vector_store %arg8[%swap3A_764, %swap3A_765], %swap3A_768 {strides = array<i32>} : memref<32x1024xf32, #tpu.memory_space<vmem>>, vector<1x16xf32>,
      %get3A_769 = arith.index_cast %scan3A_56 : i32 to index
      %get3A_770 = arith.constant 816 : index
      %get3A_771 = tpu.vector_load %arg8[%get3A_769, %get3A_770] {strides = array<i32>} : memref<32x1024xf32, #tpu.memory_space<vmem>>, vector<1x16xf32>,
      %get3A_772 = vector.shape_cast %get3A_771 : vector<1x16xf32> to vector<16xf32>
      %get3A_773 = arith.index_cast %scan3A_56 : i32 to index
      %get3A_774 = arith.constant 816 : index
      %get3A_775 = tpu.vector_load %arg9[%get3A_773, %get3A_774] {strides = array<i32>} : memref<32x1024xf32, #tpu.memory_space<vmem>>, vector<1x16xf32>,
      %get3A_776 = vector.shape_cast %get3A_775 : vector<1x16xf32> to vector<16xf32>
      %add3A_777 = arith.addf %get3A_772, %get3A_776 : vector<16xf32>
      %swap3A_778 = arith.index_cast %scan3A_56 : i32 to index
      %swap3A_779 = arith.constant 816 : index
      %swap3A_780 = tpu.vector_load %arg8[%swap3A_778, %swap3A_779] {strides = array<i32>} : memref<32x1024xf32, #tpu.memory_space<vmem>>, vector<1x16xf32>,
      %swap3A_781 = vector.shape_cast %swap3A_780 : vector<1x16xf32> to vector<16xf32>
      %swap3A_782 = vector.shape_cast %add3A_777 : vector<16xf32> to vector<1x16xf32>
      tpu.vector_store %arg8[%swap3A_778, %swap3A_779], %swap3A_782 {strides = array<i32>} : memref<32x1024xf32, #tpu.memory_space<vmem>>, vector<1x16xf32>,
      %get3A_783 = arith.index_cast %scan3A_56 : i32 to index
      %get3A_784 = arith.constant 832 : index
      %get3A_785 = tpu.vector_load %arg8[%get3A_783, %get3A_784] {strides = array<i32>} : memref<32x1024xf32, #tpu.memory_space<vmem>>, vector<1x16xf32>,
      %get3A_786 = vector.shape_cast %get3A_785 : vector<1x16xf32> to vector<16xf32>
      %get3A_787 = arith.index_cast %scan3A_56 : i32 to index
      %get3A_788 = arith.constant 832 : index
      %get3A_789 = tpu.vector_load %arg9[%get3A_787, %get3A_788] {strides = array<i32>} : memref<32x1024xf32, #tpu.memory_space<vmem>>, vector<1x16xf32>,
      %get3A_790 = vector.shape_cast %get3A_789 : vector<1x16xf32> to vector<16xf32>
      %add3A_791 = arith.addf %get3A_786, %get3A_790 : vector<16xf32>
      %swap3A_792 = arith.index_cast %scan3A_56 : i32 to index
      %swap3A_793 = arith.constant 832 : index
      %swap3A_794 = tpu.vector_load %arg8[%swap3A_792, %swap3A_793] {strides = array<i32>} : memref<32x1024xf32, #tpu.memory_space<vmem>>, vector<1x16xf32>,
      %swap3A_795 = vector.shape_cast %swap3A_794 : vector<1x16xf32> to vector<16xf32>
      %swap3A_796 = vector.shape_cast %add3A_791 : vector<16xf32> to vector<1x16xf32>
      tpu.vector_store %arg8[%swap3A_792, %swap3A_793], %swap3A_796 {strides = array<i32>} : memref<32x1024xf32, #tpu.memory_space<vmem>>, vector<1x16xf32>,
      %get3A_797 = arith.index_cast %scan3A_56 : i32 to index
      %get3A_798 = arith.constant 848 : index
      %get3A_799 = tpu.vector_load %arg8[%get3A_797, %get3A_798] {strides = array<i32>} : memref<32x1024xf32, #tpu.memory_space<vmem>>, vector<1x16xf32>,
      %get3A_800 = vector.shape_cast %get3A_799 : vector<1x16xf32> to vector<16xf32>
      %get3A_801 = arith.index_cast %scan3A_56 : i32 to index
      %get3A_802 = arith.constant 848 : index
      %get3A_803 = tpu.vector_load %arg9[%get3A_801, %get3A_802] {strides = array<i32>} : memref<32x1024xf32, #tpu.memory_space<vmem>>, vector<1x16xf32>,
      %get3A_804 = vector.shape_cast %get3A_803 : vector<1x16xf32> to vector<16xf32>
      %add3A_805 = arith.addf %get3A_800, %get3A_804 : vector<16xf32>
      %swap3A_806 = arith.index_cast %scan3A_56 : i32 to index
      %swap3A_807 = arith.constant 848 : index
      %swap3A_808 = tpu.vector_load %arg8[%swap3A_806, %swap3A_807] {strides = array<i32>} : memref<32x1024xf32, #tpu.memory_space<vmem>>, vector<1x16xf32>,
      %swap3A_809 = vector.shape_cast %swap3A_808 : vector<1x16xf32> to vector<16xf32>
      %swap3A_810 = vector.shape_cast %add3A_805 : vector<16xf32> to vector<1x16xf32>
      tpu.vector_store %arg8[%swap3A_806, %swap3A_807], %swap3A_810 {strides = array<i32>} : memref<32x1024xf32, #tpu.memory_space<vmem>>, vector<1x16xf32>,
      %get3A_811 = arith.index_cast %scan3A_56 : i32 to index
      %get3A_812 = arith.constant 864 : index
      %get3A_813 = tpu.vector_load %arg8[%get3A_811, %get3A_812] {strides = array<i32>} : memref<32x1024xf32, #tpu.memory_space<vmem>>, vector<1x16xf32>,
      %get3A_814 = vector.shape_cast %get3A_813 : vector<1x16xf32> to vector<16xf32>
      %get3A_815 = arith.index_cast %scan3A_56 : i32 to index
      %get3A_816 = arith.constant 864 : index
      %get3A_817 = tpu.vector_load %arg9[%get3A_815, %get3A_816] {strides = array<i32>} : memref<32x1024xf32, #tpu.memory_space<vmem>>, vector<1x16xf32>,
      %get3A_818 = vector.shape_cast %get3A_817 : vector<1x16xf32> to vector<16xf32>
      %add3A_819 = arith.addf %get3A_814, %get3A_818 : vector<16xf32>
      %swap3A_820 = arith.index_cast %scan3A_56 : i32 to index
      %swap3A_821 = arith.constant 864 : index
      %swap3A_822 = tpu.vector_load %arg8[%swap3A_820, %swap3A_821] {strides = array<i32>} : memref<32x1024xf32, #tpu.memory_space<vmem>>, vector<1x16xf32>,
      %swap3A_823 = vector.shape_cast %swap3A_822 : vector<1x16xf32> to vector<16xf32>
      %swap3A_824 = vector.shape_cast %add3A_819 : vector<16xf32> to vector<1x16xf32>
      tpu.vector_store %arg8[%swap3A_820, %swap3A_821], %swap3A_824 {strides = array<i32>} : memref<32x1024xf32, #tpu.memory_space<vmem>>, vector<1x16xf32>,
      %get3A_825 = arith.index_cast %scan3A_56 : i32 to index
      %get3A_826 = arith.constant 880 : index
      %get3A_827 = tpu.vector_load %arg8[%get3A_825, %get3A_826] {strides = array<i32>} : memref<32x1024xf32, #tpu.memory_space<vmem>>, vector<1x16xf32>,
      %get3A_828 = vector.shape_cast %get3A_827 : vector<1x16xf32> to vector<16xf32>
      %get3A_829 = arith.index_cast %scan3A_56 : i32 to index
      %get3A_830 = arith.constant 880 : index
      %get3A_831 = tpu.vector_load %arg9[%get3A_829, %get3A_830] {strides = array<i32>} : memref<32x1024xf32, #tpu.memory_space<vmem>>, vector<1x16xf32>,
      %get3A_832 = vector.shape_cast %get3A_831 : vector<1x16xf32> to vector<16xf32>
      %add3A_833 = arith.addf %get3A_828, %get3A_832 : vector<16xf32>
      %swap3A_834 = arith.index_cast %scan3A_56 : i32 to index
      %swap3A_835 = arith.constant 880 : index
      %swap3A_836 = tpu.vector_load %arg8[%swap3A_834, %swap3A_835] {strides = array<i32>} : memref<32x1024xf32, #tpu.memory_space<vmem>>, vector<1x16xf32>,
      %swap3A_837 = vector.shape_cast %swap3A_836 : vector<1x16xf32> to vector<16xf32>
      %swap3A_838 = vector.shape_cast %add3A_833 : vector<16xf32> to vector<1x16xf32>
      tpu.vector_store %arg8[%swap3A_834, %swap3A_835], %swap3A_838 {strides = array<i32>} : memref<32x1024xf32, #tpu.memory_space<vmem>>, vector<1x16xf32>,
      %get3A_839 = arith.index_cast %scan3A_56 : i32 to index
      %get3A_840 = arith.constant 896 : index
      %get3A_841 = tpu.vector_load %arg8[%get3A_839, %get3A_840] {strides = array<i32>} : memref<32x1024xf32, #tpu.memory_space<vmem>>, vector<1x16xf32>,
      %get3A_842 = vector.shape_cast %get3A_841 : vector<1x16xf32> to vector<16xf32>
      %get3A_843 = arith.index_cast %scan3A_56 : i32 to index
      %get3A_844 = arith.constant 896 : index
      %get3A_845 = tpu.vector_load %arg9[%get3A_843, %get3A_844] {strides = array<i32>} : memref<32x1024xf32, #tpu.memory_space<vmem>>, vector<1x16xf32>,
      %get3A_846 = vector.shape_cast %get3A_845 : vector<1x16xf32> to vector<16xf32>
      %add3A_847 = arith.addf %get3A_842, %get3A_846 : vector<16xf32>
      %swap3A_848 = arith.index_cast %scan3A_56 : i32 to index
      %swap3A_849 = arith.constant 896 : index
      %swap3A_850 = tpu.vector_load %arg8[%swap3A_848, %swap3A_849] {strides = array<i32>} : memref<32x1024xf32, #tpu.memory_space<vmem>>, vector<1x16xf32>,
      %swap3A_851 = vector.shape_cast %swap3A_850 : vector<1x16xf32> to vector<16xf32>
      %swap3A_852 = vector.shape_cast %add3A_847 : vector<16xf32> to vector<1x16xf32>
      tpu.vector_store %arg8[%swap3A_848, %swap3A_849], %swap3A_852 {strides = array<i32>} : memref<32x1024xf32, #tpu.memory_space<vmem>>, vector<1x16xf32>,
      %get3A_853 = arith.index_cast %scan3A_56 : i32 to index
      %get3A_854 = arith.constant 912 : index
      %get3A_855 = tpu.vector_load %arg8[%get3A_853, %get3A_854] {strides = array<i32>} : memref<32x1024xf32, #tpu.memory_space<vmem>>, vector<1x16xf32>,
      %get3A_856 = vector.shape_cast %get3A_855 : vector<1x16xf32> to vector<16xf32>
      %get3A_857 = arith.index_cast %scan3A_56 : i32 to index
      %get3A_858 = arith.constant 912 : index
      %get3A_859 = tpu.vector_load %arg9[%get3A_857, %get3A_858] {strides = array<i32>} : memref<32x1024xf32, #tpu.memory_space<vmem>>, vector<1x16xf32>,
      %get3A_860 = vector.shape_cast %get3A_859 : vector<1x16xf32> to vector<16xf32>
      %add3A_861 = arith.addf %get3A_856, %get3A_860 : vector<16xf32>
      %swap3A_862 = arith.index_cast %scan3A_56 : i32 to index
      %swap3A_863 = arith.constant 912 : index
      %swap3A_864 = tpu.vector_load %arg8[%swap3A_862, %swap3A_863] {strides = array<i32>} : memref<32x1024xf32, #tpu.memory_space<vmem>>, vector<1x16xf32>,
      %swap3A_865 = vector.shape_cast %swap3A_864 : vector<1x16xf32> to vector<16xf32>
      %swap3A_866 = vector.shape_cast %add3A_861 : vector<16xf32> to vector<1x16xf32>
      tpu.vector_store %arg8[%swap3A_862, %swap3A_863], %swap3A_866 {strides = array<i32>} : memref<32x1024xf32, #tpu.memory_space<vmem>>, vector<1x16xf32>,
      %get3A_867 = arith.index_cast %scan3A_56 : i32 to index
      %get3A_868 = arith.constant 928 : index
      %get3A_869 = tpu.vector_load %arg8[%get3A_867, %get3A_868] {strides = array<i32>} : memref<32x1024xf32, #tpu.memory_space<vmem>>, vector<1x16xf32>,
      %get3A_870 = vector.shape_cast %get3A_869 : vector<1x16xf32> to vector<16xf32>
      %get3A_871 = arith.index_cast %scan3A_56 : i32 to index
      %get3A_872 = arith.constant 928 : index
      %get3A_873 = tpu.vector_load %arg9[%get3A_871, %get3A_872] {strides = array<i32>} : memref<32x1024xf32, #tpu.memory_space<vmem>>, vector<1x16xf32>,
      %get3A_874 = vector.shape_cast %get3A_873 : vector<1x16xf32> to vector<16xf32>
      %add3A_875 = arith.addf %get3A_870, %get3A_874 : vector<16xf32>
      %swap3A_876 = arith.index_cast %scan3A_56 : i32 to index
      %swap3A_877 = arith.constant 928 : index
      %swap3A_878 = tpu.vector_load %arg8[%swap3A_876, %swap3A_877] {strides = array<i32>} : memref<32x1024xf32, #tpu.memory_space<vmem>>, vector<1x16xf32>,
      %swap3A_879 = vector.shape_cast %swap3A_878 : vector<1x16xf32> to vector<16xf32>
      %swap3A_880 = vector.shape_cast %add3A_875 : vector<16xf32> to vector<1x16xf32>
      tpu.vector_store %arg8[%swap3A_876, %swap3A_877], %swap3A_880 {strides = array<i32>} : memref<32x1024xf32, #tpu.memory_space<vmem>>, vector<1x16xf32>,
      %get3A_881 = arith.index_cast %scan3A_56 : i32 to index
      %get3A_882 = arith.constant 944 : index
      %get3A_883 = tpu.vector_load %arg8[%get3A_881, %get3A_882] {strides = array<i32>} : memref<32x1024xf32, #tpu.memory_space<vmem>>, vector<1x16xf32>,
      %get3A_884 = vector.shape_cast %get3A_883 : vector<1x16xf32> to vector<16xf32>
      %get3A_885 = arith.index_cast %scan3A_56 : i32 to index
      %get3A_886 = arith.constant 944 : index
      %get3A_887 = tpu.vector_load %arg9[%get3A_885, %get3A_886] {strides = array<i32>} : memref<32x1024xf32, #tpu.memory_space<vmem>>, vector<1x16xf32>,
      %get3A_888 = vector.shape_cast %get3A_887 : vector<1x16xf32> to vector<16xf32>
      %add3A_889 = arith.addf %get3A_884, %get3A_888 : vector<16xf32>
      %swap3A_890 = arith.index_cast %scan3A_56 : i32 to index
      %swap3A_891 = arith.constant 944 : index
      %swap3A_892 = tpu.vector_load %arg8[%swap3A_890, %swap3A_891] {strides = array<i32>} : memref<32x1024xf32, #tpu.memory_space<vmem>>, vector<1x16xf32>,
      %swap3A_893 = vector.shape_cast %swap3A_892 : vector<1x16xf32> to vector<16xf32>
      %swap3A_894 = vector.shape_cast %add3A_889 : vector<16xf32> to vector<1x16xf32>
      tpu.vector_store %arg8[%swap3A_890, %swap3A_891], %swap3A_894 {strides = array<i32>} : memref<32x1024xf32, #tpu.memory_space<vmem>>, vector<1x16xf32>,
      %get3A_895 = arith.index_cast %scan3A_56 : i32 to index
      %get3A_896 = arith.constant 960 : index
      %get3A_897 = tpu.vector_load %arg8[%get3A_895, %get3A_896] {strides = array<i32>} : memref<32x1024xf32, #tpu.memory_space<vmem>>, vector<1x16xf32>,
      %get3A_898 = vector.shape_cast %get3A_897 : vector<1x16xf32> to vector<16xf32>
      %get3A_899 = arith.index_cast %scan3A_56 : i32 to index
      %get3A_900 = arith.constant 960 : index
      %get3A_901 = tpu.vector_load %arg9[%get3A_899, %get3A_900] {strides = array<i32>} : memref<32x1024xf32, #tpu.memory_space<vmem>>, vector<1x16xf32>,
      %get3A_902 = vector.shape_cast %get3A_901 : vector<1x16xf32> to vector<16xf32>
      %add3A_903 = arith.addf %get3A_898, %get3A_902 : vector<16xf32>
      %swap3A_904 = arith.index_cast %scan3A_56 : i32 to index
      %swap3A_905 = arith.constant 960 : index
      %swap3A_906 = tpu.vector_load %arg8[%swap3A_904, %swap3A_905] {strides = array<i32>} : memref<32x1024xf32, #tpu.memory_space<vmem>>, vector<1x16xf32>,
      %swap3A_907 = vector.shape_cast %swap3A_906 : vector<1x16xf32> to vector<16xf32>
      %swap3A_908 = vector.shape_cast %add3A_903 : vector<16xf32> to vector<1x16xf32>
      tpu.vector_store %arg8[%swap3A_904, %swap3A_905], %swap3A_908 {strides = array<i32>} : memref<32x1024xf32, #tpu.memory_space<vmem>>, vector<1x16xf32>,
      %get3A_909 = arith.index_cast %scan3A_56 : i32 to index
      %get3A_910 = arith.constant 976 : index
      %get3A_911 = tpu.vector_load %arg8[%get3A_909, %get3A_910] {strides = array<i32>} : memref<32x1024xf32, #tpu.memory_space<vmem>>, vector<1x16xf32>,
      %get3A_912 = vector.shape_cast %get3A_911 : vector<1x16xf32> to vector<16xf32>
      %get3A_913 = arith.index_cast %scan3A_56 : i32 to index
      %get3A_914 = arith.constant 976 : index
      %get3A_915 = tpu.vector_load %arg9[%get3A_913, %get3A_914] {strides = array<i32>} : memref<32x1024xf32, #tpu.memory_space<vmem>>, vector<1x16xf32>,
      %get3A_916 = vector.shape_cast %get3A_915 : vector<1x16xf32> to vector<16xf32>
      %add3A_917 = arith.addf %get3A_912, %get3A_916 : vector<16xf32>
      %swap3A_918 = arith.index_cast %scan3A_56 : i32 to index
      %swap3A_919 = arith.constant 976 : index
      %swap3A_920 = tpu.vector_load %arg8[%swap3A_918, %swap3A_919] {strides = array<i32>} : memref<32x1024xf32, #tpu.memory_space<vmem>>, vector<1x16xf32>,
      %swap3A_921 = vector.shape_cast %swap3A_920 : vector<1x16xf32> to vector<16xf32>
      %swap3A_922 = vector.shape_cast %add3A_917 : vector<16xf32> to vector<1x16xf32>
      tpu.vector_store %arg8[%swap3A_918, %swap3A_919], %swap3A_922 {strides = array<i32>} : memref<32x1024xf32, #tpu.memory_space<vmem>>, vector<1x16xf32>,
      %get3A_923 = arith.index_cast %scan3A_56 : i32 to index
      %get3A_924 = arith.constant 992 : index
      %get3A_925 = tpu.vector_load %arg8[%get3A_923, %get3A_924] {strides = array<i32>} : memref<32x1024xf32, #tpu.memory_space<vmem>>, vector<1x16xf32>,
      %get3A_926 = vector.shape_cast %get3A_925 : vector<1x16xf32> to vector<16xf32>
      %get3A_927 = arith.index_cast %scan3A_56 : i32 to index
      %get3A_928 = arith.constant 992 : index
      %get3A_929 = tpu.vector_load %arg9[%get3A_927, %get3A_928] {strides = array<i32>} : memref<32x1024xf32, #tpu.memory_space<vmem>>, vector<1x16xf32>,
      %get3A_930 = vector.shape_cast %get3A_929 : vector<1x16xf32> to vector<16xf32>
      %add3A_931 = arith.addf %get3A_926, %get3A_930 : vector<16xf32>
      %swap3A_932 = arith.index_cast %scan3A_56 : i32 to index
      %swap3A_933 = arith.constant 992 : index
      %swap3A_934 = tpu.vector_load %arg8[%swap3A_932, %swap3A_933] {strides = array<i32>} : memref<32x1024xf32, #tpu.memory_space<vmem>>, vector<1x16xf32>,
      %swap3A_935 = vector.shape_cast %swap3A_934 : vector<1x16xf32> to vector<16xf32>
      %swap3A_936 = vector.shape_cast %add3A_931 : vector<16xf32> to vector<1x16xf32>
      tpu.vector_store %arg8[%swap3A_932, %swap3A_933], %swap3A_936 {strides = array<i32>} : memref<32x1024xf32, #tpu.memory_space<vmem>>, vector<1x16xf32>,
      %get3A_937 = arith.index_cast %scan3A_56 : i32 to index
      %get3A_938 = arith.constant 1008 : index
      %get3A_939 = tpu.vector_load %arg8[%get3A_937, %get3A_938] {strides = array<i32>} : memref<32x1024xf32, #tpu.memory_space<vmem>>, vector<1x16xf32>,
      %get3A_940 = vector.shape_cast %get3A_939 : vector<1x16xf32> to vector<16xf32>
      %get3A_941 = arith.index_cast %scan3A_56 : i32 to index
      %get3A_942 = arith.constant 1008 : index
      %get3A_943 = tpu.vector_load %arg9[%get3A_941, %get3A_942] {strides = array<i32>} : memref<32x1024xf32, #tpu.memory_space<vmem>>, vector<1x16xf32>,
      %get3A_944 = vector.shape_cast %get3A_943 : vector<1x16xf32> to vector<16xf32>
      %add3A_945 = arith.addf %get3A_940, %get3A_944 : vector<16xf32>
      %swap3A_946 = arith.index_cast %scan3A_56 : i32 to index
      %swap3A_947 = arith.constant 1008 : index
      %swap3A_948 = tpu.vector_load %arg8[%swap3A_946, %swap3A_947] {strides = array<i32>} : memref<32x1024xf32, #tpu.memory_space<vmem>>, vector<1x16xf32>,
      %swap3A_949 = vector.shape_cast %swap3A_948 : vector<1x16xf32> to vector<16xf32>
      %swap3A_950 = vector.shape_cast %add3A_945 : vector<16xf32> to vector<1x16xf32>
      tpu.vector_store %arg8[%swap3A_946, %swap3A_947], %swap3A_950 {strides = array<i32>} : memref<32x1024xf32, #tpu.memory_space<vmem>>, vector<1x16xf32>,
    }
    %scan3A_53 = arith.constant 32 : i32
    %add3A_54 = arith.constant 32 : i32
    %add3A_55 = arith.addi %mul3A_2, %add3A_54 : i32
    "tpu.region"() ({
      %run_scoped3A = tpu.sem_alloc : memref<!tpu.dma_semaphore, #tpu.memory_space<semaphore_mem>>
      %dma_start3A_56 = arith.constant 0 : i32
      %dma_start3A_57 = tpu.memref_slice %arg5[%add3A_55, %dma_start3A_56] : memref<2048x1024xf32, #tpu.memory_space<hbm>> -> memref<32x1024xf32, #tpu.memory_space<hbm>>
      %dma_start3A_58 = arith.constant 0 : i32
      %dma_start3A_59 = tpu.memref_slice %arg5[%add3A_55, %dma_start3A_58] : memref<2048x1024xf32, #tpu.memory_space<hbm>> -> memref<32x1024xf32, #tpu.memory_space<hbm>>
      tpu.enqueue_dma source(%arg8 : memref<32x1024xf32, #tpu.memory_space<vmem>>) target(%dma_start3A_59 : memref<32x1024xf32, #tpu.memory_space<hbm>>) target_semaphore(%run_scoped3A : memref<!tpu.dma_semaphore, #tpu.memory_space<semaphore_mem>>)
      %dma_wait3A_60 = arith.constant 0 : i32
      %dma_wait3A_61 = tpu.memref_slice %arg5[%add3A_55, %dma_wait3A_60] : memref<2048x1024xf32, #tpu.memory_space<hbm>> -> memref<32x1024xf32, #tpu.memory_space<hbm>>
      %dma_wait3A_62 = arith.constant 0 : i32
      %dma_wait3A_63 = tpu.memref_slice %arg5[%add3A_55, %dma_wait3A_62] : memref<2048x1024xf32, #tpu.memory_space<hbm>> -> memref<32x1024xf32, #tpu.memory_space<hbm>>
      tpu.wait_dma2 semaphore(%run_scoped3A : memref<!tpu.dma_semaphore, #tpu.memory_space<semaphore_mem>>) src(%arg8 : memref<32x1024xf32, #tpu.memory_space<vmem>>) dst(%dma_wait3A_63 : memref<32x1024xf32, #tpu.memory_space<hbm>>)
      tpu.yield
    }) : () -> ()
    return
  }
}

module attributes {stable_mosaic.version = 14 : i64} {
  func.func @_router_body(%arg0: memref<2048x1024xf32, #tpu.memory_space<vmem>>, %arg1: memref<8x1024xf32, #tpu.memory_space<vmem>>, %arg2: memref<1x25xi32, #tpu.memory_space<vmem>>, %arg3: memref<2048x1xi32, #tpu.memory_space<vmem>>, %arg4: memref<2048x1xi32, #tpu.memory_space<vmem>>, %arg5: memref<2048x1xf32, #tpu.memory_space<vmem>>, %arg6: memref<2048x1xf32, #tpu.memory_space<vmem>>, %arg7: memref<1x1xf32, #tpu.memory_space<vmem>>) attributes {dimension_semantics = [], scalar_prefetch = 0 : i64, scratch_operands = 0 : i64, tpu.core_type = #tpu.core_type<tc>} {
    %get3A = arith.constant 0 : index
    %get3A_0 = arith.constant 0 : index
    %get3A_1 = vector.load %arg0[%get3A, %get3A_0] : memref<2048x1024xf32, #tpu.memory_space<vmem>>, vector<2048x1024xf32>
    %get3A_2 = arith.constant 0 : index
    %get3A_3 = arith.constant 0 : index
    %get3A_4 = vector.load %arg1[%get3A_2, %get3A_3] : memref<8x1024xf32, #tpu.memory_space<vmem>>, vector<8x1024xf32>
    %dot_general3A = arith.constant dense<0.000000e+00> : vector<2048x8xf32>
    %dot_general3A_5 = tpu.matmul %get3A_1, %get3A_4, %dot_general3A {dimension_numbers = #tpu.dot_dimension_numbers<[1], [1], [0], [0], [0, 0, 1, 0], [], []>, transpose_lhs_hint = false} : vector<2048x1024xf32>, vector<8x1024xf32>, vector<2048x8xf32> -> vector<2048x8xf32>
    %reduce_max3A = arith.constant dense<0xFF800000> : vector<2048xf32>
    %reduce_max3A_6 = vector.multi_reduction <maximumf>, %dot_general3A_5, %reduce_max3A [1] : vector<2048x8xf32> to vector<2048xf32>
    %broadcast_in_dim3A = vector.shape_cast %reduce_max3A_6 : vector<2048xf32> to vector<2048x1xf32>
    %sub3A = vector.broadcast %broadcast_in_dim3A : vector<2048x1xf32> to vector<2048x8xf32>
    %sub3A_7 = arith.subf %dot_general3A_5, %sub3A : vector<2048x8xf32>
    %exp3A = math.exp %sub3A_7 : vector<2048x8xf32>
    %reduce_sum3A = arith.constant dense<0.000000e+00> : vector<2048xf32>
    %reduce_sum3A_8 = vector.multi_reduction <add>, %exp3A, %reduce_sum3A [1] : vector<2048x8xf32> to vector<2048xf32>
    %broadcast_in_dim3A_9 = vector.shape_cast %reduce_sum3A_8 : vector<2048xf32> to vector<2048x1xf32>
    %div3A = vector.broadcast %broadcast_in_dim3A_9 : vector<2048x1xf32> to vector<2048x8xf32>
    %div3A_10 = arith.divf %exp3A, %div3A : vector<2048x8xf32>
    %iota3A = tpu.iota {dimensions = array<i32: 1>} : vector<2048x8xi32>
    %reduce_max3A_11 = arith.constant dense<0xFF800000> : vector<2048xf32>
    %reduce_max3A_12 = vector.multi_reduction <maximumf>, %div3A_10, %reduce_max3A_11 [1] : vector<2048x8xf32> to vector<2048xf32>
    %broadcast_in_dim3A_13 = vector.shape_cast %reduce_max3A_12 : vector<2048xf32> to vector<2048x1xf32>
    %eq3A = vector.broadcast %broadcast_in_dim3A_13 : vector<2048x1xf32> to vector<2048x8xf32>
    %eq3A_14 = arith.cmpf oeq, %div3A_10, %eq3A : vector<2048x8xf32>
    %jit3A = arith.constant 8 : i32
    %broadcast_in_dim3A_15 = vector.broadcast %jit3A : i32 to vector<2048x8xi32>
    %select_n3A = arith.select %eq3A_14, %iota3A, %broadcast_in_dim3A_15 : vector<2048x8xi1>, vector<2048x8xi32>
    %reduce_min3A = arith.constant dense<2147483647> : vector<2048xi32>
    %reduce_min3A_16 = vector.multi_reduction <minsi>, %select_n3A, %reduce_min3A [1] : vector<2048x8xi32> to vector<2048xi32>
    %broadcast_in_dim3A_17 = vector.shape_cast %reduce_min3A_16 : vector<2048xi32> to vector<2048x1xi32>
    %eq3A_18 = vector.broadcast %broadcast_in_dim3A_17 : vector<2048x1xi32> to vector<2048x8xi32>
    %eq3A_19 = arith.cmpi eq, %iota3A, %eq3A_18 : vector<2048x8xi32>
    %jit3A_20 = arith.constant -1.000000e+00 : f32
    %broadcast_in_dim3A_21 = vector.broadcast %jit3A_20 : f32 to vector<2048x8xf32>
    %select_n3A_22 = arith.select %eq3A_19, %broadcast_in_dim3A_21, %div3A_10 : vector<2048x8xi1>, vector<2048x8xf32>
    %reduce_max3A_23 = arith.constant dense<0xFF800000> : vector<2048xf32>
    %reduce_max3A_24 = vector.multi_reduction <maximumf>, %select_n3A_22, %reduce_max3A_23 [1] : vector<2048x8xf32> to vector<2048xf32>
    %broadcast_in_dim3A_25 = vector.shape_cast %reduce_max3A_24 : vector<2048xf32> to vector<2048x1xf32>
    %eq3A_26 = vector.broadcast %broadcast_in_dim3A_25 : vector<2048x1xf32> to vector<2048x8xf32>
    %eq3A_27 = arith.cmpf oeq, %select_n3A_22, %eq3A_26 : vector<2048x8xf32>
    %jit3A_28 = arith.constant 8 : i32
    %broadcast_in_dim3A_29 = vector.broadcast %jit3A_28 : i32 to vector<2048x8xi32>
    %select_n3A_30 = arith.select %eq3A_27, %iota3A, %broadcast_in_dim3A_29 : vector<2048x8xi1>, vector<2048x8xi32>
    %reduce_min3A_31 = arith.constant dense<2147483647> : vector<2048xi32>
    %reduce_min3A_32 = vector.multi_reduction <minsi>, %select_n3A_30, %reduce_min3A_31 [1] : vector<2048x8xi32> to vector<2048xi32>
    %broadcast_in_dim3A_33 = vector.shape_cast %reduce_min3A_32 : vector<2048xi32> to vector<2048x1xi32>
    %add3A = arith.addf %broadcast_in_dim3A_13, %broadcast_in_dim3A_25 : vector<2048x1xf32>
    %eq3A_34 = vector.broadcast %broadcast_in_dim3A_17 : vector<2048x1xi32> to vector<2048x8xi32>
    %eq3A_35 = arith.cmpi eq, %iota3A, %eq3A_34 : vector<2048x8xi32>
    %convert_element_type3A = arith.extui %eq3A_35 : vector<2048x8xi1> to vector<2048x8xi32>
    %convert_element_type3A_36 = arith.sitofp %convert_element_type3A : vector<2048x8xi32> to vector<2048x8xf32>
    %eq3A_37 = vector.broadcast %broadcast_in_dim3A_33 : vector<2048x1xi32> to vector<2048x8xi32>
    %eq3A_38 = arith.cmpi eq, %iota3A, %eq3A_37 : vector<2048x8xi32>
    %convert_element_type3A_39 = arith.extui %eq3A_38 : vector<2048x8xi1> to vector<2048x8xi32>
    %convert_element_type3A_40 = arith.sitofp %convert_element_type3A_39 : vector<2048x8xi32> to vector<2048x8xf32>
    %div3A_41 = arith.divf %broadcast_in_dim3A_13, %add3A : vector<2048x1xf32>
    %swap3A = arith.constant 0 : index
    %swap3A_42 = arith.constant 0 : index
    %swap3A_43 = vector.load %arg5[%swap3A, %swap3A_42] : memref<2048x1xf32, #tpu.memory_space<vmem>>, vector<2048x1xf32>
    tpu.vector_store %arg5[%swap3A, %swap3A_42], %div3A_41 {strides = array<i32>} : memref<2048x1xf32, #tpu.memory_space<vmem>>, vector<2048x1xf32>,
    %div3A_44 = arith.divf %broadcast_in_dim3A_25, %add3A : vector<2048x1xf32>
    %swap3A_45 = arith.constant 0 : index
    %swap3A_46 = arith.constant 0 : index
    %swap3A_47 = vector.load %arg6[%swap3A_45, %swap3A_46] : memref<2048x1xf32, #tpu.memory_space<vmem>>, vector<2048x1xf32>
    tpu.vector_store %arg6[%swap3A_45, %swap3A_46], %div3A_44 {strides = array<i32>} : memref<2048x1xf32, #tpu.memory_space<vmem>>, vector<2048x1xf32>,
    %iota3A_48 = tpu.iota {dimensions = array<i32: 0>} : vector<256x256xi32>
    %iota3A_49 = tpu.iota {dimensions = array<i32: 1>} : vector<256x256xi32>
    %gt3A = arith.cmpi sgt, %iota3A_48, %iota3A_49 : vector<256x256xi32>
    %convert_element_type3A_50 = arith.extui %gt3A : vector<256x256xi1> to vector<256x256xi32>
    %convert_element_type3A_51 = arith.sitofp %convert_element_type3A_50 : vector<256x256xi32> to vector<256x256xf32>
    %convert_element_type3A_52 = arith.truncf %convert_element_type3A_51 : vector<256x256xf32> to vector<256x256xbf16>
    %broadcast_in_dim3A_53 = arith.constant 0.000000e+00 : f32
    %broadcast_in_dim3A_54 = vector.broadcast %broadcast_in_dim3A_53 : f32 to vector<1x8xf32>
    %convert_element_type3A_55 = arith.truncf %convert_element_type3A_36 : vector<2048x8xf32> to vector<2048x8xbf16>
    %slice3A = vector.extract_strided_slice %convert_element_type3A_36 {offsets = [0, 0], sizes = [256, 8], strides = [1, 1]} : vector<2048x8xf32> to vector<256x8xf32>
    %slice3A_56 = vector.extract_strided_slice %convert_element_type3A_55 {offsets = [0, 0], sizes = [256, 8], strides = [1, 1]} : vector<2048x8xbf16> to vector<256x8xbf16>
    %dot_general3A_57 = arith.constant dense<0.000000e+00> : vector<256x8xf32>
    %dot_general3A_58 = tpu.matmul %convert_element_type3A_52, %slice3A_56, %dot_general3A_57 {dimension_numbers = #tpu.dot_dimension_numbers<[1], [0], [0], [1], [0, 0, 1, 1], [], []>, transpose_lhs_hint = false} : vector<256x256xbf16>, vector<256x8xbf16>, vector<256x8xf32> -> vector<256x8xf32>
    %add3A_59 = vector.broadcast %broadcast_in_dim3A_54 : vector<1x8xf32> to vector<256x8xf32>
    %add3A_60 = arith.addf %dot_general3A_58, %add3A_59 : vector<256x8xf32>
    %mul3A = arith.mulf %add3A_60, %slice3A : vector<256x8xf32>
    %reduce_sum3A_61 = arith.constant dense<0.000000e+00> : vector<256xf32>
    %reduce_sum3A_62 = vector.multi_reduction <add>, %mul3A, %reduce_sum3A_61 [1] : vector<256x8xf32> to vector<256xf32>
    %broadcast_in_dim3A_63 = vector.shape_cast %reduce_sum3A_62 : vector<256xf32> to vector<256x1xf32>
    %reduce_sum3A_64 = arith.constant dense<0.000000e+00> : vector<8xf32>
    %reduce_sum3A_65 = vector.multi_reduction <add>, %slice3A, %reduce_sum3A_64 [0] : vector<256x8xf32> to vector<8xf32>
    %broadcast_in_dim3A_66 = vector.shape_cast %reduce_sum3A_65 : vector<8xf32> to vector<1x8xf32>
    %add3A_67 = arith.addf %broadcast_in_dim3A_54, %broadcast_in_dim3A_66 : vector<1x8xf32>
    %slice3A_68 = vector.extract_strided_slice %convert_element_type3A_36 {offsets = [256, 0], sizes = [256, 8], strides = [1, 1]} : vector<2048x8xf32> to vector<256x8xf32>
    %slice3A_69 = vector.extract_strided_slice %convert_element_type3A_55 {offsets = [256, 0], sizes = [256, 8], strides = [1, 1]} : vector<2048x8xbf16> to vector<256x8xbf16>
    %dot_general3A_70 = arith.constant dense<0.000000e+00> : vector<256x8xf32>
    %dot_general3A_71 = tpu.matmul %convert_element_type3A_52, %slice3A_69, %dot_general3A_70 {dimension_numbers = #tpu.dot_dimension_numbers<[1], [0], [0], [1], [0, 0, 1, 1], [], []>, transpose_lhs_hint = false} : vector<256x256xbf16>, vector<256x8xbf16>, vector<256x8xf32> -> vector<256x8xf32>
    %add3A_72 = vector.broadcast %add3A_67 : vector<1x8xf32> to vector<256x8xf32>
    %add3A_73 = arith.addf %dot_general3A_71, %add3A_72 : vector<256x8xf32>
    %mul3A_74 = arith.mulf %add3A_73, %slice3A_68 : vector<256x8xf32>
    %reduce_sum3A_75 = arith.constant dense<0.000000e+00> : vector<256xf32>
    %reduce_sum3A_76 = vector.multi_reduction <add>, %mul3A_74, %reduce_sum3A_75 [1] : vector<256x8xf32> to vector<256xf32>
    %broadcast_in_dim3A_77 = vector.shape_cast %reduce_sum3A_76 : vector<256xf32> to vector<256x1xf32>
    %reduce_sum3A_78 = arith.constant dense<0.000000e+00> : vector<8xf32>
    %reduce_sum3A_79 = vector.multi_reduction <add>, %slice3A_68, %reduce_sum3A_78 [0] : vector<256x8xf32> to vector<8xf32>
    %broadcast_in_dim3A_80 = vector.shape_cast %reduce_sum3A_79 : vector<8xf32> to vector<1x8xf32>
    %add3A_81 = arith.addf %add3A_67, %broadcast_in_dim3A_80 : vector<1x8xf32>
    %slice3A_82 = vector.extract_strided_slice %convert_element_type3A_36 {offsets = [512, 0], sizes = [256, 8], strides = [1, 1]} : vector<2048x8xf32> to vector<256x8xf32>
    %slice3A_83 = vector.extract_strided_slice %convert_element_type3A_55 {offsets = [512, 0], sizes = [256, 8], strides = [1, 1]} : vector<2048x8xbf16> to vector<256x8xbf16>
    %dot_general3A_84 = arith.constant dense<0.000000e+00> : vector<256x8xf32>
    %dot_general3A_85 = tpu.matmul %convert_element_type3A_52, %slice3A_83, %dot_general3A_84 {dimension_numbers = #tpu.dot_dimension_numbers<[1], [0], [0], [1], [0, 0, 1, 1], [], []>, transpose_lhs_hint = false} : vector<256x256xbf16>, vector<256x8xbf16>, vector<256x8xf32> -> vector<256x8xf32>
    %add3A_86 = vector.broadcast %add3A_81 : vector<1x8xf32> to vector<256x8xf32>
    %add3A_87 = arith.addf %dot_general3A_85, %add3A_86 : vector<256x8xf32>
    %mul3A_88 = arith.mulf %add3A_87, %slice3A_82 : vector<256x8xf32>
    %reduce_sum3A_89 = arith.constant dense<0.000000e+00> : vector<256xf32>
    %reduce_sum3A_90 = vector.multi_reduction <add>, %mul3A_88, %reduce_sum3A_89 [1] : vector<256x8xf32> to vector<256xf32>
    %broadcast_in_dim3A_91 = vector.shape_cast %reduce_sum3A_90 : vector<256xf32> to vector<256x1xf32>
    %reduce_sum3A_92 = arith.constant dense<0.000000e+00> : vector<8xf32>
    %reduce_sum3A_93 = vector.multi_reduction <add>, %slice3A_82, %reduce_sum3A_92 [0] : vector<256x8xf32> to vector<8xf32>
    %broadcast_in_dim3A_94 = vector.shape_cast %reduce_sum3A_93 : vector<8xf32> to vector<1x8xf32>
    %add3A_95 = arith.addf %add3A_81, %broadcast_in_dim3A_94 : vector<1x8xf32>
    %slice3A_96 = vector.extract_strided_slice %convert_element_type3A_36 {offsets = [768, 0], sizes = [256, 8], strides = [1, 1]} : vector<2048x8xf32> to vector<256x8xf32>
    %slice3A_97 = vector.extract_strided_slice %convert_element_type3A_55 {offsets = [768, 0], sizes = [256, 8], strides = [1, 1]} : vector<2048x8xbf16> to vector<256x8xbf16>
    %dot_general3A_98 = arith.constant dense<0.000000e+00> : vector<256x8xf32>
    %dot_general3A_99 = tpu.matmul %convert_element_type3A_52, %slice3A_97, %dot_general3A_98 {dimension_numbers = #tpu.dot_dimension_numbers<[1], [0], [0], [1], [0, 0, 1, 1], [], []>, transpose_lhs_hint = false} : vector<256x256xbf16>, vector<256x8xbf16>, vector<256x8xf32> -> vector<256x8xf32>
    %add3A_100 = vector.broadcast %add3A_95 : vector<1x8xf32> to vector<256x8xf32>
    %add3A_101 = arith.addf %dot_general3A_99, %add3A_100 : vector<256x8xf32>
    %mul3A_102 = arith.mulf %add3A_101, %slice3A_96 : vector<256x8xf32>
    %reduce_sum3A_103 = arith.constant dense<0.000000e+00> : vector<256xf32>
    %reduce_sum3A_104 = vector.multi_reduction <add>, %mul3A_102, %reduce_sum3A_103 [1] : vector<256x8xf32> to vector<256xf32>
    %broadcast_in_dim3A_105 = vector.shape_cast %reduce_sum3A_104 : vector<256xf32> to vector<256x1xf32>
    %reduce_sum3A_106 = arith.constant dense<0.000000e+00> : vector<8xf32>
    %reduce_sum3A_107 = vector.multi_reduction <add>, %slice3A_96, %reduce_sum3A_106 [0] : vector<256x8xf32> to vector<8xf32>
    %broadcast_in_dim3A_108 = vector.shape_cast %reduce_sum3A_107 : vector<8xf32> to vector<1x8xf32>
    %add3A_109 = arith.addf %add3A_95, %broadcast_in_dim3A_108 : vector<1x8xf32>
    %slice3A_110 = vector.extract_strided_slice %convert_element_type3A_36 {offsets = [1024, 0], sizes = [256, 8], strides = [1, 1]} : vector<2048x8xf32> to vector<256x8xf32>
    %slice3A_111 = vector.extract_strided_slice %convert_element_type3A_55 {offsets = [1024, 0], sizes = [256, 8], strides = [1, 1]} : vector<2048x8xbf16> to vector<256x8xbf16>
    %dot_general3A_112 = arith.constant dense<0.000000e+00> : vector<256x8xf32>
    %dot_general3A_113 = tpu.matmul %convert_element_type3A_52, %slice3A_111, %dot_general3A_112 {dimension_numbers = #tpu.dot_dimension_numbers<[1], [0], [0], [1], [0, 0, 1, 1], [], []>, transpose_lhs_hint = false} : vector<256x256xbf16>, vector<256x8xbf16>, vector<256x8xf32> -> vector<256x8xf32>
    %add3A_114 = vector.broadcast %add3A_109 : vector<1x8xf32> to vector<256x8xf32>
    %add3A_115 = arith.addf %dot_general3A_113, %add3A_114 : vector<256x8xf32>
    %mul3A_116 = arith.mulf %add3A_115, %slice3A_110 : vector<256x8xf32>
    %reduce_sum3A_117 = arith.constant dense<0.000000e+00> : vector<256xf32>
    %reduce_sum3A_118 = vector.multi_reduction <add>, %mul3A_116, %reduce_sum3A_117 [1] : vector<256x8xf32> to vector<256xf32>
    %broadcast_in_dim3A_119 = vector.shape_cast %reduce_sum3A_118 : vector<256xf32> to vector<256x1xf32>
    %reduce_sum3A_120 = arith.constant dense<0.000000e+00> : vector<8xf32>
    %reduce_sum3A_121 = vector.multi_reduction <add>, %slice3A_110, %reduce_sum3A_120 [0] : vector<256x8xf32> to vector<8xf32>
    %broadcast_in_dim3A_122 = vector.shape_cast %reduce_sum3A_121 : vector<8xf32> to vector<1x8xf32>
    %add3A_123 = arith.addf %add3A_109, %broadcast_in_dim3A_122 : vector<1x8xf32>
    %slice3A_124 = vector.extract_strided_slice %convert_element_type3A_36 {offsets = [1280, 0], sizes = [256, 8], strides = [1, 1]} : vector<2048x8xf32> to vector<256x8xf32>
    %slice3A_125 = vector.extract_strided_slice %convert_element_type3A_55 {offsets = [1280, 0], sizes = [256, 8], strides = [1, 1]} : vector<2048x8xbf16> to vector<256x8xbf16>
    %dot_general3A_126 = arith.constant dense<0.000000e+00> : vector<256x8xf32>
    %dot_general3A_127 = tpu.matmul %convert_element_type3A_52, %slice3A_125, %dot_general3A_126 {dimension_numbers = #tpu.dot_dimension_numbers<[1], [0], [0], [1], [0, 0, 1, 1], [], []>, transpose_lhs_hint = false} : vector<256x256xbf16>, vector<256x8xbf16>, vector<256x8xf32> -> vector<256x8xf32>
    %add3A_128 = vector.broadcast %add3A_123 : vector<1x8xf32> to vector<256x8xf32>
    %add3A_129 = arith.addf %dot_general3A_127, %add3A_128 : vector<256x8xf32>
    %mul3A_130 = arith.mulf %add3A_129, %slice3A_124 : vector<256x8xf32>
    %reduce_sum3A_131 = arith.constant dense<0.000000e+00> : vector<256xf32>
    %reduce_sum3A_132 = vector.multi_reduction <add>, %mul3A_130, %reduce_sum3A_131 [1] : vector<256x8xf32> to vector<256xf32>
    %broadcast_in_dim3A_133 = vector.shape_cast %reduce_sum3A_132 : vector<256xf32> to vector<256x1xf32>
    %reduce_sum3A_134 = arith.constant dense<0.000000e+00> : vector<8xf32>
    %reduce_sum3A_135 = vector.multi_reduction <add>, %slice3A_124, %reduce_sum3A_134 [0] : vector<256x8xf32> to vector<8xf32>
    %broadcast_in_dim3A_136 = vector.shape_cast %reduce_sum3A_135 : vector<8xf32> to vector<1x8xf32>
    %add3A_137 = arith.addf %add3A_123, %broadcast_in_dim3A_136 : vector<1x8xf32>
    %slice3A_138 = vector.extract_strided_slice %convert_element_type3A_36 {offsets = [1536, 0], sizes = [256, 8], strides = [1, 1]} : vector<2048x8xf32> to vector<256x8xf32>
    %slice3A_139 = vector.extract_strided_slice %convert_element_type3A_55 {offsets = [1536, 0], sizes = [256, 8], strides = [1, 1]} : vector<2048x8xbf16> to vector<256x8xbf16>
    %dot_general3A_140 = arith.constant dense<0.000000e+00> : vector<256x8xf32>
    %dot_general3A_141 = tpu.matmul %convert_element_type3A_52, %slice3A_139, %dot_general3A_140 {dimension_numbers = #tpu.dot_dimension_numbers<[1], [0], [0], [1], [0, 0, 1, 1], [], []>, transpose_lhs_hint = false} : vector<256x256xbf16>, vector<256x8xbf16>, vector<256x8xf32> -> vector<256x8xf32>
    %add3A_142 = vector.broadcast %add3A_137 : vector<1x8xf32> to vector<256x8xf32>
    %add3A_143 = arith.addf %dot_general3A_141, %add3A_142 : vector<256x8xf32>
    %mul3A_144 = arith.mulf %add3A_143, %slice3A_138 : vector<256x8xf32>
    %reduce_sum3A_145 = arith.constant dense<0.000000e+00> : vector<256xf32>
    %reduce_sum3A_146 = vector.multi_reduction <add>, %mul3A_144, %reduce_sum3A_145 [1] : vector<256x8xf32> to vector<256xf32>
    %broadcast_in_dim3A_147 = vector.shape_cast %reduce_sum3A_146 : vector<256xf32> to vector<256x1xf32>
    %reduce_sum3A_148 = arith.constant dense<0.000000e+00> : vector<8xf32>
    %reduce_sum3A_149 = vector.multi_reduction <add>, %slice3A_138, %reduce_sum3A_148 [0] : vector<256x8xf32> to vector<8xf32>
    %broadcast_in_dim3A_150 = vector.shape_cast %reduce_sum3A_149 : vector<8xf32> to vector<1x8xf32>
    %add3A_151 = arith.addf %add3A_137, %broadcast_in_dim3A_150 : vector<1x8xf32>
    %slice3A_152 = vector.extract_strided_slice %convert_element_type3A_36 {offsets = [1792, 0], sizes = [256, 8], strides = [1, 1]} : vector<2048x8xf32> to vector<256x8xf32>
    %slice3A_153 = vector.extract_strided_slice %convert_element_type3A_55 {offsets = [1792, 0], sizes = [256, 8], strides = [1, 1]} : vector<2048x8xbf16> to vector<256x8xbf16>
    %dot_general3A_154 = arith.constant dense<0.000000e+00> : vector<256x8xf32>
    %dot_general3A_155 = tpu.matmul %convert_element_type3A_52, %slice3A_153, %dot_general3A_154 {dimension_numbers = #tpu.dot_dimension_numbers<[1], [0], [0], [1], [0, 0, 1, 1], [], []>, transpose_lhs_hint = false} : vector<256x256xbf16>, vector<256x8xbf16>, vector<256x8xf32> -> vector<256x8xf32>
    %add3A_156 = vector.broadcast %add3A_151 : vector<1x8xf32> to vector<256x8xf32>
    %add3A_157 = arith.addf %dot_general3A_155, %add3A_156 : vector<256x8xf32>
    %mul3A_158 = arith.mulf %add3A_157, %slice3A_152 : vector<256x8xf32>
    %reduce_sum3A_159 = arith.constant dense<0.000000e+00> : vector<256xf32>
    %reduce_sum3A_160 = vector.multi_reduction <add>, %mul3A_158, %reduce_sum3A_159 [1] : vector<256x8xf32> to vector<256xf32>
    %broadcast_in_dim3A_161 = vector.shape_cast %reduce_sum3A_160 : vector<256xf32> to vector<256x1xf32>
    %reduce_sum3A_162 = arith.constant dense<0.000000e+00> : vector<8xf32>
    %reduce_sum3A_163 = vector.multi_reduction <add>, %slice3A_152, %reduce_sum3A_162 [0] : vector<256x8xf32> to vector<8xf32>
    %broadcast_in_dim3A_164 = vector.shape_cast %reduce_sum3A_163 : vector<8xf32> to vector<1x8xf32>
    %add3A_165 = arith.addf %add3A_151, %broadcast_in_dim3A_164 : vector<1x8xf32>
    %concatenate3A = tpu.concatenate %broadcast_in_dim3A_63, %broadcast_in_dim3A_77, %broadcast_in_dim3A_91, %broadcast_in_dim3A_105, %broadcast_in_dim3A_119, %broadcast_in_dim3A_133, %broadcast_in_dim3A_147, %broadcast_in_dim3A_161 in 0 : vector<256x1xf32>, vector<256x1xf32>, vector<256x1xf32>, vector<256x1xf32>, vector<256x1xf32>, vector<256x1xf32>, vector<256x1xf32>, vector<256x1xf32> -> vector<2048x1xf32>
    %convert_element_type3A_166 = arith.truncf %convert_element_type3A_40 : vector<2048x8xf32> to vector<2048x8xbf16>
    %slice3A_167 = vector.extract_strided_slice %convert_element_type3A_40 {offsets = [0, 0], sizes = [256, 8], strides = [1, 1]} : vector<2048x8xf32> to vector<256x8xf32>
    %slice3A_168 = vector.extract_strided_slice %convert_element_type3A_166 {offsets = [0, 0], sizes = [256, 8], strides = [1, 1]} : vector<2048x8xbf16> to vector<256x8xbf16>
    %dot_general3A_169 = arith.constant dense<0.000000e+00> : vector<256x8xf32>
    %dot_general3A_170 = tpu.matmul %convert_element_type3A_52, %slice3A_168, %dot_general3A_169 {dimension_numbers = #tpu.dot_dimension_numbers<[1], [0], [0], [1], [0, 0, 1, 1], [], []>, transpose_lhs_hint = false} : vector<256x256xbf16>, vector<256x8xbf16>, vector<256x8xf32> -> vector<256x8xf32>
    %add3A_171 = vector.broadcast %add3A_165 : vector<1x8xf32> to vector<256x8xf32>
    %add3A_172 = arith.addf %dot_general3A_170, %add3A_171 : vector<256x8xf32>
    %mul3A_173 = arith.mulf %add3A_172, %slice3A_167 : vector<256x8xf32>
    %reduce_sum3A_174 = arith.constant dense<0.000000e+00> : vector<256xf32>
    %reduce_sum3A_175 = vector.multi_reduction <add>, %mul3A_173, %reduce_sum3A_174 [1] : vector<256x8xf32> to vector<256xf32>
    %broadcast_in_dim3A_176 = vector.shape_cast %reduce_sum3A_175 : vector<256xf32> to vector<256x1xf32>
    %reduce_sum3A_177 = arith.constant dense<0.000000e+00> : vector<8xf32>
    %reduce_sum3A_178 = vector.multi_reduction <add>, %slice3A_167, %reduce_sum3A_177 [0] : vector<256x8xf32> to vector<8xf32>
    %broadcast_in_dim3A_179 = vector.shape_cast %reduce_sum3A_178 : vector<8xf32> to vector<1x8xf32>
    %add3A_180 = arith.addf %add3A_165, %broadcast_in_dim3A_179 : vector<1x8xf32>
    %slice3A_181 = vector.extract_strided_slice %convert_element_type3A_40 {offsets = [256, 0], sizes = [256, 8], strides = [1, 1]} : vector<2048x8xf32> to vector<256x8xf32>
    %slice3A_182 = vector.extract_strided_slice %convert_element_type3A_166 {offsets = [256, 0], sizes = [256, 8], strides = [1, 1]} : vector<2048x8xbf16> to vector<256x8xbf16>
    %dot_general3A_183 = arith.constant dense<0.000000e+00> : vector<256x8xf32>
    %dot_general3A_184 = tpu.matmul %convert_element_type3A_52, %slice3A_182, %dot_general3A_183 {dimension_numbers = #tpu.dot_dimension_numbers<[1], [0], [0], [1], [0, 0, 1, 1], [], []>, transpose_lhs_hint = false} : vector<256x256xbf16>, vector<256x8xbf16>, vector<256x8xf32> -> vector<256x8xf32>
    %add3A_185 = vector.broadcast %add3A_180 : vector<1x8xf32> to vector<256x8xf32>
    %add3A_186 = arith.addf %dot_general3A_184, %add3A_185 : vector<256x8xf32>
    %mul3A_187 = arith.mulf %add3A_186, %slice3A_181 : vector<256x8xf32>
    %reduce_sum3A_188 = arith.constant dense<0.000000e+00> : vector<256xf32>
    %reduce_sum3A_189 = vector.multi_reduction <add>, %mul3A_187, %reduce_sum3A_188 [1] : vector<256x8xf32> to vector<256xf32>
    %broadcast_in_dim3A_190 = vector.shape_cast %reduce_sum3A_189 : vector<256xf32> to vector<256x1xf32>
    %reduce_sum3A_191 = arith.constant dense<0.000000e+00> : vector<8xf32>
    %reduce_sum3A_192 = vector.multi_reduction <add>, %slice3A_181, %reduce_sum3A_191 [0] : vector<256x8xf32> to vector<8xf32>
    %broadcast_in_dim3A_193 = vector.shape_cast %reduce_sum3A_192 : vector<8xf32> to vector<1x8xf32>
    %add3A_194 = arith.addf %add3A_180, %broadcast_in_dim3A_193 : vector<1x8xf32>
    %slice3A_195 = vector.extract_strided_slice %convert_element_type3A_40 {offsets = [512, 0], sizes = [256, 8], strides = [1, 1]} : vector<2048x8xf32> to vector<256x8xf32>
    %slice3A_196 = vector.extract_strided_slice %convert_element_type3A_166 {offsets = [512, 0], sizes = [256, 8], strides = [1, 1]} : vector<2048x8xbf16> to vector<256x8xbf16>
    %dot_general3A_197 = arith.constant dense<0.000000e+00> : vector<256x8xf32>
    %dot_general3A_198 = tpu.matmul %convert_element_type3A_52, %slice3A_196, %dot_general3A_197 {dimension_numbers = #tpu.dot_dimension_numbers<[1], [0], [0], [1], [0, 0, 1, 1], [], []>, transpose_lhs_hint = false} : vector<256x256xbf16>, vector<256x8xbf16>, vector<256x8xf32> -> vector<256x8xf32>
    %add3A_199 = vector.broadcast %add3A_194 : vector<1x8xf32> to vector<256x8xf32>
    %add3A_200 = arith.addf %dot_general3A_198, %add3A_199 : vector<256x8xf32>
    %mul3A_201 = arith.mulf %add3A_200, %slice3A_195 : vector<256x8xf32>
    %reduce_sum3A_202 = arith.constant dense<0.000000e+00> : vector<256xf32>
    %reduce_sum3A_203 = vector.multi_reduction <add>, %mul3A_201, %reduce_sum3A_202 [1] : vector<256x8xf32> to vector<256xf32>
    %broadcast_in_dim3A_204 = vector.shape_cast %reduce_sum3A_203 : vector<256xf32> to vector<256x1xf32>
    %reduce_sum3A_205 = arith.constant dense<0.000000e+00> : vector<8xf32>
    %reduce_sum3A_206 = vector.multi_reduction <add>, %slice3A_195, %reduce_sum3A_205 [0] : vector<256x8xf32> to vector<8xf32>
    %broadcast_in_dim3A_207 = vector.shape_cast %reduce_sum3A_206 : vector<8xf32> to vector<1x8xf32>
    %add3A_208 = arith.addf %add3A_194, %broadcast_in_dim3A_207 : vector<1x8xf32>
    %slice3A_209 = vector.extract_strided_slice %convert_element_type3A_40 {offsets = [768, 0], sizes = [256, 8], strides = [1, 1]} : vector<2048x8xf32> to vector<256x8xf32>
    %slice3A_210 = vector.extract_strided_slice %convert_element_type3A_166 {offsets = [768, 0], sizes = [256, 8], strides = [1, 1]} : vector<2048x8xbf16> to vector<256x8xbf16>
    %dot_general3A_211 = arith.constant dense<0.000000e+00> : vector<256x8xf32>
    %dot_general3A_212 = tpu.matmul %convert_element_type3A_52, %slice3A_210, %dot_general3A_211 {dimension_numbers = #tpu.dot_dimension_numbers<[1], [0], [0], [1], [0, 0, 1, 1], [], []>, transpose_lhs_hint = false} : vector<256x256xbf16>, vector<256x8xbf16>, vector<256x8xf32> -> vector<256x8xf32>
    %add3A_213 = vector.broadcast %add3A_208 : vector<1x8xf32> to vector<256x8xf32>
    %add3A_214 = arith.addf %dot_general3A_212, %add3A_213 : vector<256x8xf32>
    %mul3A_215 = arith.mulf %add3A_214, %slice3A_209 : vector<256x8xf32>
    %reduce_sum3A_216 = arith.constant dense<0.000000e+00> : vector<256xf32>
    %reduce_sum3A_217 = vector.multi_reduction <add>, %mul3A_215, %reduce_sum3A_216 [1] : vector<256x8xf32> to vector<256xf32>
    %broadcast_in_dim3A_218 = vector.shape_cast %reduce_sum3A_217 : vector<256xf32> to vector<256x1xf32>
    %reduce_sum3A_219 = arith.constant dense<0.000000e+00> : vector<8xf32>
    %reduce_sum3A_220 = vector.multi_reduction <add>, %slice3A_209, %reduce_sum3A_219 [0] : vector<256x8xf32> to vector<8xf32>
    %broadcast_in_dim3A_221 = vector.shape_cast %reduce_sum3A_220 : vector<8xf32> to vector<1x8xf32>
    %add3A_222 = arith.addf %add3A_208, %broadcast_in_dim3A_221 : vector<1x8xf32>
    %slice3A_223 = vector.extract_strided_slice %convert_element_type3A_40 {offsets = [1024, 0], sizes = [256, 8], strides = [1, 1]} : vector<2048x8xf32> to vector<256x8xf32>
    %slice3A_224 = vector.extract_strided_slice %convert_element_type3A_166 {offsets = [1024, 0], sizes = [256, 8], strides = [1, 1]} : vector<2048x8xbf16> to vector<256x8xbf16>
    %dot_general3A_225 = arith.constant dense<0.000000e+00> : vector<256x8xf32>
    %dot_general3A_226 = tpu.matmul %convert_element_type3A_52, %slice3A_224, %dot_general3A_225 {dimension_numbers = #tpu.dot_dimension_numbers<[1], [0], [0], [1], [0, 0, 1, 1], [], []>, transpose_lhs_hint = false} : vector<256x256xbf16>, vector<256x8xbf16>, vector<256x8xf32> -> vector<256x8xf32>
    %add3A_227 = vector.broadcast %add3A_222 : vector<1x8xf32> to vector<256x8xf32>
    %add3A_228 = arith.addf %dot_general3A_226, %add3A_227 : vector<256x8xf32>
    %mul3A_229 = arith.mulf %add3A_228, %slice3A_223 : vector<256x8xf32>
    %reduce_sum3A_230 = arith.constant dense<0.000000e+00> : vector<256xf32>
    %reduce_sum3A_231 = vector.multi_reduction <add>, %mul3A_229, %reduce_sum3A_230 [1] : vector<256x8xf32> to vector<256xf32>
    %broadcast_in_dim3A_232 = vector.shape_cast %reduce_sum3A_231 : vector<256xf32> to vector<256x1xf32>
    %reduce_sum3A_233 = arith.constant dense<0.000000e+00> : vector<8xf32>
    %reduce_sum3A_234 = vector.multi_reduction <add>, %slice3A_223, %reduce_sum3A_233 [0] : vector<256x8xf32> to vector<8xf32>
    %broadcast_in_dim3A_235 = vector.shape_cast %reduce_sum3A_234 : vector<8xf32> to vector<1x8xf32>
    %add3A_236 = arith.addf %add3A_222, %broadcast_in_dim3A_235 : vector<1x8xf32>
    %slice3A_237 = vector.extract_strided_slice %convert_element_type3A_40 {offsets = [1280, 0], sizes = [256, 8], strides = [1, 1]} : vector<2048x8xf32> to vector<256x8xf32>
    %slice3A_238 = vector.extract_strided_slice %convert_element_type3A_166 {offsets = [1280, 0], sizes = [256, 8], strides = [1, 1]} : vector<2048x8xbf16> to vector<256x8xbf16>
    %dot_general3A_239 = arith.constant dense<0.000000e+00> : vector<256x8xf32>
    %dot_general3A_240 = tpu.matmul %convert_element_type3A_52, %slice3A_238, %dot_general3A_239 {dimension_numbers = #tpu.dot_dimension_numbers<[1], [0], [0], [1], [0, 0, 1, 1], [], []>, transpose_lhs_hint = false} : vector<256x256xbf16>, vector<256x8xbf16>, vector<256x8xf32> -> vector<256x8xf32>
    %add3A_241 = vector.broadcast %add3A_236 : vector<1x8xf32> to vector<256x8xf32>
    %add3A_242 = arith.addf %dot_general3A_240, %add3A_241 : vector<256x8xf32>
    %mul3A_243 = arith.mulf %add3A_242, %slice3A_237 : vector<256x8xf32>
    %reduce_sum3A_244 = arith.constant dense<0.000000e+00> : vector<256xf32>
    %reduce_sum3A_245 = vector.multi_reduction <add>, %mul3A_243, %reduce_sum3A_244 [1] : vector<256x8xf32> to vector<256xf32>
    %broadcast_in_dim3A_246 = vector.shape_cast %reduce_sum3A_245 : vector<256xf32> to vector<256x1xf32>
    %reduce_sum3A_247 = arith.constant dense<0.000000e+00> : vector<8xf32>
    %reduce_sum3A_248 = vector.multi_reduction <add>, %slice3A_237, %reduce_sum3A_247 [0] : vector<256x8xf32> to vector<8xf32>
    %broadcast_in_dim3A_249 = vector.shape_cast %reduce_sum3A_248 : vector<8xf32> to vector<1x8xf32>
    %add3A_250 = arith.addf %add3A_236, %broadcast_in_dim3A_249 : vector<1x8xf32>
    %slice3A_251 = vector.extract_strided_slice %convert_element_type3A_40 {offsets = [1536, 0], sizes = [256, 8], strides = [1, 1]} : vector<2048x8xf32> to vector<256x8xf32>
    %slice3A_252 = vector.extract_strided_slice %convert_element_type3A_166 {offsets = [1536, 0], sizes = [256, 8], strides = [1, 1]} : vector<2048x8xbf16> to vector<256x8xbf16>
    %dot_general3A_253 = arith.constant dense<0.000000e+00> : vector<256x8xf32>
    %dot_general3A_254 = tpu.matmul %convert_element_type3A_52, %slice3A_252, %dot_general3A_253 {dimension_numbers = #tpu.dot_dimension_numbers<[1], [0], [0], [1], [0, 0, 1, 1], [], []>, transpose_lhs_hint = false} : vector<256x256xbf16>, vector<256x8xbf16>, vector<256x8xf32> -> vector<256x8xf32>
    %add3A_255 = vector.broadcast %add3A_250 : vector<1x8xf32> to vector<256x8xf32>
    %add3A_256 = arith.addf %dot_general3A_254, %add3A_255 : vector<256x8xf32>
    %mul3A_257 = arith.mulf %add3A_256, %slice3A_251 : vector<256x8xf32>
    %reduce_sum3A_258 = arith.constant dense<0.000000e+00> : vector<256xf32>
    %reduce_sum3A_259 = vector.multi_reduction <add>, %mul3A_257, %reduce_sum3A_258 [1] : vector<256x8xf32> to vector<256xf32>
    %broadcast_in_dim3A_260 = vector.shape_cast %reduce_sum3A_259 : vector<256xf32> to vector<256x1xf32>
    %reduce_sum3A_261 = arith.constant dense<0.000000e+00> : vector<8xf32>
    %reduce_sum3A_262 = vector.multi_reduction <add>, %slice3A_251, %reduce_sum3A_261 [0] : vector<256x8xf32> to vector<8xf32>
    %broadcast_in_dim3A_263 = vector.shape_cast %reduce_sum3A_262 : vector<8xf32> to vector<1x8xf32>
    %add3A_264 = arith.addf %add3A_250, %broadcast_in_dim3A_263 : vector<1x8xf32>
    %slice3A_265 = vector.extract_strided_slice %convert_element_type3A_40 {offsets = [1792, 0], sizes = [256, 8], strides = [1, 1]} : vector<2048x8xf32> to vector<256x8xf32>
    %slice3A_266 = vector.extract_strided_slice %convert_element_type3A_166 {offsets = [1792, 0], sizes = [256, 8], strides = [1, 1]} : vector<2048x8xbf16> to vector<256x8xbf16>
    %dot_general3A_267 = arith.constant dense<0.000000e+00> : vector<256x8xf32>
    %dot_general3A_268 = tpu.matmul %convert_element_type3A_52, %slice3A_266, %dot_general3A_267 {dimension_numbers = #tpu.dot_dimension_numbers<[1], [0], [0], [1], [0, 0, 1, 1], [], []>, transpose_lhs_hint = false} : vector<256x256xbf16>, vector<256x8xbf16>, vector<256x8xf32> -> vector<256x8xf32>
    %add3A_269 = vector.broadcast %add3A_264 : vector<1x8xf32> to vector<256x8xf32>
    %add3A_270 = arith.addf %dot_general3A_268, %add3A_269 : vector<256x8xf32>
    %mul3A_271 = arith.mulf %add3A_270, %slice3A_265 : vector<256x8xf32>
    %reduce_sum3A_272 = arith.constant dense<0.000000e+00> : vector<256xf32>
    %reduce_sum3A_273 = vector.multi_reduction <add>, %mul3A_271, %reduce_sum3A_272 [1] : vector<256x8xf32> to vector<256xf32>
    %broadcast_in_dim3A_274 = vector.shape_cast %reduce_sum3A_273 : vector<256xf32> to vector<256x1xf32>
    %reduce_sum3A_275 = arith.constant dense<0.000000e+00> : vector<8xf32>
    %reduce_sum3A_276 = vector.multi_reduction <add>, %slice3A_265, %reduce_sum3A_275 [0] : vector<256x8xf32> to vector<8xf32>
    %broadcast_in_dim3A_277 = vector.shape_cast %reduce_sum3A_276 : vector<8xf32> to vector<1x8xf32>
    %add3A_278 = arith.addf %add3A_264, %broadcast_in_dim3A_277 : vector<1x8xf32>
    %concatenate3A_279 = tpu.concatenate %broadcast_in_dim3A_176, %broadcast_in_dim3A_190, %broadcast_in_dim3A_204, %broadcast_in_dim3A_218, %broadcast_in_dim3A_232, %broadcast_in_dim3A_246, %broadcast_in_dim3A_260, %broadcast_in_dim3A_274 in 0 : vector<256x1xf32>, vector<256x1xf32>, vector<256x1xf32>, vector<256x1xf32>, vector<256x1xf32>, vector<256x1xf32>, vector<256x1xf32>, vector<256x1xf32> -> vector<2048x1xf32>
    %add3A_280 = arith.addf %convert_element_type3A_36, %convert_element_type3A_40 : vector<2048x8xf32>
    %broadcast_in_dim3A_281 = arith.constant 1.000000e+00 : f32
    %broadcast_in_dim3A_282 = vector.broadcast %broadcast_in_dim3A_281 : f32 to vector<2048x1xf32>
    %dot_general3A_283 = arith.constant dense<0.000000e+00> : vector<8x1xf32>
    %dot_general3A_284 = tpu.matmul %add3A_280, %broadcast_in_dim3A_282, %dot_general3A_283 {dimension_numbers = #tpu.dot_dimension_numbers<[0], [0], [1], [1], [0, 1, 1, 1], [], []>, transpose_lhs_hint = false} : vector<2048x8xf32>, vector<2048x1xf32>, vector<8x1xf32> -> vector<8x1xf32>
    %add3A_285 = arith.constant 2.550000e+02 : f32
    %add3A_286 = vector.broadcast %add3A_285 : f32 to vector<8x1xf32>
    %add3A_287 = arith.addf %dot_general3A_284, %add3A_286 : vector<8x1xf32>
    %mul3A_288 = arith.constant 3.906250e-03 : f32
    %mul3A_289 = vector.broadcast %mul3A_288 : f32 to vector<8x1xf32>
    %mul3A_290 = arith.mulf %add3A_287, %mul3A_289 : vector<8x1xf32>
    %floor3A = math.floor %mul3A_290 : vector<8x1xf32>
    %iota3A_291 = tpu.iota {dimensions = array<i32: 0>} : vector<8x8xi32>
    %iota3A_292 = tpu.iota {dimensions = array<i32: 1>} : vector<8x8xi32>
    %gt3A_293 = arith.cmpi sgt, %iota3A_291, %iota3A_292 : vector<8x8xi32>
    %convert_element_type3A_294 = arith.extui %gt3A_293 : vector<8x8xi1> to vector<8x8xi32>
    %convert_element_type3A_295 = arith.sitofp %convert_element_type3A_294 : vector<8x8xi32> to vector<8x8xf32>
    %dot_general3A_296 = arith.constant dense<0.000000e+00> : vector<8x1xf32>
    %dot_general3A_297 = tpu.matmul %convert_element_type3A_295, %floor3A, %dot_general3A_296 {dimension_numbers = #tpu.dot_dimension_numbers<[1], [0], [0], [1], [0, 0, 1, 1], [], []>, transpose_lhs_hint = false} : vector<8x8xf32>, vector<8x1xf32>, vector<8x1xf32> -> vector<8x1xf32>
    %dot_general3A_298 = arith.constant dense<0.000000e+00> : vector<2048x1xf32>
    %dot_general3A_299 = tpu.matmul %convert_element_type3A_36, %dot_general3A_297, %dot_general3A_298 {dimension_numbers = #tpu.dot_dimension_numbers<[1], [0], [0], [1], [0, 0, 1, 1], [], []>, transpose_lhs_hint = false} : vector<2048x8xf32>, vector<8x1xf32>, vector<2048x1xf32> -> vector<2048x1xf32>
    %dot_general3A_300 = arith.constant dense<0.000000e+00> : vector<2048x1xf32>
    %dot_general3A_301 = tpu.matmul %convert_element_type3A_40, %dot_general3A_297, %dot_general3A_300 {dimension_numbers = #tpu.dot_dimension_numbers<[1], [0], [0], [1], [0, 0, 1, 1], [], []>, transpose_lhs_hint = false} : vector<2048x8xf32>, vector<8x1xf32>, vector<2048x1xf32> -> vector<2048x1xf32>
    %mul3A_302 = arith.constant 2.560000e+02 : f32
    %mul3A_303 = vector.broadcast %mul3A_302 : f32 to vector<2048x1xf32>
    %mul3A_304 = arith.mulf %mul3A_303, %dot_general3A_299 : vector<2048x1xf32>
    %add3A_305 = arith.addf %concatenate3A, %mul3A_304 : vector<2048x1xf32>
    %convert_element_type3A_306 = arith.fptosi %add3A_305 : vector<2048x1xf32> to vector<2048x1xi32>
    %swap3A_307 = arith.constant 0 : index
    %swap3A_308 = arith.constant 0 : index
    %swap3A_309 = vector.load %arg3[%swap3A_307, %swap3A_308] : memref<2048x1xi32, #tpu.memory_space<vmem>>, vector<2048x1xi32>
    tpu.vector_store %arg3[%swap3A_307, %swap3A_308], %convert_element_type3A_306 {strides = array<i32>} : memref<2048x1xi32, #tpu.memory_space<vmem>>, vector<2048x1xi32>,
    %mul3A_310 = arith.constant 2.560000e+02 : f32
    %mul3A_311 = vector.broadcast %mul3A_310 : f32 to vector<2048x1xf32>
    %mul3A_312 = arith.mulf %mul3A_311, %dot_general3A_301 : vector<2048x1xf32>
    %add3A_313 = arith.addf %concatenate3A_279, %mul3A_312 : vector<2048x1xf32>
    %convert_element_type3A_314 = arith.fptosi %add3A_313 : vector<2048x1xf32> to vector<2048x1xi32>
    %swap3A_315 = arith.constant 0 : index
    %swap3A_316 = arith.constant 0 : index
    %swap3A_317 = vector.load %arg4[%swap3A_315, %swap3A_316] : memref<2048x1xi32, #tpu.memory_space<vmem>>, vector<2048x1xi32>
    tpu.vector_store %arg4[%swap3A_315, %swap3A_316], %convert_element_type3A_314 {strides = array<i32>} : memref<2048x1xi32, #tpu.memory_space<vmem>>, vector<2048x1xi32>,
    %iota3A_318 = tpu.iota {dimensions = array<i32: 1>} : vector<8x24xi32>
    %convert_element_type3A_319 = arith.sitofp %iota3A_318 : vector<8x24xi32> to vector<8x24xf32>
    %iota3A_320 = tpu.iota {dimensions = array<i32: 0>} : vector<8x24xi32>
    %convert_element_type3A_321 = arith.sitofp %iota3A_320 : vector<8x24xi32> to vector<8x24xf32>
    %le3A = vector.broadcast %dot_general3A_297 : vector<8x1xf32> to vector<8x24xf32>
    %le3A_322 = arith.cmpf ole, %le3A, %convert_element_type3A_319 : vector<8x24xf32>
    %add3A_323 = arith.addf %dot_general3A_297, %floor3A : vector<8x1xf32>
    %lt3A = vector.broadcast %add3A_323 : vector<8x1xf32> to vector<8x24xf32>
    %lt3A_324 = arith.cmpf olt, %convert_element_type3A_319, %lt3A : vector<8x24xf32>
    %and3A = arith.andi %le3A_322, %lt3A_324 : vector<8x24xi1>
    %convert_element_type3A_325 = arith.extui %and3A : vector<8x24xi1> to vector<8x24xi32>
    %convert_element_type3A_326 = arith.sitofp %convert_element_type3A_325 : vector<8x24xi32> to vector<8x24xf32>
    %mul3A_327 = arith.mulf %convert_element_type3A_321, %convert_element_type3A_326 : vector<8x24xf32>
    %reduce_sum3A_328 = arith.constant dense<0.000000e+00> : vector<24xf32>
    %reduce_sum3A_329 = vector.multi_reduction <add>, %mul3A_327, %reduce_sum3A_328 [0] : vector<8x24xf32> to vector<24xf32>
    %broadcast_in_dim3A_330 = vector.shape_cast %reduce_sum3A_329 : vector<24xf32> to vector<1x24xf32>
    %reduce_sum3A_331 = arith.constant dense<0.000000e+00> : vector<24xf32>
    %reduce_sum3A_332 = vector.multi_reduction <add>, %convert_element_type3A_326, %reduce_sum3A_331 [0] : vector<8x24xf32> to vector<24xf32>
    %broadcast_in_dim3A_333 = vector.shape_cast %reduce_sum3A_332 : vector<24xf32> to vector<1x24xf32>
    %iota3A_334 = tpu.iota {dimensions = array<i32: 0>} : vector<8x1xi32>
    %convert_element_type3A_335 = arith.sitofp %iota3A_334 : vector<8x1xi32> to vector<8x1xf32>
    %add3A_336 = arith.constant 1.000000e+00 : f32
    %add3A_337 = vector.broadcast %add3A_336 : f32 to vector<8x1xf32>
    %add3A_338 = arith.addf %convert_element_type3A_335, %add3A_337 : vector<8x1xf32>
    %gt3A_339 = arith.constant 0.000000e+00 : f32
    %gt3A_340 = vector.broadcast %gt3A_339 : f32 to vector<8x1xf32>
    %gt3A_341 = arith.cmpf ogt, %floor3A, %gt3A_340 : vector<8x1xf32>
    %convert_element_type3A_342 = arith.extui %gt3A_341 : vector<8x1xi1> to vector<8x1xi32>
    %convert_element_type3A_343 = arith.sitofp %convert_element_type3A_342 : vector<8x1xi32> to vector<8x1xf32>
    %mul3A_344 = arith.mulf %add3A_338, %convert_element_type3A_343 : vector<8x1xf32>
    %reduce_max3A_345 = arith.constant dense<0xFF800000> : vector<1xf32>
    %reduce_max3A_346 = vector.multi_reduction <maximumf>, %mul3A_344, %reduce_max3A_345 [0] : vector<8x1xf32> to vector<1xf32>
    %broadcast_in_dim3A_347 = vector.shape_cast %reduce_max3A_346 : vector<1xf32> to vector<1x1xf32>
    %sub3A_348 = arith.constant 1.000000e+00 : f32
    %sub3A_349 = vector.broadcast %sub3A_348 : f32 to vector<1x1xf32>
    %sub3A_350 = arith.subf %broadcast_in_dim3A_347, %sub3A_349 : vector<1x1xf32>
    %sub3A_351 = arith.constant 1.000000e+00 : f32
    %sub3A_352 = vector.broadcast %sub3A_351 : f32 to vector<1x24xf32>
    %sub3A_353 = arith.subf %sub3A_352, %broadcast_in_dim3A_333 : vector<1x24xf32>
    %mul3A_354 = vector.broadcast %sub3A_350 : vector<1x1xf32> to vector<1x24xf32>
    %mul3A_355 = arith.mulf %sub3A_353, %mul3A_354 : vector<1x24xf32>
    %add3A_356 = arith.addf %broadcast_in_dim3A_330, %mul3A_355 : vector<1x24xf32>
    %reduce_sum3A_357 = arith.constant dense<0.000000e+00> : vector<1xf32>
    %reduce_sum3A_358 = vector.multi_reduction <add>, %floor3A, %reduce_sum3A_357 [0] : vector<8x1xf32> to vector<1xf32>
    %broadcast_in_dim3A_359 = vector.shape_cast %reduce_sum3A_358 : vector<1xf32> to vector<1x1xf32>
    %convert_element_type3A_360 = arith.fptosi %broadcast_in_dim3A_359 : vector<1x1xf32> to vector<1x1xi32>
    %convert_element_type3A_361 = arith.fptosi %add3A_356 : vector<1x24xf32> to vector<1x24xi32>
    %concatenate3A_362 = tpu.concatenate %convert_element_type3A_360, %convert_element_type3A_361 in 1 : vector<1x1xi32>, vector<1x24xi32> -> vector<1x25xi32>
    %swap3A_363 = arith.constant 0 : index
    %swap3A_364 = arith.constant 0 : index
    %swap3A_365 = vector.load %arg2[%swap3A_363, %swap3A_364] : memref<1x25xi32, #tpu.memory_space<vmem>>, vector<1x25xi32>
    tpu.vector_store %arg2[%swap3A_363, %swap3A_364], %concatenate3A_362 {strides = array<i32>} : memref<1x25xi32, #tpu.memory_space<vmem>>, vector<1x25xi32>,
    %mul3A_366 = arith.constant 2.44140625E-4 : f32
    %mul3A_367 = vector.broadcast %mul3A_366 : f32 to vector<1x8xf32>
    %mul3A_368 = arith.mulf %add3A_278, %mul3A_367 : vector<1x8xf32>
    %reduce_sum3A_369 = arith.constant dense<0.000000e+00> : vector<8xf32>
    %reduce_sum3A_370 = vector.multi_reduction <add>, %div3A_10, %reduce_sum3A_369 [0] : vector<2048x8xf32> to vector<8xf32>
    %broadcast_in_dim3A_371 = vector.shape_cast %reduce_sum3A_370 : vector<8xf32> to vector<1x8xf32>
    %div3A_372 = arith.constant 2.048000e+03 : f32
    %div3A_373 = vector.broadcast %div3A_372 : f32 to vector<1x8xf32>
    %div3A_374 = arith.divf %broadcast_in_dim3A_371, %div3A_373 : vector<1x8xf32>
    %mul3A_375 = arith.mulf %mul3A_368, %div3A_374 : vector<1x8xf32>
    %reduce_sum3A_376 = vector.shape_cast %mul3A_375 : vector<1x8xf32> to vector<1x1x8xf32>
    %reduce_sum3A_377 = arith.constant dense<0.000000e+00> : vector<1xf32>
    %reduce_sum3A_378 = vector.multi_reduction <add>, %reduce_sum3A_376, %reduce_sum3A_377 [1, 2] : vector<1x1x8xf32> to vector<1xf32>
    %reduce_sum3A_379 = vector.shape_cast %reduce_sum3A_378 : vector<1xf32> to vector<1x1x1xf32>
    %reduce_sum3A_380 = vector.extract %reduce_sum3A_379[0, 0, 0] : f32 from vector<1x1x1xf32>
    %broadcast_in_dim3A_381 = vector.broadcast %reduce_sum3A_380 : f32 to vector<1x1xf32>
    %mul3A_382 = arith.constant 8.000000e+00 : f32
    %mul3A_383 = vector.broadcast %mul3A_382 : f32 to vector<1x1xf32>
    %mul3A_384 = arith.mulf %mul3A_383, %broadcast_in_dim3A_381 : vector<1x1xf32>
    %swap3A_385 = arith.constant 0 : index
    %swap3A_386 = arith.constant 0 : index
    %swap3A_387 = vector.load %arg7[%swap3A_385, %swap3A_386] : memref<1x1xf32, #tpu.memory_space<vmem>>, vector<1x1xf32>
    tpu.vector_store %arg7[%swap3A_385, %swap3A_386], %mul3A_384 {strides = array<i32>} : memref<1x1xf32, #tpu.memory_space<vmem>>, vector<1x1xf32>,
    return
  }
}

module attributes {stable_mosaic.version = 14 : i64} {
  func.func @_grouped_body(%arg0: i32, %arg1: i32, %arg2: memref<25xi32, #tpu.memory_space<smem>>, %arg3: memref<256x1024xf32, #tpu.memory_space<vmem>>, %arg4: memref<1x2048x1024xf32, #tpu.memory_space<vmem>>, %arg5: memref<1x1024x2048xf32, #tpu.memory_space<vmem>>, %arg6: memref<256x1xf32, #tpu.memory_space<vmem>>, %arg7: memref<6144x1024xf32, #tpu.memory_space<vmem>>) attributes {dimension_semantics = [#tpu.dimension_semantics<arbitrary>, #tpu.dimension_semantics<arbitrary>], iteration_bounds = array<i64: 2, 24>, scalar_prefetch = 1 : i64, scratch_operands = 0 : i64, tpu.core_type = #tpu.core_type<tc>, window_params = [{transform_indices = @transform_0, window_bounds = array<i64: 256, 1024>}, {transform_indices = @transform_1, window_bounds = array<i64: 1, 2048, 1024>}, {transform_indices = @transform_2, window_bounds = array<i64: 1, 1024, 2048>}, {transform_indices = @transform_3, window_bounds = array<i64: 256, 1>}, {pipeline_mode = #tpu.pipeline_mode<synchronous>, transform_indices = @transform_4, window_bounds = array<i64: 6144, 1024>}]} {
    %get3A = arith.constant 0 : index
    %get3A_0 = memref.load %arg2[%get3A] : memref<25xi32, #tpu.memory_space<smem>>
    %lt3A = arith.cmpi slt, %arg1, %get3A_0 : i32
    %convert_element_type3A = arith.extui %lt3A : i1 to i32
    %cond3A = arith.constant 0 : i32
    %cond3A_1 = arith.cmpi ne, %convert_element_type3A, %cond3A : i32
    scf.if %cond3A_1 {
      %get3A_2 = arith.constant 0 : index
      %get3A_3 = arith.constant 0 : index
      %get3A_4 = vector.load %arg3[%get3A_2, %get3A_3] : memref<256x1024xf32, #tpu.memory_space<vmem>>, vector<256x1024xf32>
      %convert_element_type3A_5 = arith.truncf %get3A_4 : vector<256x1024xf32> to vector<256x1024xbf16>
      %get3A_6 = arith.constant 0 : index
      %get3A_7 = arith.constant 0 : index
      %get3A_8 = arith.constant 0 : index
      %get3A_9 = vector.load %arg4[%get3A_6, %get3A_7, %get3A_8] : memref<1x2048x1024xf32, #tpu.memory_space<vmem>>, vector<1x2048x1024xf32>
      %get3A_10 = vector.shape_cast %get3A_9 : vector<1x2048x1024xf32> to vector<2048x1024xf32>
      %convert_element_type3A_11 = arith.truncf %get3A_10 : vector<2048x1024xf32> to vector<2048x1024xbf16>
      %dot_general3A = arith.constant dense<0.000000e+00> : vector<256x2048xf32>
      %dot_general3A_12 = tpu.matmul %convert_element_type3A_5, %convert_element_type3A_11, %dot_general3A {dimension_numbers = #tpu.dot_dimension_numbers<[1], [1], [0], [0], [0, 0, 1, 0], [], []>, transpose_lhs_hint = false} : vector<256x1024xbf16>, vector<2048x1024xbf16>, vector<256x2048xf32> -> vector<256x2048xf32>
      %mul3A = arith.constant 5.000000e-01 : f32
      %mul3A_13 = vector.broadcast %mul3A : f32 to vector<256x2048xf32>
      %mul3A_14 = arith.mulf %mul3A_13, %dot_general3A_12 : vector<256x2048xf32>
      %mul3A_15 = arith.constant 0.707106769 : f32
      %mul3A_16 = vector.broadcast %mul3A_15 : f32 to vector<256x2048xf32>
      %mul3A_17 = arith.mulf %dot_general3A_12, %mul3A_16 : vector<256x2048xf32>
      %erf3A = math.erf %mul3A_17 : vector<256x2048xf32>
      %add3A = arith.constant 1.000000e+00 : f32
      %add3A_18 = vector.broadcast %add3A : f32 to vector<256x2048xf32>
      %add3A_19 = arith.addf %add3A_18, %erf3A : vector<256x2048xf32>
      %mul3A_20 = arith.mulf %mul3A_14, %add3A_19 : vector<256x2048xf32>
      %convert_element_type3A_21 = arith.truncf %mul3A_20 : vector<256x2048xf32> to vector<256x2048xbf16>
      %get3A_22 = arith.constant 0 : index
      %get3A_23 = arith.constant 0 : index
      %get3A_24 = arith.constant 0 : index
      %get3A_25 = vector.load %arg5[%get3A_22, %get3A_23, %get3A_24] : memref<1x1024x2048xf32, #tpu.memory_space<vmem>>, vector<1x1024x2048xf32>
      %get3A_26 = vector.shape_cast %get3A_25 : vector<1x1024x2048xf32> to vector<1024x2048xf32>
      %convert_element_type3A_27 = arith.truncf %get3A_26 : vector<1024x2048xf32> to vector<1024x2048xbf16>
      %dot_general3A_28 = arith.constant dense<0.000000e+00> : vector<256x1024xf32>
      %dot_general3A_29 = tpu.matmul %convert_element_type3A_21, %convert_element_type3A_27, %dot_general3A_28 {dimension_numbers = #tpu.dot_dimension_numbers<[1], [1], [0], [0], [0, 0, 1, 0], [], []>, transpose_lhs_hint = false} : vector<256x2048xbf16>, vector<1024x2048xbf16>, vector<256x1024xf32> -> vector<256x1024xf32>
      %get3A_30 = arith.constant 0 : index
      %get3A_31 = arith.constant 0 : index
      %get3A_32 = vector.load %arg6[%get3A_30, %get3A_31] : memref<256x1xf32, #tpu.memory_space<vmem>>, vector<256x1xf32>
      %mul3A_33 = vector.broadcast %get3A_32 : vector<256x1xf32> to vector<256x1024xf32>
      %mul3A_34 = arith.mulf %mul3A_33, %dot_general3A_29 : vector<256x1024xf32>
      %eq3A = arith.constant 0 : i32
      %eq3A_35 = arith.cmpi eq, %arg0, %eq3A : i32
      %convert_element_type3A_36 = arith.extui %eq3A_35 : i1 to i32
      %cond3A_37 = arith.constant 0 : i32
      %cond3A_38 = arith.cmpi ne, %convert_element_type3A_36, %cond3A_37 : i32
      scf.if %cond3A_38 {
        %mul3A_43 = arith.constant 256 : i32
        %mul3A_44 = arith.muli %arg1, %mul3A_43 : i32
        %swap3A = arith.index_cast %mul3A_44 : i32 to index
        %swap3A_45 = arith.constant 0 : index
        %swap3A_46 = vector.load %arg7[%swap3A, %swap3A_45] : memref<6144x1024xf32, #tpu.memory_space<vmem>>, vector<256x1024xf32>
        tpu.vector_store %arg7[%swap3A, %swap3A_45], %mul3A_34 {strides = array<i32>} : memref<6144x1024xf32, #tpu.memory_space<vmem>>, vector<256x1024xf32>,
      } else {
      }
      %gt3A = arith.constant 0 : i32
      %gt3A_39 = arith.cmpi sgt, %arg0, %gt3A : i32
      %convert_element_type3A_40 = arith.extui %gt3A_39 : i1 to i32
      %cond3A_41 = arith.constant 0 : i32
      %cond3A_42 = arith.cmpi ne, %convert_element_type3A_40, %cond3A_41 : i32
      scf.if %cond3A_42 {
        %mul3A_43 = arith.constant 256 : i32
        %mul3A_44 = arith.muli %arg1, %mul3A_43 : i32
        %get3A_45 = arith.index_cast %mul3A_44 : i32 to index
        %get3A_46 = arith.constant 0 : index
        %get3A_47 = vector.load %arg7[%get3A_45, %get3A_46] : memref<6144x1024xf32, #tpu.memory_space<vmem>>, vector<256x1024xf32>
        %add3A_48 = arith.addf %get3A_47, %mul3A_34 : vector<256x1024xf32>
        %swap3A = arith.index_cast %mul3A_44 : i32 to index
        %swap3A_49 = arith.constant 0 : index
        %swap3A_50 = vector.load %arg7[%swap3A, %swap3A_49] : memref<6144x1024xf32, #tpu.memory_space<vmem>>, vector<256x1024xf32>
        tpu.vector_store %arg7[%swap3A, %swap3A_49], %add3A_48 {strides = array<i32>} : memref<6144x1024xf32, #tpu.memory_space<vmem>>, vector<256x1024xf32>,
      } else {
      }
    } else {
    }
    return
  }
  func.func @transform_0(%arg0: i32, %arg1: i32, %arg2: memref<25xi32, #tpu.memory_space<smem>>) -> (i32, i32) {
    %c0_i32 = arith.constant 0 : i32
    %c0_i32_0 = arith.constant 0 : i32
    return %arg1, %c0_i32 : i32, i32
  }
  func.func @transform_1(%arg0: i32, %arg1: i32, %arg2: memref<25xi32, #tpu.memory_space<smem>>) -> (i32, i32, i32) {
    %add3A = arith.constant 1 : i32
    %add3A_0 = arith.addi %add3A, %arg1 : i32
    %get3A = arith.index_cast %add3A_0 : i32 to index
    %get3A_1 = memref.load %arg2[%get3A] : memref<25xi32, #tpu.memory_space<smem>>
    %c0_i32 = arith.constant 0 : i32
    %c0_i32_2 = arith.constant 0 : i32
    return %get3A_1, %arg0, %c0_i32 : i32, i32, i32
  }
  func.func @transform_2(%arg0: i32, %arg1: i32, %arg2: memref<25xi32, #tpu.memory_space<smem>>) -> (i32, i32, i32) {
    %add3A = arith.constant 1 : i32
    %add3A_0 = arith.addi %add3A, %arg1 : i32
    %get3A = arith.index_cast %add3A_0 : i32 to index
    %get3A_1 = memref.load %arg2[%get3A] : memref<25xi32, #tpu.memory_space<smem>>
    %c0_i32 = arith.constant 0 : i32
    %c0_i32_2 = arith.constant 0 : i32
    return %get3A_1, %c0_i32, %arg0 : i32, i32, i32
  }
  func.func @transform_3(%arg0: i32, %arg1: i32, %arg2: memref<25xi32, #tpu.memory_space<smem>>) -> (i32, i32) {
    %c0_i32 = arith.constant 0 : i32
    %c0_i32_0 = arith.constant 0 : i32
    return %arg1, %c0_i32 : i32, i32
  }
  func.func @transform_4(%arg0: i32, %arg1: i32, %arg2: memref<25xi32, #tpu.memory_space<smem>>) -> (i32, i32) {
    %c0_i32 = arith.constant 0 : i32
    %c0_i32_0 = arith.constant 0 : i32
    %c0_i32_1 = arith.constant 0 : i32
    return %c0_i32, %c0_i32_0 : i32, i32
  }
}

</mosaic_0001>

<sc_bundles>
// kernel: kernel.6.cloned.1.call-start
scs
__scs_entry_jumppad:
0x0: {  	(pc) =	sbr.rel $0x88, $3  }
0x1: {  	(tag) =	ssettag $0x0;
	lr =	simm.s32 $0x1  }
0x2: {  	[smem:$0x3F9D] =	sst lr;
	_ =	strace $0xD0000000  }
0x3: {  	_ = 	snop  }
0x4: {  	_ = 	snop  }
0x5: {  	_ = 	snop  }
0x6: {  	_ = 	snop  }
0x7: {  	_ = 	snop  }
__scs_overlays_trampoline_lowered:
0x8: {  	[smem:$0x3FAC] =	sst s0  }
0x9: {  	[smem:$0x3FAD] =	sst s1  }
0xa: {  	[smem:$0x3FAE] =	sst s2  }
0xb: {  	[smem:$0x3FAF] =	sst s3  }
0xc: {  	[smem:$0x3FB0] =	sst s4  }
0xd: {  	[smem:$0x3FB1] =	sst s5  }
0xe: {  	[smem:$0x3FB2] =	sst s6  }
0xf: {  	[smem:$0x3FB3] =	sst s7  }
0x10: {  	[smem:$0x3FB4] =	sst s8  }
0x11: {  	[smem:$0x3FB5] =	sst s9;
	s0 =	simm.s32 @!p0 $0x0  }
0x12: {  	s1 =	sld [smem:$0x3F9B];
	s0 =	simm.s32 @p0 $0x1  }
0x13: {  	[smem:$0x3FB6] =	sst s0;
	s0 =	simm.s32 @!p1 $0x0  }
0x14: {  	s2 =	sld [smem:$0x3F9A];
	s0 =	simm.s32 @p1 $0x1  }
0x15: {  	[smem:$0x3FB7] =	sst s0;
	s0 =	simm.s32 @!p2 $0x0  }
0x16: {  	s3 =	sld [smem:$0x3FDB];
	s0 =	simm.s32 @p2 $0x1  }
0x17: {  	s4 =	simm.s32 $0x1BF5;
	[smem:$0x3FB9] =	sst s0  }
0x18: {  	s0 =	sld [smem:$0x3F9C];
	_ =	swait.ge [sflag:s4], $0x0  }
0x19: {  	s7 =	sld [smem:$0x3F9D]  }
0x1a: {  	s8 =	sadd.s32 $0xFFFFE003, lr  }
0x1b: {  	s9 =	sadd.s32 $0xFFFFFEF7, lr;
	s5 =	simm.s32 $0xFFFFFFFF;
	p2 =	slt.u32 s8, $0xFFFFF086  }
0x1c: {  	p1 =	slt.u32 s9, $0xF7A;
	s5 =	simm.s32 @!p2 $0x0  }
0x1d: {  	s5 =	simm.s32 @p1 $0x1;
	p0 =	seq.s32 s7, s2  }
0x1e: {  	s7 =	smul.u32 @!p0 $0xF7A, s2;
	p2 =	seq.s32 @!p0 s5, $0x0  }
0x1f: {  	s9 =	smul.u32 $0xF7A, s1;
	s8 =	simm.s32 @!p0 $0x1BF5;
	p2 =	por !p2, p0  }
0x20: {  	[sflag:s8] =	ssyncset.s32 @!p0 $0xFFFFF086;
	s6 =	sadd.s32 @!p0 s3, s7;
	s7 =	simm.s32 @!p0 $0x108  }
0x21: {  	s3 =	sadd.s32 s3, s9;
	s6 =	sadd.s32 @!p0 $0x88, s6;
	s7 =	simm.s32 @p2 $0x1082  }
0x22: {  	[simem:s7], [sflag:s8] =	dma.local @!p0 [hbm:s6], $0xF7A  }
0x23: {  	s9 =	sor.u32 $0xD0000000, s2;
	s6 =	simm.s32 $0x108;
	_ =	swait.ge @!p0 [sflag:s8], $0x0  }
0x24: {  	s3 =	sadd.s32 $0x88, s3;
	s6 =	simm.s32 @!p1 $0x1082;
	[sflag:s4] =	ssyncset.s32 $0xFFFFF086  }
0x25: {  	[simem:s6], [sflag:s4] =	dma.local [hbm:s3], $0xF7A  }
0x26: {  	[smem:$0x3F9D] =	sst s1;
	(tag) =	ssettag s2;
	_ =	strace s9  }
0x27: {  	s1 =	sld [smem:$0x3FAD]  }
0x28: {  	s2 =	sld [smem:$0x3FAE]  }
0x29: {  	s4 =	sld [smem:$0x3FB0]  }
0x2a: {  	p0 =	seq.s32 s5, $0x0;
	s5 =	sld [smem:$0x3FB1]  }
0x2b: {  	s6 =	sld [smem:$0x3FB2]  }
0x2c: {  	s7 =	sld [smem:$0x3FB3]  }
0x2d: {  	s3 =	simm.s32 $0x108;
	s8 =	sld [smem:$0x3FB4]  }
0x2e: {  	s3 =	simm.s32 @!p0 $0x1082;
	s9 =	sld [smem:$0x3FB5]  }
0x2f: {  	lr =	sadd.s32 s0, s3;
	s0 =	sld [smem:$0x3FAC]  }
0x30: {  	s3 =	sld [smem:$0x3FAF]  }
0x31: {  	[smem:$0x3FB8] =	sst s10  }
0x32: {  	s10 =	sld [smem:$0x3FB6];
	_ =	sdelay $0x3  }
0x33: {  	p0 =	seq.s32 s10, $0x1;
	s10 =	sld [smem:$0x3FB8];
	_ =	sdelay $0x3  }
0x34: {  	[smem:$0x3FB8] =	sst s10  }
0x35: {  	s10 =	sld [smem:$0x3FB7];
	_ =	sdelay $0x3  }
0x36: {  	p1 =	seq.s32 s10, $0x1;
	s10 =	sld [smem:$0x3FB8];
	_ =	sdelay $0x3  }
0x37: {  	[smem:$0x3FB8] =	sst s10  }
0x38: {  	s10 =	sld [smem:$0x3FB9]  }
0x39: {  	_ = 	snop;
	(pc) =	sbr.ind lr, $3  }
0x3a: {  	_ = 	snop  }
0x3b: {  	_ = 	snop  }
0x3c: {  	p2 =	seq.s32 s10, $0x1;
	s10 =	sld [smem:$0x3FB8]  }
0x3d: {  	_ =	shalt  }
0x3e: {  	_ =	shalt  }
0x3f: {  	_ =	shalt  }
0x40: {  	_ =	shalt  }
0x41: {  	_ =	shalt  }
0x42: {  	_ =	shalt  }
0x43: {  	_ =	shalt  }
0x44: {  	_ =	shalt  }
0x45: {  	_ =	shalt  }
0x46: {  	_ =	shalt  }
0x47: {  	_ =	shalt  }
0x48: {  	_ =	shalt  }
0x49: {  	_ =	shalt  }
0x4a: {  	_ =	shalt  }
0x4b: {  	_ =	shalt  }
0x4c: {  	_ =	shalt  }
0x4d: {  	_ =	shalt  }
0x4e: {  	_ =	shalt  }
0x4f: {  	_ =	shalt  }
0x50: {  	_ =	shalt  }
0x51: {  	_ =	shalt  }
0x52: {  	_ =	shalt  }
0x53: {  	_ =	shalt  }
0x54: {  	_ =	shalt  }
0x55: {  	_ =	shalt  }
0x56: {  	_ =	shalt  }
0x57: {  	_ =	shalt  }
0x58: {  	_ =	shalt  }
0x59: {  	_ =	shalt  }
0x5a: {  	_ =	shalt  }
0x5b: {  	_ =	shalt  }
0x5c: {  	_ =	shalt  }
0x5d: {  	_ =	shalt  }
0x5e: {  	_ =	shalt  }
0x5f: {  	_ =	shalt  }
0x60: {  	_ =	shalt  }
0x61: {  	_ =	shalt  }
0x62: {  	_ =	shalt  }
0x63: {  	_ =	shalt  }
0x64: {  	_ =	shalt  }
0x65: {  	_ =	shalt  }
0x66: {  	_ =	shalt  }
0x67: {  	_ =	shalt  }
0x68: {  	_ =	shalt  }
0x69: {  	_ =	shalt  }
0x6a: {  	_ =	shalt  }
0x6b: {  	_ =	shalt  }
0x6c: {  	_ =	shalt  }
0x6d: {  	_ =	shalt  }
0x6e: {  	_ =	shalt  }
0x6f: {  	_ =	shalt  }
0x70: {  	_ =	shalt  }
0x71: {  	_ =	shalt  }
0x72: {  	_ =	shalt  }
0x73: {  	_ =	shalt  }
0x74: {  	_ =	shalt  }
0x75: {  	_ =	shalt  }
0x76: {  	_ =	shalt  }
0x77: {  	_ =	shalt  }
0x78: {  	_ =	shalt  }
0x79: {  	_ =	shalt  }
0x7a: {  	_ =	shalt  }
0x7b: {  	_ =	shalt  }
0x7c: {  	_ =	shalt  }
0x7d: {  	_ =	shalt  }
0x7e: {  	_ =	shalt  }
0x7f: {  	_ =	shalt  }
0x80: {  	_ =	shalt  }
0x81: {  	_ =	shalt  }
0x82: {  	_ =	shalt  }
0x83: {  	_ =	shalt  }
0x84: {  	_ =	shalt  }
0x85: {  	_ =	shalt  }
0x86: {  	_ =	shalt  }
0x87: {  	_ =	shalt  }
.Lfunc_end0:
.L_simem_size_0:
called_computation_lowered:
.L_overlay_start_0:
0x88: {  	s2 =	sld [smem:$0x3FD9]  }
0x89: {  	s3 =	sld [smem:$0x3FFE];
	_ =	sdelay $0x1  }
0x8a: {  	s1 =	srdreg.scid  }
0x8b: {  	s0 =	sand.u32 $0x1, s1  }
0x8c: {  	s14 =	sshll.u32 s0, $0xA;
	s2 =	sadd.s32 s3, s2  }
0x8d: {  	s2 =	sadd.s32 s2, s14  }
0x8e: {  	[smem:$0x3FC4] =	sst s2  }
0x8f: {  	_ = 	snop  }
0x90: {  	s2 =	sld [smem:$0x3FD0];
	_ =	sdelay $0x2  }
0x91: {  	s4 =	simm.s32 $0xA;
	s5 =	simm.s32 $0x10;
	s15 =	sld [smem:$0x3FC9]  }
0x92: {  	[smem:s5], [sflag:s4] =	dma.local [hbm:s2], $0x1  }
0x93: {  	_ =	swait.eq [sflag:s4], $0x1  }
0x94: {  	[sflag:s4] =	ssyncset.done $0x0  }
0x95: {  	[sflag:s4] =	ssyncadd.s32 $0xFFFFFFFF  }
0x96: {  	s16 =	sld [smem:$0x10];
	(tm) =	ssettm $0x1  }
0x97: {  	s17 =	sld [smem:$0x3FFB];
	_ =	sdelay $0x3  }
0x98: {  	_ =	strace s17  }
0x99: {  	s4 =	sld [smem:$0x3FFC];
	_ =	sdelay $0x3  }
0x9a: {  	_ =	strace s4  }
0x9b: {  	s4 =	sld [smem:$0x3FFD];
	_ =	sdelay $0x3  }
0x9c: {  	_ =	strace s4  }
0x9d: {  	_ =	strace $0x8FFFFFFF  }
0x9e: {  	s18 =	sld [smem:$0x3FDB];
	_ =	sdelay $0x1  }
0x9f: {  	s19 =	simm.s32 $_scs_section_size  }
0xa0: {  	s6 =	simm.s32 $_size__tile_overlayer_lowered;
	s7 =	simm.s32 $_tile_overlayer_lowered  }
0xa1: {  	s22 =	simm.s32 $0x1BFF;
	s21 =	sshll.u32 s7, $0x1;
	s4 =	sadd.s32 s19, s18  }
0xa2: {  	s8 =	simm.s32 $0x0;
	s20 =	sshll.u32 s6, $0x1;
	s6 =	sadd.s32 s21, s4  }
0xa3: {  	[timem:s8], [sflag:s22] =	dma.local [hbm:s6], s20  }
0xa4: {  	_ =	swait.ge [sflag:s22], s20  }
0xa5: {  	s5 =	ssub.s32 $0x0, s20;
	[sflag:s22] =	ssyncset.done $0x0  }
0xa6: {  	[sflag:s22] =	ssyncadd.s32 s5;
	_ =	sdelay $0x1  }
0xa7: {  	s23 =	simm.s32 $0x1B8B  }
0xa8: {  	_ =	swait.ge [sflag:s23], $0x1  }
0xa9: {  	[sflag:s23] =	ssyncset.done $0x0  }
0xaa: {  	s25 =	simm.s32 $0x1B8E;
	s24 =	sld [smem:$0x3FFE];
	[sflag:s23] =	ssyncadd.s32 $0xFFFFFFFF  }
0xab: {  	s26 =	simm.s32 $execute0_lowered;
	[smem:$0x3FD2] =	sst s25  }
0xac: {  	s6 =	sshll.u32 s26, $0x1;
	_ =	strace $0x80000046;
	[dreg:$0x1] =	wrdreg $0xFFFFFFFF  }
0xad: {  	s28 =	simm.s32 $_size_execute0_lowered;
	s4 =	sadd.s32 s4, s6;
	[dreg:$0x0] =	wrdreg $0x0  }
0xae: {  	s6 =	sshll.u32 s28, $0x1;
	[dreg:$0x2] =	wrdreg s4  }
0xaf: {  	[dreg:$0x3] =	wrdreg s6  }
0xb0: {  	[dreg:$0x4] =	wrdreg $0xC0  }
0xb1: {  	_ =	task [dreg:s8], $0x5FFFF  }
0xb2: {  	[dreg:$0x1] =	wrdreg $0xFFFFFFFF  }
0xb3: {  	[dreg:$0x0] =	wrdreg $0x60  }
0xb4: {  	[dreg:$0x2] =	wrdreg s15  }
0xb5: {  	[dreg:$0x3] =	wrdreg s24  }
0xb6: {  	[dreg:$0x4] =	wrdreg s16  }
0xb7: {  	[dreg:$0x5] =	wrdreg $0xC5800  }
0xb8: {  	[dreg:$0x6] =	wrdreg $0x9  }
0xb9: {  	_ =	task.clear_ibuf [dreg:s8], $0x7FFFF;
	_ =	strace $0x90000046  }
0xba: {  	s29 =	simm.s32 $0x9;
	_ =	strace $0x80000048  }
0xbb: {  	_ =	swait.ge [sflag:s29], $0x1  }
0xbc: {  	[sflag:s29] =	ssyncadd.s32 $0xFFFFFFFF  }
0xbd: {  	_ =	strace $0x90000048  }
0xbe: {  	_ =	sfence  }
0xbf: {  	s30 =	sld [smem:$0x0];
	_ =	sdelay $0x2  }
0xc0: {  	s31 =	sshll.u32 s1, $0xD;
	s1 =	sshrl.u32 s1, $0x2  }
0xc1: {  	s3 =	sand.u32 $0x4000, s31;
	s1 =	sadd.s32 s1, s30  }
0xc2: {  	s0 =	sor.u32 s3, s0;
	s1 =	sshll.u32 s1, $0x11  }
0xc3: {  	s0 =	sor.u32 s1, s0  }
0xc4: {  	s0 =	sadd.s32 $0x8F2B, s0  }
0xc5: {  	[sflag:s0] =	ssyncadd.remote.s32 $0x1  }
0xc6: {  	_ =	sfence.sel $0xFFFF  }
0xc7: {  	[dreg:$0x0] =	wrdreg $0xFFFFFFFF;
	(pc) =	sbr.abs _section_cstart, $3  }
0xc8: {  	[dreg:$0x1] =	wrdreg $0xFFFFFFFF  }
0xc9: {  	_ =	task.clear_ibuf [dreg:s8], $0x2FFFF;
	_ =	strace $0x9FFFFFFF  }
0xca: {  	(tm) =	ssettm $0x7FFFFFFF  }
0xcb: {  	_ =	shalt  }
tec
execute0_lowered:
.L_overlay_start_1:
0x0: {  	(tag) =	ssettag $0x1  }
0x1: {  	s1 =	rddreg [dreg:$0x0]  }
0x2: {  	s6 =	rddreg [dreg:$0x1]  }
0x3: {  	s0 =	rddreg [dreg:$0x2]  }
0x4: {  	s11 =	rddreg [dreg:$0x3]  }
0x5: {  	s5 =	simm.s32 $0x0;
	s2 =	srdreg.scid;
	s12 =	stileid.u32  }
0x6: {  	s20 =	simm.s32 $0x1500;
	s22 =	simm.s32 $0x1D00;
	s24 =	simm.s32 $0x2500  }
0x7: {  	s26 =	simm.s32 $0x2D00;
	s28 =	simm.s32 $0x3500;
	s19 =	simm.s32 $0x4D00  }
0x8: {  	s31 =	simm.s32 $0x5D00;
	[smem:$0x7FF] =	sst s5;
	s2 =	sand.u32 $0x1, s2  }
0x9: {  	s4 =	sshll.u32 s12, $0x4;
	s8 =	smul.u32 $0x600, s12;
	s18 =	sshll.u32 s12, $0x7  }
0xa: {  	s14 =	sadd.s32 $0x100, s1;
	s15 =	sadd.s32 $0x200, s1;
	s16 =	sadd.s32 $0x300, s1  }
0xb: {  	s23 =	smul.u32 $0x6000, s12;
	_ =	strace $0x80000047;
	[dreg:$0x6] =	wrdreg s20  }
0xc: {  	s3 =	smul.u32 $0x60000, s2;
	s7 =	sadd.s32 s4, s6;
	[dreg:$0x7] =	wrdreg s22  }
0xd: {  	s9 =	ssub.s32 $0x2, s2;
	s2 =	sshll.u32 s2, $0x4;
	[dreg:$0x8] =	wrdreg s24  }
0xe: {  	s0 =	sadd.s32 s0, s4;
	s21 =	sor.u32 $0x30, s18;
	[dreg:$0x9] =	wrdreg s26  }
0xf: {  	s25 =	sor.u32 $0x40, s18;
	[dreg:$0xa] =	wrdreg s28;
	s13 =	sor.u32 $0x60, s18  }
0x10: {  	s20 =	simm.s32 $0x5;
	s26 =	simm.s32 $0x1;
	s24 =	simm.s32 $0x5500  }
0x11: {  	s22 =	simm.s32 $0xB500;
	s10 =	sshrl.u32 s9, $0x1;
	s2 =	sor.u32 s12, s2  }
0x12: {  	s8 =	sshrl.u32 s8, $0x2;
	s29 =	sadd.s32 $0x200, s7;
	s30 =	sadd.s32 $0x400, s7  }
0x13: {  	v11 =	vlaneseq.u32;
	[dreg:$0x10] =	wrdreg s0;
	s4 =	sadd.s32 $0x600, s7;
	s0 =	simm.s32 $0x500  }
0x14: {  	v4 =	vor.u32 s25, v11;
	v6 =	vor.u32 s13, v11;
	s12 =	simm.s32 $0x9500;
	s13 =	simm.s32 $0x9D00;
	s25 =	simm.s32 $0x0  }
0x15: {  	s3 =	sadd.s32 s3, s6;
	s6 =	sadd.s32 $0x800, s6;
	[dreg:$0xe] =	wrdreg s29  }
0x16: {  	s9 =	ssub.s32 s9, s10;
	s17 =	sadd.s32 s8, s11;
	[dreg:$0xf] =	wrdreg s30  }
0x17: {  	s2 =	smul.u32 $0xC0, s2;
	[dreg:$0x11] =	wrdreg s4;
	s10 =	simm.s32 $0xD00  }
0x18: {  	s29 =	sor.u32 $0x50, s18;
	s4 =	simm.s32 $0x3D00;
	[dreg:$0xb] =	wrdreg s6  }
0x19: {  	s8 =	simm.s32 $0xA500;
	[dreg:$0xc] =	wrdreg s17;
	s7 =	smax.u32 s9, $0x1  }
0x1a: {  	s9 =	sor.u32 $0x10, s18;
	[dreg:$0x5] =	wrdreg s10;
	s17 =	sor.u32 $0x70, s18  }
0x1b: {  	s10 =	simm.s32 $0x8500;
	[dreg:$0xd] =	wrdreg s2;
	s6 =	sadd.s32 s2, s11  }
.Ltmp0:
0x1c: {  	[dreg:$0x13] =	wrdreg s7;
	s11 =	sor.u32 $0x20, s18;
	(pc) =	sbr.rel .LBB2_1-.Ltmp0, $4  }
0x1d: {  	v8 =	vimm.s32 $0x0;
	vm0 =	vmmov $0xffff;
	v0 =	vor.u32 s18, v11;
	s2 =	sadd.s32 s23, s3;
	s18 =	simm.s32 $0x6500;
	s3 =	simm.s32 $0x6D00  }
0x1e: {  	v10 =	vshrl.u32 v11, $0x3;
	v1 =	vor.u32 s9, v11;
	s7 =	simm.s32 $0x7500;
	s9 =	simm.s32 $0x7D00;
	v7 =	vor.u32 s17, v11;
	s17 =	simm.s32 $0xAD00  }
0x1f: {  	v9 =	vand.u32 $0x7, v11;
	v10 =	vmul.u32 $0x8, v10;
	v3 =	vor.u32 s21, v11;
	s23 =	simm.s32 $0xBD00;
	[dreg:$0x12] =	wrdreg s6;
	s30 =	sadd.s32 $0xC00, s2  }
0x20: {  	v5 =	vor.u32 s29, v11;
	s2 =	simm.s32 $0x4500;
	v2 =	vor.u32 s11, v11;
	s11 =	simm.s32 $0x8D00;
	v11 =	vor.u32 $0x8, v11;
	[dreg:$0x14] =	wrdreg s30  }
.LBB2_4:
0x21: {  	s25 =	sadd.s32 $0x1, s25;
	s6 =	rddreg [dreg:$0x13]  }
0x22: {  	p0 =	sne.s32 s25, s6  }
.Ltmp1:
0x23: {  	_ = 	snop;
	(pc) =	sbr.rel @!p0 .LBB2_5-.Ltmp1, $1  }
0x24: {  	_ =	sdelay $0x3  }
.LBB2_1:
0x25: {  	[tilespmem:$0x280] =	vst v8  }
0x26: {  	[tilespmem:$0x290] =	vst v8  }
0x27: {  	[tilespmem:$0x2A0] =	vst v8  }
0x28: {  	[tilespmem:$0x2B0] =	vst v8  }
0x29: {  	[tilespmem:$0x2C0] =	vst v8  }
0x2a: {  	[tilespmem:$0x2D0] =	vst v8  }
0x2b: {  	[tilespmem:$0x2E0] =	vst v8  }
0x2c: {  	[tilespmem:$0x2F0] =	vst v8  }
0x2d: {  	[tilespmem:$0x300] =	vst v8  }
0x2e: {  	[tilespmem:$0x310] =	vst v8  }
0x2f: {  	[tilespmem:$0x320] =	vst v8  }
0x30: {  	[tilespmem:$0x330] =	vst v8  }
0x31: {  	[tilespmem:$0x340] =	vst v8  }
0x32: {  	[tilespmem:$0x350] =	vst v8  }
0x33: {  	[tilespmem:$0x360] =	vst v8  }
0x34: {  	[tilespmem:$0x370] =	vst v8  }
0x35: {  	[tilespmem:$0x380] =	vst v8  }
0x36: {  	[tilespmem:$0x390] =	vst v8  }
0x37: {  	[tilespmem:$0x3A0] =	vst v8  }
0x38: {  	[tilespmem:$0x3B0] =	vst v8  }
0x39: {  	[tilespmem:$0x3C0] =	vst v8  }
0x3a: {  	[tilespmem:$0x3D0] =	vst v8  }
0x3b: {  	[tilespmem:$0x3E0] =	vst v8  }
0x3c: {  	[tilespmem:$0x3F0] =	vst v8;
	s6 =	rddreg [dreg:$0xc];
	s21 =	simm.s32 $0x280  }
0x3d: {  	[spmem:s6] =	stream.linear.scatter [tilespmem:s21], [sflag:$0x5], $0x180, $0x38;
	[tilespmem:$0xC700] =	vst v63  }
0x3e: {  	_ =	swait.ge [sflag:s20], $0x180  }
0x3f: {  	[sflag:s20] =	ssyncset.done $0x0  }
0x40: {  	s29 =	rddreg [dreg:$0xe];
	[sflag:s20] =	ssyncadd.s32 $0xFFFFFE80  }
0x41: {  	[tilespmem:s5], [sflag:$0x5] =	stream.linear.gather [hbm4b:s29+s5], $0x80, $0x38;
	[tilespmem:$0xC700] =	vst v63  }
0x42: {  	_ =	swait.ge [sflag:s20], $0x80  }
0x43: {  	[sflag:s20] =	ssyncset.done $0x0  }
0x44: {  	s21 =	simm.s32 $0x80;
	s30 =	rddreg [dreg:$0xf];
	[sflag:s20] =	ssyncadd.s32 $0xFFFFFF80  }
0x45: {  	[tilespmem:s21], [sflag:$0x5] =	stream.linear.gather [hbm4b:s30+s5], $0x80, $0x38;
	[tilespmem:$0xC700] =	vst v63  }
0x46: {  	_ =	swait.ge [sflag:s20], $0x80  }
0x47: {  	[sflag:s20] =	ssyncset.done $0x0  }
0x48: {  	s28 =	simm.s32 $0x100;
	s29 =	rddreg [dreg:$0x10];
	[sflag:s20] =	ssyncadd.s32 $0xFFFFFF80  }
0x49: {  	[tilespmem:s28], [sflag:$0x5] =	stream.linear.gather [hbm4b:s29+s5], $0x80, $0x38;
	[tilespmem:$0xC700] =	vst v63  }
0x4a: {  	_ =	swait.ge [sflag:s20], $0x80  }
0x4b: {  	[sflag:s20] =	ssyncset.done $0x0  }
0x4c: {  	s29 =	simm.s32 $0x180;
	s30 =	rddreg [dreg:$0x11];
	[sflag:s20] =	ssyncadd.s32 $0xFFFFFF80  }
0x4d: {  	[tilespmem:s29], [sflag:$0x5] =	stream.linear.gather [hbm4b:s30+s5], $0x80, $0x38;
	[tilespmem:$0xC700] =	vst v63  }
0x4e: {  	_ =	swait.ge [sflag:s20], $0x80  }
0x4f: {  	[sflag:s20] =	ssyncset.done $0x0  }
0x50: {  	[sflag:s20] =	ssyncadd.s32 $0xFFFFFF80  }
0x51: {  	s30 =	simm.s32 $0xC500;
	s6 =	rddreg [dreg:$0x1]  }
0x52: {  	[tilespmem:s30], [sflag:$0x5] =	stream.linear.gather [hbm4b:s6+s5], $0x10, $0x38;
	[tilespmem:$0xC700] =	vst v63  }
0x53: {  	_ =	swait.ge [sflag:s20], $0x10  }
0x54: {  	[sflag:s20] =	ssyncset.done $0x0  }
0x55: {  	[sflag:s20] =	ssyncadd.s32 $0xFFFFFFF0  }
0x56: {  	[tilespmem:$0x200] =	vst v0  }
0x57: {  	[tilespmem:$0x210] =	vst v1  }
0x58: {  	[tilespmem:$0x220] =	vst v2  }
0x59: {  	[tilespmem:$0x230] =	vst v3  }
0x5a: {  	[tilespmem:$0x240] =	vst v4  }
0x5b: {  	[tilespmem:$0x250] =	vst v5  }
0x5c: {  	[tilespmem:$0x260] =	vst v6  }
0x5d: {  	[tilespmem:$0x270] =	vst v7  }
0x5e: {  	[bflag:$0x0] =	sbarrier.arrive $0xFFFF  }
0x5f: {  	s30 =	simm.s32 $0x200;
	s6 =	rddreg [dreg:$0x3]  }
0x60: {  	[spmem:s6] =	stream.indirect.scatter [tilespmem:s30], [sflag:$0x1], $0x1, s5, s21, $0xb8;
	[tilespmem:$0xC700] =	vst v63  }
0x61: {  	_ = 	snop  }
0x62: {  	[spmem:s6] =	stream.indirect.scatter [tilespmem:s30], [sflag:$0x2], $0x1, s21, s21, $0xb8;
	[tilespmem:$0xC700] =	vst v63  }
0x63: {  	s30 =	rddreg [dreg:$0xb]  }
0x64: {  	[hbm4b:s30+s21] =	stream.indirect.scatter [tilespmem:s28], [sflag:$0x3], $0x1, s5, s21, $0xb8;
	[tilespmem:$0xC700] =	vst v63  }
0x65: {  	_ = 	snop  }
0x66: {  	[hbm4b:s30+s21] =	stream.indirect.scatter [tilespmem:s29], [sflag:$0x4], $0x1, s21, s21, $0xb8;
	[tilespmem:$0xC700] =	vst v63  }
0x67: {  	_ =	swait.ge [sflag:s26], $0x80  }
0x68: {  	[sflag:s26] =	ssyncset.done $0x0  }
0x69: {  	s21 =	simm.s32 $0x2;
	[sflag:s26] =	ssyncadd.s32 $0xFFFFFF80  }
0x6a: {  	_ =	swait.ge [sflag:s21], $0x80  }
0x6b: {  	[sflag:s21] =	ssyncset.done $0x0  }
0x6c: {  	s29 =	simm.s32 $0x3;
	[sflag:s21] =	ssyncadd.s32 $0xFFFFFF80  }
0x6d: {  	_ =	swait.ge [sflag:s29], $0x80  }
0x6e: {  	[sflag:s29] =	ssyncset.done $0x0  }
0x6f: {  	s30 =	simm.s32 $0x4;
	[sflag:s29] =	ssyncadd.s32 $0xFFFFFF80  }
0x70: {  	_ =	swait.ge [sflag:s30], $0x80  }
0x71: {  	[sflag:s30] =	ssyncset.done $0x0  }
0x72: {  	[sflag:s30] =	ssyncadd.s32 $0xFFFFFF80  }
0x73: {  	[bflag:$0x0] =	sbarrier.arrive $0xFFFF  }
0x74: {  	s29 =	simm.s32 $0x400;
	s21 =	rddreg [dreg:$0x12]  }
0x75: {  	[tilespmem:s29], [sflag:$0x5] =	stream.linear.gather [spmem:s21], $0xC0, $0x38;
	[tilespmem:$0xC700] =	vst v63  }
0x76: {  	_ =	swait.ge [sflag:s20], $0xC0  }
0x77: {  	[sflag:s20] =	ssyncset.done $0x0  }
0x78: {  	[sflag:s20] =	ssyncadd.s32 $0xFFFFFF40  }
0x79: {  	v12 =	vld [tilespmem:$0xC500];
	_ =	sdelay $0x4  }
0x7a: {  	(v2sf) =	vpush v12, $0x0;
	_ =	sdelay $0xe  }
0x7b: {  	s28 =	spop (v2sf)  }
0x7c: {  	s30 =	rddreg [dreg:$0xd];
	s28 =	sshll.u32 s28, $0x8  }
0x7d: {  	s28 =	ssub.s32 s28, s30  }
0x7e: {  	s29 =	sshra.s32 s28, $0x1F  }
0x7f: {  	s6 =	sor.u32 $0x2F, s28;
	s28 =	sxor.u32 $0xFFFFFFFF, s28;
	s21 =	smul.u32 $0x2AAAAAAB, s29  }
0x80: {  	s30 =	smulhi.u32 $0x2AAAAAAB, s6;
	s28 =	sshrl.u32 s28, $0x1F  }
0x81: {  	s28 =	sadd.s32 s28, s29  }
0x82: {  	s6 =	sadd.s32 s21, s30;
	p0 =	sne.s32 s28, $0x1  }
0x83: {  	s28 =	simm.s32 $0x1;
	s30 =	sshrl.u32 s6, $0x1F;
	s6 =	sshra.s32 s6, $0x3  }
0x84: {  	s28 =	simm.s32 @!p0 $0x0;
	s6 =	sadd.s32 s30, s6  }
0x85: {  	s28 =	ssub.s32 s6, s28  }
0x86: {  	p0 =	slt.s32 s28, $0x1  }
.Ltmp2:
0x87: {  	_ = 	snop;
	(pc) =	sbr.rel @p0 .LBB2_4-.Ltmp2, $1  }
0x88: {  	_ =	sdelay $0x3  }
0x89: {  	s28 =	smin.u32 s28, $0x4;
	s29 =	simm.s32 $0x420;
	s30 =	rddreg [dreg:$0x14]  }
.LBB2_3:
0x8a: {  	v12 =	vld [tilespmem:s29+$0xFFFFFFE0];
	_ =	sdelay $0x4  }
0x8b: {  	v13 =	vshll.u32 v12, $0x3  }
0x8c: {  	v12 =	vand.u32 $0x7, v12;
	v13 =	vand.u32 $0xFFFFFFC0, v13  }
0x8d: {  	v12 =	vor.u32 v12, v13  }
0x8e: {  	v13 =	vperm.xlane v12, v9;
	_ =	sdelay $0x1  }
0x8f: {  	v13 =	vadd.s32 v10, v13;
	_ =	sdelay $0x4  }
0x90: {  	[tilespmem:s0], [sflag:$0x1] =	stream.indirect_vreg.gather [hbm4b:s1+s5], $0x80, v13, vm0, $0xb8;
	[tilespmem:$0xC700] =	vst v63  }
0x91: {  	s6 =	rddreg [dreg:$0x5];
	v12 =	vperm.xlane v12, v11  }
0x92: {  	[tilespmem:s6], [sflag:$0x1] =	stream.indirect_vreg.gather [hbm4b:s14+s5], $0x80, v13, vm0, $0xb8;
	[tilespmem:$0xC700] =	vst v63  }
0x93: {  	s21 =	rddreg [dreg:$0x6];
	v12 =	vadd.s32 v10, v12  }
0x94: {  	[tilespmem:s21], [sflag:$0x1] =	stream.indirect_vreg.gather [hbm4b:s15+s5], $0x80, v13, vm0, $0xb8;
	[tilespmem:$0xC700] =	vst v63  }
0x95: {  	s6 =	rddreg [dreg:$0x7]  }
0x96: {  	[tilespmem:s6], [sflag:$0x1] =	stream.indirect_vreg.gather [hbm4b:s16+s5], $0x80, v13, vm0, $0xb8;
	[tilespmem:$0xC700] =	vst v63  }
0x97: {  	s21 =	rddreg [dreg:$0x8]  }
0x98: {  	[tilespmem:s21], [sflag:$0x1] =	stream.indirect_vreg.gather [hbm4b:s1+s5], $0x80, v12, vm0, $0xb8;
	[tilespmem:$0xC700] =	vst v63  }
0x99: {  	s6 =	rddreg [dreg:$0x9]  }
0x9a: {  	[tilespmem:s6], [sflag:$0x1] =	stream.indirect_vreg.gather [hbm4b:s14+s5], $0x80, v12, vm0, $0xb8;
	[tilespmem:$0xC700] =	vst v63  }
0x9b: {  	s21 =	rddreg [dreg:$0xa]  }
0x9c: {  	[tilespmem:s21], [sflag:$0x1] =	stream.indirect_vreg.gather [hbm4b:s15+s5], $0x80, v12, vm0, $0xb8;
	[tilespmem:$0xC700] =	vst v63  }
0x9d: {  	_ = 	snop  }
0x9e: {  	[tilespmem:s4], [sflag:$0x1] =	stream.indirect_vreg.gather [hbm4b:s16+s5], $0x80, v12, vm0, $0xb8;
	[tilespmem:$0xC700] =	vst v63  }
0x9f: {  	v12 =	vld [tilespmem:s29+$0xFFFFFFF0];
	_ =	sdelay $0x4  }
0xa0: {  	v62 =	vshll.u32 v12, $0x3  }
0xa1: {  	v12 =	vand.u32 $0x7, v12;
	v13 =	vand.u32 $0xFFFFFFC0, v62  }
0xa2: {  	v12 =	vor.u32 v12, v13  }
0xa3: {  	v13 =	vperm.xlane v12, v9;
	_ =	sdelay $0x1  }
0xa4: {  	v13 =	vadd.s32 v10, v13;
	_ =	sdelay $0x4  }
0xa5: {  	[tilespmem:s2], [sflag:$0x1] =	stream.indirect_vreg.gather [hbm4b:s1+s5], $0x80, v13, vm0, $0xb8;
	[tilespmem:$0xC700] =	vst v63  }
0xa6: {  	v12 =	vperm.xlane v12, v11  }
0xa7: {  	[tilespmem:s19], [sflag:$0x1] =	stream.indirect_vreg.gather [hbm4b:s14+s5], $0x80, v13, vm0, $0xb8;
	[tilespmem:$0xC700] =	vst v63  }
0xa8: {  	v12 =	vadd.s32 v10, v12  }
0xa9: {  	[tilespmem:s24], [sflag:$0x1] =	stream.indirect_vreg.gather [hbm4b:s15+s5], $0x80, v13, vm0, $0xb8;
	[tilespmem:$0xC700] =	vst v63  }
0xaa: {  	_ = 	snop  }
0xab: {  	[tilespmem:s31], [sflag:$0x1] =	stream.indirect_vreg.gather [hbm4b:s16+s5], $0x80, v13, vm0, $0xb8;
	[tilespmem:$0xC700] =	vst v63  }
0xac: {  	_ = 	snop  }
0xad: {  	[tilespmem:s18], [sflag:$0x1] =	stream.indirect_vreg.gather [hbm4b:s1+s5], $0x80, v12, vm0, $0xb8;
	[tilespmem:$0xC700] =	vst v63  }
0xae: {  	_ = 	snop  }
0xaf: {  	[tilespmem:s3], [sflag:$0x1] =	stream.indirect_vreg.gather [hbm4b:s14+s5], $0x80, v12, vm0, $0xb8;
	[tilespmem:$0xC700] =	vst v63  }
0xb0: {  	_ = 	snop  }
0xb1: {  	[tilespmem:s7], [sflag:$0x1] =	stream.indirect_vreg.gather [hbm4b:s15+s5], $0x80, v12, vm0, $0xb8;
	[tilespmem:$0xC700] =	vst v63  }
0xb2: {  	_ = 	snop  }
0xb3: {  	[tilespmem:s9], [sflag:$0x1] =	stream.indirect_vreg.gather [hbm4b:s16+s5], $0x80, v12, vm0, $0xb8;
	[tilespmem:$0xC700] =	vst v63  }
0xb4: {  	v12 =	vld [tilespmem:s29+$0x0];
	_ =	sdelay $0x4  }
0xb5: {  	v63 =	vshll.u32 v12, $0x3  }
0xb6: {  	v12 =	vand.u32 $0x7, v12;
	v13 =	vand.u32 $0xFFFFFFC0, v63  }
0xb7: {  	v12 =	vor.u32 v12, v13  }
0xb8: {  	v13 =	vperm.xlane v12, v9;
	_ =	sdelay $0x1  }
0xb9: {  	v13 =	vadd.s32 v10, v13;
	_ =	sdelay $0x4  }
0xba: {  	[tilespmem:s10], [sflag:$0x1] =	stream.indirect_vreg.gather [hbm4b:s1+s5], $0x80, v13, vm0, $0xb8;
	[tilespmem:$0xC700] =	vst v63  }
0xbb: {  	v12 =	vperm.xlane v12, v11  }
0xbc: {  	[tilespmem:s11], [sflag:$0x1] =	stream.indirect_vreg.gather [hbm4b:s14+s5], $0x80, v13, vm0, $0xb8;
	[tilespmem:$0xC700] =	vst v63  }
0xbd: {  	v12 =	vadd.s32 v10, v12  }
0xbe: {  	[tilespmem:s12], [sflag:$0x1] =	stream.indirect_vreg.gather [hbm4b:s15+s5], $0x80, v13, vm0, $0xb8;
	[tilespmem:$0xC700] =	vst v63  }
0xbf: {  	_ = 	snop  }
0xc0: {  	[tilespmem:s13], [sflag:$0x1] =	stream.indirect_vreg.gather [hbm4b:s16+s5], $0x80, v13, vm0, $0xb8;
	[tilespmem:$0xC700] =	vst v63  }
0xc1: {  	_ = 	snop  }
0xc2: {  	[tilespmem:s8], [sflag:$0x1] =	stream.indirect_vreg.gather [hbm4b:s1+s5], $0x80, v12, vm0, $0xb8;
	[tilespmem:$0xC700] =	vst v63  }
0xc3: {  	_ = 	snop  }
0xc4: {  	[tilespmem:s17], [sflag:$0x1] =	stream.indirect_vreg.gather [hbm4b:s14+s5], $0x80, v12, vm0, $0xb8;
	[tilespmem:$0xC700] =	vst v63  }
0xc5: {  	_ = 	snop  }
0xc6: {  	[tilespmem:s22], [sflag:$0x1] =	stream.indirect_vreg.gather [hbm4b:s15+s5], $0x80, v12, vm0, $0xb8;
	[tilespmem:$0xC700] =	vst v63  }
0xc7: {  	_ = 	snop  }
0xc8: {  	[tilespmem:s23], [sflag:$0x1] =	stream.indirect_vreg.gather [hbm4b:s16+s5], $0x80, v12, vm0, $0xb8;
	[tilespmem:$0xC700] =	vst v63  }
0xc9: {  	_ =	swait.ge [sflag:s26], $0xC000  }
0xca: {  	p0 =	sne.s32 s28, $0x1;
	[sflag:s26] =	ssyncset.done $0x0  }
.Ltmp3:
0xcb: {  	[sflag:s26] =	ssyncadd.s32 $0xFFFF4000;
	(pc) =	sbr.rel @p0 .LBB2_3-.Ltmp3, $4  }
0xcc: {  	[hbm4b:s30+s5] =	stream.linear.scatter [tilespmem:s0], [sflag:$0x5], $0xC000, $0x38;
	[tilespmem:$0xC700] =	vst v63  }
0xcd: {  	_ =	swait.ge [sflag:s20], $0xC000  }
0xce: {  	s28 =	sadd.s32 $0xFFFFFFFF, s28;
	[sflag:s20] =	ssyncset.done $0x0  }
0xcf: {  	s29 =	sadd.s32 $0x30, s29;
	s30 =	sadd.s32 $0x1800, s30;
	[sflag:s20] =	ssyncadd.s32 $0xFFFF4000  }
.Ltmp4:
0xd0: {  	_ = 	snop;
	(pc) =	sbr.rel .LBB2_4-.Ltmp4, $1  }
0xd1: {  	_ =	sdelay $0x3  }
.LBB2_5:
0xd2: {  	_ =	sfence.sel $0x180000  }
0xd3: {  	[bflag:$0x0] =	sbarrier.arrive $0xFFFF  }
0xd4: {  	_ =	strace $0x90000047  }
0xd5: {  	s0 =	stileid.u32;
	[bflag:$0x2] =	sbarrier.arrive $0xFFFF  }
0xd6: {  	p0 =	sne.s32 s0, $0x0;
	s0 =	rddreg [dreg:$0x4]  }
0xd7: {  	s0 =	sadd.s32 @!p0 $0x100000, s0  }
0xd8: {  	[sflag:s0] =	ssyncadd.tile.s32 @!p0 $0x1;
	_ =	shalt  }
.Lfunc_end2:
_tile_overlayer_lowered:
.L_overlay_start_2:
0xd9: {  	(tag) =	ssettag $0x2  }
0xda: {  	s0 =	rddreg [dreg:$0x0];
	s2 =	stileid.u32  }
0xdb: {  	s1 =	rddreg [dreg:$0x1];
	p0 =	sne.s32 s2, $0x0  }
0xdc: {  	s3 =	rddreg [dreg:$0x2];
	[bflag:$0x3] =	sbarrier.arrive $0xFFFF;
	s2 =	simm.s32 @!p0 $0x1C05  }
0xdd: {  	[timem:s3], [sflag:s2] =	dma.local @!p0 [hbm:s0], s1  }
0xde: {  	s0 =	simm.s32 @!p0 $0x5  }
0xdf: {  	_ =	swait.ge @!p0 [sflag:s0], s1  }
0xe0: {  	s1 =	ssub.s32 @!p0 $0x0, s1;
	[sflag:s0] =	ssyncset.done @!p0 $0x0  }
0xe1: {  	[sflag:s0] =	ssyncadd.s32 @!p0 s1  }
0xe2: {  	[bflag:$0x3] =	sbarrier.arrive $0xFFFF  }
0xe3: {  	_ =	shalt  }

// kernel: kernel.9.cloned.1.call-start
scs
__scs_entry_jumppad:
0x0: {  	(pc) =	sbr.rel $0x88, $3  }
0x1: {  	(tag) =	ssettag $0x0;
	lr =	simm.s32 $0x1  }
0x2: {  	[smem:$0x3F9D] =	sst lr;
	_ =	strace $0xD0000000  }
0x3: {  	_ = 	snop  }
0x4: {  	_ = 	snop  }
0x5: {  	_ = 	snop  }
0x6: {  	_ = 	snop  }
0x7: {  	_ = 	snop  }
__scs_overlays_trampoline_lowered:
0x8: {  	[smem:$0x3FAC] =	sst s0  }
0x9: {  	[smem:$0x3FAD] =	sst s1  }
0xa: {  	[smem:$0x3FAE] =	sst s2  }
0xb: {  	[smem:$0x3FAF] =	sst s3  }
0xc: {  	[smem:$0x3FB0] =	sst s4  }
0xd: {  	[smem:$0x3FB1] =	sst s5  }
0xe: {  	[smem:$0x3FB2] =	sst s6  }
0xf: {  	[smem:$0x3FB3] =	sst s7  }
0x10: {  	[smem:$0x3FB4] =	sst s8  }
0x11: {  	[smem:$0x3FB5] =	sst s9;
	s0 =	simm.s32 @!p0 $0x0  }
0x12: {  	s1 =	sld [smem:$0x3F9B];
	s0 =	simm.s32 @p0 $0x1  }
0x13: {  	[smem:$0x3FB6] =	sst s0;
	s0 =	simm.s32 @!p1 $0x0  }
0x14: {  	s2 =	sld [smem:$0x3F9A];
	s0 =	simm.s32 @p1 $0x1  }
0x15: {  	[smem:$0x3FB7] =	sst s0;
	s0 =	simm.s32 @!p2 $0x0  }
0x16: {  	s3 =	sld [smem:$0x3FDB];
	s0 =	simm.s32 @p2 $0x1  }
0x17: {  	s4 =	simm.s32 $0x1BF5;
	[smem:$0x3FB9] =	sst s0  }
0x18: {  	s0 =	sld [smem:$0x3F9C];
	_ =	swait.ge [sflag:s4], $0x0  }
0x19: {  	s7 =	sld [smem:$0x3F9D]  }
0x1a: {  	s8 =	sadd.s32 $0xFFFFE003, lr  }
0x1b: {  	s9 =	sadd.s32 $0xFFFFFEF7, lr;
	s5 =	simm.s32 $0xFFFFFFFF;
	p2 =	slt.u32 s8, $0xFFFFF086  }
0x1c: {  	p1 =	slt.u32 s9, $0xF7A;
	s5 =	simm.s32 @!p2 $0x0  }
0x1d: {  	s5 =	simm.s32 @p1 $0x1;
	p0 =	seq.s32 s7, s2  }
0x1e: {  	s7 =	smul.u32 @!p0 $0xF7A, s2;
	p2 =	seq.s32 @!p0 s5, $0x0  }
0x1f: {  	s9 =	smul.u32 $0xF7A, s1;
	s8 =	simm.s32 @!p0 $0x1BF5;
	p2 =	por !p2, p0  }
0x20: {  	[sflag:s8] =	ssyncset.s32 @!p0 $0xFFFFF086;
	s6 =	sadd.s32 @!p0 s3, s7;
	s7 =	simm.s32 @!p0 $0x108  }
0x21: {  	s3 =	sadd.s32 s3, s9;
	s6 =	sadd.s32 @!p0 $0x88, s6;
	s7 =	simm.s32 @p2 $0x1082  }
0x22: {  	[simem:s7], [sflag:s8] =	dma.local @!p0 [hbm:s6], $0xF7A  }
0x23: {  	s9 =	sor.u32 $0xD0000000, s2;
	s6 =	simm.s32 $0x108;
	_ =	swait.ge @!p0 [sflag:s8], $0x0  }
0x24: {  	s3 =	sadd.s32 $0x88, s3;
	s6 =	simm.s32 @!p1 $0x1082;
	[sflag:s4] =	ssyncset.s32 $0xFFFFF086  }
0x25: {  	[simem:s6], [sflag:s4] =	dma.local [hbm:s3], $0xF7A  }
0x26: {  	[smem:$0x3F9D] =	sst s1;
	(tag) =	ssettag s2;
	_ =	strace s9  }
0x27: {  	s1 =	sld [smem:$0x3FAD]  }
0x28: {  	s2 =	sld [smem:$0x3FAE]  }
0x29: {  	s4 =	sld [smem:$0x3FB0]  }
0x2a: {  	p0 =	seq.s32 s5, $0x0;
	s5 =	sld [smem:$0x3FB1]  }
0x2b: {  	s6 =	sld [smem:$0x3FB2]  }
0x2c: {  	s7 =	sld [smem:$0x3FB3]  }
0x2d: {  	s3 =	simm.s32 $0x108;
	s8 =	sld [smem:$0x3FB4]  }
0x2e: {  	s3 =	simm.s32 @!p0 $0x1082;
	s9 =	sld [smem:$0x3FB5]  }
0x2f: {  	lr =	sadd.s32 s0, s3;
	s0 =	sld [smem:$0x3FAC]  }
0x30: {  	s3 =	sld [smem:$0x3FAF]  }
0x31: {  	[smem:$0x3FB8] =	sst s10  }
0x32: {  	s10 =	sld [smem:$0x3FB6];
	_ =	sdelay $0x3  }
0x33: {  	p0 =	seq.s32 s10, $0x1;
	s10 =	sld [smem:$0x3FB8];
	_ =	sdelay $0x3  }
0x34: {  	[smem:$0x3FB8] =	sst s10  }
0x35: {  	s10 =	sld [smem:$0x3FB7];
	_ =	sdelay $0x3  }
0x36: {  	p1 =	seq.s32 s10, $0x1;
	s10 =	sld [smem:$0x3FB8];
	_ =	sdelay $0x3  }
0x37: {  	[smem:$0x3FB8] =	sst s10  }
0x38: {  	s10 =	sld [smem:$0x3FB9]  }
0x39: {  	_ = 	snop;
	(pc) =	sbr.ind lr, $3  }
0x3a: {  	_ = 	snop  }
0x3b: {  	_ = 	snop  }
0x3c: {  	p2 =	seq.s32 s10, $0x1;
	s10 =	sld [smem:$0x3FB8]  }
0x3d: {  	_ =	shalt  }
0x3e: {  	_ =	shalt  }
0x3f: {  	_ =	shalt  }
0x40: {  	_ =	shalt  }
0x41: {  	_ =	shalt  }
0x42: {  	_ =	shalt  }
0x43: {  	_ =	shalt  }
0x44: {  	_ =	shalt  }
0x45: {  	_ =	shalt  }
0x46: {  	_ =	shalt  }
0x47: {  	_ =	shalt  }
0x48: {  	_ =	shalt  }
0x49: {  	_ =	shalt  }
0x4a: {  	_ =	shalt  }
0x4b: {  	_ =	shalt  }
0x4c: {  	_ =	shalt  }
0x4d: {  	_ =	shalt  }
0x4e: {  	_ =	shalt  }
0x4f: {  	_ =	shalt  }
0x50: {  	_ =	shalt  }
0x51: {  	_ =	shalt  }
0x52: {  	_ =	shalt  }
0x53: {  	_ =	shalt  }
0x54: {  	_ =	shalt  }
0x55: {  	_ =	shalt  }
0x56: {  	_ =	shalt  }
0x57: {  	_ =	shalt  }
0x58: {  	_ =	shalt  }
0x59: {  	_ =	shalt  }
0x5a: {  	_ =	shalt  }
0x5b: {  	_ =	shalt  }
0x5c: {  	_ =	shalt  }
0x5d: {  	_ =	shalt  }
0x5e: {  	_ =	shalt  }
0x5f: {  	_ =	shalt  }
0x60: {  	_ =	shalt  }
0x61: {  	_ =	shalt  }
0x62: {  	_ =	shalt  }
0x63: {  	_ =	shalt  }
0x64: {  	_ =	shalt  }
0x65: {  	_ =	shalt  }
0x66: {  	_ =	shalt  }
0x67: {  	_ =	shalt  }
0x68: {  	_ =	shalt  }
0x69: {  	_ =	shalt  }
0x6a: {  	_ =	shalt  }
0x6b: {  	_ =	shalt  }
0x6c: {  	_ =	shalt  }
0x6d: {  	_ =	shalt  }
0x6e: {  	_ =	shalt  }
0x6f: {  	_ =	shalt  }
0x70: {  	_ =	shalt  }
0x71: {  	_ =	shalt  }
0x72: {  	_ =	shalt  }
0x73: {  	_ =	shalt  }
0x74: {  	_ =	shalt  }
0x75: {  	_ =	shalt  }
0x76: {  	_ =	shalt  }
0x77: {  	_ =	shalt  }
0x78: {  	_ =	shalt  }
0x79: {  	_ =	shalt  }
0x7a: {  	_ =	shalt  }
0x7b: {  	_ =	shalt  }
0x7c: {  	_ =	shalt  }
0x7d: {  	_ =	shalt  }
0x7e: {  	_ =	shalt  }
0x7f: {  	_ =	shalt  }
0x80: {  	_ =	shalt  }
0x81: {  	_ =	shalt  }
0x82: {  	_ =	shalt  }
0x83: {  	_ =	shalt  }
0x84: {  	_ =	shalt  }
0x85: {  	_ =	shalt  }
0x86: {  	_ =	shalt  }
0x87: {  	_ =	shalt  }
.Lfunc_end0:
.L_simem_size_0:
called_computation.1_lowered:
.L_overlay_start_0:
0x88: {  	s2 =	sld [smem:$0x3FD9]  }
0x89: {  	s3 =	sld [smem:$0x3FFE];
	_ =	sdelay $0x1  }
0x8a: {  	s1 =	srdreg.scid  }
0x8b: {  	s0 =	sand.u32 $0x1, s1  }
0x8c: {  	s14 =	sshll.u32 s0, $0xA;
	s2 =	sadd.s32 s3, s2  }
0x8d: {  	s2 =	sadd.s32 s2, s14  }
0x8e: {  	[smem:$0x3FC4] =	sst s2  }
0x8f: {  	_ = 	snop  }
0x90: {  	s2 =	sld [smem:$0x3FD0];
	_ =	sdelay $0x2  }
0x91: {  	s15 =	simm.s32 $0xA;
	s4 =	simm.s32 $0x10  }
0x92: {  	[smem:s4], [sflag:s15] =	dma.local [hbm:s2], $0x1  }
0x93: {  	_ =	swait.eq [sflag:s15], $0x1  }
0x94: {  	[sflag:s15] =	ssyncset.done $0x0  }
0x95: {  	[sflag:s15] =	ssyncadd.s32 $0xFFFFFFFF  }
0x96: {  	s16 =	sld [smem:$0x10];
	(tm) =	ssettm $0x1  }
0x97: {  	s17 =	sld [smem:$0x3FFB];
	_ =	sdelay $0x3  }
0x98: {  	_ =	strace s17  }
0x99: {  	s3 =	sld [smem:$0x3FFC];
	_ =	sdelay $0x3  }
0x9a: {  	_ =	strace s3  }
0x9b: {  	s3 =	sld [smem:$0x3FFD];
	_ =	sdelay $0x3  }
0x9c: {  	_ =	strace s3  }
0x9d: {  	_ =	strace $0x8FFFFFFF  }
0x9e: {  	s18 =	sld [smem:$0x3FDB];
	_ =	sdelay $0x1  }
0x9f: {  	s19 =	simm.s32 $_scs_section_size  }
0xa0: {  	s5 =	simm.s32 $_size__tile_overlayer_lowered;
	s6 =	simm.s32 $_tile_overlayer_lowered  }
0xa1: {  	s22 =	simm.s32 $0x1BFF;
	s21 =	sshll.u32 s6, $0x1;
	s3 =	sadd.s32 s19, s18  }
0xa2: {  	s7 =	simm.s32 $0x0;
	s20 =	sshll.u32 s5, $0x1;
	s5 =	sadd.s32 s21, s3  }
0xa3: {  	[timem:s7], [sflag:s22] =	dma.local [hbm:s5], s20  }
0xa4: {  	_ =	swait.ge [sflag:s22], s20  }
0xa5: {  	s4 =	ssub.s32 $0x0, s20;
	[sflag:s22] =	ssyncset.done $0x0  }
0xa6: {  	[sflag:s22] =	ssyncadd.s32 s4;
	_ =	sdelay $0x1  }
0xa7: {  	s23 =	simm.s32 $0x1B8B  }
0xa8: {  	_ =	swait.ge [sflag:s23], $0x1  }
0xa9: {  	[sflag:s23] =	ssyncset.done $0x0  }
0xaa: {  	s25 =	simm.s32 $0x1B8E;
	s24 =	sld [smem:$0x3FFE];
	[sflag:s23] =	ssyncadd.s32 $0xFFFFFFFF  }
0xab: {  	s26 =	simm.s32 $execute0_lowered;
	[smem:$0x3FD2] =	sst s25  }
0xac: {  	s5 =	sshll.u32 s26, $0x1;
	_ =	strace $0x80000049;
	[dreg:$0x1] =	wrdreg $0xFFFFFFFF  }
0xad: {  	s28 =	simm.s32 $_size_execute0_lowered;
	s3 =	sadd.s32 s3, s5;
	[dreg:$0x0] =	wrdreg $0x0  }
0xae: {  	s5 =	sshll.u32 s28, $0x1;
	[dreg:$0x2] =	wrdreg s3  }
0xaf: {  	[dreg:$0x3] =	wrdreg s5  }
0xb0: {  	[dreg:$0x4] =	wrdreg $0xC0  }
0xb1: {  	_ =	task [dreg:s7], $0x5FFFF  }
0xb2: {  	[dreg:$0x1] =	wrdreg $0xFFFFFFFF  }
0xb3: {  	[dreg:$0x0] =	wrdreg $0x60  }
0xb4: {  	[dreg:$0x2] =	wrdreg s24  }
0xb5: {  	[dreg:$0x3] =	wrdreg s16  }
0xb6: {  	[dreg:$0x4] =	wrdreg $0x9  }
0xb7: {  	_ =	task.clear_ibuf [dreg:s7], $0x5FFFF;
	_ =	strace $0x90000049  }
0xb8: {  	s29 =	simm.s32 $0x9;
	_ =	strace $0x8000004B  }
0xb9: {  	_ =	swait.ge [sflag:s29], $0x1  }
0xba: {  	[sflag:s29] =	ssyncadd.s32 $0xFFFFFFFF  }
0xbb: {  	_ =	strace $0x9000004B  }
0xbc: {  	_ =	sfence  }
0xbd: {  	s30 =	sld [smem:$0x0];
	_ =	sdelay $0x2  }
0xbe: {  	s31 =	sshll.u32 s1, $0xD;
	s1 =	sshrl.u32 s1, $0x2  }
0xbf: {  	s3 =	sand.u32 $0x4000, s31;
	s1 =	sadd.s32 s1, s30  }
0xc0: {  	s0 =	sor.u32 s3, s0;
	s1 =	sshll.u32 s1, $0x11  }
0xc1: {  	s0 =	sor.u32 s1, s0  }
0xc2: {  	s0 =	sadd.s32 $0x8F2B, s0  }
0xc3: {  	[sflag:s0] =	ssyncadd.remote.s32 $0x1  }
0xc4: {  	_ =	sfence.sel $0xFFFF  }
0xc5: {  	[dreg:$0x0] =	wrdreg $0xFFFFFFFF;
	(pc) =	sbr.abs _section_cstart, $3  }
0xc6: {  	[dreg:$0x1] =	wrdreg $0xFFFFFFFF  }
0xc7: {  	_ =	task.clear_ibuf [dreg:s7], $0x2FFFF;
	_ =	strace $0x9FFFFFFF  }
0xc8: {  	(tm) =	ssettm $0x7FFFFFFF  }
0xc9: {  	_ =	shalt  }
tec
execute0_lowered:
.L_overlay_start_1:
0x0: {  	(tag) =	ssettag $0x1  }
0x1: {  	s0 =	rddreg [dreg:$0x0]  }
0x2: {  	s1 =	rddreg [dreg:$0x1];
	s2 =	srdreg.scid  }
0x3: {  	s5 =	stileid.u32;
	s12 =	simm.s32 $0x2;
	s14 =	simm.s32 $0x100  }
0x4: {  	s13 =	simm.s32 $0x9900;
	s15 =	simm.s32 $0xA100;
	s16 =	simm.s32 $0xB100  }
0x5: {  	s17 =	simm.s32 $0xC100;
	s18 =	simm.s32 $0xC900;
	s19 =	simm.s32 $0xD100  }
0x6: {  	s20 =	simm.s32 $0xD900;
	s21 =	simm.s32 $0xE100;
	s22 =	simm.s32 $0xE900  }
0x7: {  	s10 =	simm.s32 $0xF100;
	s23 =	simm.s32 $0xF900;
	s11 =	simm.s32 $0x1  }
0x8: {  	s24 =	simm.s32 $0x0;
	s3 =	sand.u32 $0x1, s2;
	s2 =	simm.s32 $0x0  }
0x9: {  	s5 =	sshll.u32 s5, $0x6;
	s9 =	sadd.s32 $0xC0F00, s0;
	s4 =	sshll.u32 s3, $0xA  }
0xa: {  	[smem:$0x7FF] =	sst s2;
	s28 =	ssub.s32 $0x2, s3;
	s3 =	sadd.s32 $0xC0C00, s0  }
0xb: {  	s4 =	sor.u32 s5, s4;
	_ =	strace $0x8000004A;
	s7 =	sshrl.u32 s28, $0x1  }
0xc: {  	s6 =	sshrl.u32 s4, $0x3;
	s5 =	ssub.s32 s28, s7;
	s4 =	sshll.u32 s4, $0x7  }
0xd: {  	s7 =	sadd.s32 $0xC0E00, s0;
	s6 =	sadd.s32 s6, s0;
	s31 =	smax.u32 s5, $0x1  }
0xe: {  	s8 =	sadd.s32 s1, s4;
	s29 =	sadd.s32 $0x200, s6;
	[dreg:$0x6] =	wrdreg s31  }
0xf: {  	v2 =	vlaneseq.u32;
	s1 =	simm.s32 $0x9100;
	s6 =	sadd.s32 $0x400, s6;
	[dreg:$0x3] =	wrdreg s29  }
0x10: {  	vm0 =	vmmov $0xffff;
	v1 =	vshrl.u32 v2, $0x3;
	s4 =	simm.s32 $0xA900;
	s30 =	sadd.s32 $0x1000, s8;
	[dreg:$0x4] =	wrdreg s6  }
0x11: {  	v0 =	vand.u32 $0x7, v2;
	v2 =	vor.u32 $0x8, v2;
	v1 =	vmul.u32 $0x8, v1;
	s5 =	simm.s32 $0xB900;
	s6 =	sadd.s32 $0xC0D00, s0;
	[dreg:$0x5] =	wrdreg s30  }
.LBB2_1:
0x12: {  	s0 =	rddreg [dreg:$0x3]  }
0x13: {  	[tilespmem:s2], [sflag:$0x2] =	stream.linear.gather [hbm4b:s0+s2], $0x40, $0x38;
	[tilespmem:$0x10100] =	vst v63  }
0x14: {  	_ =	swait.ge [sflag:s12], $0x40  }
0x15: {  	[sflag:s12] =	ssyncset.done $0x0  }
0x16: {  	s25 =	simm.s32 $0x80;
	s30 =	rddreg [dreg:$0x4];
	[sflag:s12] =	ssyncadd.s32 $0xFFFFFFC0  }
0x17: {  	[tilespmem:s25], [sflag:$0x2] =	stream.linear.gather [hbm4b:s30+s2], $0x40, $0x38;
	[tilespmem:$0x10100] =	vst v63  }
0x18: {  	_ =	swait.ge [sflag:s12], $0x40  }
0x19: {  	[sflag:s12] =	ssyncset.done $0x0  }
0x1a: {  	[sflag:s12] =	ssyncadd.s32 $0xFFFFFFC0  }
0x1b: {  	v3 =	vld [tilespmem:$0x0];
	_ =	sdelay $0x4  }
0x1c: {  	v4 =	vshll.u32 v3, $0x3  }
0x1d: {  	v3 =	vand.u32 $0x7, v3;
	v4 =	vand.u32 $0xFFFFFFC0, v4  }
0x1e: {  	v3 =	vor.u32 v3, v4  }
0x1f: {  	v4 =	vperm.xlane v3, v0;
	_ =	sdelay $0x1  }
0x20: {  	v4 =	vadd.s32 v1, v4;
	_ =	sdelay $0x4  }
0x21: {  	[tilespmem:s14], [sflag:$0x1] =	stream.indirect_vreg.gather [hbm4b:s3+s2], $0x80, v4, vm0, $0xb8;
	[tilespmem:$0x10100] =	vst v63  }
0x22: {  	s31 =	simm.s32 $0x900;
	v3 =	vperm.xlane v3, v2  }
0x23: {  	[tilespmem:s31], [sflag:$0x1] =	stream.indirect_vreg.gather [hbm4b:s6+s2], $0x80, v4, vm0, $0xb8;
	[tilespmem:$0x10100] =	vst v63  }
0x24: {  	s25 =	simm.s32 $0x1100;
	v3 =	vadd.s32 v1, v3  }
0x25: {  	[tilespmem:s25], [sflag:$0x1] =	stream.indirect_vreg.gather [hbm4b:s7+s2], $0x80, v4, vm0, $0xb8;
	[tilespmem:$0x10100] =	vst v63  }
0x26: {  	s26 =	simm.s32 $0x1900  }
0x27: {  	[tilespmem:s26], [sflag:$0x1] =	stream.indirect_vreg.gather [hbm4b:s9+s2], $0x80, v4, vm0, $0xb8;
	[tilespmem:$0x10100] =	vst v63  }
0x28: {  	s30 =	simm.s32 $0x2100  }
0x29: {  	[tilespmem:s30], [sflag:$0x1] =	stream.indirect_vreg.gather [hbm4b:s3+s2], $0x80, v3, vm0, $0xb8;
	[tilespmem:$0x10100] =	vst v63  }
0x2a: {  	s31 =	simm.s32 $0x2900  }
0x2b: {  	[tilespmem:s31], [sflag:$0x1] =	stream.indirect_vreg.gather [hbm4b:s6+s2], $0x80, v3, vm0, $0xb8;
	[tilespmem:$0x10100] =	vst v63  }
0x2c: {  	s25 =	simm.s32 $0x3100  }
0x2d: {  	[tilespmem:s25], [sflag:$0x1] =	stream.indirect_vreg.gather [hbm4b:s7+s2], $0x80, v3, vm0, $0xb8;
	[tilespmem:$0x10100] =	vst v63  }
0x2e: {  	s26 =	simm.s32 $0x3900  }
0x2f: {  	[tilespmem:s26], [sflag:$0x1] =	stream.indirect_vreg.gather [hbm4b:s9+s2], $0x80, v3, vm0, $0xb8;
	[tilespmem:$0x10100] =	vst v63  }
0x30: {  	v3 =	vld [tilespmem:$0x10];
	_ =	sdelay $0x4  }
0x31: {  	v61 =	vshll.u32 v3, $0x3  }
0x32: {  	v3 =	vand.u32 $0x7, v3;
	v4 =	vand.u32 $0xFFFFFFC0, v61  }
0x33: {  	v3 =	vor.u32 v3, v4  }
0x34: {  	v4 =	vperm.xlane v3, v0;
	_ =	sdelay $0x1  }
0x35: {  	v4 =	vadd.s32 v1, v4;
	_ =	sdelay $0x3  }
0x36: {  	s30 =	simm.s32 $0x4100  }
0x37: {  	[tilespmem:s30], [sflag:$0x1] =	stream.indirect_vreg.gather [hbm4b:s3+s2], $0x80, v4, vm0, $0xb8;
	[tilespmem:$0x10100] =	vst v63  }
0x38: {  	s31 =	simm.s32 $0x4900;
	v3 =	vperm.xlane v3, v2  }
0x39: {  	[tilespmem:s31], [sflag:$0x1] =	stream.indirect_vreg.gather [hbm4b:s6+s2], $0x80, v4, vm0, $0xb8;
	[tilespmem:$0x10100] =	vst v63  }
0x3a: {  	s25 =	simm.s32 $0x5100;
	v3 =	vadd.s32 v1, v3  }
0x3b: {  	[tilespmem:s25], [sflag:$0x1] =	stream.indirect_vreg.gather [hbm4b:s7+s2], $0x80, v4, vm0, $0xb8;
	[tilespmem:$0x10100] =	vst v63  }
0x3c: {  	s26 =	simm.s32 $0x5900  }
0x3d: {  	[tilespmem:s26], [sflag:$0x1] =	stream.indirect_vreg.gather [hbm4b:s9+s2], $0x80, v4, vm0, $0xb8;
	[tilespmem:$0x10100] =	vst v63  }
0x3e: {  	s30 =	simm.s32 $0x6100  }
0x3f: {  	[tilespmem:s30], [sflag:$0x1] =	stream.indirect_vreg.gather [hbm4b:s3+s2], $0x80, v3, vm0, $0xb8;
	[tilespmem:$0x10100] =	vst v63  }
0x40: {  	s31 =	simm.s32 $0x6900  }
0x41: {  	[tilespmem:s31], [sflag:$0x1] =	stream.indirect_vreg.gather [hbm4b:s6+s2], $0x80, v3, vm0, $0xb8;
	[tilespmem:$0x10100] =	vst v63  }
0x42: {  	s25 =	simm.s32 $0x7100  }
0x43: {  	[tilespmem:s25], [sflag:$0x1] =	stream.indirect_vreg.gather [hbm4b:s7+s2], $0x80, v3, vm0, $0xb8;
	[tilespmem:$0x10100] =	vst v63  }
0x44: {  	s26 =	simm.s32 $0x7900  }
0x45: {  	[tilespmem:s26], [sflag:$0x1] =	stream.indirect_vreg.gather [hbm4b:s9+s2], $0x80, v3, vm0, $0xb8;
	[tilespmem:$0x10100] =	vst v63  }
0x46: {  	v3 =	vld [tilespmem:$0x80];
	_ =	sdelay $0x4  }
0x47: {  	v62 =	vshll.u32 v3, $0x3  }
0x48: {  	v3 =	vand.u32 $0x7, v3;
	v4 =	vand.u32 $0xFFFFFFC0, v62  }
0x49: {  	v3 =	vor.u32 v3, v4  }
0x4a: {  	v4 =	vperm.xlane v3, v0;
	_ =	sdelay $0x1  }
0x4b: {  	v4 =	vadd.s32 v1, v4;
	_ =	sdelay $0x3  }
0x4c: {  	s30 =	simm.s32 $0x8100  }
0x4d: {  	[tilespmem:s30], [sflag:$0x1] =	stream.indirect_vreg.gather [hbm4b:s3+s2], $0x80, v4, vm0, $0xb8;
	[tilespmem:$0x10100] =	vst v63  }
0x4e: {  	s31 =	simm.s32 $0x8900;
	v3 =	vperm.xlane v3, v2  }
0x4f: {  	[tilespmem:s31], [sflag:$0x1] =	stream.indirect_vreg.gather [hbm4b:s6+s2], $0x80, v4, vm0, $0xb8;
	[tilespmem:$0x10100] =	vst v63  }
0x50: {  	v3 =	vadd.s32 v1, v3  }
0x51: {  	[tilespmem:s1], [sflag:$0x1] =	stream.indirect_vreg.gather [hbm4b:s7+s2], $0x80, v4, vm0, $0xb8;
	[tilespmem:$0x10100] =	vst v63  }
0x52: {  	_ = 	snop  }
0x53: {  	[tilespmem:s13], [sflag:$0x1] =	stream.indirect_vreg.gather [hbm4b:s9+s2], $0x80, v4, vm0, $0xb8;
	[tilespmem:$0x10100] =	vst v63  }
0x54: {  	_ = 	snop  }
0x55: {  	[tilespmem:s15], [sflag:$0x1] =	stream.indirect_vreg.gather [hbm4b:s3+s2], $0x80, v3, vm0, $0xb8;
	[tilespmem:$0x10100] =	vst v63  }
0x56: {  	_ = 	snop  }
0x57: {  	[tilespmem:s4], [sflag:$0x1] =	stream.indirect_vreg.gather [hbm4b:s6+s2], $0x80, v3, vm0, $0xb8;
	[tilespmem:$0x10100] =	vst v63  }
0x58: {  	_ = 	snop  }
0x59: {  	[tilespmem:s16], [sflag:$0x1] =	stream.indirect_vreg.gather [hbm4b:s7+s2], $0x80, v3, vm0, $0xb8;
	[tilespmem:$0x10100] =	vst v63  }
0x5a: {  	_ = 	snop  }
0x5b: {  	[tilespmem:s5], [sflag:$0x1] =	stream.indirect_vreg.gather [hbm4b:s9+s2], $0x80, v3, vm0, $0xb8;
	[tilespmem:$0x10100] =	vst v63  }
0x5c: {  	v3 =	vld [tilespmem:$0x90];
	_ =	sdelay $0x4  }
0x5d: {  	v63 =	vshll.u32 v3, $0x3  }
0x5e: {  	v3 =	vand.u32 $0x7, v3;
	v4 =	vand.u32 $0xFFFFFFC0, v63  }
0x5f: {  	v3 =	vor.u32 v3, v4  }
0x60: {  	v4 =	vperm.xlane v3, v0;
	_ =	sdelay $0x1  }
0x61: {  	v4 =	vadd.s32 v1, v4;
	_ =	sdelay $0x4  }
0x62: {  	[tilespmem:s17], [sflag:$0x1] =	stream.indirect_vreg.gather [hbm4b:s3+s2], $0x80, v4, vm0, $0xb8;
	[tilespmem:$0x10100] =	vst v63  }
0x63: {  	v3 =	vperm.xlane v3, v2  }
0x64: {  	[tilespmem:s18], [sflag:$0x1] =	stream.indirect_vreg.gather [hbm4b:s6+s2], $0x80, v4, vm0, $0xb8;
	[tilespmem:$0x10100] =	vst v63  }
0x65: {  	v3 =	vadd.s32 v1, v3  }
0x66: {  	[tilespmem:s19], [sflag:$0x1] =	stream.indirect_vreg.gather [hbm4b:s7+s2], $0x80, v4, vm0, $0xb8;
	[tilespmem:$0x10100] =	vst v63  }
0x67: {  	_ = 	snop  }
0x68: {  	[tilespmem:s20], [sflag:$0x1] =	stream.indirect_vreg.gather [hbm4b:s9+s2], $0x80, v4, vm0, $0xb8;
	[tilespmem:$0x10100] =	vst v63  }
0x69: {  	_ = 	snop  }
0x6a: {  	[tilespmem:s21], [sflag:$0x1] =	stream.indirect_vreg.gather [hbm4b:s3+s2], $0x80, v3, vm0, $0xb8;
	[tilespmem:$0x10100] =	vst v63  }
0x6b: {  	_ = 	snop  }
0x6c: {  	[tilespmem:s22], [sflag:$0x1] =	stream.indirect_vreg.gather [hbm4b:s6+s2], $0x80, v3, vm0, $0xb8;
	[tilespmem:$0x10100] =	vst v63  }
0x6d: {  	_ = 	snop  }
0x6e: {  	[tilespmem:s10], [sflag:$0x1] =	stream.indirect_vreg.gather [hbm4b:s7+s2], $0x80, v3, vm0, $0xb8;
	[tilespmem:$0x10100] =	vst v63  }
0x6f: {  	_ = 	snop  }
0x70: {  	[tilespmem:s23], [sflag:$0x1] =	stream.indirect_vreg.gather [hbm4b:s9+s2], $0x80, v3, vm0, $0xb8;
	[tilespmem:$0x10100] =	vst v63  }
0x71: {  	_ =	swait.ge [sflag:s11], $0x8000  }
0x72: {  	[sflag:s11] =	ssyncset.done $0x0  }
0x73: {  	[sflag:s11] =	ssyncadd.s32 $0xFFFF8000  }
0x74: {  	_ =	swait.ge [sflag:s11], $0x8000  }
0x75: {  	s28 =	simm.s32 $0x0;
	s29 =	simm.s32 $0x0;
	[sflag:s11] =	ssyncset.done $0x0  }
0x76: {  	s25 =	simm.s32 $0xFFFF8000;
	s26 =	simm.s32 $0x0;
	[sflag:s11] =	ssyncadd.s32 $0xFFFF8000  }
.LBB2_2:
0x77: {  	s30 =	sadd.s32 $0x8000, s25  }
0x78: {  	s31 =	sand.u32 $0x380, s29;
	s30 =	sand.u32 $0x6000, s30  }
0x79: {  	s30 =	sor.u32 s31, s30  }
0x7a: {  	v3 =	vld [tilespmem:s30+$0x100]  }
0x7b: {  	v4 =	vld [tilespmem:s30+$0x8100]  }
0x7c: {  	v5 =	vld [tilespmem:s30+$0x110]  }
0x7d: {  	v6 =	vld [tilespmem:s30+$0x8110]  }
0x7e: {  	v7 =	vld [tilespmem:s30+$0x120]  }
0x7f: {  	v8 =	vld [tilespmem:s30+$0x8120]  }
0x80: {  	v9 =	vld [tilespmem:s30+$0x130]  }
0x81: {  	v10 =	vld [tilespmem:s30+$0x8130]  }
0x82: {  	v11 =	vld [tilespmem:s30+$0x140]  }
0x83: {  	v12 =	vld [tilespmem:s30+$0x8140]  }
0x84: {  	v13 =	vld [tilespmem:s30+$0x150]  }
0x85: {  	v14 =	vld [tilespmem:s30+$0x8150]  }
0x86: {  	v15 =	vld [tilespmem:s30+$0x160]  }
0x87: {  	v16 =	vld [tilespmem:s30+$0x8160]  }
0x88: {  	v17 =	vld [tilespmem:s30+$0x170]  }
0x89: {  	v18 =	vld [tilespmem:s30+$0x8170]  }
0x8a: {  	v19 =	vld [tilespmem:s30+$0x500]  }
0x8b: {  	v20 =	vld [tilespmem:s30+$0x8500]  }
0x8c: {  	v21 =	vld [tilespmem:s30+$0x510]  }
0x8d: {  	v22 =	vld [tilespmem:s30+$0x8510]  }
0x8e: {  	v23 =	vld [tilespmem:s30+$0x520]  }
0x8f: {  	v24 =	vld [tilespmem:s30+$0x8520]  }
0x90: {  	v25 =	vld [tilespmem:s30+$0x530]  }
0x91: {  	v26 =	vld [tilespmem:s30+$0x8530]  }
0x92: {  	v27 =	vld [tilespmem:s30+$0x540]  }
0x93: {  	v28 =	vld [tilespmem:s30+$0x8540]  }
0x94: {  	v29 =	vld [tilespmem:s30+$0x550]  }
0x95: {  	v30 =	vld [tilespmem:s30+$0x8550]  }
0x96: {  	v31 =	vld [tilespmem:s30+$0x560]  }
0x97: {  	v32 =	vld [tilespmem:s30+$0x8560]  }
0x98: {  	v33 =	vld [tilespmem:s30+$0x570]  }
0x99: {  	v34 =	vld [tilespmem:s30+$0x8570]  }
0x9a: {  	v35 =	vld [tilespmem:s30+$0x900]  }
0x9b: {  	v36 =	vld [tilespmem:s30+$0x8900]  }
0x9c: {  	v37 =	vld [tilespmem:s30+$0x910]  }
0x9d: {  	v38 =	vld [tilespmem:s30+$0x8910]  }
0x9e: {  	v39 =	vld [tilespmem:s30+$0x920]  }
0x9f: {  	v40 =	vld [tilespmem:s30+$0x8920]  }
0xa0: {  	v41 =	vld [tilespmem:s30+$0x930]  }
0xa1: {  	v42 =	vld [tilespmem:s30+$0x8930]  }
0xa2: {  	v43 =	vld [tilespmem:s30+$0x940]  }
0xa3: {  	v44 =	vld [tilespmem:s30+$0x8940]  }
0xa4: {  	v45 =	vld [tilespmem:s30+$0x950]  }
0xa5: {  	v46 =	vld [tilespmem:s30+$0x8950]  }
0xa6: {  	v47 =	vld [tilespmem:s30+$0x960]  }
0xa7: {  	v48 =	vld [tilespmem:s30+$0x8960]  }
0xa8: {  	v49 =	vld [tilespmem:s30+$0x970]  }
0xa9: {  	v50 =	vld [tilespmem:s30+$0x8970]  }
0xaa: {  	v51 =	vld [tilespmem:s30+$0xD00]  }
0xab: {  	v52 =	vld [tilespmem:s30+$0x8D00]  }
0xac: {  	v53 =	vld [tilespmem:s30+$0xD10]  }
0xad: {  	v54 =	vld [tilespmem:s30+$0x8D10]  }
0xae: {  	v55 =	vld [tilespmem:s30+$0xD20]  }
0xaf: {  	v56 =	vld [tilespmem:s30+$0x8D20]  }
0xb0: {  	v57 =	vld [tilespmem:s30+$0xD30]  }
0xb1: {  	v58 =	vld [tilespmem:s30+$0x8D30]  }
0xb2: {  	v59 =	vld [tilespmem:s30+$0xD40]  }
0xb3: {  	v60 =	vld [tilespmem:s30+$0x8D40]  }
0xb4: {  	v61 =	vld [tilespmem:s30+$0xD50]  }
0xb5: {  	v62 =	vld [tilespmem:s30+$0x8D50]  }
0xb6: {  	v63 =	vld [tilespmem:s30+$0xD60]  }
0xb7: {  	v3 =	vadd.f32 v4, v3;
	v4 =	vld [tilespmem:s30+$0x8D60]  }
0xb8: {  	v5 =	vadd.f32 v6, v5;
	v6 =	vld [tilespmem:s30+$0xD70]  }
0xb9: {  	v14 =	vadd.f32 v14, v13;
	v13 =	vld [tilespmem:s30+$0x9120];
	[tilespmem:s30+$0x100] =	vst v3;
	v3 =	vadd.f32 v8, v7  }
0xba: {  	v18 =	vadd.f32 v18, v17;
	v17 =	vld [tilespmem:s30+$0x9140];
	[tilespmem:s30+$0x110] =	vst v5  }
0xbb: {  	v22 =	vadd.f32 v22, v21;
	v21 =	vld [tilespmem:s30+$0x9160];
	[tilespmem:s30+$0x120] =	vst v3;
	v3 =	vadd.f32 v12, v11  }
0xbc: {  	v7 =	vld [tilespmem:s30+$0x8D70];
	[tilespmem:s30+$0x150] =	vst v14  }
0xbd: {  	v8 =	vld [tilespmem:s30+$0x1100];
	[tilespmem:s30+$0x140] =	vst v3;
	v3 =	vadd.f32 v16, v15  }
0xbe: {  	v5 =	vadd.f32 v10, v9;
	v9 =	vld [tilespmem:s30+$0x9100];
	[tilespmem:s30+$0x170] =	vst v18  }
0xbf: {  	v10 =	vld [tilespmem:s30+$0x1110];
	[tilespmem:s30+$0x160] =	vst v3;
	v3 =	vadd.f32 v20, v19  }
0xc0: {  	v26 =	vadd.f32 v26, v25;
	v14 =	vld [tilespmem:s30+$0x1130];
	[tilespmem:s30+$0x510] =	vst v22  }
0xc1: {  	v18 =	vld [tilespmem:s30+$0x1150];
	[tilespmem:s30+$0x500] =	vst v3;
	v3 =	vadd.f32 v24, v23  }
0xc2: {  	v30 =	vadd.f32 v30, v29;
	[tilespmem:s30+$0x530] =	vst v26;
	v22 =	vld [tilespmem:s30+$0x1170]  }
0xc3: {  	v19 =	vld [tilespmem:s30+$0x9150];
	[tilespmem:s30+$0x520] =	vst v3;
	v3 =	vadd.f32 v28, v27  }
0xc4: {  	v34 =	vadd.f32 v34, v33;
	[tilespmem:s30+$0x550] =	vst v30;
	v11 =	vld [tilespmem:s30+$0x9110]  }
0xc5: {  	v12 =	vld [tilespmem:s30+$0x1120];
	[tilespmem:s30+$0x540] =	vst v3;
	v3 =	vadd.f32 v32, v31  }
0xc6: {  	[tilespmem:s30+$0x570] =	vst v34;
	v15 =	vld [tilespmem:s30+$0x9130]  }
0xc7: {  	v16 =	vld [tilespmem:s30+$0x1140];
	[tilespmem:s30+$0x560] =	vst v3;
	v3 =	vadd.f32 v36, v35  }
0xc8: {  	[tilespmem:s30+$0x130] =	vst v5;
	v20 =	vld [tilespmem:s30+$0x1160];
	v19 =	vadd.f32 v19, v18  }
0xc9: {  	v24 =	vld [tilespmem:s30+$0x1500];
	[tilespmem:s30+$0x900] =	vst v3;
	v3 =	vadd.f32 v40, v39  }
0xca: {  	[tilespmem:s30+$0x1150] =	vst v19;
	v36 =	vadd.f32 v38, v37;
	v37 =	vld [tilespmem:s30+$0x9170]  }
0xcb: {  	v38 =	vadd.f32 v42, v41;
	v41 =	vld [tilespmem:s30+$0x1510];
	[tilespmem:s30+$0x920] =	vst v3;
	v3 =	vadd.f32 v44, v43  }
0xcc: {  	v42 =	vld [tilespmem:s30+$0x9510];
	[tilespmem:s30+$0x910] =	vst v36  }
0xcd: {  	v35 =	vld [tilespmem:s30+$0x1910];
	[tilespmem:s30+$0x940] =	vst v3;
	v3 =	vadd.f32 v48, v47  }
0xce: {  	v39 =	vld [tilespmem:s30+$0x9500];
	[tilespmem:s30+$0x930] =	vst v38;
	v40 =	vadd.f32 v46, v45  }
0xcf: {  	v45 =	vld [tilespmem:s30+$0x9520];
	[tilespmem:s30+$0x960] =	vst v3;
	v3 =	vadd.f32 v52, v51  }
0xd0: {  	v46 =	vadd.f32 v54, v53;
	v53 =	vld [tilespmem:s30+$0x1550];
	[tilespmem:s30+$0x950] =	vst v40  }
0xd1: {  	v54 =	vld [tilespmem:s30+$0x9550];
	[tilespmem:s30+$0xD00] =	vst v3;
	v3 =	vadd.f32 v56, v55  }
0xd2: {  	v36 =	vld [tilespmem:s30+$0x9910];
	v43 =	vadd.f32 v50, v49;
	[tilespmem:s30+$0xD10] =	vst v46  }
0xd3: {  	v38 =	vld [tilespmem:s30+$0x1920];
	[tilespmem:s30+$0xD20] =	vst v3;
	v3 =	vadd.f32 v60, v59  }
0xd4: {  	v44 =	vld [tilespmem:s30+$0x1520];
	v49 =	vadd.f32 v58, v57;
	[tilespmem:s30+$0x970] =	vst v43  }
0xd5: {  	v50 =	vld [tilespmem:s30+$0x1540];
	[tilespmem:s30+$0xD40] =	vst v3;
	v3 =	vadd.f32 v4, v63  }
0xd6: {  	v57 =	vld [tilespmem:s30+$0x9560];
	v58 =	vadd.f32 v11, v10;
	[tilespmem:s30+$0xD30] =	vst v49  }
0xd7: {  	v46 =	vld [tilespmem:s30+$0x9950];
	[tilespmem:s30+$0xD60] =	vst v3;
	v3 =	vadd.f32 v9, v8  }
0xd8: {  	v37 =	vadd.f32 v37, v22;
	v40 =	vadd.f32 v42, v41;
	v41 =	vld [tilespmem:s30+$0x1930];
	[tilespmem:s30+$0x1110] =	vst v58  }
0xd9: {  	v42 =	vld [tilespmem:s30+$0x9930];
	[tilespmem:s30+$0x1100] =	vst v3;
	v3 =	vadd.f32 v13, v12  }
0xda: {  	v47 =	vld [tilespmem:s30+$0x1530];
	[tilespmem:s30+$0x1170] =	vst v37  }
0xdb: {  	v48 =	vld [tilespmem:s30+$0x9530];
	[tilespmem:s30+$0x1120] =	vst v3;
	v3 =	vadd.f32 v17, v16  }
0xdc: {  	v49 =	vld [tilespmem:s30+$0x9960];
	[tilespmem:s30+$0x1510] =	vst v40;
	v52 =	vadd.f32 v62, v61  }
0xdd: {  	v51 =	vld [tilespmem:s30+$0x9540];
	[tilespmem:s30+$0x1140] =	vst v3;
	v3 =	vadd.f32 v21, v20  }
0xde: {  	v61 =	vadd.f32 v15, v14;
	v62 =	vld [tilespmem:s30+$0x1900];
	[tilespmem:s30+$0xD50] =	vst v52  }
0xdf: {  	v56 =	vld [tilespmem:s30+$0x1560];
	[tilespmem:s30+$0x1160] =	vst v3;
	v3 =	vadd.f32 v39, v24  }
0xe0: {  	v55 =	vadd.f32 v7, v6;
	[tilespmem:s30+$0x1130] =	vst v61;
	v52 =	vld [tilespmem:s30+$0x9970]  }
0xe1: {  	v43 =	vadd.f32 v48, v47;
	v47 =	vld [tilespmem:s30+$0x1960];
	[tilespmem:s30+$0x1500] =	vst v3;
	v3 =	vadd.f32 v45, v44  }
0xe2: {  	[tilespmem:s30+$0xD70] =	vst v55;
	v63 =	vld [tilespmem:s30+$0x9900]  }
0xe3: {  	v59 =	vld [tilespmem:s30+$0x1570];
	[tilespmem:s30+$0x1520] =	vst v3;
	v3 =	vadd.f32 v51, v50  }
0xe4: {  	[tilespmem:s30+$0x1530] =	vst v43;
	v4 =	vadd.f32 v54, v53;
	v39 =	vld [tilespmem:s30+$0x9920]  }
0xe5: {  	v60 =	vld [tilespmem:s30+$0x9570];
	[tilespmem:s30+$0x1540] =	vst v3;
	v3 =	vadd.f32 v57, v56  }
0xe6: {  	v54 =	vadd.f32 v42, v41;
	[tilespmem:s30+$0x1550] =	vst v4;
	v45 =	vld [tilespmem:s30+$0x1950]  }
0xe7: {  	v53 =	vld [tilespmem:s30+$0x9940];
	[tilespmem:s30+$0x1560] =	vst v3;
	v3 =	vadd.f32 v63, v62  }
0xe8: {  	[tilespmem:s30+$0x1930] =	vst v54;
	v55 =	vadd.f32 v49, v47;
	v50 =	vld [tilespmem:s30+$0x1970]  }
0xe9: {  	v44 =	vld [tilespmem:s30+$0x1940];
	[tilespmem:s30+$0x1900] =	vst v3;
	v3 =	vadd.f32 v39, v38  }
0xea: {  	v48 =	vadd.f32 v60, v59;
	[tilespmem:s30+$0x1960] =	vst v55  }
0xeb: {  	[tilespmem:s30+$0x1920] =	vst v3;
	v3 =	vadd.f32 v46, v45  }
0xec: {  	s0 =	sand.u32 $0x7, s26;
	[tilespmem:s30+$0x1570] =	vst v48;
	v51 =	vadd.f32 v36, v35  }
0xed: {  	s31 =	sshll.u32 s0, $0x7;
	[tilespmem:s30+$0x1950] =	vst v3;
	v3 =	vadd.f32 v52, v50  }
0xee: {  	s31 =	sadd.s32 s31, s28;
	[tilespmem:s30+$0x1910] =	vst v51;
	v56 =	vadd.f32 v53, v44  }
0xef: {  	s0 =	sor.u32 $0x1C00, s31;
	[tilespmem:s30+$0x1970] =	vst v3  }
0xf0: {  	[tilespmem:s30+$0x1940] =	vst v56;
	v3 =	vld [tilespmem:s0+$0x100]  }
0xf1: {  	v4 =	vld [tilespmem:s0+$0x8100];
	_ =	sdelay $0x4  }
0xf2: {  	v3 =	vadd.f32 v4, v3;
	_ =	sdelay $0x1  }
0xf3: {  	s30 =	sor.u32 $0x1C10, s31;
	[tilespmem:s0+$0x100] =	vst v3  }
0xf4: {  	v3 =	vld [tilespmem:s30+$0x100]  }
0xf5: {  	v57 =	vld [tilespmem:s30+$0x8100];
	_ =	sdelay $0x4  }
0xf6: {  	v3 =	vadd.f32 v57, v3;
	_ =	sdelay $0x1  }
0xf7: {  	[tilespmem:s30+$0x100] =	vst v3;
	s30 =	sor.u32 $0x1C20, s31  }
0xf8: {  	v3 =	vld [tilespmem:s30+$0x100]  }
0xf9: {  	v58 =	vld [tilespmem:s30+$0x8100];
	_ =	sdelay $0x4  }
0xfa: {  	v3 =	vadd.f32 v58, v3;
	_ =	sdelay $0x1  }
0xfb: {  	[tilespmem:s30+$0x100] =	vst v3;
	s30 =	sor.u32 $0x1C30, s31  }
0xfc: {  	v3 =	vld [tilespmem:s30+$0x100]  }
0xfd: {  	v59 =	vld [tilespmem:s30+$0x8100];
	_ =	sdelay $0x4  }
0xfe: {  	v3 =	vadd.f32 v59, v3;
	_ =	sdelay $0x1  }
0xff: {  	[tilespmem:s30+$0x100] =	vst v3;
	s30 =	sor.u32 $0x1C40, s31  }
0x100: {  	v3 =	vld [tilespmem:s30+$0x100]  }
0x101: {  	v60 =	vld [tilespmem:s30+$0x8100];
	_ =	sdelay $0x4  }
0x102: {  	v3 =	vadd.f32 v60, v3;
	_ =	sdelay $0x1  }
0x103: {  	[tilespmem:s30+$0x100] =	vst v3;
	s30 =	sor.u32 $0x1C50, s31  }
0x104: {  	v3 =	vld [tilespmem:s30+$0x100]  }
0x105: {  	v61 =	vld [tilespmem:s30+$0x8100];
	_ =	sdelay $0x4  }
0x106: {  	v3 =	vadd.f32 v61, v3;
	_ =	sdelay $0x1  }
0x107: {  	[tilespmem:s30+$0x100] =	vst v3;
	s30 =	sor.u32 $0x1C60, s31  }
0x108: {  	v3 =	vld [tilespmem:s30+$0x100]  }
0x109: {  	v62 =	vld [tilespmem:s30+$0x8100];
	_ =	sdelay $0x4  }
0x10a: {  	v3 =	vadd.f32 v62, v3;
	_ =	sdelay $0x1  }
0x10b: {  	s31 =	sor.u32 $0x1C70, s31;
	[tilespmem:s30+$0x100] =	vst v3  }
0x10c: {  	v3 =	vld [tilespmem:s31+$0x100]  }
0x10d: {  	v63 =	vld [tilespmem:s31+$0x8100];
	_ =	sdelay $0x1  }
0x10e: {  	p0 =	sne.s32 s29, $0xF80  }
.Ltmp0:
0x10f: {  	_ = 	snop;
	(pc) =	sbr.rel @p0 .LBB2_2-.Ltmp0, $4  }
0x110: {  	_ = 	snop  }
0x111: {  	v3 =	vadd.f32 v63, v3  }
0x112: {  	s26 =	sadd.s32 $0x1, s26  }
0x113: {  	s25 =	sadd.s32 $0x400, s25;
	s29 =	sadd.s32 $0x80, s29;
	s28 =	sadd.s32 $0x400, s28;
	[tilespmem:s31+$0x100] =	vst v3  }
0x114: {  	s25 =	simm.s32 $0x0  }
0x115: {  	[hbm4b:s8+s25] =	stream.linear.scatter [tilespmem:s14], [sflag:$0x2], $0x8000, $0x38;
	[tilespmem:$0x10100] =	vst v63  }
0x116: {  	_ =	swait.ge [sflag:s12], $0x8000  }
0x117: {  	[sflag:s12] =	ssyncset.done $0x0  }
0x118: {  	[sflag:s12] =	ssyncadd.s32 $0xFFFF8000  }
0x119: {  	v3 =	vld [tilespmem:$0x20];
	_ =	sdelay $0x4  }
0x11a: {  	v4 =	vshll.u32 v3, $0x3  }
0x11b: {  	v3 =	vand.u32 $0x7, v3;
	v4 =	vand.u32 $0xFFFFFFC0, v4  }
0x11c: {  	v3 =	vor.u32 v3, v4  }
0x11d: {  	v4 =	vperm.xlane v3, v0;
	_ =	sdelay $0x1  }
0x11e: {  	v4 =	vadd.s32 v1, v4;
	_ =	sdelay $0x4  }
0x11f: {  	[tilespmem:s14], [sflag:$0x1] =	stream.indirect_vreg.gather [hbm4b:s3+s25], $0x80, v4, vm0, $0xb8;
	[tilespmem:$0x10100] =	vst v63  }
0x120: {  	s0 =	simm.s32 $0x900;
	v3 =	vperm.xlane v3, v2  }
0x121: {  	[tilespmem:s0], [sflag:$0x1] =	stream.indirect_vreg.gather [hbm4b:s6+s25], $0x80, v4, vm0, $0xb8;
	[tilespmem:$0x10100] =	vst v63  }
0x122: {  	s31 =	simm.s32 $0x1100;
	v3 =	vadd.s32 v1, v3  }
0x123: {  	[tilespmem:s31], [sflag:$0x1] =	stream.indirect_vreg.gather [hbm4b:s7+s25], $0x80, v4, vm0, $0xb8;
	[tilespmem:$0x10100] =	vst v63  }
0x124: {  	s26 =	simm.s32 $0x1900  }
0x125: {  	[tilespmem:s26], [sflag:$0x1] =	stream.indirect_vreg.gather [hbm4b:s9+s25], $0x80, v4, vm0, $0xb8;
	[tilespmem:$0x10100] =	vst v63  }
0x126: {  	s30 =	simm.s32 $0x2100  }
0x127: {  	[tilespmem:s30], [sflag:$0x1] =	stream.indirect_vreg.gather [hbm4b:s3+s25], $0x80, v3, vm0, $0xb8;
	[tilespmem:$0x10100] =	vst v63  }
0x128: {  	s31 =	simm.s32 $0x2900  }
0x129: {  	[tilespmem:s31], [sflag:$0x1] =	stream.indirect_vreg.gather [hbm4b:s6+s25], $0x80, v3, vm0, $0xb8;
	[tilespmem:$0x10100] =	vst v63  }
0x12a: {  	s26 =	simm.s32 $0x3100  }
0x12b: {  	[tilespmem:s26], [sflag:$0x1] =	stream.indirect_vreg.gather [hbm4b:s7+s25], $0x80, v3, vm0, $0xb8;
	[tilespmem:$0x10100] =	vst v63  }
0x12c: {  	s30 =	simm.s32 $0x3900  }
0x12d: {  	[tilespmem:s30], [sflag:$0x1] =	stream.indirect_vreg.gather [hbm4b:s9+s25], $0x80, v3, vm0, $0xb8;
	[tilespmem:$0x10100] =	vst v63  }
0x12e: {  	v3 =	vld [tilespmem:$0x30];
	_ =	sdelay $0x4  }
0x12f: {  	v61 =	vshll.u32 v3, $0x3  }
0x130: {  	v3 =	vand.u32 $0x7, v3;
	v4 =	vand.u32 $0xFFFFFFC0, v61  }
0x131: {  	v3 =	vor.u32 v3, v4  }
0x132: {  	v4 =	vperm.xlane v3, v0;
	_ =	sdelay $0x1  }
0x133: {  	v4 =	vadd.s32 v1, v4;
	_ =	sdelay $0x3  }
0x134: {  	s31 =	simm.s32 $0x4100  }
0x135: {  	[tilespmem:s31], [sflag:$0x1] =	stream.indirect_vreg.gather [hbm4b:s3+s25], $0x80, v4, vm0, $0xb8;
	[tilespmem:$0x10100] =	vst v63  }
0x136: {  	s26 =	simm.s32 $0x4900;
	v3 =	vperm.xlane v3, v2  }
0x137: {  	[tilespmem:s26], [sflag:$0x1] =	stream.indirect_vreg.gather [hbm4b:s6+s25], $0x80, v4, vm0, $0xb8;
	[tilespmem:$0x10100] =	vst v63  }
0x138: {  	s30 =	simm.s32 $0x5100;
	v3 =	vadd.s32 v1, v3  }
0x139: {  	[tilespmem:s30], [sflag:$0x1] =	stream.indirect_vreg.gather [hbm4b:s7+s25], $0x80, v4, vm0, $0xb8;
	[tilespmem:$0x10100] =	vst v63  }
0x13a: {  	s31 =	simm.s32 $0x5900  }
0x13b: {  	[tilespmem:s31], [sflag:$0x1] =	stream.indirect_vreg.gather [hbm4b:s9+s25], $0x80, v4, vm0, $0xb8;
	[tilespmem:$0x10100] =	vst v63  }
0x13c: {  	s26 =	simm.s32 $0x6100  }
0x13d: {  	[tilespmem:s26], [sflag:$0x1] =	stream.indirect_vreg.gather [hbm4b:s3+s25], $0x80, v3, vm0, $0xb8;
	[tilespmem:$0x10100] =	vst v63  }
0x13e: {  	s30 =	simm.s32 $0x6900  }
0x13f: {  	[tilespmem:s30], [sflag:$0x1] =	stream.indirect_vreg.gather [hbm4b:s6+s25], $0x80, v3, vm0, $0xb8;
	[tilespmem:$0x10100] =	vst v63  }
0x140: {  	s31 =	simm.s32 $0x7100  }
0x141: {  	[tilespmem:s31], [sflag:$0x1] =	stream.indirect_vreg.gather [hbm4b:s7+s25], $0x80, v3, vm0, $0xb8;
	[tilespmem:$0x10100] =	vst v63  }
0x142: {  	s26 =	simm.s32 $0x7900  }
0x143: {  	[tilespmem:s26], [sflag:$0x1] =	stream.indirect_vreg.gather [hbm4b:s9+s25], $0x80, v3, vm0, $0xb8;
	[tilespmem:$0x10100] =	vst v63  }
0x144: {  	v3 =	vld [tilespmem:$0xA0];
	_ =	sdelay $0x4  }
0x145: {  	v62 =	vshll.u32 v3, $0x3  }
0x146: {  	v3 =	vand.u32 $0x7, v3;
	v4 =	vand.u32 $0xFFFFFFC0, v62  }
0x147: {  	v3 =	vor.u32 v3, v4  }
0x148: {  	v4 =	vperm.xlane v3, v0;
	_ =	sdelay $0x1  }
0x149: {  	v4 =	vadd.s32 v1, v4;
	_ =	sdelay $0x3  }
0x14a: {  	s30 =	simm.s32 $0x8100  }
0x14b: {  	[tilespmem:s30], [sflag:$0x1] =	stream.indirect_vreg.gather [hbm4b:s3+s25], $0x80, v4, vm0, $0xb8;
	[tilespmem:$0x10100] =	vst v63  }
0x14c: {  	s31 =	simm.s32 $0x8900;
	v3 =	vperm.xlane v3, v2  }
0x14d: {  	[tilespmem:s31], [sflag:$0x1] =	stream.indirect_vreg.gather [hbm4b:s6+s25], $0x80, v4, vm0, $0xb8;
	[tilespmem:$0x10100] =	vst v63  }
0x14e: {  	v3 =	vadd.s32 v1, v3  }
0x14f: {  	[tilespmem:s1], [sflag:$0x1] =	stream.indirect_vreg.gather [hbm4b:s7+s25], $0x80, v4, vm0, $0xb8;
	[tilespmem:$0x10100] =	vst v63  }
0x150: {  	_ = 	snop  }
0x151: {  	[tilespmem:s13], [sflag:$0x1] =	stream.indirect_vreg.gather [hbm4b:s9+s25], $0x80, v4, vm0, $0xb8;
	[tilespmem:$0x10100] =	vst v63  }
0x152: {  	_ = 	snop  }
0x153: {  	[tilespmem:s15], [sflag:$0x1] =	stream.indirect_vreg.gather [hbm4b:s3+s25], $0x80, v3, vm0, $0xb8;
	[tilespmem:$0x10100] =	vst v63  }
0x154: {  	_ = 	snop  }
0x155: {  	[tilespmem:s4], [sflag:$0x1] =	stream.indirect_vreg.gather [hbm4b:s6+s25], $0x80, v3, vm0, $0xb8;
	[tilespmem:$0x10100] =	vst v63  }
0x156: {  	_ = 	snop  }
0x157: {  	[tilespmem:s16], [sflag:$0x1] =	stream.indirect_vreg.gather [hbm4b:s7+s25], $0x80, v3, vm0, $0xb8;
	[tilespmem:$0x10100] =	vst v63  }
0x158: {  	_ = 	snop  }
0x159: {  	[tilespmem:s5], [sflag:$0x1] =	stream.indirect_vreg.gather [hbm4b:s9+s25], $0x80, v3, vm0, $0xb8;
	[tilespmem:$0x10100] =	vst v63  }
0x15a: {  	v3 =	vld [tilespmem:$0xB0];
	_ =	sdelay $0x4  }
0x15b: {  	v63 =	vshll.u32 v3, $0x3  }
0x15c: {  	v3 =	vand.u32 $0x7, v3;
	v4 =	vand.u32 $0xFFFFFFC0, v63  }
0x15d: {  	v3 =	vor.u32 v3, v4  }
0x15e: {  	v4 =	vperm.xlane v3, v0;
	_ =	sdelay $0x1  }
0x15f: {  	v4 =	vadd.s32 v1, v4;
	_ =	sdelay $0x4  }
0x160: {  	[tilespmem:s17], [sflag:$0x1] =	stream.indirect_vreg.gather [hbm4b:s3+s25], $0x80, v4, vm0, $0xb8;
	[tilespmem:$0x10100] =	vst v63  }
0x161: {  	v3 =	vperm.xlane v3, v2  }
0x162: {  	[tilespmem:s18], [sflag:$0x1] =	stream.indirect_vreg.gather [hbm4b:s6+s25], $0x80, v4, vm0, $0xb8;
	[tilespmem:$0x10100] =	vst v63  }
0x163: {  	v3 =	vadd.s32 v1, v3  }
0x164: {  	[tilespmem:s19], [sflag:$0x1] =	stream.indirect_vreg.gather [hbm4b:s7+s25], $0x80, v4, vm0, $0xb8;
	[tilespmem:$0x10100] =	vst v63  }
0x165: {  	_ = 	snop  }
0x166: {  	[tilespmem:s20], [sflag:$0x1] =	stream.indirect_vreg.gather [hbm4b:s9+s25], $0x80, v4, vm0, $0xb8;
	[tilespmem:$0x10100] =	vst v63  }
0x167: {  	_ = 	snop  }
0x168: {  	[tilespmem:s21], [sflag:$0x1] =	stream.indirect_vreg.gather [hbm4b:s3+s25], $0x80, v3, vm0, $0xb8;
	[tilespmem:$0x10100] =	vst v63  }
0x169: {  	_ = 	snop  }
0x16a: {  	[tilespmem:s22], [sflag:$0x1] =	stream.indirect_vreg.gather [hbm4b:s6+s25], $0x80, v3, vm0, $0xb8;
	[tilespmem:$0x10100] =	vst v63  }
0x16b: {  	_ = 	snop  }
0x16c: {  	[tilespmem:s10], [sflag:$0x1] =	stream.indirect_vreg.gather [hbm4b:s7+s25], $0x80, v3, vm0, $0xb8;
	[tilespmem:$0x10100] =	vst v63  }
0x16d: {  	_ = 	snop  }
0x16e: {  	[tilespmem:s23], [sflag:$0x1] =	stream.indirect_vreg.gather [hbm4b:s9+s25], $0x80, v3, vm0, $0xb8;
	[tilespmem:$0x10100] =	vst v63  }
0x16f: {  	_ =	swait.ge [sflag:s11], $0x8000  }
0x170: {  	[sflag:s11] =	ssyncset.done $0x0  }
0x171: {  	[sflag:s11] =	ssyncadd.s32 $0xFFFF8000  }
0x172: {  	_ =	swait.ge [sflag:s11], $0x8000  }
0x173: {  	s28 =	simm.s32 $0x0;
	[sflag:s11] =	ssyncset.done $0x0  }
0x174: {  	s29 =	simm.s32 $0x0;
	s26 =	simm.s32 $0xFFFF8000;
	[sflag:s11] =	ssyncadd.s32 $0xFFFF8000  }
.LBB2_4:
0x175: {  	s0 =	sadd.s32 $0x8000, s26  }
0x176: {  	s30 =	sand.u32 $0x380, s29;
	s0 =	sand.u32 $0x6000, s0  }
0x177: {  	s30 =	sor.u32 s30, s0  }
0x178: {  	v3 =	vld [tilespmem:s30+$0x100]  }
0x179: {  	v4 =	vld [tilespmem:s30+$0x8100]  }
0x17a: {  	v5 =	vld [tilespmem:s30+$0x110]  }
0x17b: {  	v6 =	vld [tilespmem:s30+$0x8110]  }
0x17c: {  	v7 =	vld [tilespmem:s30+$0x120]  }
0x17d: {  	v8 =	vld [tilespmem:s30+$0x8120]  }
0x17e: {  	v9 =	vld [tilespmem:s30+$0x130]  }
0x17f: {  	v10 =	vld [tilespmem:s30+$0x8130]  }
0x180: {  	v11 =	vld [tilespmem:s30+$0x140]  }
0x181: {  	v12 =	vld [tilespmem:s30+$0x8140]  }
0x182: {  	v13 =	vld [tilespmem:s30+$0x150]  }
0x183: {  	v14 =	vld [tilespmem:s30+$0x8150]  }
0x184: {  	v15 =	vld [tilespmem:s30+$0x160]  }
0x185: {  	v16 =	vld [tilespmem:s30+$0x8160]  }
0x186: {  	v17 =	vld [tilespmem:s30+$0x170]  }
0x187: {  	v18 =	vld [tilespmem:s30+$0x8170]  }
0x188: {  	v19 =	vld [tilespmem:s30+$0x500]  }
0x189: {  	v20 =	vld [tilespmem:s30+$0x8500]  }
0x18a: {  	v21 =	vld [tilespmem:s30+$0x510]  }
0x18b: {  	v22 =	vld [tilespmem:s30+$0x8510]  }
0x18c: {  	v23 =	vld [tilespmem:s30+$0x520]  }
0x18d: {  	v24 =	vld [tilespmem:s30+$0x8520]  }
0x18e: {  	v25 =	vld [tilespmem:s30+$0x530]  }
0x18f: {  	v26 =	vld [tilespmem:s30+$0x8530]  }
0x190: {  	v27 =	vld [tilespmem:s30+$0x540]  }
0x191: {  	v28 =	vld [tilespmem:s30+$0x8540]  }
0x192: {  	v29 =	vld [tilespmem:s30+$0x550]  }
0x193: {  	v30 =	vld [tilespmem:s30+$0x8550]  }
0x194: {  	v31 =	vld [tilespmem:s30+$0x560]  }
0x195: {  	v32 =	vld [tilespmem:s30+$0x8560]  }
0x196: {  	v33 =	vld [tilespmem:s30+$0x570]  }
0x197: {  	v34 =	vld [tilespmem:s30+$0x8570]  }
0x198: {  	v35 =	vld [tilespmem:s30+$0x900]  }
0x199: {  	v36 =	vld [tilespmem:s30+$0x8900]  }
0x19a: {  	v37 =	vld [tilespmem:s30+$0x910]  }
0x19b: {  	v38 =	vld [tilespmem:s30+$0x8910]  }
0x19c: {  	v39 =	vld [tilespmem:s30+$0x920]  }
0x19d: {  	v40 =	vld [tilespmem:s30+$0x8920]  }
0x19e: {  	v41 =	vld [tilespmem:s30+$0x930]  }
0x19f: {  	v42 =	vld [tilespmem:s30+$0x8930]  }
0x1a0: {  	v43 =	vld [tilespmem:s30+$0x940]  }
0x1a1: {  	v44 =	vld [tilespmem:s30+$0x8940]  }
0x1a2: {  	v45 =	vld [tilespmem:s30+$0x950]  }
0x1a3: {  	v46 =	vld [tilespmem:s30+$0x8950]  }
0x1a4: {  	v47 =	vld [tilespmem:s30+$0x960]  }
0x1a5: {  	v48 =	vld [tilespmem:s30+$0x8960]  }
0x1a6: {  	v49 =	vld [tilespmem:s30+$0x970]  }
0x1a7: {  	v50 =	vld [tilespmem:s30+$0x8970]  }
0x1a8: {  	v51 =	vld [tilespmem:s30+$0xD00]  }
0x1a9: {  	v52 =	vld [tilespmem:s30+$0x8D00]  }
0x1aa: {  	v53 =	vld [tilespmem:s30+$0xD10]  }
0x1ab: {  	v54 =	vld [tilespmem:s30+$0x8D10]  }
0x1ac: {  	v55 =	vld [tilespmem:s30+$0xD20]  }
0x1ad: {  	v56 =	vld [tilespmem:s30+$0x8D20]  }
0x1ae: {  	v57 =	vld [tilespmem:s30+$0xD30]  }
0x1af: {  	v58 =	vld [tilespmem:s30+$0x8D30]  }
0x1b0: {  	v59 =	vld [tilespmem:s30+$0xD40]  }
0x1b1: {  	v60 =	vld [tilespmem:s30+$0x8D40]  }
0x1b2: {  	v61 =	vld [tilespmem:s30+$0xD50]  }
0x1b3: {  	v62 =	vld [tilespmem:s30+$0x8D50]  }
0x1b4: {  	v63 =	vld [tilespmem:s30+$0xD60]  }
0x1b5: {  	v3 =	vadd.f32 v4, v3;
	v4 =	vld [tilespmem:s30+$0x8D60]  }
0x1b6: {  	v5 =	vadd.f32 v6, v5;
	v6 =	vld [tilespmem:s30+$0xD70]  }
0x1b7: {  	v14 =	vadd.f32 v14, v13;
	v13 =	vld [tilespmem:s30+$0x9120];
	[tilespmem:s30+$0x100] =	vst v3;
	v3 =	vadd.f32 v8, v7  }
0x1b8: {  	v18 =	vadd.f32 v18, v17;
	v17 =	vld [tilespmem:s30+$0x9140];
	[tilespmem:s30+$0x110] =	vst v5  }
0x1b9: {  	v22 =	vadd.f32 v22, v21;
	v21 =	vld [tilespmem:s30+$0x9160];
	[tilespmem:s30+$0x120] =	vst v3;
	v3 =	vadd.f32 v12, v11  }
0x1ba: {  	v7 =	vld [tilespmem:s30+$0x8D70];
	[tilespmem:s30+$0x150] =	vst v14  }
0x1bb: {  	v8 =	vld [tilespmem:s30+$0x1100];
	[tilespmem:s30+$0x140] =	vst v3;
	v3 =	vadd.f32 v16, v15  }
0x1bc: {  	v5 =	vadd.f32 v10, v9;
	v9 =	vld [tilespmem:s30+$0x9100];
	[tilespmem:s30+$0x170] =	vst v18  }
0x1bd: {  	v10 =	vld [tilespmem:s30+$0x1110];
	[tilespmem:s30+$0x160] =	vst v3;
	v3 =	vadd.f32 v20, v19  }
0x1be: {  	v26 =	vadd.f32 v26, v25;
	v14 =	vld [tilespmem:s30+$0x1130];
	[tilespmem:s30+$0x510] =	vst v22  }
0x1bf: {  	v18 =	vld [tilespmem:s30+$0x1150];
	[tilespmem:s30+$0x500] =	vst v3;
	v3 =	vadd.f32 v24, v23  }
0x1c0: {  	v30 =	vadd.f32 v30, v29;
	[tilespmem:s30+$0x530] =	vst v26;
	v22 =	vld [tilespmem:s30+$0x1170]  }
0x1c1: {  	v19 =	vld [tilespmem:s30+$0x9150];
	[tilespmem:s30+$0x520] =	vst v3;
	v3 =	vadd.f32 v28, v27  }
0x1c2: {  	v34 =	vadd.f32 v34, v33;
	[tilespmem:s30+$0x550] =	vst v30;
	v11 =	vld [tilespmem:s30+$0x9110]  }
0x1c3: {  	v12 =	vld [tilespmem:s30+$0x1120];
	[tilespmem:s30+$0x540] =	vst v3;
	v3 =	vadd.f32 v32, v31  }
0x1c4: {  	[tilespmem:s30+$0x570] =	vst v34;
	v15 =	vld [tilespmem:s30+$0x9130]  }
0x1c5: {  	v16 =	vld [tilespmem:s30+$0x1140];
	[tilespmem:s30+$0x560] =	vst v3;
	v3 =	vadd.f32 v36, v35  }
0x1c6: {  	[tilespmem:s30+$0x130] =	vst v5;
	v20 =	vld [tilespmem:s30+$0x1160];
	v19 =	vadd.f32 v19, v18  }
0x1c7: {  	v24 =	vld [tilespmem:s30+$0x1500];
	[tilespmem:s30+$0x900] =	vst v3;
	v3 =	vadd.f32 v40, v39  }
0x1c8: {  	[tilespmem:s30+$0x1150] =	vst v19;
	v36 =	vadd.f32 v38, v37;
	v37 =	vld [tilespmem:s30+$0x9170]  }
0x1c9: {  	v38 =	vadd.f32 v42, v41;
	v41 =	vld [tilespmem:s30+$0x1510];
	[tilespmem:s30+$0x920] =	vst v3;
	v3 =	vadd.f32 v44, v43  }
0x1ca: {  	v42 =	vld [tilespmem:s30+$0x9510];
	[tilespmem:s30+$0x910] =	vst v36  }
0x1cb: {  	v35 =	vld [tilespmem:s30+$0x1910];
	[tilespmem:s30+$0x940] =	vst v3;
	v3 =	vadd.f32 v48, v47  }
0x1cc: {  	v39 =	vld [tilespmem:s30+$0x9500];
	[tilespmem:s30+$0x930] =	vst v38;
	v40 =	vadd.f32 v46, v45  }
0x1cd: {  	v45 =	vld [tilespmem:s30+$0x9520];
	[tilespmem:s30+$0x960] =	vst v3;
	v3 =	vadd.f32 v52, v51  }
0x1ce: {  	v46 =	vadd.f32 v54, v53;
	v53 =	vld [tilespmem:s30+$0x1550];
	[tilespmem:s30+$0x950] =	vst v40  }
0x1cf: {  	v54 =	vld [tilespmem:s30+$0x9550];
	[tilespmem:s30+$0xD00] =	vst v3;
	v3 =	vadd.f32 v56, v55  }
0x1d0: {  	v36 =	vld [tilespmem:s30+$0x9910];
	v43 =	vadd.f32 v50, v49;
	[tilespmem:s30+$0xD10] =	vst v46  }
0x1d1: {  	v38 =	vld [tilespmem:s30+$0x1920];
	[tilespmem:s30+$0xD20] =	vst v3;
	v3 =	vadd.f32 v60, v59  }
0x1d2: {  	v44 =	vld [tilespmem:s30+$0x1520];
	v49 =	vadd.f32 v58, v57;
	[tilespmem:s30+$0x970] =	vst v43  }
0x1d3: {  	v50 =	vld [tilespmem:s30+$0x1540];
	[tilespmem:s30+$0xD40] =	vst v3;
	v3 =	vadd.f32 v4, v63  }
0x1d4: {  	v57 =	vld [tilespmem:s30+$0x9560];
	v58 =	vadd.f32 v11, v10;
	[tilespmem:s30+$0xD30] =	vst v49  }
0x1d5: {  	v46 =	vld [tilespmem:s30+$0x9950];
	[tilespmem:s30+$0xD60] =	vst v3;
	v3 =	vadd.f32 v9, v8  }
0x1d6: {  	v37 =	vadd.f32 v37, v22;
	v40 =	vadd.f32 v42, v41;
	v41 =	vld [tilespmem:s30+$0x1930];
	[tilespmem:s30+$0x1110] =	vst v58  }
0x1d7: {  	v42 =	vld [tilespmem:s30+$0x9930];
	[tilespmem:s30+$0x1100] =	vst v3;
	v3 =	vadd.f32 v13, v12  }
0x1d8: {  	v47 =	vld [tilespmem:s30+$0x1530];
	[tilespmem:s30+$0x1170] =	vst v37  }
0x1d9: {  	v48 =	vld [tilespmem:s30+$0x9530];
	[tilespmem:s30+$0x1120] =	vst v3;
	v3 =	vadd.f32 v17, v16  }
0x1da: {  	v49 =	vld [tilespmem:s30+$0x9960];
	[tilespmem:s30+$0x1510] =	vst v40;
	v52 =	vadd.f32 v62, v61  }
0x1db: {  	v51 =	vld [tilespmem:s30+$0x9540];
	[tilespmem:s30+$0x1140] =	vst v3;
	v3 =	vadd.f32 v21, v20  }
0x1dc: {  	v61 =	vadd.f32 v15, v14;
	v62 =	vld [tilespmem:s30+$0x1900];
	[tilespmem:s30+$0xD50] =	vst v52  }
0x1dd: {  	v56 =	vld [tilespmem:s30+$0x1560];
	[tilespmem:s30+$0x1160] =	vst v3;
	v3 =	vadd.f32 v39, v24  }
0x1de: {  	v55 =	vadd.f32 v7, v6;
	[tilespmem:s30+$0x1130] =	vst v61;
	v52 =	vld [tilespmem:s30+$0x9970]  }
0x1df: {  	v43 =	vadd.f32 v48, v47;
	v47 =	vld [tilespmem:s30+$0x1960];
	[tilespmem:s30+$0x1500] =	vst v3;
	v3 =	vadd.f32 v45, v44  }
0x1e0: {  	[tilespmem:s30+$0xD70] =	vst v55;
	v63 =	vld [tilespmem:s30+$0x9900]  }
0x1e1: {  	v59 =	vld [tilespmem:s30+$0x1570];
	[tilespmem:s30+$0x1520] =	vst v3;
	v3 =	vadd.f32 v51, v50  }
0x1e2: {  	[tilespmem:s30+$0x1530] =	vst v43;
	v4 =	vadd.f32 v54, v53;
	v39 =	vld [tilespmem:s30+$0x9920]  }
0x1e3: {  	v60 =	vld [tilespmem:s30+$0x9570];
	[tilespmem:s30+$0x1540] =	vst v3;
	v3 =	vadd.f32 v57, v56  }
0x1e4: {  	v54 =	vadd.f32 v42, v41;
	[tilespmem:s30+$0x1550] =	vst v4;
	v45 =	vld [tilespmem:s30+$0x1950]  }
0x1e5: {  	v53 =	vld [tilespmem:s30+$0x9940];
	[tilespmem:s30+$0x1560] =	vst v3;
	v3 =	vadd.f32 v63, v62  }
0x1e6: {  	[tilespmem:s30+$0x1930] =	vst v54;
	v55 =	vadd.f32 v49, v47;
	v50 =	vld [tilespmem:s30+$0x1970]  }
0x1e7: {  	v44 =	vld [tilespmem:s30+$0x1940];
	[tilespmem:s30+$0x1900] =	vst v3;
	v3 =	vadd.f32 v39, v38  }
0x1e8: {  	v48 =	vadd.f32 v60, v59;
	[tilespmem:s30+$0x1960] =	vst v55  }
0x1e9: {  	[tilespmem:s30+$0x1920] =	vst v3;
	v3 =	vadd.f32 v46, v45  }
0x1ea: {  	s31 =	sand.u32 $0x7, s25;
	[tilespmem:s30+$0x1570] =	vst v48;
	v51 =	vadd.f32 v36, v35  }
0x1eb: {  	s0 =	sshll.u32 s31, $0x7;
	[tilespmem:s30+$0x1950] =	vst v3;
	v3 =	vadd.f32 v52, v50  }
0x1ec: {  	s0 =	sadd.s32 s0, s28;
	[tilespmem:s30+$0x1910] =	vst v51;
	v56 =	vadd.f32 v53, v44  }
0x1ed: {  	s31 =	sor.u32 $0x1C00, s0;
	[tilespmem:s30+$0x1970] =	vst v3  }
0x1ee: {  	[tilespmem:s30+$0x1940] =	vst v56;
	v3 =	vld [tilespmem:s31+$0x100]  }
0x1ef: {  	v4 =	vld [tilespmem:s31+$0x8100];
	_ =	sdelay $0x4  }
0x1f0: {  	v3 =	vadd.f32 v4, v3;
	_ =	sdelay $0x1  }
0x1f1: {  	[tilespmem:s31+$0x100] =	vst v3;
	s31 =	sor.u32 $0x1C10, s0  }
0x1f2: {  	v3 =	vld [tilespmem:s31+$0x100]  }
0x1f3: {  	v57 =	vld [tilespmem:s31+$0x8100];
	_ =	sdelay $0x4  }
0x1f4: {  	v3 =	vadd.f32 v57, v3;
	_ =	sdelay $0x1  }
0x1f5: {  	[tilespmem:s31+$0x100] =	vst v3;
	s31 =	sor.u32 $0x1C20, s0  }
0x1f6: {  	v3 =	vld [tilespmem:s31+$0x100]  }
0x1f7: {  	v58 =	vld [tilespmem:s31+$0x8100];
	_ =	sdelay $0x4  }
0x1f8: {  	v3 =	vadd.f32 v58, v3;
	_ =	sdelay $0x1  }
0x1f9: {  	[tilespmem:s31+$0x100] =	vst v3;
	s31 =	sor.u32 $0x1C30, s0  }
0x1fa: {  	v3 =	vld [tilespmem:s31+$0x100]  }
0x1fb: {  	v59 =	vld [tilespmem:s31+$0x8100];
	_ =	sdelay $0x4  }
0x1fc: {  	v3 =	vadd.f32 v59, v3;
	_ =	sdelay $0x1  }
0x1fd: {  	[tilespmem:s31+$0x100] =	vst v3;
	s31 =	sor.u32 $0x1C40, s0  }
0x1fe: {  	v3 =	vld [tilespmem:s31+$0x100]  }
0x1ff: {  	v60 =	vld [tilespmem:s31+$0x8100];
	_ =	sdelay $0x4  }
0x200: {  	v3 =	vadd.f32 v60, v3;
	_ =	sdelay $0x1  }
0x201: {  	[tilespmem:s31+$0x100] =	vst v3;
	s31 =	sor.u32 $0x1C50, s0  }
0x202: {  	v3 =	vld [tilespmem:s31+$0x100]  }
0x203: {  	v61 =	vld [tilespmem:s31+$0x8100];
	_ =	sdelay $0x4  }
0x204: {  	v3 =	vadd.f32 v61, v3;
	_ =	sdelay $0x1  }
0x205: {  	[tilespmem:s31+$0x100] =	vst v3;
	s31 =	sor.u32 $0x1C60, s0  }
0x206: {  	v3 =	vld [tilespmem:s31+$0x100]  }
0x207: {  	v62 =	vld [tilespmem:s31+$0x8100];
	_ =	sdelay $0x4  }
0x208: {  	v3 =	vadd.f32 v62, v3;
	_ =	sdelay $0x1  }
0x209: {  	s0 =	sor.u32 $0x1C70, s0;
	[tilespmem:s31+$0x100] =	vst v3  }
0x20a: {  	v3 =	vld [tilespmem:s0+$0x100]  }
0x20b: {  	v63 =	vld [tilespmem:s0+$0x8100];
	_ =	sdelay $0x1  }
0x20c: {  	p0 =	sne.s32 s29, $0xF80  }
.Ltmp1:
0x20d: {  	_ = 	snop;
	(pc) =	sbr.rel @p0 .LBB2_4-.Ltmp1, $4  }
0x20e: {  	_ = 	snop  }
0x20f: {  	v3 =	vadd.f32 v63, v3  }
0x210: {  	s25 =	sadd.s32 $0x1, s25  }
0x211: {  	s26 =	sadd.s32 $0x400, s26;
	s29 =	sadd.s32 $0x80, s29;
	s28 =	sadd.s32 $0x400, s28;
	[tilespmem:s0+$0x100] =	vst v3  }
0x212: {  	s0 =	rddreg [dreg:$0x5]  }
0x213: {  	[hbm4b:s0+s2] =	stream.linear.scatter [tilespmem:s14], [sflag:$0x2], $0x8000, $0x38;
	[tilespmem:$0x10100] =	vst v63  }
0x214: {  	_ =	swait.ge [sflag:s12], $0x8000  }
0x215: {  	s24 =	sadd.s32 $0x1, s24;
	s31 =	rddreg [dreg:$0x6]  }
0x216: {  	p0 =	sne.s32 s24, s31  }
.Ltmp2:
0x217: {  	_ = 	snop;
	(pc) =	sbr.rel @p0 .LBB2_1-.Ltmp2, $3  }
0x218: {  	_ =	sdelay $0x1  }
0x219: {  	[sflag:s12] =	ssyncset.done $0x0  }
0x21a: {  	[sflag:s12] =	ssyncadd.s32 $0xFFFF8000  }
0x21b: {  	_ =	sfence.sel $0x180000  }
0x21c: {  	[bflag:$0x0] =	sbarrier.arrive $0xFFFF  }
0x21d: {  	_ =	strace $0x9000004A  }
0x21e: {  	s0 =	stileid.u32;
	[bflag:$0x2] =	sbarrier.arrive $0xFFFF  }
0x21f: {  	p0 =	sne.s32 s0, $0x0;
	s0 =	rddreg [dreg:$0x2]  }
0x220: {  	s0 =	sadd.s32 @!p0 $0x100000, s0  }
0x221: {  	[sflag:s0] =	ssyncadd.tile.s32 @!p0 $0x1;
	_ =	shalt  }
.Lfunc_end2:
_tile_overlayer_lowered:
.L_overlay_start_2:
0x222: {  	(tag) =	ssettag $0x2  }
0x223: {  	s0 =	rddreg [dreg:$0x0];
	s2 =	stileid.u32  }
0x224: {  	s1 =	rddreg [dreg:$0x1];
	p0 =	sne.s32 s2, $0x0  }
0x225: {  	s3 =	rddreg [dreg:$0x2];
	[bflag:$0x3] =	sbarrier.arrive $0xFFFF;
	s2 =	simm.s32 @!p0 $0x1C02  }
0x226: {  	[timem:s3], [sflag:s2] =	dma.local @!p0 [hbm:s0], s1  }
0x227: {  	s0 =	simm.s32 @!p0 $0x2  }
0x228: {  	_ =	swait.ge @!p0 [sflag:s0], s1  }
0x229: {  	s1 =	ssub.s32 @!p0 $0x0, s1;
	[sflag:s0] =	ssyncset.done @!p0 $0x0  }
0x22a: {  	[sflag:s0] =	ssyncadd.s32 @!p0 s1  }
0x22b: {  	[bflag:$0x3] =	sbarrier.arrive $0xFFFF  }
0x22c: {  	_ =	shalt  }

</sc_bundles>
